<compile_context>
chip_gen: v7x
topology: tpu7x:2x2x1
jax: 0.10.2.dev20260603
libtpu: 0.0.44.dev20260713+nightly
codegen_flags: <defaults>
</compile_context>

<pallas_src>
import functools

import jax
import jax.numpy as jnp
from jax import lax
from jax.experimental import pallas as pl
from jax.experimental.pallas import tpu as pltpu
from jax.experimental.pallas import tpu_sc as plsc

NBUF = 7
CHUNK = 16


@jax.jit
def _gather_rows_sc(time2d, pe):
    bsz, seq = time2d.shape
    d = pe.shape[1]
    n = bsz * seq
    info = plsc.get_sparse_core_info()
    num_cores = info.num_cores
    nw = num_cores * info.num_subcores
    n_per_w = n // nw
    n_ch = n_per_w // CHUNK
    w_per_b = seq // n_per_w
    assert n_per_w * nw == n and n_ch * CHUNK == n_per_w
    assert w_per_b * n_per_w == seq

    mesh = plsc.VectorSubcoreMesh(core_axis_name="c", subcore_axis_name="s")

    @functools.partial(
        pl.kernel,
        mesh=mesh,
        out_type=jax.ShapeDtypeStruct((bsz, seq, d), jnp.float32),
        scratch_types=[
            pltpu.VMEM((n_per_w,), jnp.int32),
            pltpu.VMEM((NBUF, CHUNK, d), jnp.float32),
            pltpu.SemaphoreType.DMA((NBUF,)),
        ],
    )
    def k(idx_hbm, pe_hbm, out_hbm, idx_v, rows_v, sems):
        wid = lax.axis_index("s") * num_cores + lax.axis_index("c")
        b = wid // w_per_b
        col = (wid % w_per_b) * n_per_w
        pltpu.sync_copy(idx_hbm.at[b, pl.ds(col, n_per_w)], idx_v)

        def start_gather(c):
            bf = c % NBUF
            return pltpu.async_copy(
                pe_hbm.at[idx_v.at[pl.ds(c * CHUNK, CHUNK)]],
                rows_v.at[bf],
                sems.at[bf],
            )

        def start_store(c):
            bf = c % NBUF
            return pltpu.async_copy(
                rows_v.at[bf],
                out_hbm.at[b, pl.ds(col + c * CHUNK, CHUNK)],
                sems.at[bf],
            )

        gathers = {}
        stores = {}
        for c in range(min(NBUF - 1, n_ch)):
            gathers[c] = start_gather(c)
        for c in range(n_ch):
            nxt = c + NBUF - 1
            if nxt < n_ch:
                if c >= 1:
                    stores[c - 1].wait()
                gathers[nxt] = start_gather(nxt)
            gathers[c].wait()
            stores[c] = start_store(c)
        for c in range(max(0, n_ch - NBUF + 1), n_ch):
            stores[c].wait()

    return k(time2d, pe)


def kernel(time, pe):
    return _gather_rows_sc(time, pe)

# --- scband reference (transcript-rebuilt; emitter-appended) ---
"""Pipeline reference for scband-time-embedding-22067541967468 (READ-ONLY COPY).

The authoritative reference and input builder live on the scoring server;
editing this copy changes nothing except your own understanding.
"""

import jax, jax.numpy as jnp
import numpy as np
import math

D_MODEL = 1024
MAX_LEN = 5000
FREQUENCY = 10000.0
AMPLITUDE = 1.0
BATCH = 4
SEQ_LEN = 4096


def _build_pe():
    position = jnp.arange(MAX_LEN, dtype=jnp.float32)[:, None]
    div_term = jnp.exp(jnp.arange(0, D_MODEL, 2, dtype=jnp.float32) * (-math.log(FREQUENCY) / D_MODEL))
    pe = jnp.zeros((MAX_LEN, D_MODEL), dtype=jnp.float32)
    pe = pe.at[:, 0::2].set(AMPLITUDE * jnp.sin(position * div_term))
    pe = pe.at[:, 1::2].set(AMPLITUDE * jnp.cos(position * div_term))
    return pe


def setup_inputs(seed: int = 0) -> dict:
    key = jax.random.key(seed)
    time = jax.random.randint(key, (BATCH, SEQ_LEN), 0, MAX_LEN, dtype=jnp.int32)
    pe = _build_pe()
    return {"time": time, "pe": pe}


def reference(time, pe):
    # Faithful translation of TimeEmbedding.forward: return self.pe[time]
    # (dropout module is defined in __init__ but never applied in forward)
    return jnp.take(pe, time, axis=0)

if __name__ == "__main__":
    import jax
    _d = setup_inputs()
    print(jax.jit(kernel)(*tuple(_d.values())))

</pallas_src>

<mosaic_0001>
#map = affine_map<(d0, d1) -> (0, 0)>
#map1 = affine_map<(d0, d1) -> (0, 0, 0)>
module attributes {stable_mosaic.version = 14 : i64} {
  func.func @k(%arg0: i32, %arg1: i32, %arg2: memref<4x4096xi32, #tpu.memory_space<hbm>>, %arg3: memref<5000x1024xf32, #tpu.memory_space<hbm>>, %arg4: memref<4x4096x1024xf32, #tpu.memory_space<hbm>>, %arg5: memref<512xi32, #tpu.memory_space<vmem>>, %arg6: memref<7x16x1024xf32, #tpu.memory_space<vmem>>, %arg7: memref<7x!tpu.dma_semaphore, #tpu.memory_space<semaphore_mem>>) attributes {dimension_semantics = [#tpu.dimension_semantics<core_parallel>, #tpu.dimension_semantics<subcore_parallel>], iteration_bounds = array<i64: 2, 16>, scalar_prefetch = 0 : i64, scratch_operands = 3 : i64, tpu.core_type = #tpu.core_type<sc_vector_subcore>, window_params = [{transform_indices = #map}, {transform_indices = #map}, {transform_indices = #map1}]} {
    %mul3A = arith.constant 2 : i32
    %mul3A_0 = arith.muli %arg1, %mul3A : i32
    %add3A = arith.addi %mul3A_0, %arg0 : i32
    %jit3A = arith.constant 8 : i32
    %div3A = arith.divsi %add3A, %jit3A : i32
    %sign3A = arith.constant 0 : i32
    %sign3A_1 = arith.cmpi sgt, %add3A, %sign3A : i32
    %sign3A_2 = arith.extui %sign3A_1 : i1 to i32
    %sign3A_3 = arith.constant 0 : i32
    %sign3A_4 = arith.cmpi slt, %add3A, %sign3A_3 : i32
    %sign3A_5 = arith.extui %sign3A_4 : i1 to i32
    %sign3A_6 = arith.subi %sign3A_2, %sign3A_5 : i32
    %sign3A_7 = arith.constant 0 : i32
    %sign3A_8 = arith.cmpi sgt, %jit3A, %sign3A_7 : i32
    %sign3A_9 = arith.extui %sign3A_8 : i1 to i32
    %sign3A_10 = arith.constant 0 : i32
    %sign3A_11 = arith.cmpi slt, %jit3A, %sign3A_10 : i32
    %sign3A_12 = arith.extui %sign3A_11 : i1 to i32
    %sign3A_13 = arith.subi %sign3A_9, %sign3A_12 : i32
    %ne3A = arith.cmpi ne, %sign3A_6, %sign3A_13 : i32
    %rem3A = arith.remsi %add3A, %jit3A : i32
    %ne3A_14 = arith.constant 0 : i32
    %ne3A_15 = arith.cmpi ne, %rem3A, %ne3A_14 : i32
    %and3A = arith.andi %ne3A, %ne3A_15 : i1
    %sub3A = arith.constant 1 : i32
    %sub3A_16 = arith.subi %div3A, %sub3A : i32
    %select_n3A = arith.select %and3A, %sub3A_16, %div3A : i32
    %jit3A_17 = arith.constant 8 : i32
    %eq3A = arith.constant 0 : i32
    %eq3A_18 = arith.cmpi eq, %jit3A_17, %eq3A : i32
    %jit3A_19 = arith.constant 1 : i32
    %select_n3A_20 = arith.select %eq3A_18, %jit3A_19, %jit3A_17 : i32
    %rem3A_21 = arith.remsi %add3A, %select_n3A_20 : i32
    %ne3A_22 = arith.constant 0 : i32
    %ne3A_23 = arith.cmpi ne, %rem3A_21, %ne3A_22 : i32
    %lt3A = arith.constant 0 : i32
    %lt3A_24 = arith.cmpi slt, %rem3A_21, %lt3A : i32
    %lt3A_25 = arith.constant 0 : i32
    %lt3A_26 = arith.cmpi slt, %select_n3A_20, %lt3A_25 : i32
    %ne3A_27 = arith.xori %lt3A_24, %lt3A_26 : i1
    %and3A_28 = arith.andi %ne3A_27, %ne3A_23 : i1
    %add3A_29 = arith.addi %rem3A_21, %select_n3A_20 : i32
    %select_n3A_30 = arith.select %and3A_28, %add3A_29, %rem3A_21 : i32
    %mul3A_31 = arith.constant 512 : i32
    %mul3A_32 = arith.muli %select_n3A_30, %mul3A_31 : i32
    "tpu.region"() ({
      %run_scoped3A = tpu.sem_alloc : memref<!tpu.dma_semaphore, #tpu.memory_space<semaphore_mem>>
      %dma_start3A_2061 = tpu.memref_slice %arg2[%select_n3A, %mul3A_32] : memref<4x4096xi32, #tpu.memory_space<hbm>> -> memref<1x512xi32, #tpu.memory_space<hbm>>
      %dma_start3A_2062 = tpu.memref_squeeze %dma_start3A_2061 : memref<1x512xi32, #tpu.memory_space<hbm>> -> memref<512xi32, #tpu.memory_space<hbm>>
      %dma_start3A_2063 = tpu.memref_slice %arg2[%select_n3A, %mul3A_32] : memref<4x4096xi32, #tpu.memory_space<hbm>> -> memref<1x512xi32, #tpu.memory_space<hbm>>
      %dma_start3A_2064 = tpu.memref_squeeze %dma_start3A_2063 : memref<1x512xi32, #tpu.memory_space<hbm>> -> memref<512xi32, #tpu.memory_space<hbm>>
      tpu.enqueue_dma source(%dma_start3A_2064 : memref<512xi32, #tpu.memory_space<hbm>>) target(%arg5 : memref<512xi32, #tpu.memory_space<vmem>>) target_semaphore(%run_scoped3A : memref<!tpu.dma_semaphore, #tpu.memory_space<semaphore_mem>>)
      %dma_wait3A_2065 = tpu.memref_slice %arg2[%select_n3A, %mul3A_32] : memref<4x4096xi32, #tpu.memory_space<hbm>> -> memref<1x512xi32, #tpu.memory_space<hbm>>
      %dma_wait3A_2066 = tpu.memref_squeeze %dma_wait3A_2065 : memref<1x512xi32, #tpu.memory_space<hbm>> -> memref<512xi32, #tpu.memory_space<hbm>>
      %dma_wait3A_2067 = tpu.memref_slice %arg2[%select_n3A, %mul3A_32] : memref<4x4096xi32, #tpu.memory_space<hbm>> -> memref<1x512xi32, #tpu.memory_space<hbm>>
      %dma_wait3A_2068 = tpu.memref_squeeze %dma_wait3A_2067 : memref<1x512xi32, #tpu.memory_space<hbm>> -> memref<512xi32, #tpu.memory_space<hbm>>
      tpu.wait_dma2 semaphore(%run_scoped3A : memref<!tpu.dma_semaphore, #tpu.memory_space<semaphore_mem>>) src(%dma_wait3A_2068 : memref<512xi32, #tpu.memory_space<hbm>>) dst(%arg5 : memref<512xi32, #tpu.memory_space<vmem>>)
      tpu.yield
    }) : () -> ()
    %dma_start3A = arith.constant 0 : i32
    %dma_start3A_33 = arith.constant 0 : i32
    %dma_start3A_34 = arith.constant 0 : i32
    %dma_start3A_35 = arith.constant 0 : i32
    %dma_start3A_36 = tpu.memref_slice %arg6[%dma_start3A, %dma_start3A_34, %dma_start3A_35] : memref<7x16x1024xf32, #tpu.memory_space<vmem>> -> memref<1x16x1024xf32, #tpu.memory_space<vmem>>
    %dma_start3A_37 = tpu.memref_squeeze %dma_start3A_36 : memref<1x16x1024xf32, #tpu.memory_space<vmem>> -> memref<16x1024xf32, #tpu.memory_space<vmem>>
    %dma_start3A_38 = arith.constant 0 : i32
    %dma_start3A_39 = tpu.memref_slice %arg5[%dma_start3A_38] : memref<512xi32, #tpu.memory_space<vmem>> -> memref<16xi32, #tpu.memory_space<vmem>>
    %dma_start3A_40 = arith.constant 0 : i32
    %dma_start3A_41 = arith.constant 0 : i32
    %dma_start3A_42 = tpu.memref_slice %arg3[%dma_start3A_40, %dma_start3A_41] : memref<5000x1024xf32, #tpu.memory_space<hbm>> -> memref<5000x1024xf32, #tpu.memory_space<hbm>>
    %dma_start3A_43 = tpu.memref_slice %arg7[%dma_start3A_33] : memref<7x!tpu.dma_semaphore, #tpu.memory_space<semaphore_mem>> -> memref<1x!tpu.dma_semaphore, #tpu.memory_space<semaphore_mem>>
    %dma_start3A_44 = tpu.memref_squeeze %dma_start3A_43 : memref<1x!tpu.dma_semaphore, #tpu.memory_space<semaphore_mem>> -> memref<!tpu.dma_semaphore, #tpu.memory_space<semaphore_mem>>
    tpu.enqueue_indirect_dma source(%dma_start3A_42 : memref<5000x1024xf32, #tpu.memory_space<hbm>>) target(%dma_start3A_37 : memref<16x1024xf32, #tpu.memory_space<vmem>>) offsets(%dma_start3A_39 : memref<16xi32, #tpu.memory_space<vmem>>) semaphore(%dma_start3A_44 : memref<!tpu.dma_semaphore, #tpu.memory_space<semaphore_mem>>)
    %dma_start3A_45 = arith.constant 1 : i32
    %dma_start3A_46 = arith.constant 1 : i32
    %dma_start3A_47 = arith.constant 0 : i32
    %dma_start3A_48 = arith.constant 0 : i32
    %dma_start3A_49 = tpu.memref_slice %arg6[%dma_start3A_45, %dma_start3A_47, %dma_start3A_48] : memref<7x16x1024xf32, #tpu.memory_space<vmem>> -> memref<1x16x1024xf32, #tpu.memory_space<vmem>>
    %dma_start3A_50 = tpu.memref_squeeze %dma_start3A_49 : memref<1x16x1024xf32, #tpu.memory_space<vmem>> -> memref<16x1024xf32, #tpu.memory_space<vmem>>
    %dma_start3A_51 = arith.constant 16 : i32
    %dma_start3A_52 = tpu.memref_slice %arg5[%dma_start3A_51] : memref<512xi32, #tpu.memory_space<vmem>> -> memref<16xi32, #tpu.memory_space<vmem>>
    %dma_start3A_53 = arith.constant 0 : i32
    %dma_start3A_54 = arith.constant 0 : i32
    %dma_start3A_55 = tpu.memref_slice %arg3[%dma_start3A_53, %dma_start3A_54] : memref<5000x1024xf32, #tpu.memory_space<hbm>> -> memref<5000x1024xf32, #tpu.memory_space<hbm>>
    %dma_start3A_56 = tpu.memref_slice %arg7[%dma_start3A_46] : memref<7x!tpu.dma_semaphore, #tpu.memory_space<semaphore_mem>> -> memref<1x!tpu.dma_semaphore, #tpu.memory_space<semaphore_mem>>
    %dma_start3A_57 = tpu.memref_squeeze %dma_start3A_56 : memref<1x!tpu.dma_semaphore, #tpu.memory_space<semaphore_mem>> -> memref<!tpu.dma_semaphore, #tpu.memory_space<semaphore_mem>>
    tpu.enqueue_indirect_dma source(%dma_start3A_55 : memref<5000x1024xf32, #tpu.memory_space<hbm>>) target(%dma_start3A_50 : memref<16x1024xf32, #tpu.memory_space<vmem>>) offsets(%dma_start3A_52 : memref<16xi32, #tpu.memory_space<vmem>>) semaphore(%dma_start3A_57 : memref<!tpu.dma_semaphore, #tpu.memory_space<semaphore_mem>>)
    %dma_start3A_58 = arith.constant 2 : i32
    %dma_start3A_59 = arith.constant 2 : i32
    %dma_start3A_60 = arith.constant 0 : i32
    %dma_start3A_61 = arith.constant 0 : i32
    %dma_start3A_62 = tpu.memref_slice %arg6[%dma_start3A_58, %dma_start3A_60, %dma_start3A_61] : memref<7x16x1024xf32, #tpu.memory_space<vmem>> -> memref<1x16x1024xf32, #tpu.memory_space<vmem>>
    %dma_start3A_63 = tpu.memref_squeeze %dma_start3A_62 : memref<1x16x1024xf32, #tpu.memory_space<vmem>> -> memref<16x1024xf32, #tpu.memory_space<vmem>>
    %dma_start3A_64 = arith.constant 32 : i32
    %dma_start3A_65 = tpu.memref_slice %arg5[%dma_start3A_64] : memref<512xi32, #tpu.memory_space<vmem>> -> memref<16xi32, #tpu.memory_space<vmem>>
    %dma_start3A_66 = arith.constant 0 : i32
    %dma_start3A_67 = arith.constant 0 : i32
    %dma_start3A_68 = tpu.memref_slice %arg3[%dma_start3A_66, %dma_start3A_67] : memref<5000x1024xf32, #tpu.memory_space<hbm>> -> memref<5000x1024xf32, #tpu.memory_space<hbm>>
    %dma_start3A_69 = tpu.memref_slice %arg7[%dma_start3A_59] : memref<7x!tpu.dma_semaphore, #tpu.memory_space<semaphore_mem>> -> memref<1x!tpu.dma_semaphore, #tpu.memory_space<semaphore_mem>>
    %dma_start3A_70 = tpu.memref_squeeze %dma_start3A_69 : memref<1x!tpu.dma_semaphore, #tpu.memory_space<semaphore_mem>> -> memref<!tpu.dma_semaphore, #tpu.memory_space<semaphore_mem>>
    tpu.enqueue_indirect_dma source(%dma_start3A_68 : memref<5000x1024xf32, #tpu.memory_space<hbm>>) target(%dma_start3A_63 : memref<16x1024xf32, #tpu.memory_space<vmem>>) offsets(%dma_start3A_65 : memref<16xi32, #tpu.memory_space<vmem>>) semaphore(%dma_start3A_70 : memref<!tpu.dma_semaphore, #tpu.memory_space<semaphore_mem>>)
    %dma_start3A_71 = arith.constant 3 : i32
    %dma_start3A_72 = arith.constant 3 : i32
    %dma_start3A_73 = arith.constant 0 : i32
    %dma_start3A_74 = arith.constant 0 : i32
    %dma_start3A_75 = tpu.memref_slice %arg6[%dma_start3A_71, %dma_start3A_73, %dma_start3A_74] : memref<7x16x1024xf32, #tpu.memory_space<vmem>> -> memref<1x16x1024xf32, #tpu.memory_space<vmem>>
    %dma_start3A_76 = tpu.memref_squeeze %dma_start3A_75 : memref<1x16x1024xf32, #tpu.memory_space<vmem>> -> memref<16x1024xf32, #tpu.memory_space<vmem>>
    %dma_start3A_77 = arith.constant 48 : i32
    %dma_start3A_78 = tpu.memref_slice %arg5[%dma_start3A_77] : memref<512xi32, #tpu.memory_space<vmem>> -> memref<16xi32, #tpu.memory_space<vmem>>
    %dma_start3A_79 = arith.constant 0 : i32
    %dma_start3A_80 = arith.constant 0 : i32
    %dma_start3A_81 = tpu.memref_slice %arg3[%dma_start3A_79, %dma_start3A_80] : memref<5000x1024xf32, #tpu.memory_space<hbm>> -> memref<5000x1024xf32, #tpu.memory_space<hbm>>
    %dma_start3A_82 = tpu.memref_slice %arg7[%dma_start3A_72] : memref<7x!tpu.dma_semaphore, #tpu.memory_space<semaphore_mem>> -> memref<1x!tpu.dma_semaphore, #tpu.memory_space<semaphore_mem>>
    %dma_start3A_83 = tpu.memref_squeeze %dma_start3A_82 : memref<1x!tpu.dma_semaphore, #tpu.memory_space<semaphore_mem>> -> memref<!tpu.dma_semaphore, #tpu.memory_space<semaphore_mem>>
    tpu.enqueue_indirect_dma source(%dma_start3A_81 : memref<5000x1024xf32, #tpu.memory_space<hbm>>) target(%dma_start3A_76 : memref<16x1024xf32, #tpu.memory_space<vmem>>) offsets(%dma_start3A_78 : memref<16xi32, #tpu.memory_space<vmem>>) semaphore(%dma_start3A_83 : memref<!tpu.dma_semaphore, #tpu.memory_space<semaphore_mem>>)
    %dma_start3A_84 = arith.constant 4 : i32
    %dma_start3A_85 = arith.constant 4 : i32
    %dma_start3A_86 = arith.constant 0 : i32
    %dma_start3A_87 = arith.constant 0 : i32
    %dma_start3A_88 = tpu.memref_slice %arg6[%dma_start3A_84, %dma_start3A_86, %dma_start3A_87] : memref<7x16x1024xf32, #tpu.memory_space<vmem>> -> memref<1x16x1024xf32, #tpu.memory_space<vmem>>
    %dma_start3A_89 = tpu.memref_squeeze %dma_start3A_88 : memref<1x16x1024xf32, #tpu.memory_space<vmem>> -> memref<16x1024xf32, #tpu.memory_space<vmem>>
    %dma_start3A_90 = arith.constant 64 : i32
    %dma_start3A_91 = tpu.memref_slice %arg5[%dma_start3A_90] : memref<512xi32, #tpu.memory_space<vmem>> -> memref<16xi32, #tpu.memory_space<vmem>>
    %dma_start3A_92 = arith.constant 0 : i32
    %dma_start3A_93 = arith.constant 0 : i32
    %dma_start3A_94 = tpu.memref_slice %arg3[%dma_start3A_92, %dma_start3A_93] : memref<5000x1024xf32, #tpu.memory_space<hbm>> -> memref<5000x1024xf32, #tpu.memory_space<hbm>>
    %dma_start3A_95 = tpu.memref_slice %arg7[%dma_start3A_85] : memref<7x!tpu.dma_semaphore, #tpu.memory_space<semaphore_mem>> -> memref<1x!tpu.dma_semaphore, #tpu.memory_space<semaphore_mem>>
    %dma_start3A_96 = tpu.memref_squeeze %dma_start3A_95 : memref<1x!tpu.dma_semaphore, #tpu.memory_space<semaphore_mem>> -> memref<!tpu.dma_semaphore, #tpu.memory_space<semaphore_mem>>
    tpu.enqueue_indirect_dma source(%dma_start3A_94 : memref<5000x1024xf32, #tpu.memory_space<hbm>>) target(%dma_start3A_89 : memref<16x1024xf32, #tpu.memory_space<vmem>>) offsets(%dma_start3A_91 : memref<16xi32, #tpu.memory_space<vmem>>) semaphore(%dma_start3A_96 : memref<!tpu.dma_semaphore, #tpu.memory_space<semaphore_mem>>)
    %dma_start3A_97 = arith.constant 5 : i32
    %dma_start3A_98 = arith.constant 5 : i32
    %dma_start3A_99 = arith.constant 0 : i32
    %dma_start3A_100 = arith.constant 0 : i32
    %dma_start3A_101 = tpu.memref_slice %arg6[%dma_start3A_97, %dma_start3A_99, %dma_start3A_100] : memref<7x16x1024xf32, #tpu.memory_space<vmem>> -> memref<1x16x1024xf32, #tpu.memory_space<vmem>>
    %dma_start3A_102 = tpu.memref_squeeze %dma_start3A_101 : memref<1x16x1024xf32, #tpu.memory_space<vmem>> -> memref<16x1024xf32, #tpu.memory_space<vmem>>
    %dma_start3A_103 = arith.constant 80 : i32
    %dma_start3A_104 = tpu.memref_slice %arg5[%dma_start3A_103] : memref<512xi32, #tpu.memory_space<vmem>> -> memref<16xi32, #tpu.memory_space<vmem>>
    %dma_start3A_105 = arith.constant 0 : i32
    %dma_start3A_106 = arith.constant 0 : i32
    %dma_start3A_107 = tpu.memref_slice %arg3[%dma_start3A_105, %dma_start3A_106] : memref<5000x1024xf32, #tpu.memory_space<hbm>> -> memref<5000x1024xf32, #tpu.memory_space<hbm>>
    %dma_start3A_108 = tpu.memref_slice %arg7[%dma_start3A_98] : memref<7x!tpu.dma_semaphore, #tpu.memory_space<semaphore_mem>> -> memref<1x!tpu.dma_semaphore, #tpu.memory_space<semaphore_mem>>
    %dma_start3A_109 = tpu.memref_squeeze %dma_start3A_108 : memref<1x!tpu.dma_semaphore, #tpu.memory_space<semaphore_mem>> -> memref<!tpu.dma_semaphore, #tpu.memory_space<semaphore_mem>>
    tpu.enqueue_indirect_dma source(%dma_start3A_107 : memref<5000x1024xf32, #tpu.memory_space<hbm>>) target(%dma_start3A_102 : memref<16x1024xf32, #tpu.memory_space<vmem>>) offsets(%dma_start3A_104 : memref<16xi32, #tpu.memory_space<vmem>>) semaphore(%dma_start3A_109 : memref<!tpu.dma_semaphore, #tpu.memory_space<semaphore_mem>>)
    %dma_start3A_110 = arith.constant 6 : i32
    %dma_start3A_111 = arith.constant 6 : i32
    %dma_start3A_112 = arith.constant 0 : i32
    %dma_start3A_113 = arith.constant 0 : i32
    %dma_start3A_114 = tpu.memref_slice %arg6[%dma_start3A_110, %dma_start3A_112, %dma_start3A_113] : memref<7x16x1024xf32, #tpu.memory_space<vmem>> -> memref<1x16x1024xf32, #tpu.memory_space<vmem>>
    %dma_start3A_115 = tpu.memref_squeeze %dma_start3A_114 : memref<1x16x1024xf32, #tpu.memory_space<vmem>> -> memref<16x1024xf32, #tpu.memory_space<vmem>>
    %dma_start3A_116 = arith.constant 96 : i32
    %dma_start3A_117 = tpu.memref_slice %arg5[%dma_start3A_116] : memref<512xi32, #tpu.memory_space<vmem>> -> memref<16xi32, #tpu.memory_space<vmem>>
    %dma_start3A_118 = arith.constant 0 : i32
    %dma_start3A_119 = arith.constant 0 : i32
    %dma_start3A_120 = tpu.memref_slice %arg3[%dma_start3A_118, %dma_start3A_119] : memref<5000x1024xf32, #tpu.memory_space<hbm>> -> memref<5000x1024xf32, #tpu.memory_space<hbm>>
    %dma_start3A_121 = tpu.memref_slice %arg7[%dma_start3A_111] : memref<7x!tpu.dma_semaphore, #tpu.memory_space<semaphore_mem>> -> memref<1x!tpu.dma_semaphore, #tpu.memory_space<semaphore_mem>>
    %dma_start3A_122 = tpu.memref_squeeze %dma_start3A_121 : memref<1x!tpu.dma_semaphore, #tpu.memory_space<semaphore_mem>> -> memref<!tpu.dma_semaphore, #tpu.memory_space<semaphore_mem>>
    tpu.enqueue_indirect_dma source(%dma_start3A_120 : memref<5000x1024xf32, #tpu.memory_space<hbm>>) target(%dma_start3A_115 : memref<16x1024xf32, #tpu.memory_space<vmem>>) offsets(%dma_start3A_117 : memref<16xi32, #tpu.memory_space<vmem>>) semaphore(%dma_start3A_122 : memref<!tpu.dma_semaphore, #tpu.memory_space<semaphore_mem>>)
    %dma_wait3A = arith.constant 0 : i32
    %dma_wait3A_123 = arith.constant 0 : i32
    %dma_wait3A_124 = arith.constant 0 : i32
    %dma_wait3A_125 = arith.constant 0 : i32
    %dma_wait3A_126 = tpu.memref_slice %arg6[%dma_wait3A, %dma_wait3A_124, %dma_wait3A_125] : memref<7x16x1024xf32, #tpu.memory_space<vmem>> -> memref<1x16x1024xf32, #tpu.memory_space<vmem>>
    %dma_wait3A_127 = tpu.memref_squeeze %dma_wait3A_126 : memref<1x16x1024xf32, #tpu.memory_space<vmem>> -> memref<16x1024xf32, #tpu.memory_space<vmem>>
    %dma_wait3A_128 = arith.constant 0 : i32
    %dma_wait3A_129 = tpu.memref_slice %arg5[%dma_wait3A_128] : memref<512xi32, #tpu.memory_space<vmem>> -> memref<16xi32, #tpu.memory_space<vmem>>
    %dma_wait3A_130 = arith.constant 0 : i32
    %dma_wait3A_131 = arith.constant 0 : i32
    %dma_wait3A_132 = tpu.memref_slice %arg3[%dma_wait3A_130, %dma_wait3A_131] : memref<5000x1024xf32, #tpu.memory_space<hbm>> -> memref<5000x1024xf32, #tpu.memory_space<hbm>>
    %dma_wait3A_133 = tpu.memref_slice %arg7[%dma_wait3A_123] : memref<7x!tpu.dma_semaphore, #tpu.memory_space<semaphore_mem>> -> memref<1x!tpu.dma_semaphore, #tpu.memory_space<semaphore_mem>>
    %dma_wait3A_134 = tpu.memref_squeeze %dma_wait3A_133 : memref<1x!tpu.dma_semaphore, #tpu.memory_space<semaphore_mem>> -> memref<!tpu.dma_semaphore, #tpu.memory_space<semaphore_mem>>
    tpu.wait_indirect_dma semaphore(%dma_wait3A_134 : memref<!tpu.dma_semaphore, #tpu.memory_space<semaphore_mem>>) src(%dma_wait3A_132 : memref<5000x1024xf32, #tpu.memory_space<hbm>>) dst(%dma_wait3A_127 : memref<16x1024xf32, #tpu.memory_space<vmem>>)
    %add3A_135 = arith.constant 0 : i32
    %add3A_136 = arith.addi %mul3A_32, %add3A_135 : i32
    %dma_start3A_137 = arith.constant 0 : i32
    %dma_start3A_138 = arith.constant 0 : i32
    %dma_start3A_139 = arith.constant 0 : i32
    %dma_start3A_140 = arith.constant 0 : i32
    %dma_start3A_141 = tpu.memref_slice %arg6[%dma_start3A_137, %dma_start3A_139, %dma_start3A_140] : memref<7x16x1024xf32, #tpu.memory_space<vmem>> -> memref<1x16x1024xf32, #tpu.memory_space<vmem>>
    %dma_start3A_142 = tpu.memref_squeeze %dma_start3A_141 : memref<1x16x1024xf32, #tpu.memory_space<vmem>> -> memref<16x1024xf32, #tpu.memory_space<vmem>>
    %dma_start3A_143 = arith.constant 0 : i32
    %dma_start3A_144 = tpu.memref_slice %arg4[%select_n3A, %add3A_136, %dma_start3A_143] : memref<4x4096x1024xf32, #tpu.memory_space<hbm>> -> memref<1x16x1024xf32, #tpu.memory_space<hbm>>
    %dma_start3A_145 = tpu.memref_squeeze %dma_start3A_144 : memref<1x16x1024xf32, #tpu.memory_space<hbm>> -> memref<16x1024xf32, #tpu.memory_space<hbm>>
    %dma_start3A_146 = tpu.memref_slice %arg7[%dma_start3A_138] : memref<7x!tpu.dma_semaphore, #tpu.memory_space<semaphore_mem>> -> memref<1x!tpu.dma_semaphore, #tpu.memory_space<semaphore_mem>>
    %dma_start3A_147 = tpu.memref_squeeze %dma_start3A_146 : memref<1x!tpu.dma_semaphore, #tpu.memory_space<semaphore_mem>> -> memref<!tpu.dma_semaphore, #tpu.memory_space<semaphore_mem>>
    %dma_start3A_148 = arith.constant 0 : i32
    %dma_start3A_149 = tpu.memref_slice %arg4[%select_n3A, %add3A_136, %dma_start3A_148] : memref<4x4096x1024xf32, #tpu.memory_space<hbm>> -> memref<1x16x1024xf32, #tpu.memory_space<hbm>>
    %dma_start3A_150 = tpu.memref_squeeze %dma_start3A_149 : memref<1x16x1024xf32, #tpu.memory_space<hbm>> -> memref<16x1024xf32, #tpu.memory_space<hbm>>
    %dma_start3A_151 = arith.constant 0 : i32
    %dma_start3A_152 = arith.constant 0 : i32
    %dma_start3A_153 = tpu.memref_slice %arg6[%dma_start3A_137, %dma_start3A_151, %dma_start3A_152] : memref<7x16x1024xf32, #tpu.memory_space<vmem>> -> memref<1x16x1024xf32, #tpu.memory_space<vmem>>
    %dma_start3A_154 = tpu.memref_squeeze %dma_start3A_153 : memref<1x16x1024xf32, #tpu.memory_space<vmem>> -> memref<16x1024xf32, #tpu.memory_space<vmem>>
    tpu.enqueue_dma source(%dma_start3A_154 : memref<16x1024xf32, #tpu.memory_space<vmem>>) target(%dma_start3A_150 : memref<16x1024xf32, #tpu.memory_space<hbm>>) target_semaphore(%dma_start3A_147 : memref<!tpu.dma_semaphore, #tpu.memory_space<semaphore_mem>>)
    %dma_wait3A_155 = arith.constant 0 : i32
    %dma_wait3A_156 = arith.constant 0 : i32
    %dma_wait3A_157 = arith.constant 0 : i32
    %dma_wait3A_158 = arith.constant 0 : i32
    %dma_wait3A_159 = tpu.memref_slice %arg6[%dma_wait3A_155, %dma_wait3A_157, %dma_wait3A_158] : memref<7x16x1024xf32, #tpu.memory_space<vmem>> -> memref<1x16x1024xf32, #tpu.memory_space<vmem>>
    %dma_wait3A_160 = tpu.memref_squeeze %dma_wait3A_159 : memref<1x16x1024xf32, #tpu.memory_space<vmem>> -> memref<16x1024xf32, #tpu.memory_space<vmem>>
    %dma_wait3A_161 = arith.constant 0 : i32
    %dma_wait3A_162 = tpu.memref_slice %arg4[%select_n3A, %add3A_136, %dma_wait3A_161] : memref<4x4096x1024xf32, #tpu.memory_space<hbm>> -> memref<1x16x1024xf32, #tpu.memory_space<hbm>>
    %dma_wait3A_163 = tpu.memref_squeeze %dma_wait3A_162 : memref<1x16x1024xf32, #tpu.memory_space<hbm>> -> memref<16x1024xf32, #tpu.memory_space<hbm>>
    %dma_wait3A_164 = tpu.memref_slice %arg7[%dma_wait3A_156] : memref<7x!tpu.dma_semaphore, #tpu.memory_space<semaphore_mem>> -> memref<1x!tpu.dma_semaphore, #tpu.memory_space<semaphore_mem>>
    %dma_wait3A_165 = tpu.memref_squeeze %dma_wait3A_164 : memref<1x!tpu.dma_semaphore, #tpu.memory_space<semaphore_mem>> -> memref<!tpu.dma_semaphore, #tpu.memory_space<semaphore_mem>>
    %dma_wait3A_166 = arith.constant 0 : i32
    %dma_wait3A_167 = tpu.memref_slice %arg4[%select_n3A, %add3A_136, %dma_wait3A_166] : memref<4x4096x1024xf32, #tpu.memory_space<hbm>> -> memref<1x16x1024xf32, #tpu.memory_space<hbm>>
    %dma_wait3A_168 = tpu.memref_squeeze %dma_wait3A_167 : memref<1x16x1024xf32, #tpu.memory_space<hbm>> -> memref<16x1024xf32, #tpu.memory_space<hbm>>
    %dma_wait3A_169 = arith.constant 0 : i32
    %dma_wait3A_170 = arith.constant 0 : i32
    %dma_wait3A_171 = tpu.memref_slice %arg6[%dma_wait3A_155, %dma_wait3A_169, %dma_wait3A_170] : memref<7x16x1024xf32, #tpu.memory_space<vmem>> -> memref<1x16x1024xf32, #tpu.memory_space<vmem>>
    %dma_wait3A_172 = tpu.memref_squeeze %dma_wait3A_171 : memref<1x16x1024xf32, #tpu.memory_space<vmem>> -> memref<16x1024xf32, #tpu.memory_space<vmem>>
    tpu.wait_dma2 semaphore(%dma_wait3A_165 : memref<!tpu.dma_semaphore, #tpu.memory_space<semaphore_mem>>) src(%dma_wait3A_172 : memref<16x1024xf32, #tpu.memory_space<vmem>>) dst(%dma_wait3A_168 : memref<16x1024xf32, #tpu.memory_space<hbm>>)
    %dma_start3A_173 = arith.constant 0 : i32
    %dma_start3A_174 = arith.constant 0 : i32
    %dma_start3A_175 = arith.constant 0 : i32
    %dma_start3A_176 = arith.constant 0 : i32
    %dma_start3A_177 = tpu.memref_slice %arg6[%dma_start3A_173, %dma_start3A_175, %dma_start3A_176] : memref<7x16x1024xf32, #tpu.memory_space<vmem>> -> memref<1x16x1024xf32, #tpu.memory_space<vmem>>
    %dma_start3A_178 = tpu.memref_squeeze %dma_start3A_177 : memref<1x16x1024xf32, #tpu.memory_space<vmem>> -> memref<16x1024xf32, #tpu.memory_space<vmem>>
    %dma_start3A_179 = arith.constant 112 : i32
    %dma_start3A_180 = tpu.memref_slice %arg5[%dma_start3A_179] : memref<512xi32, #tpu.memory_space<vmem>> -> memref<16xi32, #tpu.memory_space<vmem>>
    %dma_start3A_181 = arith.constant 0 : i32
    %dma_start3A_182 = arith.constant 0 : i32
    %dma_start3A_183 = tpu.memref_slice %arg3[%dma_start3A_181, %dma_start3A_182] : memref<5000x1024xf32, #tpu.memory_space<hbm>> -> memref<5000x1024xf32, #tpu.memory_space<hbm>>
    %dma_start3A_184 = tpu.memref_slice %arg7[%dma_start3A_174] : memref<7x!tpu.dma_semaphore, #tpu.memory_space<semaphore_mem>> -> memref<1x!tpu.dma_semaphore, #tpu.memory_space<semaphore_mem>>
    %dma_start3A_185 = tpu.memref_squeeze %dma_start3A_184 : memref<1x!tpu.dma_semaphore, #tpu.memory_space<semaphore_mem>> -> memref<!tpu.dma_semaphore, #tpu.memory_space<semaphore_mem>>
    tpu.enqueue_indirect_dma source(%dma_start3A_183 : memref<5000x1024xf32, #tpu.memory_space<hbm>>) target(%dma_start3A_178 : memref<16x1024xf32, #tpu.memory_space<vmem>>) offsets(%dma_start3A_180 : memref<16xi32, #tpu.memory_space<vmem>>) semaphore(%dma_start3A_185 : memref<!tpu.dma_semaphore, #tpu.memory_space<semaphore_mem>>)
    %dma_wait3A_186 = arith.constant 1 : i32
    %dma_wait3A_187 = arith.constant 1 : i32
    %dma_wait3A_188 = arith.constant 0 : i32
    %dma_wait3A_189 = arith.constant 0 : i32
    %dma_wait3A_190 = tpu.memref_slice %arg6[%dma_wait3A_186, %dma_wait3A_188, %dma_wait3A_189] : memref<7x16x1024xf32, #tpu.memory_space<vmem>> -> memref<1x16x1024xf32, #tpu.memory_space<vmem>>
    %dma_wait3A_191 = tpu.memref_squeeze %dma_wait3A_190 : memref<1x16x1024xf32, #tpu.memory_space<vmem>> -> memref<16x1024xf32, #tpu.memory_space<vmem>>
    %dma_wait3A_192 = arith.constant 16 : i32
    %dma_wait3A_193 = tpu.memref_slice %arg5[%dma_wait3A_192] : memref<512xi32, #tpu.memory_space<vmem>> -> memref<16xi32, #tpu.memory_space<vmem>>
    %dma_wait3A_194 = arith.constant 0 : i32
    %dma_wait3A_195 = arith.constant 0 : i32
    %dma_wait3A_196 = tpu.memref_slice %arg3[%dma_wait3A_194, %dma_wait3A_195] : memref<5000x1024xf32, #tpu.memory_space<hbm>> -> memref<5000x1024xf32, #tpu.memory_space<hbm>>
    %dma_wait3A_197 = tpu.memref_slice %arg7[%dma_wait3A_187] : memref<7x!tpu.dma_semaphore, #tpu.memory_space<semaphore_mem>> -> memref<1x!tpu.dma_semaphore, #tpu.memory_space<semaphore_mem>>
    %dma_wait3A_198 = tpu.memref_squeeze %dma_wait3A_197 : memref<1x!tpu.dma_semaphore, #tpu.memory_space<semaphore_mem>> -> memref<!tpu.dma_semaphore, #tpu.memory_space<semaphore_mem>>
    tpu.wait_indirect_dma semaphore(%dma_wait3A_198 : memref<!tpu.dma_semaphore, #tpu.memory_space<semaphore_mem>>) src(%dma_wait3A_196 : memref<5000x1024xf32, #tpu.memory_space<hbm>>) dst(%dma_wait3A_191 : memref<16x1024xf32, #tpu.memory_space<vmem>>)
    %add3A_199 = arith.constant 16 : i32
    %add3A_200 = arith.addi %mul3A_32, %add3A_199 : i32
    %dma_start3A_201 = arith.constant 1 : i32
    %dma_start3A_202 = arith.constant 1 : i32
    %dma_start3A_203 = arith.constant 0 : i32
    %dma_start3A_204 = arith.constant 0 : i32
    %dma_start3A_205 = tpu.memref_slice %arg6[%dma_start3A_201, %dma_start3A_203, %dma_start3A_204] : memref<7x16x1024xf32, #tpu.memory_space<vmem>> -> memref<1x16x1024xf32, #tpu.memory_space<vmem>>
    %dma_start3A_206 = tpu.memref_squeeze %dma_start3A_205 : memref<1x16x1024xf32, #tpu.memory_space<vmem>> -> memref<16x1024xf32, #tpu.memory_space<vmem>>
    %dma_start3A_207 = arith.constant 0 : i32
    %dma_start3A_208 = tpu.memref_slice %arg4[%select_n3A, %add3A_200, %dma_start3A_207] : memref<4x4096x1024xf32, #tpu.memory_space<hbm>> -> memref<1x16x1024xf32, #tpu.memory_space<hbm>>
    %dma_start3A_209 = tpu.memref_squeeze %dma_start3A_208 : memref<1x16x1024xf32, #tpu.memory_space<hbm>> -> memref<16x1024xf32, #tpu.memory_space<hbm>>
    %dma_start3A_210 = tpu.memref_slice %arg7[%dma_start3A_202] : memref<7x!tpu.dma_semaphore, #tpu.memory_space<semaphore_mem>> -> memref<1x!tpu.dma_semaphore, #tpu.memory_space<semaphore_mem>>
    %dma_start3A_211 = tpu.memref_squeeze %dma_start3A_210 : memref<1x!tpu.dma_semaphore, #tpu.memory_space<semaphore_mem>> -> memref<!tpu.dma_semaphore, #tpu.memory_space<semaphore_mem>>
    %dma_start3A_212 = arith.constant 0 : i32
    %dma_start3A_213 = tpu.memref_slice %arg4[%select_n3A, %add3A_200, %dma_start3A_212] : memref<4x4096x1024xf32, #tpu.memory_space<hbm>> -> memref<1x16x1024xf32, #tpu.memory_space<hbm>>
    %dma_start3A_214 = tpu.memref_squeeze %dma_start3A_213 : memref<1x16x1024xf32, #tpu.memory_space<hbm>> -> memref<16x1024xf32, #tpu.memory_space<hbm>>
    %dma_start3A_215 = arith.constant 0 : i32
    %dma_start3A_216 = arith.constant 0 : i32
    %dma_start3A_217 = tpu.memref_slice %arg6[%dma_start3A_201, %dma_start3A_215, %dma_start3A_216] : memref<7x16x1024xf32, #tpu.memory_space<vmem>> -> memref<1x16x1024xf32, #tpu.memory_space<vmem>>
    %dma_start3A_218 = tpu.memref_squeeze %dma_start3A_217 : memref<1x16x1024xf32, #tpu.memory_space<vmem>> -> memref<16x1024xf32, #tpu.memory_space<vmem>>
    tpu.enqueue_dma source(%dma_start3A_218 : memref<16x1024xf32, #tpu.memory_space<vmem>>) target(%dma_start3A_214 : memref<16x1024xf32, #tpu.memory_space<hbm>>) target_semaphore(%dma_start3A_211 : memref<!tpu.dma_semaphore, #tpu.memory_space<semaphore_mem>>)
    %dma_wait3A_219 = arith.constant 1 : i32
    %dma_wait3A_220 = arith.constant 1 : i32
    %dma_wait3A_221 = arith.constant 0 : i32
    %dma_wait3A_222 = arith.constant 0 : i32
    %dma_wait3A_223 = tpu.memref_slice %arg6[%dma_wait3A_219, %dma_wait3A_221, %dma_wait3A_222] : memref<7x16x1024xf32, #tpu.memory_space<vmem>> -> memref<1x16x1024xf32, #tpu.memory_space<vmem>>
    %dma_wait3A_224 = tpu.memref_squeeze %dma_wait3A_223 : memref<1x16x1024xf32, #tpu.memory_space<vmem>> -> memref<16x1024xf32, #tpu.memory_space<vmem>>
    %dma_wait3A_225 = arith.constant 0 : i32
    %dma_wait3A_226 = tpu.memref_slice %arg4[%select_n3A, %add3A_200, %dma_wait3A_225] : memref<4x4096x1024xf32, #tpu.memory_space<hbm>> -> memref<1x16x1024xf32, #tpu.memory_space<hbm>>
    %dma_wait3A_227 = tpu.memref_squeeze %dma_wait3A_226 : memref<1x16x1024xf32, #tpu.memory_space<hbm>> -> memref<16x1024xf32, #tpu.memory_space<hbm>>
    %dma_wait3A_228 = tpu.memref_slice %arg7[%dma_wait3A_220] : memref<7x!tpu.dma_semaphore, #tpu.memory_space<semaphore_mem>> -> memref<1x!tpu.dma_semaphore, #tpu.memory_space<semaphore_mem>>
    %dma_wait3A_229 = tpu.memref_squeeze %dma_wait3A_228 : memref<1x!tpu.dma_semaphore, #tpu.memory_space<semaphore_mem>> -> memref<!tpu.dma_semaphore, #tpu.memory_space<semaphore_mem>>
    %dma_wait3A_230 = arith.constant 0 : i32
    %dma_wait3A_231 = tpu.memref_slice %arg4[%select_n3A, %add3A_200, %dma_wait3A_230] : memref<4x4096x1024xf32, #tpu.memory_space<hbm>> -> memref<1x16x1024xf32, #tpu.memory_space<hbm>>
    %dma_wait3A_232 = tpu.memref_squeeze %dma_wait3A_231 : memref<1x16x1024xf32, #tpu.memory_space<hbm>> -> memref<16x1024xf32, #tpu.memory_space<hbm>>
    %dma_wait3A_233 = arith.constant 0 : i32
    %dma_wait3A_234 = arith.constant 0 : i32
    %dma_wait3A_235 = tpu.memref_slice %arg6[%dma_wait3A_219, %dma_wait3A_233, %dma_wait3A_234] : memref<7x16x1024xf32, #tpu.memory_space<vmem>> -> memref<1x16x1024xf32, #tpu.memory_space<vmem>>
    %dma_wait3A_236 = tpu.memref_squeeze %dma_wait3A_235 : memref<1x16x1024xf32, #tpu.memory_space<vmem>> -> memref<16x1024xf32, #tpu.memory_space<vmem>>
    tpu.wait_dma2 semaphore(%dma_wait3A_229 : memref<!tpu.dma_semaphore, #tpu.memory_space<semaphore_mem>>) src(%dma_wait3A_236 : memref<16x1024xf32, #tpu.memory_space<vmem>>) dst(%dma_wait3A_232 : memref<16x1024xf32, #tpu.memory_space<hbm>>)
    %dma_start3A_237 = arith.constant 1 : i32
    %dma_start3A_238 = arith.constant 1 : i32
    %dma_start3A_239 = arith.constant 0 : i32
    %dma_start3A_240 = arith.constant 0 : i32
    %dma_start3A_241 = tpu.memref_slice %arg6[%dma_start3A_237, %dma_start3A_239, %dma_start3A_240] : memref<7x16x1024xf32, #tpu.memory_space<vmem>> -> memref<1x16x1024xf32, #tpu.memory_space<vmem>>
    %dma_start3A_242 = tpu.memref_squeeze %dma_start3A_241 : memref<1x16x1024xf32, #tpu.memory_space<vmem>> -> memref<16x1024xf32, #tpu.memory_space<vmem>>
    %dma_start3A_243 = arith.constant 128 : i32
    %dma_start3A_244 = tpu.memref_slice %arg5[%dma_start3A_243] : memref<512xi32, #tpu.memory_space<vmem>> -> memref<16xi32, #tpu.memory_space<vmem>>
    %dma_start3A_245 = arith.constant 0 : i32
    %dma_start3A_246 = arith.constant 0 : i32
    %dma_start3A_247 = tpu.memref_slice %arg3[%dma_start3A_245, %dma_start3A_246] : memref<5000x1024xf32, #tpu.memory_space<hbm>> -> memref<5000x1024xf32, #tpu.memory_space<hbm>>
    %dma_start3A_248 = tpu.memref_slice %arg7[%dma_start3A_238] : memref<7x!tpu.dma_semaphore, #tpu.memory_space<semaphore_mem>> -> memref<1x!tpu.dma_semaphore, #tpu.memory_space<semaphore_mem>>
    %dma_start3A_249 = tpu.memref_squeeze %dma_start3A_248 : memref<1x!tpu.dma_semaphore, #tpu.memory_space<semaphore_mem>> -> memref<!tpu.dma_semaphore, #tpu.memory_space<semaphore_mem>>
    tpu.enqueue_indirect_dma source(%dma_start3A_247 : memref<5000x1024xf32, #tpu.memory_space<hbm>>) target(%dma_start3A_242 : memref<16x1024xf32, #tpu.memory_space<vmem>>) offsets(%dma_start3A_244 : memref<16xi32, #tpu.memory_space<vmem>>) semaphore(%dma_start3A_249 : memref<!tpu.dma_semaphore, #tpu.memory_space<semaphore_mem>>)
    %dma_wait3A_250 = arith.constant 2 : i32
    %dma_wait3A_251 = arith.constant 2 : i32
    %dma_wait3A_252 = arith.constant 0 : i32
    %dma_wait3A_253 = arith.constant 0 : i32
    %dma_wait3A_254 = tpu.memref_slice %arg6[%dma_wait3A_250, %dma_wait3A_252, %dma_wait3A_253] : memref<7x16x1024xf32, #tpu.memory_space<vmem>> -> memref<1x16x1024xf32, #tpu.memory_space<vmem>>
    %dma_wait3A_255 = tpu.memref_squeeze %dma_wait3A_254 : memref<1x16x1024xf32, #tpu.memory_space<vmem>> -> memref<16x1024xf32, #tpu.memory_space<vmem>>
    %dma_wait3A_256 = arith.constant 32 : i32
    %dma_wait3A_257 = tpu.memref_slice %arg5[%dma_wait3A_256] : memref<512xi32, #tpu.memory_space<vmem>> -> memref<16xi32, #tpu.memory_space<vmem>>
    %dma_wait3A_258 = arith.constant 0 : i32
    %dma_wait3A_259 = arith.constant 0 : i32
    %dma_wait3A_260 = tpu.memref_slice %arg3[%dma_wait3A_258, %dma_wait3A_259] : memref<5000x1024xf32, #tpu.memory_space<hbm>> -> memref<5000x1024xf32, #tpu.memory_space<hbm>>
    %dma_wait3A_261 = tpu.memref_slice %arg7[%dma_wait3A_251] : memref<7x!tpu.dma_semaphore, #tpu.memory_space<semaphore_mem>> -> memref<1x!tpu.dma_semaphore, #tpu.memory_space<semaphore_mem>>
    %dma_wait3A_262 = tpu.memref_squeeze %dma_wait3A_261 : memref<1x!tpu.dma_semaphore, #tpu.memory_space<semaphore_mem>> -> memref<!tpu.dma_semaphore, #tpu.memory_space<semaphore_mem>>
    tpu.wait_indirect_dma semaphore(%dma_wait3A_262 : memref<!tpu.dma_semaphore, #tpu.memory_space<semaphore_mem>>) src(%dma_wait3A_260 : memref<5000x1024xf32, #tpu.memory_space<hbm>>) dst(%dma_wait3A_255 : memref<16x1024xf32, #tpu.memory_space<vmem>>)
    %add3A_263 = arith.constant 32 : i32
    %add3A_264 = arith.addi %mul3A_32, %add3A_263 : i32
    %dma_start3A_265 = arith.constant 2 : i32
    %dma_start3A_266 = arith.constant 2 : i32
    %dma_start3A_267 = arith.constant 0 : i32
    %dma_start3A_268 = arith.constant 0 : i32
    %dma_start3A_269 = tpu.memref_slice %arg6[%dma_start3A_265, %dma_start3A_267, %dma_start3A_268] : memref<7x16x1024xf32, #tpu.memory_space<vmem>> -> memref<1x16x1024xf32, #tpu.memory_space<vmem>>
    %dma_start3A_270 = tpu.memref_squeeze %dma_start3A_269 : memref<1x16x1024xf32, #tpu.memory_space<vmem>> -> memref<16x1024xf32, #tpu.memory_space<vmem>>
    %dma_start3A_271 = arith.constant 0 : i32
    %dma_start3A_272 = tpu.memref_slice %arg4[%select_n3A, %add3A_264, %dma_start3A_271] : memref<4x4096x1024xf32, #tpu.memory_space<hbm>> -> memref<1x16x1024xf32, #tpu.memory_space<hbm>>
    %dma_start3A_273 = tpu.memref_squeeze %dma_start3A_272 : memref<1x16x1024xf32, #tpu.memory_space<hbm>> -> memref<16x1024xf32, #tpu.memory_space<hbm>>
    %dma_start3A_274 = tpu.memref_slice %arg7[%dma_start3A_266] : memref<7x!tpu.dma_semaphore, #tpu.memory_space<semaphore_mem>> -> memref<1x!tpu.dma_semaphore, #tpu.memory_space<semaphore_mem>>
    %dma_start3A_275 = tpu.memref_squeeze %dma_start3A_274 : memref<1x!tpu.dma_semaphore, #tpu.memory_space<semaphore_mem>> -> memref<!tpu.dma_semaphore, #tpu.memory_space<semaphore_mem>>
    %dma_start3A_276 = arith.constant 0 : i32
    %dma_start3A_277 = tpu.memref_slice %arg4[%select_n3A, %add3A_264, %dma_start3A_276] : memref<4x4096x1024xf32, #tpu.memory_space<hbm>> -> memref<1x16x1024xf32, #tpu.memory_space<hbm>>
    %dma_start3A_278 = tpu.memref_squeeze %dma_start3A_277 : memref<1x16x1024xf32, #tpu.memory_space<hbm>> -> memref<16x1024xf32, #tpu.memory_space<hbm>>
    %dma_start3A_279 = arith.constant 0 : i32
    %dma_start3A_280 = arith.constant 0 : i32
    %dma_start3A_281 = tpu.memref_slice %arg6[%dma_start3A_265, %dma_start3A_279, %dma_start3A_280] : memref<7x16x1024xf32, #tpu.memory_space<vmem>> -> memref<1x16x1024xf32, #tpu.memory_space<vmem>>
    %dma_start3A_282 = tpu.memref_squeeze %dma_start3A_281 : memref<1x16x1024xf32, #tpu.memory_space<vmem>> -> memref<16x1024xf32, #tpu.memory_space<vmem>>
    tpu.enqueue_dma source(%dma_start3A_282 : memref<16x1024xf32, #tpu.memory_space<vmem>>) target(%dma_start3A_278 : memref<16x1024xf32, #tpu.memory_space<hbm>>) target_semaphore(%dma_start3A_275 : memref<!tpu.dma_semaphore, #tpu.memory_space<semaphore_mem>>)
    %dma_wait3A_283 = arith.constant 2 : i32
    %dma_wait3A_284 = arith.constant 2 : i32
    %dma_wait3A_285 = arith.constant 0 : i32
    %dma_wait3A_286 = arith.constant 0 : i32
    %dma_wait3A_287 = tpu.memref_slice %arg6[%dma_wait3A_283, %dma_wait3A_285, %dma_wait3A_286] : memref<7x16x1024xf32, #tpu.memory_space<vmem>> -> memref<1x16x1024xf32, #tpu.memory_space<vmem>>
    %dma_wait3A_288 = tpu.memref_squeeze %dma_wait3A_287 : memref<1x16x1024xf32, #tpu.memory_space<vmem>> -> memref<16x1024xf32, #tpu.memory_space<vmem>>
    %dma_wait3A_289 = arith.constant 0 : i32
    %dma_wait3A_290 = tpu.memref_slice %arg4[%select_n3A, %add3A_264, %dma_wait3A_289] : memref<4x4096x1024xf32, #tpu.memory_space<hbm>> -> memref<1x16x1024xf32, #tpu.memory_space<hbm>>
    %dma_wait3A_291 = tpu.memref_squeeze %dma_wait3A_290 : memref<1x16x1024xf32, #tpu.memory_space<hbm>> -> memref<16x1024xf32, #tpu.memory_space<hbm>>
    %dma_wait3A_292 = tpu.memref_slice %arg7[%dma_wait3A_284] : memref<7x!tpu.dma_semaphore, #tpu.memory_space<semaphore_mem>> -> memref<1x!tpu.dma_semaphore, #tpu.memory_space<semaphore_mem>>
    %dma_wait3A_293 = tpu.memref_squeeze %dma_wait3A_292 : memref<1x!tpu.dma_semaphore, #tpu.memory_space<semaphore_mem>> -> memref<!tpu.dma_semaphore, #tpu.memory_space<semaphore_mem>>
    %dma_wait3A_294 = arith.constant 0 : i32
    %dma_wait3A_295 = tpu.memref_slice %arg4[%select_n3A, %add3A_264, %dma_wait3A_294] : memref<4x4096x1024xf32, #tpu.memory_space<hbm>> -> memref<1x16x1024xf32, #tpu.memory_space<hbm>>
    %dma_wait3A_296 = tpu.memref_squeeze %dma_wait3A_295 : memref<1x16x1024xf32, #tpu.memory_space<hbm>> -> memref<16x1024xf32, #tpu.memory_space<hbm>>
    %dma_wait3A_297 = arith.constant 0 : i32
    %dma_wait3A_298 = arith.constant 0 : i32
    %dma_wait3A_299 = tpu.memref_slice %arg6[%dma_wait3A_283, %dma_wait3A_297, %dma_wait3A_298] : memref<7x16x1024xf32, #tpu.memory_space<vmem>> -> memref<1x16x1024xf32, #tpu.memory_space<vmem>>
    %dma_wait3A_300 = tpu.memref_squeeze %dma_wait3A_299 : memref<1x16x1024xf32, #tpu.memory_space<vmem>> -> memref<16x1024xf32, #tpu.memory_space<vmem>>
    tpu.wait_dma2 semaphore(%dma_wait3A_293 : memref<!tpu.dma_semaphore, #tpu.memory_space<semaphore_mem>>) src(%dma_wait3A_300 : memref<16x1024xf32, #tpu.memory_space<vmem>>) dst(%dma_wait3A_296 : memref<16x1024xf32, #tpu.memory_space<hbm>>)
    %dma_start3A_301 = arith.constant 2 : i32
    %dma_start3A_302 = arith.constant 2 : i32
    %dma_start3A_303 = arith.constant 0 : i32
    %dma_start3A_304 = arith.constant 0 : i32
    %dma_start3A_305 = tpu.memref_slice %arg6[%dma_start3A_301, %dma_start3A_303, %dma_start3A_304] : memref<7x16x1024xf32, #tpu.memory_space<vmem>> -> memref<1x16x1024xf32, #tpu.memory_space<vmem>>
    %dma_start3A_306 = tpu.memref_squeeze %dma_start3A_305 : memref<1x16x1024xf32, #tpu.memory_space<vmem>> -> memref<16x1024xf32, #tpu.memory_space<vmem>>
    %dma_start3A_307 = arith.constant 144 : i32
    %dma_start3A_308 = tpu.memref_slice %arg5[%dma_start3A_307] : memref<512xi32, #tpu.memory_space<vmem>> -> memref<16xi32, #tpu.memory_space<vmem>>
    %dma_start3A_309 = arith.constant 0 : i32
    %dma_start3A_310 = arith.constant 0 : i32
    %dma_start3A_311 = tpu.memref_slice %arg3[%dma_start3A_309, %dma_start3A_310] : memref<5000x1024xf32, #tpu.memory_space<hbm>> -> memref<5000x1024xf32, #tpu.memory_space<hbm>>
    %dma_start3A_312 = tpu.memref_slice %arg7[%dma_start3A_302] : memref<7x!tpu.dma_semaphore, #tpu.memory_space<semaphore_mem>> -> memref<1x!tpu.dma_semaphore, #tpu.memory_space<semaphore_mem>>
    %dma_start3A_313 = tpu.memref_squeeze %dma_start3A_312 : memref<1x!tpu.dma_semaphore, #tpu.memory_space<semaphore_mem>> -> memref<!tpu.dma_semaphore, #tpu.memory_space<semaphore_mem>>
    tpu.enqueue_indirect_dma source(%dma_start3A_311 : memref<5000x1024xf32, #tpu.memory_space<hbm>>) target(%dma_start3A_306 : memref<16x1024xf32, #tpu.memory_space<vmem>>) offsets(%dma_start3A_308 : memref<16xi32, #tpu.memory_space<vmem>>) semaphore(%dma_start3A_313 : memref<!tpu.dma_semaphore, #tpu.memory_space<semaphore_mem>>)
    %dma_wait3A_314 = arith.constant 3 : i32
    %dma_wait3A_315 = arith.constant 3 : i32
    %dma_wait3A_316 = arith.constant 0 : i32
    %dma_wait3A_317 = arith.constant 0 : i32
    %dma_wait3A_318 = tpu.memref_slice %arg6[%dma_wait3A_314, %dma_wait3A_316, %dma_wait3A_317] : memref<7x16x1024xf32, #tpu.memory_space<vmem>> -> memref<1x16x1024xf32, #tpu.memory_space<vmem>>
    %dma_wait3A_319 = tpu.memref_squeeze %dma_wait3A_318 : memref<1x16x1024xf32, #tpu.memory_space<vmem>> -> memref<16x1024xf32, #tpu.memory_space<vmem>>
    %dma_wait3A_320 = arith.constant 48 : i32
    %dma_wait3A_321 = tpu.memref_slice %arg5[%dma_wait3A_320] : memref<512xi32, #tpu.memory_space<vmem>> -> memref<16xi32, #tpu.memory_space<vmem>>
    %dma_wait3A_322 = arith.constant 0 : i32
    %dma_wait3A_323 = arith.constant 0 : i32
    %dma_wait3A_324 = tpu.memref_slice %arg3[%dma_wait3A_322, %dma_wait3A_323] : memref<5000x1024xf32, #tpu.memory_space<hbm>> -> memref<5000x1024xf32, #tpu.memory_space<hbm>>
    %dma_wait3A_325 = tpu.memref_slice %arg7[%dma_wait3A_315] : memref<7x!tpu.dma_semaphore, #tpu.memory_space<semaphore_mem>> -> memref<1x!tpu.dma_semaphore, #tpu.memory_space<semaphore_mem>>
    %dma_wait3A_326 = tpu.memref_squeeze %dma_wait3A_325 : memref<1x!tpu.dma_semaphore, #tpu.memory_space<semaphore_mem>> -> memref<!tpu.dma_semaphore, #tpu.memory_space<semaphore_mem>>
    tpu.wait_indirect_dma semaphore(%dma_wait3A_326 : memref<!tpu.dma_semaphore, #tpu.memory_space<semaphore_mem>>) src(%dma_wait3A_324 : memref<5000x1024xf32, #tpu.memory_space<hbm>>) dst(%dma_wait3A_319 : memref<16x1024xf32, #tpu.memory_space<vmem>>)
    %add3A_327 = arith.constant 48 : i32
    %add3A_328 = arith.addi %mul3A_32, %add3A_327 : i32
    %dma_start3A_329 = arith.constant 3 : i32
    %dma_start3A_330 = arith.constant 3 : i32
    %dma_start3A_331 = arith.constant 0 : i32
    %dma_start3A_332 = arith.constant 0 : i32
    %dma_start3A_333 = tpu.memref_slice %arg6[%dma_start3A_329, %dma_start3A_331, %dma_start3A_332] : memref<7x16x1024xf32, #tpu.memory_space<vmem>> -> memref<1x16x1024xf32, #tpu.memory_space<vmem>>
    %dma_start3A_334 = tpu.memref_squeeze %dma_start3A_333 : memref<1x16x1024xf32, #tpu.memory_space<vmem>> -> memref<16x1024xf32, #tpu.memory_space<vmem>>
    %dma_start3A_335 = arith.constant 0 : i32
    %dma_start3A_336 = tpu.memref_slice %arg4[%select_n3A, %add3A_328, %dma_start3A_335] : memref<4x4096x1024xf32, #tpu.memory_space<hbm>> -> memref<1x16x1024xf32, #tpu.memory_space<hbm>>
    %dma_start3A_337 = tpu.memref_squeeze %dma_start3A_336 : memref<1x16x1024xf32, #tpu.memory_space<hbm>> -> memref<16x1024xf32, #tpu.memory_space<hbm>>
    %dma_start3A_338 = tpu.memref_slice %arg7[%dma_start3A_330] : memref<7x!tpu.dma_semaphore, #tpu.memory_space<semaphore_mem>> -> memref<1x!tpu.dma_semaphore, #tpu.memory_space<semaphore_mem>>
    %dma_start3A_339 = tpu.memref_squeeze %dma_start3A_338 : memref<1x!tpu.dma_semaphore, #tpu.memory_space<semaphore_mem>> -> memref<!tpu.dma_semaphore, #tpu.memory_space<semaphore_mem>>
    %dma_start3A_340 = arith.constant 0 : i32
    %dma_start3A_341 = tpu.memref_slice %arg4[%select_n3A, %add3A_328, %dma_start3A_340] : memref<4x4096x1024xf32, #tpu.memory_space<hbm>> -> memref<1x16x1024xf32, #tpu.memory_space<hbm>>
    %dma_start3A_342 = tpu.memref_squeeze %dma_start3A_341 : memref<1x16x1024xf32, #tpu.memory_space<hbm>> -> memref<16x1024xf32, #tpu.memory_space<hbm>>
    %dma_start3A_343 = arith.constant 0 : i32
    %dma_start3A_344 = arith.constant 0 : i32
    %dma_start3A_345 = tpu.memref_slice %arg6[%dma_start3A_329, %dma_start3A_343, %dma_start3A_344] : memref<7x16x1024xf32, #tpu.memory_space<vmem>> -> memref<1x16x1024xf32, #tpu.memory_space<vmem>>
    %dma_start3A_346 = tpu.memref_squeeze %dma_start3A_345 : memref<1x16x1024xf32, #tpu.memory_space<vmem>> -> memref<16x1024xf32, #tpu.memory_space<vmem>>
    tpu.enqueue_dma source(%dma_start3A_346 : memref<16x1024xf32, #tpu.memory_space<vmem>>) target(%dma_start3A_342 : memref<16x1024xf32, #tpu.memory_space<hbm>>) target_semaphore(%dma_start3A_339 : memref<!tpu.dma_semaphore, #tpu.memory_space<semaphore_mem>>)
    %dma_wait3A_347 = arith.constant 3 : i32
    %dma_wait3A_348 = arith.constant 3 : i32
    %dma_wait3A_349 = arith.constant 0 : i32
    %dma_wait3A_350 = arith.constant 0 : i32
    %dma_wait3A_351 = tpu.memref_slice %arg6[%dma_wait3A_347, %dma_wait3A_349, %dma_wait3A_350] : memref<7x16x1024xf32, #tpu.memory_space<vmem>> -> memref<1x16x1024xf32, #tpu.memory_space<vmem>>
    %dma_wait3A_352 = tpu.memref_squeeze %dma_wait3A_351 : memref<1x16x1024xf32, #tpu.memory_space<vmem>> -> memref<16x1024xf32, #tpu.memory_space<vmem>>
    %dma_wait3A_353 = arith.constant 0 : i32
    %dma_wait3A_354 = tpu.memref_slice %arg4[%select_n3A, %add3A_328, %dma_wait3A_353] : memref<4x4096x1024xf32, #tpu.memory_space<hbm>> -> memref<1x16x1024xf32, #tpu.memory_space<hbm>>
    %dma_wait3A_355 = tpu.memref_squeeze %dma_wait3A_354 : memref<1x16x1024xf32, #tpu.memory_space<hbm>> -> memref<16x1024xf32, #tpu.memory_space<hbm>>
    %dma_wait3A_356 = tpu.memref_slice %arg7[%dma_wait3A_348] : memref<7x!tpu.dma_semaphore, #tpu.memory_space<semaphore_mem>> -> memref<1x!tpu.dma_semaphore, #tpu.memory_space<semaphore_mem>>
    %dma_wait3A_357 = tpu.memref_squeeze %dma_wait3A_356 : memref<1x!tpu.dma_semaphore, #tpu.memory_space<semaphore_mem>> -> memref<!tpu.dma_semaphore, #tpu.memory_space<semaphore_mem>>
    %dma_wait3A_358 = arith.constant 0 : i32
    %dma_wait3A_359 = tpu.memref_slice %arg4[%select_n3A, %add3A_328, %dma_wait3A_358] : memref<4x4096x1024xf32, #tpu.memory_space<hbm>> -> memref<1x16x1024xf32, #tpu.memory_space<hbm>>
    %dma_wait3A_360 = tpu.memref_squeeze %dma_wait3A_359 : memref<1x16x1024xf32, #tpu.memory_space<hbm>> -> memref<16x1024xf32, #tpu.memory_space<hbm>>
    %dma_wait3A_361 = arith.constant 0 : i32
    %dma_wait3A_362 = arith.constant 0 : i32
    %dma_wait3A_363 = tpu.memref_slice %arg6[%dma_wait3A_347, %dma_wait3A_361, %dma_wait3A_362] : memref<7x16x1024xf32, #tpu.memory_space<vmem>> -> memref<1x16x1024xf32, #tpu.memory_space<vmem>>
    %dma_wait3A_364 = tpu.memref_squeeze %dma_wait3A_363 : memref<1x16x1024xf32, #tpu.memory_space<vmem>> -> memref<16x1024xf32, #tpu.memory_space<vmem>>
    tpu.wait_dma2 semaphore(%dma_wait3A_357 : memref<!tpu.dma_semaphore, #tpu.memory_space<semaphore_mem>>) src(%dma_wait3A_364 : memref<16x1024xf32, #tpu.memory_space<vmem>>) dst(%dma_wait3A_360 : memref<16x1024xf32, #tpu.memory_space<hbm>>)
    %dma_start3A_365 = arith.constant 3 : i32
    %dma_start3A_366 = arith.constant 3 : i32
    %dma_start3A_367 = arith.constant 0 : i32
    %dma_start3A_368 = arith.constant 0 : i32
    %dma_start3A_369 = tpu.memref_slice %arg6[%dma_start3A_365, %dma_start3A_367, %dma_start3A_368] : memref<7x16x1024xf32, #tpu.memory_space<vmem>> -> memref<1x16x1024xf32, #tpu.memory_space<vmem>>
    %dma_start3A_370 = tpu.memref_squeeze %dma_start3A_369 : memref<1x16x1024xf32, #tpu.memory_space<vmem>> -> memref<16x1024xf32, #tpu.memory_space<vmem>>
    %dma_start3A_371 = arith.constant 160 : i32
    %dma_start3A_372 = tpu.memref_slice %arg5[%dma_start3A_371] : memref<512xi32, #tpu.memory_space<vmem>> -> memref<16xi32, #tpu.memory_space<vmem>>
    %dma_start3A_373 = arith.constant 0 : i32
    %dma_start3A_374 = arith.constant 0 : i32
    %dma_start3A_375 = tpu.memref_slice %arg3[%dma_start3A_373, %dma_start3A_374] : memref<5000x1024xf32, #tpu.memory_space<hbm>> -> memref<5000x1024xf32, #tpu.memory_space<hbm>>
    %dma_start3A_376 = tpu.memref_slice %arg7[%dma_start3A_366] : memref<7x!tpu.dma_semaphore, #tpu.memory_space<semaphore_mem>> -> memref<1x!tpu.dma_semaphore, #tpu.memory_space<semaphore_mem>>
    %dma_start3A_377 = tpu.memref_squeeze %dma_start3A_376 : memref<1x!tpu.dma_semaphore, #tpu.memory_space<semaphore_mem>> -> memref<!tpu.dma_semaphore, #tpu.memory_space<semaphore_mem>>
    tpu.enqueue_indirect_dma source(%dma_start3A_375 : memref<5000x1024xf32, #tpu.memory_space<hbm>>) target(%dma_start3A_370 : memref<16x1024xf32, #tpu.memory_space<vmem>>) offsets(%dma_start3A_372 : memref<16xi32, #tpu.memory_space<vmem>>) semaphore(%dma_start3A_377 : memref<!tpu.dma_semaphore, #tpu.memory_space<semaphore_mem>>)
    %dma_wait3A_378 = arith.constant 4 : i32
    %dma_wait3A_379 = arith.constant 4 : i32
    %dma_wait3A_380 = arith.constant 0 : i32
    %dma_wait3A_381 = arith.constant 0 : i32
    %dma_wait3A_382 = tpu.memref_slice %arg6[%dma_wait3A_378, %dma_wait3A_380, %dma_wait3A_381] : memref<7x16x1024xf32, #tpu.memory_space<vmem>> -> memref<1x16x1024xf32, #tpu.memory_space<vmem>>
    %dma_wait3A_383 = tpu.memref_squeeze %dma_wait3A_382 : memref<1x16x1024xf32, #tpu.memory_space<vmem>> -> memref<16x1024xf32, #tpu.memory_space<vmem>>
    %dma_wait3A_384 = arith.constant 64 : i32
    %dma_wait3A_385 = tpu.memref_slice %arg5[%dma_wait3A_384] : memref<512xi32, #tpu.memory_space<vmem>> -> memref<16xi32, #tpu.memory_space<vmem>>
    %dma_wait3A_386 = arith.constant 0 : i32
    %dma_wait3A_387 = arith.constant 0 : i32
    %dma_wait3A_388 = tpu.memref_slice %arg3[%dma_wait3A_386, %dma_wait3A_387] : memref<5000x1024xf32, #tpu.memory_space<hbm>> -> memref<5000x1024xf32, #tpu.memory_space<hbm>>
    %dma_wait3A_389 = tpu.memref_slice %arg7[%dma_wait3A_379] : memref<7x!tpu.dma_semaphore, #tpu.memory_space<semaphore_mem>> -> memref<1x!tpu.dma_semaphore, #tpu.memory_space<semaphore_mem>>
    %dma_wait3A_390 = tpu.memref_squeeze %dma_wait3A_389 : memref<1x!tpu.dma_semaphore, #tpu.memory_space<semaphore_mem>> -> memref<!tpu.dma_semaphore, #tpu.memory_space<semaphore_mem>>
    tpu.wait_indirect_dma semaphore(%dma_wait3A_390 : memref<!tpu.dma_semaphore, #tpu.memory_space<semaphore_mem>>) src(%dma_wait3A_388 : memref<5000x1024xf32, #tpu.memory_space<hbm>>) dst(%dma_wait3A_383 : memref<16x1024xf32, #tpu.memory_space<vmem>>)
    %add3A_391 = arith.constant 64 : i32
    %add3A_392 = arith.addi %mul3A_32, %add3A_391 : i32
    %dma_start3A_393 = arith.constant 4 : i32
    %dma_start3A_394 = arith.constant 4 : i32
    %dma_start3A_395 = arith.constant 0 : i32
    %dma_start3A_396 = arith.constant 0 : i32
    %dma_start3A_397 = tpu.memref_slice %arg6[%dma_start3A_393, %dma_start3A_395, %dma_start3A_396] : memref<7x16x1024xf32, #tpu.memory_space<vmem>> -> memref<1x16x1024xf32, #tpu.memory_space<vmem>>
    %dma_start3A_398 = tpu.memref_squeeze %dma_start3A_397 : memref<1x16x1024xf32, #tpu.memory_space<vmem>> -> memref<16x1024xf32, #tpu.memory_space<vmem>>
    %dma_start3A_399 = arith.constant 0 : i32
    %dma_start3A_400 = tpu.memref_slice %arg4[%select_n3A, %add3A_392, %dma_start3A_399] : memref<4x4096x1024xf32, #tpu.memory_space<hbm>> -> memref<1x16x1024xf32, #tpu.memory_space<hbm>>
    %dma_start3A_401 = tpu.memref_squeeze %dma_start3A_400 : memref<1x16x1024xf32, #tpu.memory_space<hbm>> -> memref<16x1024xf32, #tpu.memory_space<hbm>>
    %dma_start3A_402 = tpu.memref_slice %arg7[%dma_start3A_394] : memref<7x!tpu.dma_semaphore, #tpu.memory_space<semaphore_mem>> -> memref<1x!tpu.dma_semaphore, #tpu.memory_space<semaphore_mem>>
    %dma_start3A_403 = tpu.memref_squeeze %dma_start3A_402 : memref<1x!tpu.dma_semaphore, #tpu.memory_space<semaphore_mem>> -> memref<!tpu.dma_semaphore, #tpu.memory_space<semaphore_mem>>
    %dma_start3A_404 = arith.constant 0 : i32
    %dma_start3A_405 = tpu.memref_slice %arg4[%select_n3A, %add3A_392, %dma_start3A_404] : memref<4x4096x1024xf32, #tpu.memory_space<hbm>> -> memref<1x16x1024xf32, #tpu.memory_space<hbm>>
    %dma_start3A_406 = tpu.memref_squeeze %dma_start3A_405 : memref<1x16x1024xf32, #tpu.memory_space<hbm>> -> memref<16x1024xf32, #tpu.memory_space<hbm>>
    %dma_start3A_407 = arith.constant 0 : i32
    %dma_start3A_408 = arith.constant 0 : i32
    %dma_start3A_409 = tpu.memref_slice %arg6[%dma_start3A_393, %dma_start3A_407, %dma_start3A_408] : memref<7x16x1024xf32, #tpu.memory_space<vmem>> -> memref<1x16x1024xf32, #tpu.memory_space<vmem>>
    %dma_start3A_410 = tpu.memref_squeeze %dma_start3A_409 : memref<1x16x1024xf32, #tpu.memory_space<vmem>> -> memref<16x1024xf32, #tpu.memory_space<vmem>>
    tpu.enqueue_dma source(%dma_start3A_410 : memref<16x1024xf32, #tpu.memory_space<vmem>>) target(%dma_start3A_406 : memref<16x1024xf32, #tpu.memory_space<hbm>>) target_semaphore(%dma_start3A_403 : memref<!tpu.dma_semaphore, #tpu.memory_space<semaphore_mem>>)
    %dma_wait3A_411 = arith.constant 4 : i32
    %dma_wait3A_412 = arith.constant 4 : i32
    %dma_wait3A_413 = arith.constant 0 : i32
    %dma_wait3A_414 = arith.constant 0 : i32
    %dma_wait3A_415 = tpu.memref_slice %arg6[%dma_wait3A_411, %dma_wait3A_413, %dma_wait3A_414] : memref<7x16x1024xf32, #tpu.memory_space<vmem>> -> memref<1x16x1024xf32, #tpu.memory_space<vmem>>
    %dma_wait3A_416 = tpu.memref_squeeze %dma_wait3A_415 : memref<1x16x1024xf32, #tpu.memory_space<vmem>> -> memref<16x1024xf32, #tpu.memory_space<vmem>>
    %dma_wait3A_417 = arith.constant 0 : i32
    %dma_wait3A_418 = tpu.memref_slice %arg4[%select_n3A, %add3A_392, %dma_wait3A_417] : memref<4x4096x1024xf32, #tpu.memory_space<hbm>> -> memref<1x16x1024xf32, #tpu.memory_space<hbm>>
    %dma_wait3A_419 = tpu.memref_squeeze %dma_wait3A_418 : memref<1x16x1024xf32, #tpu.memory_space<hbm>> -> memref<16x1024xf32, #tpu.memory_space<hbm>>
    %dma_wait3A_420 = tpu.memref_slice %arg7[%dma_wait3A_412] : memref<7x!tpu.dma_semaphore, #tpu.memory_space<semaphore_mem>> -> memref<1x!tpu.dma_semaphore, #tpu.memory_space<semaphore_mem>>
    %dma_wait3A_421 = tpu.memref_squeeze %dma_wait3A_420 : memref<1x!tpu.dma_semaphore, #tpu.memory_space<semaphore_mem>> -> memref<!tpu.dma_semaphore, #tpu.memory_space<semaphore_mem>>
    %dma_wait3A_422 = arith.constant 0 : i32
    %dma_wait3A_423 = tpu.memref_slice %arg4[%select_n3A, %add3A_392, %dma_wait3A_422] : memref<4x4096x1024xf32, #tpu.memory_space<hbm>> -> memref<1x16x1024xf32, #tpu.memory_space<hbm>>
    %dma_wait3A_424 = tpu.memref_squeeze %dma_wait3A_423 : memref<1x16x1024xf32, #tpu.memory_space<hbm>> -> memref<16x1024xf32, #tpu.memory_space<hbm>>
    %dma_wait3A_425 = arith.constant 0 : i32
    %dma_wait3A_426 = arith.constant 0 : i32
    %dma_wait3A_427 = tpu.memref_slice %arg6[%dma_wait3A_411, %dma_wait3A_425, %dma_wait3A_426] : memref<7x16x1024xf32, #tpu.memory_space<vmem>> -> memref<1x16x1024xf32, #tpu.memory_space<vmem>>
    %dma_wait3A_428 = tpu.memref_squeeze %dma_wait3A_427 : memref<1x16x1024xf32, #tpu.memory_space<vmem>> -> memref<16x1024xf32, #tpu.memory_space<vmem>>
    tpu.wait_dma2 semaphore(%dma_wait3A_421 : memref<!tpu.dma_semaphore, #tpu.memory_space<semaphore_mem>>) src(%dma_wait3A_428 : memref<16x1024xf32, #tpu.memory_space<vmem>>) dst(%dma_wait3A_424 : memref<16x1024xf32, #tpu.memory_space<hbm>>)
    %dma_start3A_429 = arith.constant 4 : i32
    %dma_start3A_430 = arith.constant 4 : i32
    %dma_start3A_431 = arith.constant 0 : i32
    %dma_start3A_432 = arith.constant 0 : i32
    %dma_start3A_433 = tpu.memref_slice %arg6[%dma_start3A_429, %dma_start3A_431, %dma_start3A_432] : memref<7x16x1024xf32, #tpu.memory_space<vmem>> -> memref<1x16x1024xf32, #tpu.memory_space<vmem>>
    %dma_start3A_434 = tpu.memref_squeeze %dma_start3A_433 : memref<1x16x1024xf32, #tpu.memory_space<vmem>> -> memref<16x1024xf32, #tpu.memory_space<vmem>>
    %dma_start3A_435 = arith.constant 176 : i32
    %dma_start3A_436 = tpu.memref_slice %arg5[%dma_start3A_435] : memref<512xi32, #tpu.memory_space<vmem>> -> memref<16xi32, #tpu.memory_space<vmem>>
    %dma_start3A_437 = arith.constant 0 : i32
    %dma_start3A_438 = arith.constant 0 : i32
    %dma_start3A_439 = tpu.memref_slice %arg3[%dma_start3A_437, %dma_start3A_438] : memref<5000x1024xf32, #tpu.memory_space<hbm>> -> memref<5000x1024xf32, #tpu.memory_space<hbm>>
    %dma_start3A_440 = tpu.memref_slice %arg7[%dma_start3A_430] : memref<7x!tpu.dma_semaphore, #tpu.memory_space<semaphore_mem>> -> memref<1x!tpu.dma_semaphore, #tpu.memory_space<semaphore_mem>>
    %dma_start3A_441 = tpu.memref_squeeze %dma_start3A_440 : memref<1x!tpu.dma_semaphore, #tpu.memory_space<semaphore_mem>> -> memref<!tpu.dma_semaphore, #tpu.memory_space<semaphore_mem>>
    tpu.enqueue_indirect_dma source(%dma_start3A_439 : memref<5000x1024xf32, #tpu.memory_space<hbm>>) target(%dma_start3A_434 : memref<16x1024xf32, #tpu.memory_space<vmem>>) offsets(%dma_start3A_436 : memref<16xi32, #tpu.memory_space<vmem>>) semaphore(%dma_start3A_441 : memref<!tpu.dma_semaphore, #tpu.memory_space<semaphore_mem>>)
    %dma_wait3A_442 = arith.constant 5 : i32
    %dma_wait3A_443 = arith.constant 5 : i32
    %dma_wait3A_444 = arith.constant 0 : i32
    %dma_wait3A_445 = arith.constant 0 : i32
    %dma_wait3A_446 = tpu.memref_slice %arg6[%dma_wait3A_442, %dma_wait3A_444, %dma_wait3A_445] : memref<7x16x1024xf32, #tpu.memory_space<vmem>> -> memref<1x16x1024xf32, #tpu.memory_space<vmem>>
    %dma_wait3A_447 = tpu.memref_squeeze %dma_wait3A_446 : memref<1x16x1024xf32, #tpu.memory_space<vmem>> -> memref<16x1024xf32, #tpu.memory_space<vmem>>
    %dma_wait3A_448 = arith.constant 80 : i32
    %dma_wait3A_449 = tpu.memref_slice %arg5[%dma_wait3A_448] : memref<512xi32, #tpu.memory_space<vmem>> -> memref<16xi32, #tpu.memory_space<vmem>>
    %dma_wait3A_450 = arith.constant 0 : i32
    %dma_wait3A_451 = arith.constant 0 : i32
    %dma_wait3A_452 = tpu.memref_slice %arg3[%dma_wait3A_450, %dma_wait3A_451] : memref<5000x1024xf32, #tpu.memory_space<hbm>> -> memref<5000x1024xf32, #tpu.memory_space<hbm>>
    %dma_wait3A_453 = tpu.memref_slice %arg7[%dma_wait3A_443] : memref<7x!tpu.dma_semaphore, #tpu.memory_space<semaphore_mem>> -> memref<1x!tpu.dma_semaphore, #tpu.memory_space<semaphore_mem>>
    %dma_wait3A_454 = tpu.memref_squeeze %dma_wait3A_453 : memref<1x!tpu.dma_semaphore, #tpu.memory_space<semaphore_mem>> -> memref<!tpu.dma_semaphore, #tpu.memory_space<semaphore_mem>>
    tpu.wait_indirect_dma semaphore(%dma_wait3A_454 : memref<!tpu.dma_semaphore, #tpu.memory_space<semaphore_mem>>) src(%dma_wait3A_452 : memref<5000x1024xf32, #tpu.memory_space<hbm>>) dst(%dma_wait3A_447 : memref<16x1024xf32, #tpu.memory_space<vmem>>)
    %add3A_455 = arith.constant 80 : i32
    %add3A_456 = arith.addi %mul3A_32, %add3A_455 : i32
    %dma_start3A_457 = arith.constant 5 : i32
    %dma_start3A_458 = arith.constant 5 : i32
    %dma_start3A_459 = arith.constant 0 : i32
    %dma_start3A_460 = arith.constant 0 : i32
    %dma_start3A_461 = tpu.memref_slice %arg6[%dma_start3A_457, %dma_start3A_459, %dma_start3A_460] : memref<7x16x1024xf32, #tpu.memory_space<vmem>> -> memref<1x16x1024xf32, #tpu.memory_space<vmem>>
    %dma_start3A_462 = tpu.memref_squeeze %dma_start3A_461 : memref<1x16x1024xf32, #tpu.memory_space<vmem>> -> memref<16x1024xf32, #tpu.memory_space<vmem>>
    %dma_start3A_463 = arith.constant 0 : i32
    %dma_start3A_464 = tpu.memref_slice %arg4[%select_n3A, %add3A_456, %dma_start3A_463] : memref<4x4096x1024xf32, #tpu.memory_space<hbm>> -> memref<1x16x1024xf32, #tpu.memory_space<hbm>>
    %dma_start3A_465 = tpu.memref_squeeze %dma_start3A_464 : memref<1x16x1024xf32, #tpu.memory_space<hbm>> -> memref<16x1024xf32, #tpu.memory_space<hbm>>
    %dma_start3A_466 = tpu.memref_slice %arg7[%dma_start3A_458] : memref<7x!tpu.dma_semaphore, #tpu.memory_space<semaphore_mem>> -> memref<1x!tpu.dma_semaphore, #tpu.memory_space<semaphore_mem>>
    %dma_start3A_467 = tpu.memref_squeeze %dma_start3A_466 : memref<1x!tpu.dma_semaphore, #tpu.memory_space<semaphore_mem>> -> memref<!tpu.dma_semaphore, #tpu.memory_space<semaphore_mem>>
    %dma_start3A_468 = arith.constant 0 : i32
    %dma_start3A_469 = tpu.memref_slice %arg4[%select_n3A, %add3A_456, %dma_start3A_468] : memref<4x4096x1024xf32, #tpu.memory_space<hbm>> -> memref<1x16x1024xf32, #tpu.memory_space<hbm>>
    %dma_start3A_470 = tpu.memref_squeeze %dma_start3A_469 : memref<1x16x1024xf32, #tpu.memory_space<hbm>> -> memref<16x1024xf32, #tpu.memory_space<hbm>>
    %dma_start3A_471 = arith.constant 0 : i32
    %dma_start3A_472 = arith.constant 0 : i32
    %dma_start3A_473 = tpu.memref_slice %arg6[%dma_start3A_457, %dma_start3A_471, %dma_start3A_472] : memref<7x16x1024xf32, #tpu.memory_space<vmem>> -> memref<1x16x1024xf32, #tpu.memory_space<vmem>>
    %dma_start3A_474 = tpu.memref_squeeze %dma_start3A_473 : memref<1x16x1024xf32, #tpu.memory_space<vmem>> -> memref<16x1024xf32, #tpu.memory_space<vmem>>
    tpu.enqueue_dma source(%dma_start3A_474 : memref<16x1024xf32, #tpu.memory_space<vmem>>) target(%dma_start3A_470 : memref<16x1024xf32, #tpu.memory_space<hbm>>) target_semaphore(%dma_start3A_467 : memref<!tpu.dma_semaphore, #tpu.memory_space<semaphore_mem>>)
    %dma_wait3A_475 = arith.constant 5 : i32
    %dma_wait3A_476 = arith.constant 5 : i32
    %dma_wait3A_477 = arith.constant 0 : i32
    %dma_wait3A_478 = arith.constant 0 : i32
    %dma_wait3A_479 = tpu.memref_slice %arg6[%dma_wait3A_475, %dma_wait3A_477, %dma_wait3A_478] : memref<7x16x1024xf32, #tpu.memory_space<vmem>> -> memref<1x16x1024xf32, #tpu.memory_space<vmem>>
    %dma_wait3A_480 = tpu.memref_squeeze %dma_wait3A_479 : memref<1x16x1024xf32, #tpu.memory_space<vmem>> -> memref<16x1024xf32, #tpu.memory_space<vmem>>
    %dma_wait3A_481 = arith.constant 0 : i32
    %dma_wait3A_482 = tpu.memref_slice %arg4[%select_n3A, %add3A_456, %dma_wait3A_481] : memref<4x4096x1024xf32, #tpu.memory_space<hbm>> -> memref<1x16x1024xf32, #tpu.memory_space<hbm>>
    %dma_wait3A_483 = tpu.memref_squeeze %dma_wait3A_482 : memref<1x16x1024xf32, #tpu.memory_space<hbm>> -> memref<16x1024xf32, #tpu.memory_space<hbm>>
    %dma_wait3A_484 = tpu.memref_slice %arg7[%dma_wait3A_476] : memref<7x!tpu.dma_semaphore, #tpu.memory_space<semaphore_mem>> -> memref<1x!tpu.dma_semaphore, #tpu.memory_space<semaphore_mem>>
    %dma_wait3A_485 = tpu.memref_squeeze %dma_wait3A_484 : memref<1x!tpu.dma_semaphore, #tpu.memory_space<semaphore_mem>> -> memref<!tpu.dma_semaphore, #tpu.memory_space<semaphore_mem>>
    %dma_wait3A_486 = arith.constant 0 : i32
    %dma_wait3A_487 = tpu.memref_slice %arg4[%select_n3A, %add3A_456, %dma_wait3A_486] : memref<4x4096x1024xf32, #tpu.memory_space<hbm>> -> memref<1x16x1024xf32, #tpu.memory_space<hbm>>
    %dma_wait3A_488 = tpu.memref_squeeze %dma_wait3A_487 : memref<1x16x1024xf32, #tpu.memory_space<hbm>> -> memref<16x1024xf32, #tpu.memory_space<hbm>>
    %dma_wait3A_489 = arith.constant 0 : i32
    %dma_wait3A_490 = arith.constant 0 : i32
    %dma_wait3A_491 = tpu.memref_slice %arg6[%dma_wait3A_475, %dma_wait3A_489, %dma_wait3A_490] : memref<7x16x1024xf32, #tpu.memory_space<vmem>> -> memref<1x16x1024xf32, #tpu.memory_space<vmem>>
    %dma_wait3A_492 = tpu.memref_squeeze %dma_wait3A_491 : memref<1x16x1024xf32, #tpu.memory_space<vmem>> -> memref<16x1024xf32, #tpu.memory_space<vmem>>
    tpu.wait_dma2 semaphore(%dma_wait3A_485 : memref<!tpu.dma_semaphore, #tpu.memory_space<semaphore_mem>>) src(%dma_wait3A_492 : memref<16x1024xf32, #tpu.memory_space<vmem>>) dst(%dma_wait3A_488 : memref<16x1024xf32, #tpu.memory_space<hbm>>)
    %dma_start3A_493 = arith.constant 5 : i32
    %dma_start3A_494 = arith.constant 5 : i32
    %dma_start3A_495 = arith.constant 0 : i32
    %dma_start3A_496 = arith.constant 0 : i32
    %dma_start3A_497 = tpu.memref_slice %arg6[%dma_start3A_493, %dma_start3A_495, %dma_start3A_496] : memref<7x16x1024xf32, #tpu.memory_space<vmem>> -> memref<1x16x1024xf32, #tpu.memory_space<vmem>>
    %dma_start3A_498 = tpu.memref_squeeze %dma_start3A_497 : memref<1x16x1024xf32, #tpu.memory_space<vmem>> -> memref<16x1024xf32, #tpu.memory_space<vmem>>
    %dma_start3A_499 = arith.constant 192 : i32
    %dma_start3A_500 = tpu.memref_slice %arg5[%dma_start3A_499] : memref<512xi32, #tpu.memory_space<vmem>> -> memref<16xi32, #tpu.memory_space<vmem>>
    %dma_start3A_501 = arith.constant 0 : i32
    %dma_start3A_502 = arith.constant 0 : i32
    %dma_start3A_503 = tpu.memref_slice %arg3[%dma_start3A_501, %dma_start3A_502] : memref<5000x1024xf32, #tpu.memory_space<hbm>> -> memref<5000x1024xf32, #tpu.memory_space<hbm>>
    %dma_start3A_504 = tpu.memref_slice %arg7[%dma_start3A_494] : memref<7x!tpu.dma_semaphore, #tpu.memory_space<semaphore_mem>> -> memref<1x!tpu.dma_semaphore, #tpu.memory_space<semaphore_mem>>
    %dma_start3A_505 = tpu.memref_squeeze %dma_start3A_504 : memref<1x!tpu.dma_semaphore, #tpu.memory_space<semaphore_mem>> -> memref<!tpu.dma_semaphore, #tpu.memory_space<semaphore_mem>>
    tpu.enqueue_indirect_dma source(%dma_start3A_503 : memref<5000x1024xf32, #tpu.memory_space<hbm>>) target(%dma_start3A_498 : memref<16x1024xf32, #tpu.memory_space<vmem>>) offsets(%dma_start3A_500 : memref<16xi32, #tpu.memory_space<vmem>>) semaphore(%dma_start3A_505 : memref<!tpu.dma_semaphore, #tpu.memory_space<semaphore_mem>>)
    %dma_wait3A_506 = arith.constant 6 : i32
    %dma_wait3A_507 = arith.constant 6 : i32
    %dma_wait3A_508 = arith.constant 0 : i32
    %dma_wait3A_509 = arith.constant 0 : i32
    %dma_wait3A_510 = tpu.memref_slice %arg6[%dma_wait3A_506, %dma_wait3A_508, %dma_wait3A_509] : memref<7x16x1024xf32, #tpu.memory_space<vmem>> -> memref<1x16x1024xf32, #tpu.memory_space<vmem>>
    %dma_wait3A_511 = tpu.memref_squeeze %dma_wait3A_510 : memref<1x16x1024xf32, #tpu.memory_space<vmem>> -> memref<16x1024xf32, #tpu.memory_space<vmem>>
    %dma_wait3A_512 = arith.constant 96 : i32
    %dma_wait3A_513 = tpu.memref_slice %arg5[%dma_wait3A_512] : memref<512xi32, #tpu.memory_space<vmem>> -> memref<16xi32, #tpu.memory_space<vmem>>
    %dma_wait3A_514 = arith.constant 0 : i32
    %dma_wait3A_515 = arith.constant 0 : i32
    %dma_wait3A_516 = tpu.memref_slice %arg3[%dma_wait3A_514, %dma_wait3A_515] : memref<5000x1024xf32, #tpu.memory_space<hbm>> -> memref<5000x1024xf32, #tpu.memory_space<hbm>>
    %dma_wait3A_517 = tpu.memref_slice %arg7[%dma_wait3A_507] : memref<7x!tpu.dma_semaphore, #tpu.memory_space<semaphore_mem>> -> memref<1x!tpu.dma_semaphore, #tpu.memory_space<semaphore_mem>>
    %dma_wait3A_518 = tpu.memref_squeeze %dma_wait3A_517 : memref<1x!tpu.dma_semaphore, #tpu.memory_space<semaphore_mem>> -> memref<!tpu.dma_semaphore, #tpu.memory_space<semaphore_mem>>
    tpu.wait_indirect_dma semaphore(%dma_wait3A_518 : memref<!tpu.dma_semaphore, #tpu.memory_space<semaphore_mem>>) src(%dma_wait3A_516 : memref<5000x1024xf32, #tpu.memory_space<hbm>>) dst(%dma_wait3A_511 : memref<16x1024xf32, #tpu.memory_space<vmem>>)
    %add3A_519 = arith.constant 96 : i32
    %add3A_520 = arith.addi %mul3A_32, %add3A_519 : i32
    %dma_start3A_521 = arith.constant 6 : i32
    %dma_start3A_522 = arith.constant 6 : i32
    %dma_start3A_523 = arith.constant 0 : i32
    %dma_start3A_524 = arith.constant 0 : i32
    %dma_start3A_525 = tpu.memref_slice %arg6[%dma_start3A_521, %dma_start3A_523, %dma_start3A_524] : memref<7x16x1024xf32, #tpu.memory_space<vmem>> -> memref<1x16x1024xf32, #tpu.memory_space<vmem>>
    %dma_start3A_526 = tpu.memref_squeeze %dma_start3A_525 : memref<1x16x1024xf32, #tpu.memory_space<vmem>> -> memref<16x1024xf32, #tpu.memory_space<vmem>>
    %dma_start3A_527 = arith.constant 0 : i32
    %dma_start3A_528 = tpu.memref_slice %arg4[%select_n3A, %add3A_520, %dma_start3A_527] : memref<4x4096x1024xf32, #tpu.memory_space<hbm>> -> memref<1x16x1024xf32, #tpu.memory_space<hbm>>
    %dma_start3A_529 = tpu.memref_squeeze %dma_start3A_528 : memref<1x16x1024xf32, #tpu.memory_space<hbm>> -> memref<16x1024xf32, #tpu.memory_space<hbm>>
    %dma_start3A_530 = tpu.memref_slice %arg7[%dma_start3A_522] : memref<7x!tpu.dma_semaphore, #tpu.memory_space<semaphore_mem>> -> memref<1x!tpu.dma_semaphore, #tpu.memory_space<semaphore_mem>>
    %dma_start3A_531 = tpu.memref_squeeze %dma_start3A_530 : memref<1x!tpu.dma_semaphore, #tpu.memory_space<semaphore_mem>> -> memref<!tpu.dma_semaphore, #tpu.memory_space<semaphore_mem>>
    %dma_start3A_532 = arith.constant 0 : i32
    %dma_start3A_533 = tpu.memref_slice %arg4[%select_n3A, %add3A_520, %dma_start3A_532] : memref<4x4096x1024xf32, #tpu.memory_space<hbm>> -> memref<1x16x1024xf32, #tpu.memory_space<hbm>>
    %dma_start3A_534 = tpu.memref_squeeze %dma_start3A_533 : memref<1x16x1024xf32, #tpu.memory_space<hbm>> -> memref<16x1024xf32, #tpu.memory_space<hbm>>
    %dma_start3A_535 = arith.constant 0 : i32
    %dma_start3A_536 = arith.constant 0 : i32
    %dma_start3A_537 = tpu.memref_slice %arg6[%dma_start3A_521, %dma_start3A_535, %dma_start3A_536] : memref<7x16x1024xf32, #tpu.memory_space<vmem>> -> memref<1x16x1024xf32, #tpu.memory_space<vmem>>
    %dma_start3A_538 = tpu.memref_squeeze %dma_start3A_537 : memref<1x16x1024xf32, #tpu.memory_space<vmem>> -> memref<16x1024xf32, #tpu.memory_space<vmem>>
    tpu.enqueue_dma source(%dma_start3A_538 : memref<16x1024xf32, #tpu.memory_space<vmem>>) target(%dma_start3A_534 : memref<16x1024xf32, #tpu.memory_space<hbm>>) target_semaphore(%dma_start3A_531 : memref<!tpu.dma_semaphore, #tpu.memory_space<semaphore_mem>>)
    %dma_wait3A_539 = arith.constant 6 : i32
    %dma_wait3A_540 = arith.constant 6 : i32
    %dma_wait3A_541 = arith.constant 0 : i32
    %dma_wait3A_542 = arith.constant 0 : i32
    %dma_wait3A_543 = tpu.memref_slice %arg6[%dma_wait3A_539, %dma_wait3A_541, %dma_wait3A_542] : memref<7x16x1024xf32, #tpu.memory_space<vmem>> -> memref<1x16x1024xf32, #tpu.memory_space<vmem>>
    %dma_wait3A_544 = tpu.memref_squeeze %dma_wait3A_543 : memref<1x16x1024xf32, #tpu.memory_space<vmem>> -> memref<16x1024xf32, #tpu.memory_space<vmem>>
    %dma_wait3A_545 = arith.constant 0 : i32
    %dma_wait3A_546 = tpu.memref_slice %arg4[%select_n3A, %add3A_520, %dma_wait3A_545] : memref<4x4096x1024xf32, #tpu.memory_space<hbm>> -> memref<1x16x1024xf32, #tpu.memory_space<hbm>>
    %dma_wait3A_547 = tpu.memref_squeeze %dma_wait3A_546 : memref<1x16x1024xf32, #tpu.memory_space<hbm>> -> memref<16x1024xf32, #tpu.memory_space<hbm>>
    %dma_wait3A_548 = tpu.memref_slice %arg7[%dma_wait3A_540] : memref<7x!tpu.dma_semaphore, #tpu.memory_space<semaphore_mem>> -> memref<1x!tpu.dma_semaphore, #tpu.memory_space<semaphore_mem>>
    %dma_wait3A_549 = tpu.memref_squeeze %dma_wait3A_548 : memref<1x!tpu.dma_semaphore, #tpu.memory_space<semaphore_mem>> -> memref<!tpu.dma_semaphore, #tpu.memory_space<semaphore_mem>>
    %dma_wait3A_550 = arith.constant 0 : i32
    %dma_wait3A_551 = tpu.memref_slice %arg4[%select_n3A, %add3A_520, %dma_wait3A_550] : memref<4x4096x1024xf32, #tpu.memory_space<hbm>> -> memref<1x16x1024xf32, #tpu.memory_space<hbm>>
    %dma_wait3A_552 = tpu.memref_squeeze %dma_wait3A_551 : memref<1x16x1024xf32, #tpu.memory_space<hbm>> -> memref<16x1024xf32, #tpu.memory_space<hbm>>
    %dma_wait3A_553 = arith.constant 0 : i32
    %dma_wait3A_554 = arith.constant 0 : i32
    %dma_wait3A_555 = tpu.memref_slice %arg6[%dma_wait3A_539, %dma_wait3A_553, %dma_wait3A_554] : memref<7x16x1024xf32, #tpu.memory_space<vmem>> -> memref<1x16x1024xf32, #tpu.memory_space<vmem>>
    %dma_wait3A_556 = tpu.memref_squeeze %dma_wait3A_555 : memref<1x16x1024xf32, #tpu.memory_space<vmem>> -> memref<16x1024xf32, #tpu.memory_space<vmem>>
    tpu.wait_dma2 semaphore(%dma_wait3A_549 : memref<!tpu.dma_semaphore, #tpu.memory_space<semaphore_mem>>) src(%dma_wait3A_556 : memref<16x1024xf32, #tpu.memory_space<vmem>>) dst(%dma_wait3A_552 : memref<16x1024xf32, #tpu.memory_space<hbm>>)
    %dma_start3A_557 = arith.constant 6 : i32
    %dma_start3A_558 = arith.constant 6 : i32
    %dma_start3A_559 = arith.constant 0 : i32
    %dma_start3A_560 = arith.constant 0 : i32
    %dma_start3A_561 = tpu.memref_slice %arg6[%dma_start3A_557, %dma_start3A_559, %dma_start3A_560] : memref<7x16x1024xf32, #tpu.memory_space<vmem>> -> memref<1x16x1024xf32, #tpu.memory_space<vmem>>
    %dma_start3A_562 = tpu.memref_squeeze %dma_start3A_561 : memref<1x16x1024xf32, #tpu.memory_space<vmem>> -> memref<16x1024xf32, #tpu.memory_space<vmem>>
    %dma_start3A_563 = arith.constant 208 : i32
    %dma_start3A_564 = tpu.memref_slice %arg5[%dma_start3A_563] : memref<512xi32, #tpu.memory_space<vmem>> -> memref<16xi32, #tpu.memory_space<vmem>>
    %dma_start3A_565 = arith.constant 0 : i32
    %dma_start3A_566 = arith.constant 0 : i32
    %dma_start3A_567 = tpu.memref_slice %arg3[%dma_start3A_565, %dma_start3A_566] : memref<5000x1024xf32, #tpu.memory_space<hbm>> -> memref<5000x1024xf32, #tpu.memory_space<hbm>>
    %dma_start3A_568 = tpu.memref_slice %arg7[%dma_start3A_558] : memref<7x!tpu.dma_semaphore, #tpu.memory_space<semaphore_mem>> -> memref<1x!tpu.dma_semaphore, #tpu.memory_space<semaphore_mem>>
    %dma_start3A_569 = tpu.memref_squeeze %dma_start3A_568 : memref<1x!tpu.dma_semaphore, #tpu.memory_space<semaphore_mem>> -> memref<!tpu.dma_semaphore, #tpu.memory_space<semaphore_mem>>
    tpu.enqueue_indirect_dma source(%dma_start3A_567 : memref<5000x1024xf32, #tpu.memory_space<hbm>>) target(%dma_start3A_562 : memref<16x1024xf32, #tpu.memory_space<vmem>>) offsets(%dma_start3A_564 : memref<16xi32, #tpu.memory_space<vmem>>) semaphore(%dma_start3A_569 : memref<!tpu.dma_semaphore, #tpu.memory_space<semaphore_mem>>)
    %dma_wait3A_570 = arith.constant 0 : i32
    %dma_wait3A_571 = arith.constant 0 : i32
    %dma_wait3A_572 = arith.constant 0 : i32
    %dma_wait3A_573 = arith.constant 0 : i32
    %dma_wait3A_574 = tpu.memref_slice %arg6[%dma_wait3A_570, %dma_wait3A_572, %dma_wait3A_573] : memref<7x16x1024xf32, #tpu.memory_space<vmem>> -> memref<1x16x1024xf32, #tpu.memory_space<vmem>>
    %dma_wait3A_575 = tpu.memref_squeeze %dma_wait3A_574 : memref<1x16x1024xf32, #tpu.memory_space<vmem>> -> memref<16x1024xf32, #tpu.memory_space<vmem>>
    %dma_wait3A_576 = arith.constant 112 : i32
    %dma_wait3A_577 = tpu.memref_slice %arg5[%dma_wait3A_576] : memref<512xi32, #tpu.memory_space<vmem>> -> memref<16xi32, #tpu.memory_space<vmem>>
    %dma_wait3A_578 = arith.constant 0 : i32
    %dma_wait3A_579 = arith.constant 0 : i32
    %dma_wait3A_580 = tpu.memref_slice %arg3[%dma_wait3A_578, %dma_wait3A_579] : memref<5000x1024xf32, #tpu.memory_space<hbm>> -> memref<5000x1024xf32, #tpu.memory_space<hbm>>
    %dma_wait3A_581 = tpu.memref_slice %arg7[%dma_wait3A_571] : memref<7x!tpu.dma_semaphore, #tpu.memory_space<semaphore_mem>> -> memref<1x!tpu.dma_semaphore, #tpu.memory_space<semaphore_mem>>
    %dma_wait3A_582 = tpu.memref_squeeze %dma_wait3A_581 : memref<1x!tpu.dma_semaphore, #tpu.memory_space<semaphore_mem>> -> memref<!tpu.dma_semaphore, #tpu.memory_space<semaphore_mem>>
    tpu.wait_indirect_dma semaphore(%dma_wait3A_582 : memref<!tpu.dma_semaphore, #tpu.memory_space<semaphore_mem>>) src(%dma_wait3A_580 : memref<5000x1024xf32, #tpu.memory_space<hbm>>) dst(%dma_wait3A_575 : memref<16x1024xf32, #tpu.memory_space<vmem>>)
    %add3A_583 = arith.constant 112 : i32
    %add3A_584 = arith.addi %mul3A_32, %add3A_583 : i32
    %dma_start3A_585 = arith.constant 0 : i32
    %dma_start3A_586 = arith.constant 0 : i32
    %dma_start3A_587 = arith.constant 0 : i32
    %dma_start3A_588 = arith.constant 0 : i32
    %dma_start3A_589 = tpu.memref_slice %arg6[%dma_start3A_585, %dma_start3A_587, %dma_start3A_588] : memref<7x16x1024xf32, #tpu.memory_space<vmem>> -> memref<1x16x1024xf32, #tpu.memory_space<vmem>>
    %dma_start3A_590 = tpu.memref_squeeze %dma_start3A_589 : memref<1x16x1024xf32, #tpu.memory_space<vmem>> -> memref<16x1024xf32, #tpu.memory_space<vmem>>
    %dma_start3A_591 = arith.constant 0 : i32
    %dma_start3A_592 = tpu.memref_slice %arg4[%select_n3A, %add3A_584, %dma_start3A_591] : memref<4x4096x1024xf32, #tpu.memory_space<hbm>> -> memref<1x16x1024xf32, #tpu.memory_space<hbm>>
    %dma_start3A_593 = tpu.memref_squeeze %dma_start3A_592 : memref<1x16x1024xf32, #tpu.memory_space<hbm>> -> memref<16x1024xf32, #tpu.memory_space<hbm>>
    %dma_start3A_594 = tpu.memref_slice %arg7[%dma_start3A_586] : memref<7x!tpu.dma_semaphore, #tpu.memory_space<semaphore_mem>> -> memref<1x!tpu.dma_semaphore, #tpu.memory_space<semaphore_mem>>
    %dma_start3A_595 = tpu.memref_squeeze %dma_start3A_594 : memref<1x!tpu.dma_semaphore, #tpu.memory_space<semaphore_mem>> -> memref<!tpu.dma_semaphore, #tpu.memory_space<semaphore_mem>>
    %dma_start3A_596 = arith.constant 0 : i32
    %dma_start3A_597 = tpu.memref_slice %arg4[%select_n3A, %add3A_584, %dma_start3A_596] : memref<4x4096x1024xf32, #tpu.memory_space<hbm>> -> memref<1x16x1024xf32, #tpu.memory_space<hbm>>
    %dma_start3A_598 = tpu.memref_squeeze %dma_start3A_597 : memref<1x16x1024xf32, #tpu.memory_space<hbm>> -> memref<16x1024xf32, #tpu.memory_space<hbm>>
    %dma_start3A_599 = arith.constant 0 : i32
    %dma_start3A_600 = arith.constant 0 : i32
    %dma_start3A_601 = tpu.memref_slice %arg6[%dma_start3A_585, %dma_start3A_599, %dma_start3A_600] : memref<7x16x1024xf32, #tpu.memory_space<vmem>> -> memref<1x16x1024xf32, #tpu.memory_space<vmem>>
    %dma_start3A_602 = tpu.memref_squeeze %dma_start3A_601 : memref<1x16x1024xf32, #tpu.memory_space<vmem>> -> memref<16x1024xf32, #tpu.memory_space<vmem>>
    tpu.enqueue_dma source(%dma_start3A_602 : memref<16x1024xf32, #tpu.memory_space<vmem>>) target(%dma_start3A_598 : memref<16x1024xf32, #tpu.memory_space<hbm>>) target_semaphore(%dma_start3A_595 : memref<!tpu.dma_semaphore, #tpu.memory_space<semaphore_mem>>)
    %dma_wait3A_603 = arith.constant 0 : i32
    %dma_wait3A_604 = arith.constant 0 : i32
    %dma_wait3A_605 = arith.constant 0 : i32
    %dma_wait3A_606 = arith.constant 0 : i32
    %dma_wait3A_607 = tpu.memref_slice %arg6[%dma_wait3A_603, %dma_wait3A_605, %dma_wait3A_606] : memref<7x16x1024xf32, #tpu.memory_space<vmem>> -> memref<1x16x1024xf32, #tpu.memory_space<vmem>>
    %dma_wait3A_608 = tpu.memref_squeeze %dma_wait3A_607 : memref<1x16x1024xf32, #tpu.memory_space<vmem>> -> memref<16x1024xf32, #tpu.memory_space<vmem>>
    %dma_wait3A_609 = arith.constant 0 : i32
    %dma_wait3A_610 = tpu.memref_slice %arg4[%select_n3A, %add3A_584, %dma_wait3A_609] : memref<4x4096x1024xf32, #tpu.memory_space<hbm>> -> memref<1x16x1024xf32, #tpu.memory_space<hbm>>
    %dma_wait3A_611 = tpu.memref_squeeze %dma_wait3A_610 : memref<1x16x1024xf32, #tpu.memory_space<hbm>> -> memref<16x1024xf32, #tpu.memory_space<hbm>>
    %dma_wait3A_612 = tpu.memref_slice %arg7[%dma_wait3A_604] : memref<7x!tpu.dma_semaphore, #tpu.memory_space<semaphore_mem>> -> memref<1x!tpu.dma_semaphore, #tpu.memory_space<semaphore_mem>>
    %dma_wait3A_613 = tpu.memref_squeeze %dma_wait3A_612 : memref<1x!tpu.dma_semaphore, #tpu.memory_space<semaphore_mem>> -> memref<!tpu.dma_semaphore, #tpu.memory_space<semaphore_mem>>
    %dma_wait3A_614 = arith.constant 0 : i32
    %dma_wait3A_615 = tpu.memref_slice %arg4[%select_n3A, %add3A_584, %dma_wait3A_614] : memref<4x4096x1024xf32, #tpu.memory_space<hbm>> -> memref<1x16x1024xf32, #tpu.memory_space<hbm>>
    %dma_wait3A_616 = tpu.memref_squeeze %dma_wait3A_615 : memref<1x16x1024xf32, #tpu.memory_space<hbm>> -> memref<16x1024xf32, #tpu.memory_space<hbm>>
    %dma_wait3A_617 = arith.constant 0 : i32
    %dma_wait3A_618 = arith.constant 0 : i32
    %dma_wait3A_619 = tpu.memref_slice %arg6[%dma_wait3A_603, %dma_wait3A_617, %dma_wait3A_618] : memref<7x16x1024xf32, #tpu.memory_space<vmem>> -> memref<1x16x1024xf32, #tpu.memory_space<vmem>>
    %dma_wait3A_620 = tpu.memref_squeeze %dma_wait3A_619 : memref<1x16x1024xf32, #tpu.memory_space<vmem>> -> memref<16x1024xf32, #tpu.memory_space<vmem>>
    tpu.wait_dma2 semaphore(%dma_wait3A_613 : memref<!tpu.dma_semaphore, #tpu.memory_space<semaphore_mem>>) src(%dma_wait3A_620 : memref<16x1024xf32, #tpu.memory_space<vmem>>) dst(%dma_wait3A_616 : memref<16x1024xf32, #tpu.memory_space<hbm>>)
    %dma_start3A_621 = arith.constant 0 : i32
    %dma_start3A_622 = arith.constant 0 : i32
    %dma_start3A_623 = arith.constant 0 : i32
    %dma_start3A_624 = arith.constant 0 : i32
    %dma_start3A_625 = tpu.memref_slice %arg6[%dma_start3A_621, %dma_start3A_623, %dma_start3A_624] : memref<7x16x1024xf32, #tpu.memory_space<vmem>> -> memref<1x16x1024xf32, #tpu.memory_space<vmem>>
    %dma_start3A_626 = tpu.memref_squeeze %dma_start3A_625 : memref<1x16x1024xf32, #tpu.memory_space<vmem>> -> memref<16x1024xf32, #tpu.memory_space<vmem>>
    %dma_start3A_627 = arith.constant 224 : i32
    %dma_start3A_628 = tpu.memref_slice %arg5[%dma_start3A_627] : memref<512xi32, #tpu.memory_space<vmem>> -> memref<16xi32, #tpu.memory_space<vmem>>
    %dma_start3A_629 = arith.constant 0 : i32
    %dma_start3A_630 = arith.constant 0 : i32
    %dma_start3A_631 = tpu.memref_slice %arg3[%dma_start3A_629, %dma_start3A_630] : memref<5000x1024xf32, #tpu.memory_space<hbm>> -> memref<5000x1024xf32, #tpu.memory_space<hbm>>
    %dma_start3A_632 = tpu.memref_slice %arg7[%dma_start3A_622] : memref<7x!tpu.dma_semaphore, #tpu.memory_space<semaphore_mem>> -> memref<1x!tpu.dma_semaphore, #tpu.memory_space<semaphore_mem>>
    %dma_start3A_633 = tpu.memref_squeeze %dma_start3A_632 : memref<1x!tpu.dma_semaphore, #tpu.memory_space<semaphore_mem>> -> memref<!tpu.dma_semaphore, #tpu.memory_space<semaphore_mem>>
    tpu.enqueue_indirect_dma source(%dma_start3A_631 : memref<5000x1024xf32, #tpu.memory_space<hbm>>) target(%dma_start3A_626 : memref<16x1024xf32, #tpu.memory_space<vmem>>) offsets(%dma_start3A_628 : memref<16xi32, #tpu.memory_space<vmem>>) semaphore(%dma_start3A_633 : memref<!tpu.dma_semaphore, #tpu.memory_space<semaphore_mem>>)
    %dma_wait3A_634 = arith.constant 1 : i32
    %dma_wait3A_635 = arith.constant 1 : i32
    %dma_wait3A_636 = arith.constant 0 : i32
    %dma_wait3A_637 = arith.constant 0 : i32
    %dma_wait3A_638 = tpu.memref_slice %arg6[%dma_wait3A_634, %dma_wait3A_636, %dma_wait3A_637] : memref<7x16x1024xf32, #tpu.memory_space<vmem>> -> memref<1x16x1024xf32, #tpu.memory_space<vmem>>
    %dma_wait3A_639 = tpu.memref_squeeze %dma_wait3A_638 : memref<1x16x1024xf32, #tpu.memory_space<vmem>> -> memref<16x1024xf32, #tpu.memory_space<vmem>>
    %dma_wait3A_640 = arith.constant 128 : i32
    %dma_wait3A_641 = tpu.memref_slice %arg5[%dma_wait3A_640] : memref<512xi32, #tpu.memory_space<vmem>> -> memref<16xi32, #tpu.memory_space<vmem>>
    %dma_wait3A_642 = arith.constant 0 : i32
    %dma_wait3A_643 = arith.constant 0 : i32
    %dma_wait3A_644 = tpu.memref_slice %arg3[%dma_wait3A_642, %dma_wait3A_643] : memref<5000x1024xf32, #tpu.memory_space<hbm>> -> memref<5000x1024xf32, #tpu.memory_space<hbm>>
    %dma_wait3A_645 = tpu.memref_slice %arg7[%dma_wait3A_635] : memref<7x!tpu.dma_semaphore, #tpu.memory_space<semaphore_mem>> -> memref<1x!tpu.dma_semaphore, #tpu.memory_space<semaphore_mem>>
    %dma_wait3A_646 = tpu.memref_squeeze %dma_wait3A_645 : memref<1x!tpu.dma_semaphore, #tpu.memory_space<semaphore_mem>> -> memref<!tpu.dma_semaphore, #tpu.memory_space<semaphore_mem>>
    tpu.wait_indirect_dma semaphore(%dma_wait3A_646 : memref<!tpu.dma_semaphore, #tpu.memory_space<semaphore_mem>>) src(%dma_wait3A_644 : memref<5000x1024xf32, #tpu.memory_space<hbm>>) dst(%dma_wait3A_639 : memref<16x1024xf32, #tpu.memory_space<vmem>>)
    %add3A_647 = arith.constant 128 : i32
    %add3A_648 = arith.addi %mul3A_32, %add3A_647 : i32
    %dma_start3A_649 = arith.constant 1 : i32
    %dma_start3A_650 = arith.constant 1 : i32
    %dma_start3A_651 = arith.constant 0 : i32
    %dma_start3A_652 = arith.constant 0 : i32
    %dma_start3A_653 = tpu.memref_slice %arg6[%dma_start3A_649, %dma_start3A_651, %dma_start3A_652] : memref<7x16x1024xf32, #tpu.memory_space<vmem>> -> memref<1x16x1024xf32, #tpu.memory_space<vmem>>
    %dma_start3A_654 = tpu.memref_squeeze %dma_start3A_653 : memref<1x16x1024xf32, #tpu.memory_space<vmem>> -> memref<16x1024xf32, #tpu.memory_space<vmem>>
    %dma_start3A_655 = arith.constant 0 : i32
    %dma_start3A_656 = tpu.memref_slice %arg4[%select_n3A, %add3A_648, %dma_start3A_655] : memref<4x4096x1024xf32, #tpu.memory_space<hbm>> -> memref<1x16x1024xf32, #tpu.memory_space<hbm>>
    %dma_start3A_657 = tpu.memref_squeeze %dma_start3A_656 : memref<1x16x1024xf32, #tpu.memory_space<hbm>> -> memref<16x1024xf32, #tpu.memory_space<hbm>>
    %dma_start3A_658 = tpu.memref_slice %arg7[%dma_start3A_650] : memref<7x!tpu.dma_semaphore, #tpu.memory_space<semaphore_mem>> -> memref<1x!tpu.dma_semaphore, #tpu.memory_space<semaphore_mem>>
    %dma_start3A_659 = tpu.memref_squeeze %dma_start3A_658 : memref<1x!tpu.dma_semaphore, #tpu.memory_space<semaphore_mem>> -> memref<!tpu.dma_semaphore, #tpu.memory_space<semaphore_mem>>
    %dma_start3A_660 = arith.constant 0 : i32
    %dma_start3A_661 = tpu.memref_slice %arg4[%select_n3A, %add3A_648, %dma_start3A_660] : memref<4x4096x1024xf32, #tpu.memory_space<hbm>> -> memref<1x16x1024xf32, #tpu.memory_space<hbm>>
    %dma_start3A_662 = tpu.memref_squeeze %dma_start3A_661 : memref<1x16x1024xf32, #tpu.memory_space<hbm>> -> memref<16x1024xf32, #tpu.memory_space<hbm>>
    %dma_start3A_663 = arith.constant 0 : i32
    %dma_start3A_664 = arith.constant 0 : i32
    %dma_start3A_665 = tpu.memref_slice %arg6[%dma_start3A_649, %dma_start3A_663, %dma_start3A_664] : memref<7x16x1024xf32, #tpu.memory_space<vmem>> -> memref<1x16x1024xf32, #tpu.memory_space<vmem>>
    %dma_start3A_666 = tpu.memref_squeeze %dma_start3A_665 : memref<1x16x1024xf32, #tpu.memory_space<vmem>> -> memref<16x1024xf32, #tpu.memory_space<vmem>>
    tpu.enqueue_dma source(%dma_start3A_666 : memref<16x1024xf32, #tpu.memory_space<vmem>>) target(%dma_start3A_662 : memref<16x1024xf32, #tpu.memory_space<hbm>>) target_semaphore(%dma_start3A_659 : memref<!tpu.dma_semaphore, #tpu.memory_space<semaphore_mem>>)
    %dma_wait3A_667 = arith.constant 1 : i32
    %dma_wait3A_668 = arith.constant 1 : i32
    %dma_wait3A_669 = arith.constant 0 : i32
    %dma_wait3A_670 = arith.constant 0 : i32
    %dma_wait3A_671 = tpu.memref_slice %arg6[%dma_wait3A_667, %dma_wait3A_669, %dma_wait3A_670] : memref<7x16x1024xf32, #tpu.memory_space<vmem>> -> memref<1x16x1024xf32, #tpu.memory_space<vmem>>
    %dma_wait3A_672 = tpu.memref_squeeze %dma_wait3A_671 : memref<1x16x1024xf32, #tpu.memory_space<vmem>> -> memref<16x1024xf32, #tpu.memory_space<vmem>>
    %dma_wait3A_673 = arith.constant 0 : i32
    %dma_wait3A_674 = tpu.memref_slice %arg4[%select_n3A, %add3A_648, %dma_wait3A_673] : memref<4x4096x1024xf32, #tpu.memory_space<hbm>> -> memref<1x16x1024xf32, #tpu.memory_space<hbm>>
    %dma_wait3A_675 = tpu.memref_squeeze %dma_wait3A_674 : memref<1x16x1024xf32, #tpu.memory_space<hbm>> -> memref<16x1024xf32, #tpu.memory_space<hbm>>
    %dma_wait3A_676 = tpu.memref_slice %arg7[%dma_wait3A_668] : memref<7x!tpu.dma_semaphore, #tpu.memory_space<semaphore_mem>> -> memref<1x!tpu.dma_semaphore, #tpu.memory_space<semaphore_mem>>
    %dma_wait3A_677 = tpu.memref_squeeze %dma_wait3A_676 : memref<1x!tpu.dma_semaphore, #tpu.memory_space<semaphore_mem>> -> memref<!tpu.dma_semaphore, #tpu.memory_space<semaphore_mem>>
    %dma_wait3A_678 = arith.constant 0 : i32
    %dma_wait3A_679 = tpu.memref_slice %arg4[%select_n3A, %add3A_648, %dma_wait3A_678] : memref<4x4096x1024xf32, #tpu.memory_space<hbm>> -> memref<1x16x1024xf32, #tpu.memory_space<hbm>>
    %dma_wait3A_680 = tpu.memref_squeeze %dma_wait3A_679 : memref<1x16x1024xf32, #tpu.memory_space<hbm>> -> memref<16x1024xf32, #tpu.memory_space<hbm>>
    %dma_wait3A_681 = arith.constant 0 : i32
    %dma_wait3A_682 = arith.constant 0 : i32
    %dma_wait3A_683 = tpu.memref_slice %arg6[%dma_wait3A_667, %dma_wait3A_681, %dma_wait3A_682] : memref<7x16x1024xf32, #tpu.memory_space<vmem>> -> memref<1x16x1024xf32, #tpu.memory_space<vmem>>
    %dma_wait3A_684 = tpu.memref_squeeze %dma_wait3A_683 : memref<1x16x1024xf32, #tpu.memory_space<vmem>> -> memref<16x1024xf32, #tpu.memory_space<vmem>>
    tpu.wait_dma2 semaphore(%dma_wait3A_677 : memref<!tpu.dma_semaphore, #tpu.memory_space<semaphore_mem>>) src(%dma_wait3A_684 : memref<16x1024xf32, #tpu.memory_space<vmem>>) dst(%dma_wait3A_680 : memref<16x1024xf32, #tpu.memory_space<hbm>>)
    %dma_start3A_685 = arith.constant 1 : i32
    %dma_start3A_686 = arith.constant 1 : i32
    %dma_start3A_687 = arith.constant 0 : i32
    %dma_start3A_688 = arith.constant 0 : i32
    %dma_start3A_689 = tpu.memref_slice %arg6[%dma_start3A_685, %dma_start3A_687, %dma_start3A_688] : memref<7x16x1024xf32, #tpu.memory_space<vmem>> -> memref<1x16x1024xf32, #tpu.memory_space<vmem>>
    %dma_start3A_690 = tpu.memref_squeeze %dma_start3A_689 : memref<1x16x1024xf32, #tpu.memory_space<vmem>> -> memref<16x1024xf32, #tpu.memory_space<vmem>>
    %dma_start3A_691 = arith.constant 240 : i32
    %dma_start3A_692 = tpu.memref_slice %arg5[%dma_start3A_691] : memref<512xi32, #tpu.memory_space<vmem>> -> memref<16xi32, #tpu.memory_space<vmem>>
    %dma_start3A_693 = arith.constant 0 : i32
    %dma_start3A_694 = arith.constant 0 : i32
    %dma_start3A_695 = tpu.memref_slice %arg3[%dma_start3A_693, %dma_start3A_694] : memref<5000x1024xf32, #tpu.memory_space<hbm>> -> memref<5000x1024xf32, #tpu.memory_space<hbm>>
    %dma_start3A_696 = tpu.memref_slice %arg7[%dma_start3A_686] : memref<7x!tpu.dma_semaphore, #tpu.memory_space<semaphore_mem>> -> memref<1x!tpu.dma_semaphore, #tpu.memory_space<semaphore_mem>>
    %dma_start3A_697 = tpu.memref_squeeze %dma_start3A_696 : memref<1x!tpu.dma_semaphore, #tpu.memory_space<semaphore_mem>> -> memref<!tpu.dma_semaphore, #tpu.memory_space<semaphore_mem>>
    tpu.enqueue_indirect_dma source(%dma_start3A_695 : memref<5000x1024xf32, #tpu.memory_space<hbm>>) target(%dma_start3A_690 : memref<16x1024xf32, #tpu.memory_space<vmem>>) offsets(%dma_start3A_692 : memref<16xi32, #tpu.memory_space<vmem>>) semaphore(%dma_start3A_697 : memref<!tpu.dma_semaphore, #tpu.memory_space<semaphore_mem>>)
    %dma_wait3A_698 = arith.constant 2 : i32
    %dma_wait3A_699 = arith.constant 2 : i32
    %dma_wait3A_700 = arith.constant 0 : i32
    %dma_wait3A_701 = arith.constant 0 : i32
    %dma_wait3A_702 = tpu.memref_slice %arg6[%dma_wait3A_698, %dma_wait3A_700, %dma_wait3A_701] : memref<7x16x1024xf32, #tpu.memory_space<vmem>> -> memref<1x16x1024xf32, #tpu.memory_space<vmem>>
    %dma_wait3A_703 = tpu.memref_squeeze %dma_wait3A_702 : memref<1x16x1024xf32, #tpu.memory_space<vmem>> -> memref<16x1024xf32, #tpu.memory_space<vmem>>
    %dma_wait3A_704 = arith.constant 144 : i32
    %dma_wait3A_705 = tpu.memref_slice %arg5[%dma_wait3A_704] : memref<512xi32, #tpu.memory_space<vmem>> -> memref<16xi32, #tpu.memory_space<vmem>>
    %dma_wait3A_706 = arith.constant 0 : i32
    %dma_wait3A_707 = arith.constant 0 : i32
    %dma_wait3A_708 = tpu.memref_slice %arg3[%dma_wait3A_706, %dma_wait3A_707] : memref<5000x1024xf32, #tpu.memory_space<hbm>> -> memref<5000x1024xf32, #tpu.memory_space<hbm>>
    %dma_wait3A_709 = tpu.memref_slice %arg7[%dma_wait3A_699] : memref<7x!tpu.dma_semaphore, #tpu.memory_space<semaphore_mem>> -> memref<1x!tpu.dma_semaphore, #tpu.memory_space<semaphore_mem>>
    %dma_wait3A_710 = tpu.memref_squeeze %dma_wait3A_709 : memref<1x!tpu.dma_semaphore, #tpu.memory_space<semaphore_mem>> -> memref<!tpu.dma_semaphore, #tpu.memory_space<semaphore_mem>>
    tpu.wait_indirect_dma semaphore(%dma_wait3A_710 : memref<!tpu.dma_semaphore, #tpu.memory_space<semaphore_mem>>) src(%dma_wait3A_708 : memref<5000x1024xf32, #tpu.memory_space<hbm>>) dst(%dma_wait3A_703 : memref<16x1024xf32, #tpu.memory_space<vmem>>)
    %add3A_711 = arith.constant 144 : i32
    %add3A_712 = arith.addi %mul3A_32, %add3A_711 : i32
    %dma_start3A_713 = arith.constant 2 : i32
    %dma_start3A_714 = arith.constant 2 : i32
    %dma_start3A_715 = arith.constant 0 : i32
    %dma_start3A_716 = arith.constant 0 : i32
    %dma_start3A_717 = tpu.memref_slice %arg6[%dma_start3A_713, %dma_start3A_715, %dma_start3A_716] : memref<7x16x1024xf32, #tpu.memory_space<vmem>> -> memref<1x16x1024xf32, #tpu.memory_space<vmem>>
    %dma_start3A_718 = tpu.memref_squeeze %dma_start3A_717 : memref<1x16x1024xf32, #tpu.memory_space<vmem>> -> memref<16x1024xf32, #tpu.memory_space<vmem>>
    %dma_start3A_719 = arith.constant 0 : i32
    %dma_start3A_720 = tpu.memref_slice %arg4[%select_n3A, %add3A_712, %dma_start3A_719] : memref<4x4096x1024xf32, #tpu.memory_space<hbm>> -> memref<1x16x1024xf32, #tpu.memory_space<hbm>>
    %dma_start3A_721 = tpu.memref_squeeze %dma_start3A_720 : memref<1x16x1024xf32, #tpu.memory_space<hbm>> -> memref<16x1024xf32, #tpu.memory_space<hbm>>
    %dma_start3A_722 = tpu.memref_slice %arg7[%dma_start3A_714] : memref<7x!tpu.dma_semaphore, #tpu.memory_space<semaphore_mem>> -> memref<1x!tpu.dma_semaphore, #tpu.memory_space<semaphore_mem>>
    %dma_start3A_723 = tpu.memref_squeeze %dma_start3A_722 : memref<1x!tpu.dma_semaphore, #tpu.memory_space<semaphore_mem>> -> memref<!tpu.dma_semaphore, #tpu.memory_space<semaphore_mem>>
    %dma_start3A_724 = arith.constant 0 : i32
    %dma_start3A_725 = tpu.memref_slice %arg4[%select_n3A, %add3A_712, %dma_start3A_724] : memref<4x4096x1024xf32, #tpu.memory_space<hbm>> -> memref<1x16x1024xf32, #tpu.memory_space<hbm>>
    %dma_start3A_726 = tpu.memref_squeeze %dma_start3A_725 : memref<1x16x1024xf32, #tpu.memory_space<hbm>> -> memref<16x1024xf32, #tpu.memory_space<hbm>>
    %dma_start3A_727 = arith.constant 0 : i32
    %dma_start3A_728 = arith.constant 0 : i32
    %dma_start3A_729 = tpu.memref_slice %arg6[%dma_start3A_713, %dma_start3A_727, %dma_start3A_728] : memref<7x16x1024xf32, #tpu.memory_space<vmem>> -> memref<1x16x1024xf32, #tpu.memory_space<vmem>>
    %dma_start3A_730 = tpu.memref_squeeze %dma_start3A_729 : memref<1x16x1024xf32, #tpu.memory_space<vmem>> -> memref<16x1024xf32, #tpu.memory_space<vmem>>
    tpu.enqueue_dma source(%dma_start3A_730 : memref<16x1024xf32, #tpu.memory_space<vmem>>) target(%dma_start3A_726 : memref<16x1024xf32, #tpu.memory_space<hbm>>) target_semaphore(%dma_start3A_723 : memref<!tpu.dma_semaphore, #tpu.memory_space<semaphore_mem>>)
    %dma_wait3A_731 = arith.constant 2 : i32
    %dma_wait3A_732 = arith.constant 2 : i32
    %dma_wait3A_733 = arith.constant 0 : i32
    %dma_wait3A_734 = arith.constant 0 : i32
    %dma_wait3A_735 = tpu.memref_slice %arg6[%dma_wait3A_731, %dma_wait3A_733, %dma_wait3A_734] : memref<7x16x1024xf32, #tpu.memory_space<vmem>> -> memref<1x16x1024xf32, #tpu.memory_space<vmem>>
    %dma_wait3A_736 = tpu.memref_squeeze %dma_wait3A_735 : memref<1x16x1024xf32, #tpu.memory_space<vmem>> -> memref<16x1024xf32, #tpu.memory_space<vmem>>
    %dma_wait3A_737 = arith.constant 0 : i32
    %dma_wait3A_738 = tpu.memref_slice %arg4[%select_n3A, %add3A_712, %dma_wait3A_737] : memref<4x4096x1024xf32, #tpu.memory_space<hbm>> -> memref<1x16x1024xf32, #tpu.memory_space<hbm>>
    %dma_wait3A_739 = tpu.memref_squeeze %dma_wait3A_738 : memref<1x16x1024xf32, #tpu.memory_space<hbm>> -> memref<16x1024xf32, #tpu.memory_space<hbm>>
    %dma_wait3A_740 = tpu.memref_slice %arg7[%dma_wait3A_732] : memref<7x!tpu.dma_semaphore, #tpu.memory_space<semaphore_mem>> -> memref<1x!tpu.dma_semaphore, #tpu.memory_space<semaphore_mem>>
    %dma_wait3A_741 = tpu.memref_squeeze %dma_wait3A_740 : memref<1x!tpu.dma_semaphore, #tpu.memory_space<semaphore_mem>> -> memref<!tpu.dma_semaphore, #tpu.memory_space<semaphore_mem>>
    %dma_wait3A_742 = arith.constant 0 : i32
    %dma_wait3A_743 = tpu.memref_slice %arg4[%select_n3A, %add3A_712, %dma_wait3A_742] : memref<4x4096x1024xf32, #tpu.memory_space<hbm>> -> memref<1x16x1024xf32, #tpu.memory_space<hbm>>
    %dma_wait3A_744 = tpu.memref_squeeze %dma_wait3A_743 : memref<1x16x1024xf32, #tpu.memory_space<hbm>> -> memref<16x1024xf32, #tpu.memory_space<hbm>>
    %dma_wait3A_745 = arith.constant 0 : i32
    %dma_wait3A_746 = arith.constant 0 : i32
    %dma_wait3A_747 = tpu.memref_slice %arg6[%dma_wait3A_731, %dma_wait3A_745, %dma_wait3A_746] : memref<7x16x1024xf32, #tpu.memory_space<vmem>> -> memref<1x16x1024xf32, #tpu.memory_space<vmem>>
    %dma_wait3A_748 = tpu.memref_squeeze %dma_wait3A_747 : memref<1x16x1024xf32, #tpu.memory_space<vmem>> -> memref<16x1024xf32, #tpu.memory_space<vmem>>
    tpu.wait_dma2 semaphore(%dma_wait3A_741 : memref<!tpu.dma_semaphore, #tpu.memory_space<semaphore_mem>>) src(%dma_wait3A_748 : memref<16x1024xf32, #tpu.memory_space<vmem>>) dst(%dma_wait3A_744 : memref<16x1024xf32, #tpu.memory_space<hbm>>)
    %dma_start3A_749 = arith.constant 2 : i32
    %dma_start3A_750 = arith.constant 2 : i32
    %dma_start3A_751 = arith.constant 0 : i32
    %dma_start3A_752 = arith.constant 0 : i32
    %dma_start3A_753 = tpu.memref_slice %arg6[%dma_start3A_749, %dma_start3A_751, %dma_start3A_752] : memref<7x16x1024xf32, #tpu.memory_space<vmem>> -> memref<1x16x1024xf32, #tpu.memory_space<vmem>>
    %dma_start3A_754 = tpu.memref_squeeze %dma_start3A_753 : memref<1x16x1024xf32, #tpu.memory_space<vmem>> -> memref<16x1024xf32, #tpu.memory_space<vmem>>
    %dma_start3A_755 = arith.constant 256 : i32
    %dma_start3A_756 = tpu.memref_slice %arg5[%dma_start3A_755] : memref<512xi32, #tpu.memory_space<vmem>> -> memref<16xi32, #tpu.memory_space<vmem>>
    %dma_start3A_757 = arith.constant 0 : i32
    %dma_start3A_758 = arith.constant 0 : i32
    %dma_start3A_759 = tpu.memref_slice %arg3[%dma_start3A_757, %dma_start3A_758] : memref<5000x1024xf32, #tpu.memory_space<hbm>> -> memref<5000x1024xf32, #tpu.memory_space<hbm>>
    %dma_start3A_760 = tpu.memref_slice %arg7[%dma_start3A_750] : memref<7x!tpu.dma_semaphore, #tpu.memory_space<semaphore_mem>> -> memref<1x!tpu.dma_semaphore, #tpu.memory_space<semaphore_mem>>
    %dma_start3A_761 = tpu.memref_squeeze %dma_start3A_760 : memref<1x!tpu.dma_semaphore, #tpu.memory_space<semaphore_mem>> -> memref<!tpu.dma_semaphore, #tpu.memory_space<semaphore_mem>>
    tpu.enqueue_indirect_dma source(%dma_start3A_759 : memref<5000x1024xf32, #tpu.memory_space<hbm>>) target(%dma_start3A_754 : memref<16x1024xf32, #tpu.memory_space<vmem>>) offsets(%dma_start3A_756 : memref<16xi32, #tpu.memory_space<vmem>>) semaphore(%dma_start3A_761 : memref<!tpu.dma_semaphore, #tpu.memory_space<semaphore_mem>>)
    %dma_wait3A_762 = arith.constant 3 : i32
    %dma_wait3A_763 = arith.constant 3 : i32
    %dma_wait3A_764 = arith.constant 0 : i32
    %dma_wait3A_765 = arith.constant 0 : i32
    %dma_wait3A_766 = tpu.memref_slice %arg6[%dma_wait3A_762, %dma_wait3A_764, %dma_wait3A_765] : memref<7x16x1024xf32, #tpu.memory_space<vmem>> -> memref<1x16x1024xf32, #tpu.memory_space<vmem>>
    %dma_wait3A_767 = tpu.memref_squeeze %dma_wait3A_766 : memref<1x16x1024xf32, #tpu.memory_space<vmem>> -> memref<16x1024xf32, #tpu.memory_space<vmem>>
    %dma_wait3A_768 = arith.constant 160 : i32
    %dma_wait3A_769 = tpu.memref_slice %arg5[%dma_wait3A_768] : memref<512xi32, #tpu.memory_space<vmem>> -> memref<16xi32, #tpu.memory_space<vmem>>
    %dma_wait3A_770 = arith.constant 0 : i32
    %dma_wait3A_771 = arith.constant 0 : i32
    %dma_wait3A_772 = tpu.memref_slice %arg3[%dma_wait3A_770, %dma_wait3A_771] : memref<5000x1024xf32, #tpu.memory_space<hbm>> -> memref<5000x1024xf32, #tpu.memory_space<hbm>>
    %dma_wait3A_773 = tpu.memref_slice %arg7[%dma_wait3A_763] : memref<7x!tpu.dma_semaphore, #tpu.memory_space<semaphore_mem>> -> memref<1x!tpu.dma_semaphore, #tpu.memory_space<semaphore_mem>>
    %dma_wait3A_774 = tpu.memref_squeeze %dma_wait3A_773 : memref<1x!tpu.dma_semaphore, #tpu.memory_space<semaphore_mem>> -> memref<!tpu.dma_semaphore, #tpu.memory_space<semaphore_mem>>
    tpu.wait_indirect_dma semaphore(%dma_wait3A_774 : memref<!tpu.dma_semaphore, #tpu.memory_space<semaphore_mem>>) src(%dma_wait3A_772 : memref<5000x1024xf32, #tpu.memory_space<hbm>>) dst(%dma_wait3A_767 : memref<16x1024xf32, #tpu.memory_space<vmem>>)
    %add3A_775 = arith.constant 160 : i32
    %add3A_776 = arith.addi %mul3A_32, %add3A_775 : i32
    %dma_start3A_777 = arith.constant 3 : i32
    %dma_start3A_778 = arith.constant 3 : i32
    %dma_start3A_779 = arith.constant 0 : i32
    %dma_start3A_780 = arith.constant 0 : i32
    %dma_start3A_781 = tpu.memref_slice %arg6[%dma_start3A_777, %dma_start3A_779, %dma_start3A_780] : memref<7x16x1024xf32, #tpu.memory_space<vmem>> -> memref<1x16x1024xf32, #tpu.memory_space<vmem>>
    %dma_start3A_782 = tpu.memref_squeeze %dma_start3A_781 : memref<1x16x1024xf32, #tpu.memory_space<vmem>> -> memref<16x1024xf32, #tpu.memory_space<vmem>>
    %dma_start3A_783 = arith.constant 0 : i32
    %dma_start3A_784 = tpu.memref_slice %arg4[%select_n3A, %add3A_776, %dma_start3A_783] : memref<4x4096x1024xf32, #tpu.memory_space<hbm>> -> memref<1x16x1024xf32, #tpu.memory_space<hbm>>
    %dma_start3A_785 = tpu.memref_squeeze %dma_start3A_784 : memref<1x16x1024xf32, #tpu.memory_space<hbm>> -> memref<16x1024xf32, #tpu.memory_space<hbm>>
    %dma_start3A_786 = tpu.memref_slice %arg7[%dma_start3A_778] : memref<7x!tpu.dma_semaphore, #tpu.memory_space<semaphore_mem>> -> memref<1x!tpu.dma_semaphore, #tpu.memory_space<semaphore_mem>>
    %dma_start3A_787 = tpu.memref_squeeze %dma_start3A_786 : memref<1x!tpu.dma_semaphore, #tpu.memory_space<semaphore_mem>> -> memref<!tpu.dma_semaphore, #tpu.memory_space<semaphore_mem>>
    %dma_start3A_788 = arith.constant 0 : i32
    %dma_start3A_789 = tpu.memref_slice %arg4[%select_n3A, %add3A_776, %dma_start3A_788] : memref<4x4096x1024xf32, #tpu.memory_space<hbm>> -> memref<1x16x1024xf32, #tpu.memory_space<hbm>>
    %dma_start3A_790 = tpu.memref_squeeze %dma_start3A_789 : memref<1x16x1024xf32, #tpu.memory_space<hbm>> -> memref<16x1024xf32, #tpu.memory_space<hbm>>
    %dma_start3A_791 = arith.constant 0 : i32
    %dma_start3A_792 = arith.constant 0 : i32
    %dma_start3A_793 = tpu.memref_slice %arg6[%dma_start3A_777, %dma_start3A_791, %dma_start3A_792] : memref<7x16x1024xf32, #tpu.memory_space<vmem>> -> memref<1x16x1024xf32, #tpu.memory_space<vmem>>
    %dma_start3A_794 = tpu.memref_squeeze %dma_start3A_793 : memref<1x16x1024xf32, #tpu.memory_space<vmem>> -> memref<16x1024xf32, #tpu.memory_space<vmem>>
    tpu.enqueue_dma source(%dma_start3A_794 : memref<16x1024xf32, #tpu.memory_space<vmem>>) target(%dma_start3A_790 : memref<16x1024xf32, #tpu.memory_space<hbm>>) target_semaphore(%dma_start3A_787 : memref<!tpu.dma_semaphore, #tpu.memory_space<semaphore_mem>>)
    %dma_wait3A_795 = arith.constant 3 : i32
    %dma_wait3A_796 = arith.constant 3 : i32
    %dma_wait3A_797 = arith.constant 0 : i32
    %dma_wait3A_798 = arith.constant 0 : i32
    %dma_wait3A_799 = tpu.memref_slice %arg6[%dma_wait3A_795, %dma_wait3A_797, %dma_wait3A_798] : memref<7x16x1024xf32, #tpu.memory_space<vmem>> -> memref<1x16x1024xf32, #tpu.memory_space<vmem>>
    %dma_wait3A_800 = tpu.memref_squeeze %dma_wait3A_799 : memref<1x16x1024xf32, #tpu.memory_space<vmem>> -> memref<16x1024xf32, #tpu.memory_space<vmem>>
    %dma_wait3A_801 = arith.constant 0 : i32
    %dma_wait3A_802 = tpu.memref_slice %arg4[%select_n3A, %add3A_776, %dma_wait3A_801] : memref<4x4096x1024xf32, #tpu.memory_space<hbm>> -> memref<1x16x1024xf32, #tpu.memory_space<hbm>>
    %dma_wait3A_803 = tpu.memref_squeeze %dma_wait3A_802 : memref<1x16x1024xf32, #tpu.memory_space<hbm>> -> memref<16x1024xf32, #tpu.memory_space<hbm>>
    %dma_wait3A_804 = tpu.memref_slice %arg7[%dma_wait3A_796] : memref<7x!tpu.dma_semaphore, #tpu.memory_space<semaphore_mem>> -> memref<1x!tpu.dma_semaphore, #tpu.memory_space<semaphore_mem>>
    %dma_wait3A_805 = tpu.memref_squeeze %dma_wait3A_804 : memref<1x!tpu.dma_semaphore, #tpu.memory_space<semaphore_mem>> -> memref<!tpu.dma_semaphore, #tpu.memory_space<semaphore_mem>>
    %dma_wait3A_806 = arith.constant 0 : i32
    %dma_wait3A_807 = tpu.memref_slice %arg4[%select_n3A, %add3A_776, %dma_wait3A_806] : memref<4x4096x1024xf32, #tpu.memory_space<hbm>> -> memref<1x16x1024xf32, #tpu.memory_space<hbm>>
    %dma_wait3A_808 = tpu.memref_squeeze %dma_wait3A_807 : memref<1x16x1024xf32, #tpu.memory_space<hbm>> -> memref<16x1024xf32, #tpu.memory_space<hbm>>
    %dma_wait3A_809 = arith.constant 0 : i32
    %dma_wait3A_810 = arith.constant 0 : i32
    %dma_wait3A_811 = tpu.memref_slice %arg6[%dma_wait3A_795, %dma_wait3A_809, %dma_wait3A_810] : memref<7x16x1024xf32, #tpu.memory_space<vmem>> -> memref<1x16x1024xf32, #tpu.memory_space<vmem>>
    %dma_wait3A_812 = tpu.memref_squeeze %dma_wait3A_811 : memref<1x16x1024xf32, #tpu.memory_space<vmem>> -> memref<16x1024xf32, #tpu.memory_space<vmem>>
    tpu.wait_dma2 semaphore(%dma_wait3A_805 : memref<!tpu.dma_semaphore, #tpu.memory_space<semaphore_mem>>) src(%dma_wait3A_812 : memref<16x1024xf32, #tpu.memory_space<vmem>>) dst(%dma_wait3A_808 : memref<16x1024xf32, #tpu.memory_space<hbm>>)
    %dma_start3A_813 = arith.constant 3 : i32
    %dma_start3A_814 = arith.constant 3 : i32
    %dma_start3A_815 = arith.constant 0 : i32
    %dma_start3A_816 = arith.constant 0 : i32
    %dma_start3A_817 = tpu.memref_slice %arg6[%dma_start3A_813, %dma_start3A_815, %dma_start3A_816] : memref<7x16x1024xf32, #tpu.memory_space<vmem>> -> memref<1x16x1024xf32, #tpu.memory_space<vmem>>
    %dma_start3A_818 = tpu.memref_squeeze %dma_start3A_817 : memref<1x16x1024xf32, #tpu.memory_space<vmem>> -> memref<16x1024xf32, #tpu.memory_space<vmem>>
    %dma_start3A_819 = arith.constant 272 : i32
    %dma_start3A_820 = tpu.memref_slice %arg5[%dma_start3A_819] : memref<512xi32, #tpu.memory_space<vmem>> -> memref<16xi32, #tpu.memory_space<vmem>>
    %dma_start3A_821 = arith.constant 0 : i32
    %dma_start3A_822 = arith.constant 0 : i32
    %dma_start3A_823 = tpu.memref_slice %arg3[%dma_start3A_821, %dma_start3A_822] : memref<5000x1024xf32, #tpu.memory_space<hbm>> -> memref<5000x1024xf32, #tpu.memory_space<hbm>>
    %dma_start3A_824 = tpu.memref_slice %arg7[%dma_start3A_814] : memref<7x!tpu.dma_semaphore, #tpu.memory_space<semaphore_mem>> -> memref<1x!tpu.dma_semaphore, #tpu.memory_space<semaphore_mem>>
    %dma_start3A_825 = tpu.memref_squeeze %dma_start3A_824 : memref<1x!tpu.dma_semaphore, #tpu.memory_space<semaphore_mem>> -> memref<!tpu.dma_semaphore, #tpu.memory_space<semaphore_mem>>
    tpu.enqueue_indirect_dma source(%dma_start3A_823 : memref<5000x1024xf32, #tpu.memory_space<hbm>>) target(%dma_start3A_818 : memref<16x1024xf32, #tpu.memory_space<vmem>>) offsets(%dma_start3A_820 : memref<16xi32, #tpu.memory_space<vmem>>) semaphore(%dma_start3A_825 : memref<!tpu.dma_semaphore, #tpu.memory_space<semaphore_mem>>)
    %dma_wait3A_826 = arith.constant 4 : i32
    %dma_wait3A_827 = arith.constant 4 : i32
    %dma_wait3A_828 = arith.constant 0 : i32
    %dma_wait3A_829 = arith.constant 0 : i32
    %dma_wait3A_830 = tpu.memref_slice %arg6[%dma_wait3A_826, %dma_wait3A_828, %dma_wait3A_829] : memref<7x16x1024xf32, #tpu.memory_space<vmem>> -> memref<1x16x1024xf32, #tpu.memory_space<vmem>>
    %dma_wait3A_831 = tpu.memref_squeeze %dma_wait3A_830 : memref<1x16x1024xf32, #tpu.memory_space<vmem>> -> memref<16x1024xf32, #tpu.memory_space<vmem>>
    %dma_wait3A_832 = arith.constant 176 : i32
    %dma_wait3A_833 = tpu.memref_slice %arg5[%dma_wait3A_832] : memref<512xi32, #tpu.memory_space<vmem>> -> memref<16xi32, #tpu.memory_space<vmem>>
    %dma_wait3A_834 = arith.constant 0 : i32
    %dma_wait3A_835 = arith.constant 0 : i32
    %dma_wait3A_836 = tpu.memref_slice %arg3[%dma_wait3A_834, %dma_wait3A_835] : memref<5000x1024xf32, #tpu.memory_space<hbm>> -> memref<5000x1024xf32, #tpu.memory_space<hbm>>
    %dma_wait3A_837 = tpu.memref_slice %arg7[%dma_wait3A_827] : memref<7x!tpu.dma_semaphore, #tpu.memory_space<semaphore_mem>> -> memref<1x!tpu.dma_semaphore, #tpu.memory_space<semaphore_mem>>
    %dma_wait3A_838 = tpu.memref_squeeze %dma_wait3A_837 : memref<1x!tpu.dma_semaphore, #tpu.memory_space<semaphore_mem>> -> memref<!tpu.dma_semaphore, #tpu.memory_space<semaphore_mem>>
    tpu.wait_indirect_dma semaphore(%dma_wait3A_838 : memref<!tpu.dma_semaphore, #tpu.memory_space<semaphore_mem>>) src(%dma_wait3A_836 : memref<5000x1024xf32, #tpu.memory_space<hbm>>) dst(%dma_wait3A_831 : memref<16x1024xf32, #tpu.memory_space<vmem>>)
    %add3A_839 = arith.constant 176 : i32
    %add3A_840 = arith.addi %mul3A_32, %add3A_839 : i32
    %dma_start3A_841 = arith.constant 4 : i32
    %dma_start3A_842 = arith.constant 4 : i32
    %dma_start3A_843 = arith.constant 0 : i32
    %dma_start3A_844 = arith.constant 0 : i32
    %dma_start3A_845 = tpu.memref_slice %arg6[%dma_start3A_841, %dma_start3A_843, %dma_start3A_844] : memref<7x16x1024xf32, #tpu.memory_space<vmem>> -> memref<1x16x1024xf32, #tpu.memory_space<vmem>>
    %dma_start3A_846 = tpu.memref_squeeze %dma_start3A_845 : memref<1x16x1024xf32, #tpu.memory_space<vmem>> -> memref<16x1024xf32, #tpu.memory_space<vmem>>
    %dma_start3A_847 = arith.constant 0 : i32
    %dma_start3A_848 = tpu.memref_slice %arg4[%select_n3A, %add3A_840, %dma_start3A_847] : memref<4x4096x1024xf32, #tpu.memory_space<hbm>> -> memref<1x16x1024xf32, #tpu.memory_space<hbm>>
    %dma_start3A_849 = tpu.memref_squeeze %dma_start3A_848 : memref<1x16x1024xf32, #tpu.memory_space<hbm>> -> memref<16x1024xf32, #tpu.memory_space<hbm>>
    %dma_start3A_850 = tpu.memref_slice %arg7[%dma_start3A_842] : memref<7x!tpu.dma_semaphore, #tpu.memory_space<semaphore_mem>> -> memref<1x!tpu.dma_semaphore, #tpu.memory_space<semaphore_mem>>
    %dma_start3A_851 = tpu.memref_squeeze %dma_start3A_850 : memref<1x!tpu.dma_semaphore, #tpu.memory_space<semaphore_mem>> -> memref<!tpu.dma_semaphore, #tpu.memory_space<semaphore_mem>>
    %dma_start3A_852 = arith.constant 0 : i32
    %dma_start3A_853 = tpu.memref_slice %arg4[%select_n3A, %add3A_840, %dma_start3A_852] : memref<4x4096x1024xf32, #tpu.memory_space<hbm>> -> memref<1x16x1024xf32, #tpu.memory_space<hbm>>
    %dma_start3A_854 = tpu.memref_squeeze %dma_start3A_853 : memref<1x16x1024xf32, #tpu.memory_space<hbm>> -> memref<16x1024xf32, #tpu.memory_space<hbm>>
    %dma_start3A_855 = arith.constant 0 : i32
    %dma_start3A_856 = arith.constant 0 : i32
    %dma_start3A_857 = tpu.memref_slice %arg6[%dma_start3A_841, %dma_start3A_855, %dma_start3A_856] : memref<7x16x1024xf32, #tpu.memory_space<vmem>> -> memref<1x16x1024xf32, #tpu.memory_space<vmem>>
    %dma_start3A_858 = tpu.memref_squeeze %dma_start3A_857 : memref<1x16x1024xf32, #tpu.memory_space<vmem>> -> memref<16x1024xf32, #tpu.memory_space<vmem>>
    tpu.enqueue_dma source(%dma_start3A_858 : memref<16x1024xf32, #tpu.memory_space<vmem>>) target(%dma_start3A_854 : memref<16x1024xf32, #tpu.memory_space<hbm>>) target_semaphore(%dma_start3A_851 : memref<!tpu.dma_semaphore, #tpu.memory_space<semaphore_mem>>)
    %dma_wait3A_859 = arith.constant 4 : i32
    %dma_wait3A_860 = arith.constant 4 : i32
    %dma_wait3A_861 = arith.constant 0 : i32
    %dma_wait3A_862 = arith.constant 0 : i32
    %dma_wait3A_863 = tpu.memref_slice %arg6[%dma_wait3A_859, %dma_wait3A_861, %dma_wait3A_862] : memref<7x16x1024xf32, #tpu.memory_space<vmem>> -> memref<1x16x1024xf32, #tpu.memory_space<vmem>>
    %dma_wait3A_864 = tpu.memref_squeeze %dma_wait3A_863 : memref<1x16x1024xf32, #tpu.memory_space<vmem>> -> memref<16x1024xf32, #tpu.memory_space<vmem>>
    %dma_wait3A_865 = arith.constant 0 : i32
    %dma_wait3A_866 = tpu.memref_slice %arg4[%select_n3A, %add3A_840, %dma_wait3A_865] : memref<4x4096x1024xf32, #tpu.memory_space<hbm>> -> memref<1x16x1024xf32, #tpu.memory_space<hbm>>
    %dma_wait3A_867 = tpu.memref_squeeze %dma_wait3A_866 : memref<1x16x1024xf32, #tpu.memory_space<hbm>> -> memref<16x1024xf32, #tpu.memory_space<hbm>>
    %dma_wait3A_868 = tpu.memref_slice %arg7[%dma_wait3A_860] : memref<7x!tpu.dma_semaphore, #tpu.memory_space<semaphore_mem>> -> memref<1x!tpu.dma_semaphore, #tpu.memory_space<semaphore_mem>>
    %dma_wait3A_869 = tpu.memref_squeeze %dma_wait3A_868 : memref<1x!tpu.dma_semaphore, #tpu.memory_space<semaphore_mem>> -> memref<!tpu.dma_semaphore, #tpu.memory_space<semaphore_mem>>
    %dma_wait3A_870 = arith.constant 0 : i32
    %dma_wait3A_871 = tpu.memref_slice %arg4[%select_n3A, %add3A_840, %dma_wait3A_870] : memref<4x4096x1024xf32, #tpu.memory_space<hbm>> -> memref<1x16x1024xf32, #tpu.memory_space<hbm>>
    %dma_wait3A_872 = tpu.memref_squeeze %dma_wait3A_871 : memref<1x16x1024xf32, #tpu.memory_space<hbm>> -> memref<16x1024xf32, #tpu.memory_space<hbm>>
    %dma_wait3A_873 = arith.constant 0 : i32
    %dma_wait3A_874 = arith.constant 0 : i32
    %dma_wait3A_875 = tpu.memref_slice %arg6[%dma_wait3A_859, %dma_wait3A_873, %dma_wait3A_874] : memref<7x16x1024xf32, #tpu.memory_space<vmem>> -> memref<1x16x1024xf32, #tpu.memory_space<vmem>>
    %dma_wait3A_876 = tpu.memref_squeeze %dma_wait3A_875 : memref<1x16x1024xf32, #tpu.memory_space<vmem>> -> memref<16x1024xf32, #tpu.memory_space<vmem>>
    tpu.wait_dma2 semaphore(%dma_wait3A_869 : memref<!tpu.dma_semaphore, #tpu.memory_space<semaphore_mem>>) src(%dma_wait3A_876 : memref<16x1024xf32, #tpu.memory_space<vmem>>) dst(%dma_wait3A_872 : memref<16x1024xf32, #tpu.memory_space<hbm>>)
    %dma_start3A_877 = arith.constant 4 : i32
    %dma_start3A_878 = arith.constant 4 : i32
    %dma_start3A_879 = arith.constant 0 : i32
    %dma_start3A_880 = arith.constant 0 : i32
    %dma_start3A_881 = tpu.memref_slice %arg6[%dma_start3A_877, %dma_start3A_879, %dma_start3A_880] : memref<7x16x1024xf32, #tpu.memory_space<vmem>> -> memref<1x16x1024xf32, #tpu.memory_space<vmem>>
    %dma_start3A_882 = tpu.memref_squeeze %dma_start3A_881 : memref<1x16x1024xf32, #tpu.memory_space<vmem>> -> memref<16x1024xf32, #tpu.memory_space<vmem>>
    %dma_start3A_883 = arith.constant 288 : i32
    %dma_start3A_884 = tpu.memref_slice %arg5[%dma_start3A_883] : memref<512xi32, #tpu.memory_space<vmem>> -> memref<16xi32, #tpu.memory_space<vmem>>
    %dma_start3A_885 = arith.constant 0 : i32
    %dma_start3A_886 = arith.constant 0 : i32
    %dma_start3A_887 = tpu.memref_slice %arg3[%dma_start3A_885, %dma_start3A_886] : memref<5000x1024xf32, #tpu.memory_space<hbm>> -> memref<5000x1024xf32, #tpu.memory_space<hbm>>
    %dma_start3A_888 = tpu.memref_slice %arg7[%dma_start3A_878] : memref<7x!tpu.dma_semaphore, #tpu.memory_space<semaphore_mem>> -> memref<1x!tpu.dma_semaphore, #tpu.memory_space<semaphore_mem>>
    %dma_start3A_889 = tpu.memref_squeeze %dma_start3A_888 : memref<1x!tpu.dma_semaphore, #tpu.memory_space<semaphore_mem>> -> memref<!tpu.dma_semaphore, #tpu.memory_space<semaphore_mem>>
    tpu.enqueue_indirect_dma source(%dma_start3A_887 : memref<5000x1024xf32, #tpu.memory_space<hbm>>) target(%dma_start3A_882 : memref<16x1024xf32, #tpu.memory_space<vmem>>) offsets(%dma_start3A_884 : memref<16xi32, #tpu.memory_space<vmem>>) semaphore(%dma_start3A_889 : memref<!tpu.dma_semaphore, #tpu.memory_space<semaphore_mem>>)
    %dma_wait3A_890 = arith.constant 5 : i32
    %dma_wait3A_891 = arith.constant 5 : i32
    %dma_wait3A_892 = arith.constant 0 : i32
    %dma_wait3A_893 = arith.constant 0 : i32
    %dma_wait3A_894 = tpu.memref_slice %arg6[%dma_wait3A_890, %dma_wait3A_892, %dma_wait3A_893] : memref<7x16x1024xf32, #tpu.memory_space<vmem>> -> memref<1x16x1024xf32, #tpu.memory_space<vmem>>
    %dma_wait3A_895 = tpu.memref_squeeze %dma_wait3A_894 : memref<1x16x1024xf32, #tpu.memory_space<vmem>> -> memref<16x1024xf32, #tpu.memory_space<vmem>>
    %dma_wait3A_896 = arith.constant 192 : i32
    %dma_wait3A_897 = tpu.memref_slice %arg5[%dma_wait3A_896] : memref<512xi32, #tpu.memory_space<vmem>> -> memref<16xi32, #tpu.memory_space<vmem>>
    %dma_wait3A_898 = arith.constant 0 : i32
    %dma_wait3A_899 = arith.constant 0 : i32
    %dma_wait3A_900 = tpu.memref_slice %arg3[%dma_wait3A_898, %dma_wait3A_899] : memref<5000x1024xf32, #tpu.memory_space<hbm>> -> memref<5000x1024xf32, #tpu.memory_space<hbm>>
    %dma_wait3A_901 = tpu.memref_slice %arg7[%dma_wait3A_891] : memref<7x!tpu.dma_semaphore, #tpu.memory_space<semaphore_mem>> -> memref<1x!tpu.dma_semaphore, #tpu.memory_space<semaphore_mem>>
    %dma_wait3A_902 = tpu.memref_squeeze %dma_wait3A_901 : memref<1x!tpu.dma_semaphore, #tpu.memory_space<semaphore_mem>> -> memref<!tpu.dma_semaphore, #tpu.memory_space<semaphore_mem>>
    tpu.wait_indirect_dma semaphore(%dma_wait3A_902 : memref<!tpu.dma_semaphore, #tpu.memory_space<semaphore_mem>>) src(%dma_wait3A_900 : memref<5000x1024xf32, #tpu.memory_space<hbm>>) dst(%dma_wait3A_895 : memref<16x1024xf32, #tpu.memory_space<vmem>>)
    %add3A_903 = arith.constant 192 : i32
    %add3A_904 = arith.addi %mul3A_32, %add3A_903 : i32
    %dma_start3A_905 = arith.constant 5 : i32
    %dma_start3A_906 = arith.constant 5 : i32
    %dma_start3A_907 = arith.constant 0 : i32
    %dma_start3A_908 = arith.constant 0 : i32
    %dma_start3A_909 = tpu.memref_slice %arg6[%dma_start3A_905, %dma_start3A_907, %dma_start3A_908] : memref<7x16x1024xf32, #tpu.memory_space<vmem>> -> memref<1x16x1024xf32, #tpu.memory_space<vmem>>
    %dma_start3A_910 = tpu.memref_squeeze %dma_start3A_909 : memref<1x16x1024xf32, #tpu.memory_space<vmem>> -> memref<16x1024xf32, #tpu.memory_space<vmem>>
    %dma_start3A_911 = arith.constant 0 : i32
    %dma_start3A_912 = tpu.memref_slice %arg4[%select_n3A, %add3A_904, %dma_start3A_911] : memref<4x4096x1024xf32, #tpu.memory_space<hbm>> -> memref<1x16x1024xf32, #tpu.memory_space<hbm>>
    %dma_start3A_913 = tpu.memref_squeeze %dma_start3A_912 : memref<1x16x1024xf32, #tpu.memory_space<hbm>> -> memref<16x1024xf32, #tpu.memory_space<hbm>>
    %dma_start3A_914 = tpu.memref_slice %arg7[%dma_start3A_906] : memref<7x!tpu.dma_semaphore, #tpu.memory_space<semaphore_mem>> -> memref<1x!tpu.dma_semaphore, #tpu.memory_space<semaphore_mem>>
    %dma_start3A_915 = tpu.memref_squeeze %dma_start3A_914 : memref<1x!tpu.dma_semaphore, #tpu.memory_space<semaphore_mem>> -> memref<!tpu.dma_semaphore, #tpu.memory_space<semaphore_mem>>
    %dma_start3A_916 = arith.constant 0 : i32
    %dma_start3A_917 = tpu.memref_slice %arg4[%select_n3A, %add3A_904, %dma_start3A_916] : memref<4x4096x1024xf32, #tpu.memory_space<hbm>> -> memref<1x16x1024xf32, #tpu.memory_space<hbm>>
    %dma_start3A_918 = tpu.memref_squeeze %dma_start3A_917 : memref<1x16x1024xf32, #tpu.memory_space<hbm>> -> memref<16x1024xf32, #tpu.memory_space<hbm>>
    %dma_start3A_919 = arith.constant 0 : i32
    %dma_start3A_920 = arith.constant 0 : i32
    %dma_start3A_921 = tpu.memref_slice %arg6[%dma_start3A_905, %dma_start3A_919, %dma_start3A_920] : memref<7x16x1024xf32, #tpu.memory_space<vmem>> -> memref<1x16x1024xf32, #tpu.memory_space<vmem>>
    %dma_start3A_922 = tpu.memref_squeeze %dma_start3A_921 : memref<1x16x1024xf32, #tpu.memory_space<vmem>> -> memref<16x1024xf32, #tpu.memory_space<vmem>>
    tpu.enqueue_dma source(%dma_start3A_922 : memref<16x1024xf32, #tpu.memory_space<vmem>>) target(%dma_start3A_918 : memref<16x1024xf32, #tpu.memory_space<hbm>>) target_semaphore(%dma_start3A_915 : memref<!tpu.dma_semaphore, #tpu.memory_space<semaphore_mem>>)
    %dma_wait3A_923 = arith.constant 5 : i32
    %dma_wait3A_924 = arith.constant 5 : i32
    %dma_wait3A_925 = arith.constant 0 : i32
    %dma_wait3A_926 = arith.constant 0 : i32
    %dma_wait3A_927 = tpu.memref_slice %arg6[%dma_wait3A_923, %dma_wait3A_925, %dma_wait3A_926] : memref<7x16x1024xf32, #tpu.memory_space<vmem>> -> memref<1x16x1024xf32, #tpu.memory_space<vmem>>
    %dma_wait3A_928 = tpu.memref_squeeze %dma_wait3A_927 : memref<1x16x1024xf32, #tpu.memory_space<vmem>> -> memref<16x1024xf32, #tpu.memory_space<vmem>>
    %dma_wait3A_929 = arith.constant 0 : i32
    %dma_wait3A_930 = tpu.memref_slice %arg4[%select_n3A, %add3A_904, %dma_wait3A_929] : memref<4x4096x1024xf32, #tpu.memory_space<hbm>> -> memref<1x16x1024xf32, #tpu.memory_space<hbm>>
    %dma_wait3A_931 = tpu.memref_squeeze %dma_wait3A_930 : memref<1x16x1024xf32, #tpu.memory_space<hbm>> -> memref<16x1024xf32, #tpu.memory_space<hbm>>
    %dma_wait3A_932 = tpu.memref_slice %arg7[%dma_wait3A_924] : memref<7x!tpu.dma_semaphore, #tpu.memory_space<semaphore_mem>> -> memref<1x!tpu.dma_semaphore, #tpu.memory_space<semaphore_mem>>
    %dma_wait3A_933 = tpu.memref_squeeze %dma_wait3A_932 : memref<1x!tpu.dma_semaphore, #tpu.memory_space<semaphore_mem>> -> memref<!tpu.dma_semaphore, #tpu.memory_space<semaphore_mem>>
    %dma_wait3A_934 = arith.constant 0 : i32
    %dma_wait3A_935 = tpu.memref_slice %arg4[%select_n3A, %add3A_904, %dma_wait3A_934] : memref<4x4096x1024xf32, #tpu.memory_space<hbm>> -> memref<1x16x1024xf32, #tpu.memory_space<hbm>>
    %dma_wait3A_936 = tpu.memref_squeeze %dma_wait3A_935 : memref<1x16x1024xf32, #tpu.memory_space<hbm>> -> memref<16x1024xf32, #tpu.memory_space<hbm>>
    %dma_wait3A_937 = arith.constant 0 : i32
    %dma_wait3A_938 = arith.constant 0 : i32
    %dma_wait3A_939 = tpu.memref_slice %arg6[%dma_wait3A_923, %dma_wait3A_937, %dma_wait3A_938] : memref<7x16x1024xf32, #tpu.memory_space<vmem>> -> memref<1x16x1024xf32, #tpu.memory_space<vmem>>
    %dma_wait3A_940 = tpu.memref_squeeze %dma_wait3A_939 : memref<1x16x1024xf32, #tpu.memory_space<vmem>> -> memref<16x1024xf32, #tpu.memory_space<vmem>>
    tpu.wait_dma2 semaphore(%dma_wait3A_933 : memref<!tpu.dma_semaphore, #tpu.memory_space<semaphore_mem>>) src(%dma_wait3A_940 : memref<16x1024xf32, #tpu.memory_space<vmem>>) dst(%dma_wait3A_936 : memref<16x1024xf32, #tpu.memory_space<hbm>>)
    %dma_start3A_941 = arith.constant 5 : i32
    %dma_start3A_942 = arith.constant 5 : i32
    %dma_start3A_943 = arith.constant 0 : i32
    %dma_start3A_944 = arith.constant 0 : i32
    %dma_start3A_945 = tpu.memref_slice %arg6[%dma_start3A_941, %dma_start3A_943, %dma_start3A_944] : memref<7x16x1024xf32, #tpu.memory_space<vmem>> -> memref<1x16x1024xf32, #tpu.memory_space<vmem>>
    %dma_start3A_946 = tpu.memref_squeeze %dma_start3A_945 : memref<1x16x1024xf32, #tpu.memory_space<vmem>> -> memref<16x1024xf32, #tpu.memory_space<vmem>>
    %dma_start3A_947 = arith.constant 304 : i32
    %dma_start3A_948 = tpu.memref_slice %arg5[%dma_start3A_947] : memref<512xi32, #tpu.memory_space<vmem>> -> memref<16xi32, #tpu.memory_space<vmem>>
    %dma_start3A_949 = arith.constant 0 : i32
    %dma_start3A_950 = arith.constant 0 : i32
    %dma_start3A_951 = tpu.memref_slice %arg3[%dma_start3A_949, %dma_start3A_950] : memref<5000x1024xf32, #tpu.memory_space<hbm>> -> memref<5000x1024xf32, #tpu.memory_space<hbm>>
    %dma_start3A_952 = tpu.memref_slice %arg7[%dma_start3A_942] : memref<7x!tpu.dma_semaphore, #tpu.memory_space<semaphore_mem>> -> memref<1x!tpu.dma_semaphore, #tpu.memory_space<semaphore_mem>>
    %dma_start3A_953 = tpu.memref_squeeze %dma_start3A_952 : memref<1x!tpu.dma_semaphore, #tpu.memory_space<semaphore_mem>> -> memref<!tpu.dma_semaphore, #tpu.memory_space<semaphore_mem>>
    tpu.enqueue_indirect_dma source(%dma_start3A_951 : memref<5000x1024xf32, #tpu.memory_space<hbm>>) target(%dma_start3A_946 : memref<16x1024xf32, #tpu.memory_space<vmem>>) offsets(%dma_start3A_948 : memref<16xi32, #tpu.memory_space<vmem>>) semaphore(%dma_start3A_953 : memref<!tpu.dma_semaphore, #tpu.memory_space<semaphore_mem>>)
    %dma_wait3A_954 = arith.constant 6 : i32
    %dma_wait3A_955 = arith.constant 6 : i32
    %dma_wait3A_956 = arith.constant 0 : i32
    %dma_wait3A_957 = arith.constant 0 : i32
    %dma_wait3A_958 = tpu.memref_slice %arg6[%dma_wait3A_954, %dma_wait3A_956, %dma_wait3A_957] : memref<7x16x1024xf32, #tpu.memory_space<vmem>> -> memref<1x16x1024xf32, #tpu.memory_space<vmem>>
    %dma_wait3A_959 = tpu.memref_squeeze %dma_wait3A_958 : memref<1x16x1024xf32, #tpu.memory_space<vmem>> -> memref<16x1024xf32, #tpu.memory_space<vmem>>
    %dma_wait3A_960 = arith.constant 208 : i32
    %dma_wait3A_961 = tpu.memref_slice %arg5[%dma_wait3A_960] : memref<512xi32, #tpu.memory_space<vmem>> -> memref<16xi32, #tpu.memory_space<vmem>>
    %dma_wait3A_962 = arith.constant 0 : i32
    %dma_wait3A_963 = arith.constant 0 : i32
    %dma_wait3A_964 = tpu.memref_slice %arg3[%dma_wait3A_962, %dma_wait3A_963] : memref<5000x1024xf32, #tpu.memory_space<hbm>> -> memref<5000x1024xf32, #tpu.memory_space<hbm>>
    %dma_wait3A_965 = tpu.memref_slice %arg7[%dma_wait3A_955] : memref<7x!tpu.dma_semaphore, #tpu.memory_space<semaphore_mem>> -> memref<1x!tpu.dma_semaphore, #tpu.memory_space<semaphore_mem>>
    %dma_wait3A_966 = tpu.memref_squeeze %dma_wait3A_965 : memref<1x!tpu.dma_semaphore, #tpu.memory_space<semaphore_mem>> -> memref<!tpu.dma_semaphore, #tpu.memory_space<semaphore_mem>>
    tpu.wait_indirect_dma semaphore(%dma_wait3A_966 : memref<!tpu.dma_semaphore, #tpu.memory_space<semaphore_mem>>) src(%dma_wait3A_964 : memref<5000x1024xf32, #tpu.memory_space<hbm>>) dst(%dma_wait3A_959 : memref<16x1024xf32, #tpu.memory_space<vmem>>)
    %add3A_967 = arith.constant 208 : i32
    %add3A_968 = arith.addi %mul3A_32, %add3A_967 : i32
    %dma_start3A_969 = arith.constant 6 : i32
    %dma_start3A_970 = arith.constant 6 : i32
    %dma_start3A_971 = arith.constant 0 : i32
    %dma_start3A_972 = arith.constant 0 : i32
    %dma_start3A_973 = tpu.memref_slice %arg6[%dma_start3A_969, %dma_start3A_971, %dma_start3A_972] : memref<7x16x1024xf32, #tpu.memory_space<vmem>> -> memref<1x16x1024xf32, #tpu.memory_space<vmem>>
    %dma_start3A_974 = tpu.memref_squeeze %dma_start3A_973 : memref<1x16x1024xf32, #tpu.memory_space<vmem>> -> memref<16x1024xf32, #tpu.memory_space<vmem>>
    %dma_start3A_975 = arith.constant 0 : i32
    %dma_start3A_976 = tpu.memref_slice %arg4[%select_n3A, %add3A_968, %dma_start3A_975] : memref<4x4096x1024xf32, #tpu.memory_space<hbm>> -> memref<1x16x1024xf32, #tpu.memory_space<hbm>>
    %dma_start3A_977 = tpu.memref_squeeze %dma_start3A_976 : memref<1x16x1024xf32, #tpu.memory_space<hbm>> -> memref<16x1024xf32, #tpu.memory_space<hbm>>
    %dma_start3A_978 = tpu.memref_slice %arg7[%dma_start3A_970] : memref<7x!tpu.dma_semaphore, #tpu.memory_space<semaphore_mem>> -> memref<1x!tpu.dma_semaphore, #tpu.memory_space<semaphore_mem>>
    %dma_start3A_979 = tpu.memref_squeeze %dma_start3A_978 : memref<1x!tpu.dma_semaphore, #tpu.memory_space<semaphore_mem>> -> memref<!tpu.dma_semaphore, #tpu.memory_space<semaphore_mem>>
    %dma_start3A_980 = arith.constant 0 : i32
    %dma_start3A_981 = tpu.memref_slice %arg4[%select_n3A, %add3A_968, %dma_start3A_980] : memref<4x4096x1024xf32, #tpu.memory_space<hbm>> -> memref<1x16x1024xf32, #tpu.memory_space<hbm>>
    %dma_start3A_982 = tpu.memref_squeeze %dma_start3A_981 : memref<1x16x1024xf32, #tpu.memory_space<hbm>> -> memref<16x1024xf32, #tpu.memory_space<hbm>>
    %dma_start3A_983 = arith.constant 0 : i32
    %dma_start3A_984 = arith.constant 0 : i32
    %dma_start3A_985 = tpu.memref_slice %arg6[%dma_start3A_969, %dma_start3A_983, %dma_start3A_984] : memref<7x16x1024xf32, #tpu.memory_space<vmem>> -> memref<1x16x1024xf32, #tpu.memory_space<vmem>>
    %dma_start3A_986 = tpu.memref_squeeze %dma_start3A_985 : memref<1x16x1024xf32, #tpu.memory_space<vmem>> -> memref<16x1024xf32, #tpu.memory_space<vmem>>
    tpu.enqueue_dma source(%dma_start3A_986 : memref<16x1024xf32, #tpu.memory_space<vmem>>) target(%dma_start3A_982 : memref<16x1024xf32, #tpu.memory_space<hbm>>) target_semaphore(%dma_start3A_979 : memref<!tpu.dma_semaphore, #tpu.memory_space<semaphore_mem>>)
    %dma_wait3A_987 = arith.constant 6 : i32
    %dma_wait3A_988 = arith.constant 6 : i32
    %dma_wait3A_989 = arith.constant 0 : i32
    %dma_wait3A_990 = arith.constant 0 : i32
    %dma_wait3A_991 = tpu.memref_slice %arg6[%dma_wait3A_987, %dma_wait3A_989, %dma_wait3A_990] : memref<7x16x1024xf32, #tpu.memory_space<vmem>> -> memref<1x16x1024xf32, #tpu.memory_space<vmem>>
    %dma_wait3A_992 = tpu.memref_squeeze %dma_wait3A_991 : memref<1x16x1024xf32, #tpu.memory_space<vmem>> -> memref<16x1024xf32, #tpu.memory_space<vmem>>
    %dma_wait3A_993 = arith.constant 0 : i32
    %dma_wait3A_994 = tpu.memref_slice %arg4[%select_n3A, %add3A_968, %dma_wait3A_993] : memref<4x4096x1024xf32, #tpu.memory_space<hbm>> -> memref<1x16x1024xf32, #tpu.memory_space<hbm>>
    %dma_wait3A_995 = tpu.memref_squeeze %dma_wait3A_994 : memref<1x16x1024xf32, #tpu.memory_space<hbm>> -> memref<16x1024xf32, #tpu.memory_space<hbm>>
    %dma_wait3A_996 = tpu.memref_slice %arg7[%dma_wait3A_988] : memref<7x!tpu.dma_semaphore, #tpu.memory_space<semaphore_mem>> -> memref<1x!tpu.dma_semaphore, #tpu.memory_space<semaphore_mem>>
    %dma_wait3A_997 = tpu.memref_squeeze %dma_wait3A_996 : memref<1x!tpu.dma_semaphore, #tpu.memory_space<semaphore_mem>> -> memref<!tpu.dma_semaphore, #tpu.memory_space<semaphore_mem>>
    %dma_wait3A_998 = arith.constant 0 : i32
    %dma_wait3A_999 = tpu.memref_slice %arg4[%select_n3A, %add3A_968, %dma_wait3A_998] : memref<4x4096x1024xf32, #tpu.memory_space<hbm>> -> memref<1x16x1024xf32, #tpu.memory_space<hbm>>
    %dma_wait3A_1000 = tpu.memref_squeeze %dma_wait3A_999 : memref<1x16x1024xf32, #tpu.memory_space<hbm>> -> memref<16x1024xf32, #tpu.memory_space<hbm>>
    %dma_wait3A_1001 = arith.constant 0 : i32
    %dma_wait3A_1002 = arith.constant 0 : i32
    %dma_wait3A_1003 = tpu.memref_slice %arg6[%dma_wait3A_987, %dma_wait3A_1001, %dma_wait3A_1002] : memref<7x16x1024xf32, #tpu.memory_space<vmem>> -> memref<1x16x1024xf32, #tpu.memory_space<vmem>>
    %dma_wait3A_1004 = tpu.memref_squeeze %dma_wait3A_1003 : memref<1x16x1024xf32, #tpu.memory_space<vmem>> -> memref<16x1024xf32, #tpu.memory_space<vmem>>
    tpu.wait_dma2 semaphore(%dma_wait3A_997 : memref<!tpu.dma_semaphore, #tpu.memory_space<semaphore_mem>>) src(%dma_wait3A_1004 : memref<16x1024xf32, #tpu.memory_space<vmem>>) dst(%dma_wait3A_1000 : memref<16x1024xf32, #tpu.memory_space<hbm>>)
    %dma_start3A_1005 = arith.constant 6 : i32
    %dma_start3A_1006 = arith.constant 6 : i32
    %dma_start3A_1007 = arith.constant 0 : i32
    %dma_start3A_1008 = arith.constant 0 : i32
    %dma_start3A_1009 = tpu.memref_slice %arg6[%dma_start3A_1005, %dma_start3A_1007, %dma_start3A_1008] : memref<7x16x1024xf32, #tpu.memory_space<vmem>> -> memref<1x16x1024xf32, #tpu.memory_space<vmem>>
    %dma_start3A_1010 = tpu.memref_squeeze %dma_start3A_1009 : memref<1x16x1024xf32, #tpu.memory_space<vmem>> -> memref<16x1024xf32, #tpu.memory_space<vmem>>
    %dma_start3A_1011 = arith.constant 320 : i32
    %dma_start3A_1012 = tpu.memref_slice %arg5[%dma_start3A_1011] : memref<512xi32, #tpu.memory_space<vmem>> -> memref<16xi32, #tpu.memory_space<vmem>>
    %dma_start3A_1013 = arith.constant 0 : i32
    %dma_start3A_1014 = arith.constant 0 : i32
    %dma_start3A_1015 = tpu.memref_slice %arg3[%dma_start3A_1013, %dma_start3A_1014] : memref<5000x1024xf32, #tpu.memory_space<hbm>> -> memref<5000x1024xf32, #tpu.memory_space<hbm>>
    %dma_start3A_1016 = tpu.memref_slice %arg7[%dma_start3A_1006] : memref<7x!tpu.dma_semaphore, #tpu.memory_space<semaphore_mem>> -> memref<1x!tpu.dma_semaphore, #tpu.memory_space<semaphore_mem>>
    %dma_start3A_1017 = tpu.memref_squeeze %dma_start3A_1016 : memref<1x!tpu.dma_semaphore, #tpu.memory_space<semaphore_mem>> -> memref<!tpu.dma_semaphore, #tpu.memory_space<semaphore_mem>>
    tpu.enqueue_indirect_dma source(%dma_start3A_1015 : memref<5000x1024xf32, #tpu.memory_space<hbm>>) target(%dma_start3A_1010 : memref<16x1024xf32, #tpu.memory_space<vmem>>) offsets(%dma_start3A_1012 : memref<16xi32, #tpu.memory_space<vmem>>) semaphore(%dma_start3A_1017 : memref<!tpu.dma_semaphore, #tpu.memory_space<semaphore_mem>>)
    %dma_wait3A_1018 = arith.constant 0 : i32
    %dma_wait3A_1019 = arith.constant 0 : i32
    %dma_wait3A_1020 = arith.constant 0 : i32
    %dma_wait3A_1021 = arith.constant 0 : i32
    %dma_wait3A_1022 = tpu.memref_slice %arg6[%dma_wait3A_1018, %dma_wait3A_1020, %dma_wait3A_1021] : memref<7x16x1024xf32, #tpu.memory_space<vmem>> -> memref<1x16x1024xf32, #tpu.memory_space<vmem>>
    %dma_wait3A_1023 = tpu.memref_squeeze %dma_wait3A_1022 : memref<1x16x1024xf32, #tpu.memory_space<vmem>> -> memref<16x1024xf32, #tpu.memory_space<vmem>>
    %dma_wait3A_1024 = arith.constant 224 : i32
    %dma_wait3A_1025 = tpu.memref_slice %arg5[%dma_wait3A_1024] : memref<512xi32, #tpu.memory_space<vmem>> -> memref<16xi32, #tpu.memory_space<vmem>>
    %dma_wait3A_1026 = arith.constant 0 : i32
    %dma_wait3A_1027 = arith.constant 0 : i32
    %dma_wait3A_1028 = tpu.memref_slice %arg3[%dma_wait3A_1026, %dma_wait3A_1027] : memref<5000x1024xf32, #tpu.memory_space<hbm>> -> memref<5000x1024xf32, #tpu.memory_space<hbm>>
    %dma_wait3A_1029 = tpu.memref_slice %arg7[%dma_wait3A_1019] : memref<7x!tpu.dma_semaphore, #tpu.memory_space<semaphore_mem>> -> memref<1x!tpu.dma_semaphore, #tpu.memory_space<semaphore_mem>>
    %dma_wait3A_1030 = tpu.memref_squeeze %dma_wait3A_1029 : memref<1x!tpu.dma_semaphore, #tpu.memory_space<semaphore_mem>> -> memref<!tpu.dma_semaphore, #tpu.memory_space<semaphore_mem>>
    tpu.wait_indirect_dma semaphore(%dma_wait3A_1030 : memref<!tpu.dma_semaphore, #tpu.memory_space<semaphore_mem>>) src(%dma_wait3A_1028 : memref<5000x1024xf32, #tpu.memory_space<hbm>>) dst(%dma_wait3A_1023 : memref<16x1024xf32, #tpu.memory_space<vmem>>)
    %add3A_1031 = arith.constant 224 : i32
    %add3A_1032 = arith.addi %mul3A_32, %add3A_1031 : i32
    %dma_start3A_1033 = arith.constant 0 : i32
    %dma_start3A_1034 = arith.constant 0 : i32
    %dma_start3A_1035 = arith.constant 0 : i32
    %dma_start3A_1036 = arith.constant 0 : i32
    %dma_start3A_1037 = tpu.memref_slice %arg6[%dma_start3A_1033, %dma_start3A_1035, %dma_start3A_1036] : memref<7x16x1024xf32, #tpu.memory_space<vmem>> -> memref<1x16x1024xf32, #tpu.memory_space<vmem>>
    %dma_start3A_1038 = tpu.memref_squeeze %dma_start3A_1037 : memref<1x16x1024xf32, #tpu.memory_space<vmem>> -> memref<16x1024xf32, #tpu.memory_space<vmem>>
    %dma_start3A_1039 = arith.constant 0 : i32
    %dma_start3A_1040 = tpu.memref_slice %arg4[%select_n3A, %add3A_1032, %dma_start3A_1039] : memref<4x4096x1024xf32, #tpu.memory_space<hbm>> -> memref<1x16x1024xf32, #tpu.memory_space<hbm>>
    %dma_start3A_1041 = tpu.memref_squeeze %dma_start3A_1040 : memref<1x16x1024xf32, #tpu.memory_space<hbm>> -> memref<16x1024xf32, #tpu.memory_space<hbm>>
    %dma_start3A_1042 = tpu.memref_slice %arg7[%dma_start3A_1034] : memref<7x!tpu.dma_semaphore, #tpu.memory_space<semaphore_mem>> -> memref<1x!tpu.dma_semaphore, #tpu.memory_space<semaphore_mem>>
    %dma_start3A_1043 = tpu.memref_squeeze %dma_start3A_1042 : memref<1x!tpu.dma_semaphore, #tpu.memory_space<semaphore_mem>> -> memref<!tpu.dma_semaphore, #tpu.memory_space<semaphore_mem>>
    %dma_start3A_1044 = arith.constant 0 : i32
    %dma_start3A_1045 = tpu.memref_slice %arg4[%select_n3A, %add3A_1032, %dma_start3A_1044] : memref<4x4096x1024xf32, #tpu.memory_space<hbm>> -> memref<1x16x1024xf32, #tpu.memory_space<hbm>>
    %dma_start3A_1046 = tpu.memref_squeeze %dma_start3A_1045 : memref<1x16x1024xf32, #tpu.memory_space<hbm>> -> memref<16x1024xf32, #tpu.memory_space<hbm>>
    %dma_start3A_1047 = arith.constant 0 : i32
    %dma_start3A_1048 = arith.constant 0 : i32
    %dma_start3A_1049 = tpu.memref_slice %arg6[%dma_start3A_1033, %dma_start3A_1047, %dma_start3A_1048] : memref<7x16x1024xf32, #tpu.memory_space<vmem>> -> memref<1x16x1024xf32, #tpu.memory_space<vmem>>
    %dma_start3A_1050 = tpu.memref_squeeze %dma_start3A_1049 : memref<1x16x1024xf32, #tpu.memory_space<vmem>> -> memref<16x1024xf32, #tpu.memory_space<vmem>>
    tpu.enqueue_dma source(%dma_start3A_1050 : memref<16x1024xf32, #tpu.memory_space<vmem>>) target(%dma_start3A_1046 : memref<16x1024xf32, #tpu.memory_space<hbm>>) target_semaphore(%dma_start3A_1043 : memref<!tpu.dma_semaphore, #tpu.memory_space<semaphore_mem>>)
    %dma_wait3A_1051 = arith.constant 0 : i32
    %dma_wait3A_1052 = arith.constant 0 : i32
    %dma_wait3A_1053 = arith.constant 0 : i32
    %dma_wait3A_1054 = arith.constant 0 : i32
    %dma_wait3A_1055 = tpu.memref_slice %arg6[%dma_wait3A_1051, %dma_wait3A_1053, %dma_wait3A_1054] : memref<7x16x1024xf32, #tpu.memory_space<vmem>> -> memref<1x16x1024xf32, #tpu.memory_space<vmem>>
    %dma_wait3A_1056 = tpu.memref_squeeze %dma_wait3A_1055 : memref<1x16x1024xf32, #tpu.memory_space<vmem>> -> memref<16x1024xf32, #tpu.memory_space<vmem>>
    %dma_wait3A_1057 = arith.constant 0 : i32
    %dma_wait3A_1058 = tpu.memref_slice %arg4[%select_n3A, %add3A_1032, %dma_wait3A_1057] : memref<4x4096x1024xf32, #tpu.memory_space<hbm>> -> memref<1x16x1024xf32, #tpu.memory_space<hbm>>
    %dma_wait3A_1059 = tpu.memref_squeeze %dma_wait3A_1058 : memref<1x16x1024xf32, #tpu.memory_space<hbm>> -> memref<16x1024xf32, #tpu.memory_space<hbm>>
    %dma_wait3A_1060 = tpu.memref_slice %arg7[%dma_wait3A_1052] : memref<7x!tpu.dma_semaphore, #tpu.memory_space<semaphore_mem>> -> memref<1x!tpu.dma_semaphore, #tpu.memory_space<semaphore_mem>>
    %dma_wait3A_1061 = tpu.memref_squeeze %dma_wait3A_1060 : memref<1x!tpu.dma_semaphore, #tpu.memory_space<semaphore_mem>> -> memref<!tpu.dma_semaphore, #tpu.memory_space<semaphore_mem>>
    %dma_wait3A_1062 = arith.constant 0 : i32
    %dma_wait3A_1063 = tpu.memref_slice %arg4[%select_n3A, %add3A_1032, %dma_wait3A_1062] : memref<4x4096x1024xf32, #tpu.memory_space<hbm>> -> memref<1x16x1024xf32, #tpu.memory_space<hbm>>
    %dma_wait3A_1064 = tpu.memref_squeeze %dma_wait3A_1063 : memref<1x16x1024xf32, #tpu.memory_space<hbm>> -> memref<16x1024xf32, #tpu.memory_space<hbm>>
    %dma_wait3A_1065 = arith.constant 0 : i32
    %dma_wait3A_1066 = arith.constant 0 : i32
    %dma_wait3A_1067 = tpu.memref_slice %arg6[%dma_wait3A_1051, %dma_wait3A_1065, %dma_wait3A_1066] : memref<7x16x1024xf32, #tpu.memory_space<vmem>> -> memref<1x16x1024xf32, #tpu.memory_space<vmem>>
    %dma_wait3A_1068 = tpu.memref_squeeze %dma_wait3A_1067 : memref<1x16x1024xf32, #tpu.memory_space<vmem>> -> memref<16x1024xf32, #tpu.memory_space<vmem>>
    tpu.wait_dma2 semaphore(%dma_wait3A_1061 : memref<!tpu.dma_semaphore, #tpu.memory_space<semaphore_mem>>) src(%dma_wait3A_1068 : memref<16x1024xf32, #tpu.memory_space<vmem>>) dst(%dma_wait3A_1064 : memref<16x1024xf32, #tpu.memory_space<hbm>>)
    %dma_start3A_1069 = arith.constant 0 : i32
    %dma_start3A_1070 = arith.constant 0 : i32
    %dma_start3A_1071 = arith.constant 0 : i32
    %dma_start3A_1072 = arith.constant 0 : i32
    %dma_start3A_1073 = tpu.memref_slice %arg6[%dma_start3A_1069, %dma_start3A_1071, %dma_start3A_1072] : memref<7x16x1024xf32, #tpu.memory_space<vmem>> -> memref<1x16x1024xf32, #tpu.memory_space<vmem>>
    %dma_start3A_1074 = tpu.memref_squeeze %dma_start3A_1073 : memref<1x16x1024xf32, #tpu.memory_space<vmem>> -> memref<16x1024xf32, #tpu.memory_space<vmem>>
    %dma_start3A_1075 = arith.constant 336 : i32
    %dma_start3A_1076 = tpu.memref_slice %arg5[%dma_start3A_1075] : memref<512xi32, #tpu.memory_space<vmem>> -> memref<16xi32, #tpu.memory_space<vmem>>
    %dma_start3A_1077 = arith.constant 0 : i32
    %dma_start3A_1078 = arith.constant 0 : i32
    %dma_start3A_1079 = tpu.memref_slice %arg3[%dma_start3A_1077, %dma_start3A_1078] : memref<5000x1024xf32, #tpu.memory_space<hbm>> -> memref<5000x1024xf32, #tpu.memory_space<hbm>>
    %dma_start3A_1080 = tpu.memref_slice %arg7[%dma_start3A_1070] : memref<7x!tpu.dma_semaphore, #tpu.memory_space<semaphore_mem>> -> memref<1x!tpu.dma_semaphore, #tpu.memory_space<semaphore_mem>>
    %dma_start3A_1081 = tpu.memref_squeeze %dma_start3A_1080 : memref<1x!tpu.dma_semaphore, #tpu.memory_space<semaphore_mem>> -> memref<!tpu.dma_semaphore, #tpu.memory_space<semaphore_mem>>
    tpu.enqueue_indirect_dma source(%dma_start3A_1079 : memref<5000x1024xf32, #tpu.memory_space<hbm>>) target(%dma_start3A_1074 : memref<16x1024xf32, #tpu.memory_space<vmem>>) offsets(%dma_start3A_1076 : memref<16xi32, #tpu.memory_space<vmem>>) semaphore(%dma_start3A_1081 : memref<!tpu.dma_semaphore, #tpu.memory_space<semaphore_mem>>)
    %dma_wait3A_1082 = arith.constant 1 : i32
    %dma_wait3A_1083 = arith.constant 1 : i32
    %dma_wait3A_1084 = arith.constant 0 : i32
    %dma_wait3A_1085 = arith.constant 0 : i32
    %dma_wait3A_1086 = tpu.memref_slice %arg6[%dma_wait3A_1082, %dma_wait3A_1084, %dma_wait3A_1085] : memref<7x16x1024xf32, #tpu.memory_space<vmem>> -> memref<1x16x1024xf32, #tpu.memory_space<vmem>>
    %dma_wait3A_1087 = tpu.memref_squeeze %dma_wait3A_1086 : memref<1x16x1024xf32, #tpu.memory_space<vmem>> -> memref<16x1024xf32, #tpu.memory_space<vmem>>
    %dma_wait3A_1088 = arith.constant 240 : i32
    %dma_wait3A_1089 = tpu.memref_slice %arg5[%dma_wait3A_1088] : memref<512xi32, #tpu.memory_space<vmem>> -> memref<16xi32, #tpu.memory_space<vmem>>
    %dma_wait3A_1090 = arith.constant 0 : i32
    %dma_wait3A_1091 = arith.constant 0 : i32
    %dma_wait3A_1092 = tpu.memref_slice %arg3[%dma_wait3A_1090, %dma_wait3A_1091] : memref<5000x1024xf32, #tpu.memory_space<hbm>> -> memref<5000x1024xf32, #tpu.memory_space<hbm>>
    %dma_wait3A_1093 = tpu.memref_slice %arg7[%dma_wait3A_1083] : memref<7x!tpu.dma_semaphore, #tpu.memory_space<semaphore_mem>> -> memref<1x!tpu.dma_semaphore, #tpu.memory_space<semaphore_mem>>
    %dma_wait3A_1094 = tpu.memref_squeeze %dma_wait3A_1093 : memref<1x!tpu.dma_semaphore, #tpu.memory_space<semaphore_mem>> -> memref<!tpu.dma_semaphore, #tpu.memory_space<semaphore_mem>>
    tpu.wait_indirect_dma semaphore(%dma_wait3A_1094 : memref<!tpu.dma_semaphore, #tpu.memory_space<semaphore_mem>>) src(%dma_wait3A_1092 : memref<5000x1024xf32, #tpu.memory_space<hbm>>) dst(%dma_wait3A_1087 : memref<16x1024xf32, #tpu.memory_space<vmem>>)
    %add3A_1095 = arith.constant 240 : i32
    %add3A_1096 = arith.addi %mul3A_32, %add3A_1095 : i32
    %dma_start3A_1097 = arith.constant 1 : i32
    %dma_start3A_1098 = arith.constant 1 : i32
    %dma_start3A_1099 = arith.constant 0 : i32
    %dma_start3A_1100 = arith.constant 0 : i32
    %dma_start3A_1101 = tpu.memref_slice %arg6[%dma_start3A_1097, %dma_start3A_1099, %dma_start3A_1100] : memref<7x16x1024xf32, #tpu.memory_space<vmem>> -> memref<1x16x1024xf32, #tpu.memory_space<vmem>>
    %dma_start3A_1102 = tpu.memref_squeeze %dma_start3A_1101 : memref<1x16x1024xf32, #tpu.memory_space<vmem>> -> memref<16x1024xf32, #tpu.memory_space<vmem>>
    %dma_start3A_1103 = arith.constant 0 : i32
    %dma_start3A_1104 = tpu.memref_slice %arg4[%select_n3A, %add3A_1096, %dma_start3A_1103] : memref<4x4096x1024xf32, #tpu.memory_space<hbm>> -> memref<1x16x1024xf32, #tpu.memory_space<hbm>>
    %dma_start3A_1105 = tpu.memref_squeeze %dma_start3A_1104 : memref<1x16x1024xf32, #tpu.memory_space<hbm>> -> memref<16x1024xf32, #tpu.memory_space<hbm>>
    %dma_start3A_1106 = tpu.memref_slice %arg7[%dma_start3A_1098] : memref<7x!tpu.dma_semaphore, #tpu.memory_space<semaphore_mem>> -> memref<1x!tpu.dma_semaphore, #tpu.memory_space<semaphore_mem>>
    %dma_start3A_1107 = tpu.memref_squeeze %dma_start3A_1106 : memref<1x!tpu.dma_semaphore, #tpu.memory_space<semaphore_mem>> -> memref<!tpu.dma_semaphore, #tpu.memory_space<semaphore_mem>>
    %dma_start3A_1108 = arith.constant 0 : i32
    %dma_start3A_1109 = tpu.memref_slice %arg4[%select_n3A, %add3A_1096, %dma_start3A_1108] : memref<4x4096x1024xf32, #tpu.memory_space<hbm>> -> memref<1x16x1024xf32, #tpu.memory_space<hbm>>
    %dma_start3A_1110 = tpu.memref_squeeze %dma_start3A_1109 : memref<1x16x1024xf32, #tpu.memory_space<hbm>> -> memref<16x1024xf32, #tpu.memory_space<hbm>>
    %dma_start3A_1111 = arith.constant 0 : i32
    %dma_start3A_1112 = arith.constant 0 : i32
    %dma_start3A_1113 = tpu.memref_slice %arg6[%dma_start3A_1097, %dma_start3A_1111, %dma_start3A_1112] : memref<7x16x1024xf32, #tpu.memory_space<vmem>> -> memref<1x16x1024xf32, #tpu.memory_space<vmem>>
    %dma_start3A_1114 = tpu.memref_squeeze %dma_start3A_1113 : memref<1x16x1024xf32, #tpu.memory_space<vmem>> -> memref<16x1024xf32, #tpu.memory_space<vmem>>
    tpu.enqueue_dma source(%dma_start3A_1114 : memref<16x1024xf32, #tpu.memory_space<vmem>>) target(%dma_start3A_1110 : memref<16x1024xf32, #tpu.memory_space<hbm>>) target_semaphore(%dma_start3A_1107 : memref<!tpu.dma_semaphore, #tpu.memory_space<semaphore_mem>>)
    %dma_wait3A_1115 = arith.constant 1 : i32
    %dma_wait3A_1116 = arith.constant 1 : i32
    %dma_wait3A_1117 = arith.constant 0 : i32
    %dma_wait3A_1118 = arith.constant 0 : i32
    %dma_wait3A_1119 = tpu.memref_slice %arg6[%dma_wait3A_1115, %dma_wait3A_1117, %dma_wait3A_1118] : memref<7x16x1024xf32, #tpu.memory_space<vmem>> -> memref<1x16x1024xf32, #tpu.memory_space<vmem>>
    %dma_wait3A_1120 = tpu.memref_squeeze %dma_wait3A_1119 : memref<1x16x1024xf32, #tpu.memory_space<vmem>> -> memref<16x1024xf32, #tpu.memory_space<vmem>>
    %dma_wait3A_1121 = arith.constant 0 : i32
    %dma_wait3A_1122 = tpu.memref_slice %arg4[%select_n3A, %add3A_1096, %dma_wait3A_1121] : memref<4x4096x1024xf32, #tpu.memory_space<hbm>> -> memref<1x16x1024xf32, #tpu.memory_space<hbm>>
    %dma_wait3A_1123 = tpu.memref_squeeze %dma_wait3A_1122 : memref<1x16x1024xf32, #tpu.memory_space<hbm>> -> memref<16x1024xf32, #tpu.memory_space<hbm>>
    %dma_wait3A_1124 = tpu.memref_slice %arg7[%dma_wait3A_1116] : memref<7x!tpu.dma_semaphore, #tpu.memory_space<semaphore_mem>> -> memref<1x!tpu.dma_semaphore, #tpu.memory_space<semaphore_mem>>
    %dma_wait3A_1125 = tpu.memref_squeeze %dma_wait3A_1124 : memref<1x!tpu.dma_semaphore, #tpu.memory_space<semaphore_mem>> -> memref<!tpu.dma_semaphore, #tpu.memory_space<semaphore_mem>>
    %dma_wait3A_1126 = arith.constant 0 : i32
    %dma_wait3A_1127 = tpu.memref_slice %arg4[%select_n3A, %add3A_1096, %dma_wait3A_1126] : memref<4x4096x1024xf32, #tpu.memory_space<hbm>> -> memref<1x16x1024xf32, #tpu.memory_space<hbm>>
    %dma_wait3A_1128 = tpu.memref_squeeze %dma_wait3A_1127 : memref<1x16x1024xf32, #tpu.memory_space<hbm>> -> memref<16x1024xf32, #tpu.memory_space<hbm>>
    %dma_wait3A_1129 = arith.constant 0 : i32
    %dma_wait3A_1130 = arith.constant 0 : i32
    %dma_wait3A_1131 = tpu.memref_slice %arg6[%dma_wait3A_1115, %dma_wait3A_1129, %dma_wait3A_1130] : memref<7x16x1024xf32, #tpu.memory_space<vmem>> -> memref<1x16x1024xf32, #tpu.memory_space<vmem>>
    %dma_wait3A_1132 = tpu.memref_squeeze %dma_wait3A_1131 : memref<1x16x1024xf32, #tpu.memory_space<vmem>> -> memref<16x1024xf32, #tpu.memory_space<vmem>>
    tpu.wait_dma2 semaphore(%dma_wait3A_1125 : memref<!tpu.dma_semaphore, #tpu.memory_space<semaphore_mem>>) src(%dma_wait3A_1132 : memref<16x1024xf32, #tpu.memory_space<vmem>>) dst(%dma_wait3A_1128 : memref<16x1024xf32, #tpu.memory_space<hbm>>)
    %dma_start3A_1133 = arith.constant 1 : i32
    %dma_start3A_1134 = arith.constant 1 : i32
    %dma_start3A_1135 = arith.constant 0 : i32
    %dma_start3A_1136 = arith.constant 0 : i32
    %dma_start3A_1137 = tpu.memref_slice %arg6[%dma_start3A_1133, %dma_start3A_1135, %dma_start3A_1136] : memref<7x16x1024xf32, #tpu.memory_space<vmem>> -> memref<1x16x1024xf32, #tpu.memory_space<vmem>>
    %dma_start3A_1138 = tpu.memref_squeeze %dma_start3A_1137 : memref<1x16x1024xf32, #tpu.memory_space<vmem>> -> memref<16x1024xf32, #tpu.memory_space<vmem>>
    %dma_start3A_1139 = arith.constant 352 : i32
    %dma_start3A_1140 = tpu.memref_slice %arg5[%dma_start3A_1139] : memref<512xi32, #tpu.memory_space<vmem>> -> memref<16xi32, #tpu.memory_space<vmem>>
    %dma_start3A_1141 = arith.constant 0 : i32
    %dma_start3A_1142 = arith.constant 0 : i32
    %dma_start3A_1143 = tpu.memref_slice %arg3[%dma_start3A_1141, %dma_start3A_1142] : memref<5000x1024xf32, #tpu.memory_space<hbm>> -> memref<5000x1024xf32, #tpu.memory_space<hbm>>
    %dma_start3A_1144 = tpu.memref_slice %arg7[%dma_start3A_1134] : memref<7x!tpu.dma_semaphore, #tpu.memory_space<semaphore_mem>> -> memref<1x!tpu.dma_semaphore, #tpu.memory_space<semaphore_mem>>
    %dma_start3A_1145 = tpu.memref_squeeze %dma_start3A_1144 : memref<1x!tpu.dma_semaphore, #tpu.memory_space<semaphore_mem>> -> memref<!tpu.dma_semaphore, #tpu.memory_space<semaphore_mem>>
    tpu.enqueue_indirect_dma source(%dma_start3A_1143 : memref<5000x1024xf32, #tpu.memory_space<hbm>>) target(%dma_start3A_1138 : memref<16x1024xf32, #tpu.memory_space<vmem>>) offsets(%dma_start3A_1140 : memref<16xi32, #tpu.memory_space<vmem>>) semaphore(%dma_start3A_1145 : memref<!tpu.dma_semaphore, #tpu.memory_space<semaphore_mem>>)
    %dma_wait3A_1146 = arith.constant 2 : i32
    %dma_wait3A_1147 = arith.constant 2 : i32
    %dma_wait3A_1148 = arith.constant 0 : i32
    %dma_wait3A_1149 = arith.constant 0 : i32
    %dma_wait3A_1150 = tpu.memref_slice %arg6[%dma_wait3A_1146, %dma_wait3A_1148, %dma_wait3A_1149] : memref<7x16x1024xf32, #tpu.memory_space<vmem>> -> memref<1x16x1024xf32, #tpu.memory_space<vmem>>
    %dma_wait3A_1151 = tpu.memref_squeeze %dma_wait3A_1150 : memref<1x16x1024xf32, #tpu.memory_space<vmem>> -> memref<16x1024xf32, #tpu.memory_space<vmem>>
    %dma_wait3A_1152 = arith.constant 256 : i32
    %dma_wait3A_1153 = tpu.memref_slice %arg5[%dma_wait3A_1152] : memref<512xi32, #tpu.memory_space<vmem>> -> memref<16xi32, #tpu.memory_space<vmem>>
    %dma_wait3A_1154 = arith.constant 0 : i32
    %dma_wait3A_1155 = arith.constant 0 : i32
    %dma_wait3A_1156 = tpu.memref_slice %arg3[%dma_wait3A_1154, %dma_wait3A_1155] : memref<5000x1024xf32, #tpu.memory_space<hbm>> -> memref<5000x1024xf32, #tpu.memory_space<hbm>>
    %dma_wait3A_1157 = tpu.memref_slice %arg7[%dma_wait3A_1147] : memref<7x!tpu.dma_semaphore, #tpu.memory_space<semaphore_mem>> -> memref<1x!tpu.dma_semaphore, #tpu.memory_space<semaphore_mem>>
    %dma_wait3A_1158 = tpu.memref_squeeze %dma_wait3A_1157 : memref<1x!tpu.dma_semaphore, #tpu.memory_space<semaphore_mem>> -> memref<!tpu.dma_semaphore, #tpu.memory_space<semaphore_mem>>
    tpu.wait_indirect_dma semaphore(%dma_wait3A_1158 : memref<!tpu.dma_semaphore, #tpu.memory_space<semaphore_mem>>) src(%dma_wait3A_1156 : memref<5000x1024xf32, #tpu.memory_space<hbm>>) dst(%dma_wait3A_1151 : memref<16x1024xf32, #tpu.memory_space<vmem>>)
    %add3A_1159 = arith.constant 256 : i32
    %add3A_1160 = arith.addi %mul3A_32, %add3A_1159 : i32
    %dma_start3A_1161 = arith.constant 2 : i32
    %dma_start3A_1162 = arith.constant 2 : i32
    %dma_start3A_1163 = arith.constant 0 : i32
    %dma_start3A_1164 = arith.constant 0 : i32
    %dma_start3A_1165 = tpu.memref_slice %arg6[%dma_start3A_1161, %dma_start3A_1163, %dma_start3A_1164] : memref<7x16x1024xf32, #tpu.memory_space<vmem>> -> memref<1x16x1024xf32, #tpu.memory_space<vmem>>
    %dma_start3A_1166 = tpu.memref_squeeze %dma_start3A_1165 : memref<1x16x1024xf32, #tpu.memory_space<vmem>> -> memref<16x1024xf32, #tpu.memory_space<vmem>>
    %dma_start3A_1167 = arith.constant 0 : i32
    %dma_start3A_1168 = tpu.memref_slice %arg4[%select_n3A, %add3A_1160, %dma_start3A_1167] : memref<4x4096x1024xf32, #tpu.memory_space<hbm>> -> memref<1x16x1024xf32, #tpu.memory_space<hbm>>
    %dma_start3A_1169 = tpu.memref_squeeze %dma_start3A_1168 : memref<1x16x1024xf32, #tpu.memory_space<hbm>> -> memref<16x1024xf32, #tpu.memory_space<hbm>>
    %dma_start3A_1170 = tpu.memref_slice %arg7[%dma_start3A_1162] : memref<7x!tpu.dma_semaphore, #tpu.memory_space<semaphore_mem>> -> memref<1x!tpu.dma_semaphore, #tpu.memory_space<semaphore_mem>>
    %dma_start3A_1171 = tpu.memref_squeeze %dma_start3A_1170 : memref<1x!tpu.dma_semaphore, #tpu.memory_space<semaphore_mem>> -> memref<!tpu.dma_semaphore, #tpu.memory_space<semaphore_mem>>
    %dma_start3A_1172 = arith.constant 0 : i32
    %dma_start3A_1173 = tpu.memref_slice %arg4[%select_n3A, %add3A_1160, %dma_start3A_1172] : memref<4x4096x1024xf32, #tpu.memory_space<hbm>> -> memref<1x16x1024xf32, #tpu.memory_space<hbm>>
    %dma_start3A_1174 = tpu.memref_squeeze %dma_start3A_1173 : memref<1x16x1024xf32, #tpu.memory_space<hbm>> -> memref<16x1024xf32, #tpu.memory_space<hbm>>
    %dma_start3A_1175 = arith.constant 0 : i32
    %dma_start3A_1176 = arith.constant 0 : i32
    %dma_start3A_1177 = tpu.memref_slice %arg6[%dma_start3A_1161, %dma_start3A_1175, %dma_start3A_1176] : memref<7x16x1024xf32, #tpu.memory_space<vmem>> -> memref<1x16x1024xf32, #tpu.memory_space<vmem>>
    %dma_start3A_1178 = tpu.memref_squeeze %dma_start3A_1177 : memref<1x16x1024xf32, #tpu.memory_space<vmem>> -> memref<16x1024xf32, #tpu.memory_space<vmem>>
    tpu.enqueue_dma source(%dma_start3A_1178 : memref<16x1024xf32, #tpu.memory_space<vmem>>) target(%dma_start3A_1174 : memref<16x1024xf32, #tpu.memory_space<hbm>>) target_semaphore(%dma_start3A_1171 : memref<!tpu.dma_semaphore, #tpu.memory_space<semaphore_mem>>)
    %dma_wait3A_1179 = arith.constant 2 : i32
    %dma_wait3A_1180 = arith.constant 2 : i32
    %dma_wait3A_1181 = arith.constant 0 : i32
    %dma_wait3A_1182 = arith.constant 0 : i32
    %dma_wait3A_1183 = tpu.memref_slice %arg6[%dma_wait3A_1179, %dma_wait3A_1181, %dma_wait3A_1182] : memref<7x16x1024xf32, #tpu.memory_space<vmem>> -> memref<1x16x1024xf32, #tpu.memory_space<vmem>>
    %dma_wait3A_1184 = tpu.memref_squeeze %dma_wait3A_1183 : memref<1x16x1024xf32, #tpu.memory_space<vmem>> -> memref<16x1024xf32, #tpu.memory_space<vmem>>
    %dma_wait3A_1185 = arith.constant 0 : i32
    %dma_wait3A_1186 = tpu.memref_slice %arg4[%select_n3A, %add3A_1160, %dma_wait3A_1185] : memref<4x4096x1024xf32, #tpu.memory_space<hbm>> -> memref<1x16x1024xf32, #tpu.memory_space<hbm>>
    %dma_wait3A_1187 = tpu.memref_squeeze %dma_wait3A_1186 : memref<1x16x1024xf32, #tpu.memory_space<hbm>> -> memref<16x1024xf32, #tpu.memory_space<hbm>>
    %dma_wait3A_1188 = tpu.memref_slice %arg7[%dma_wait3A_1180] : memref<7x!tpu.dma_semaphore, #tpu.memory_space<semaphore_mem>> -> memref<1x!tpu.dma_semaphore, #tpu.memory_space<semaphore_mem>>
    %dma_wait3A_1189 = tpu.memref_squeeze %dma_wait3A_1188 : memref<1x!tpu.dma_semaphore, #tpu.memory_space<semaphore_mem>> -> memref<!tpu.dma_semaphore, #tpu.memory_space<semaphore_mem>>
    %dma_wait3A_1190 = arith.constant 0 : i32
    %dma_wait3A_1191 = tpu.memref_slice %arg4[%select_n3A, %add3A_1160, %dma_wait3A_1190] : memref<4x4096x1024xf32, #tpu.memory_space<hbm>> -> memref<1x16x1024xf32, #tpu.memory_space<hbm>>
    %dma_wait3A_1192 = tpu.memref_squeeze %dma_wait3A_1191 : memref<1x16x1024xf32, #tpu.memory_space<hbm>> -> memref<16x1024xf32, #tpu.memory_space<hbm>>
    %dma_wait3A_1193 = arith.constant 0 : i32
    %dma_wait3A_1194 = arith.constant 0 : i32
    %dma_wait3A_1195 = tpu.memref_slice %arg6[%dma_wait3A_1179, %dma_wait3A_1193, %dma_wait3A_1194] : memref<7x16x1024xf32, #tpu.memory_space<vmem>> -> memref<1x16x1024xf32, #tpu.memory_space<vmem>>
    %dma_wait3A_1196 = tpu.memref_squeeze %dma_wait3A_1195 : memref<1x16x1024xf32, #tpu.memory_space<vmem>> -> memref<16x1024xf32, #tpu.memory_space<vmem>>
    tpu.wait_dma2 semaphore(%dma_wait3A_1189 : memref<!tpu.dma_semaphore, #tpu.memory_space<semaphore_mem>>) src(%dma_wait3A_1196 : memref<16x1024xf32, #tpu.memory_space<vmem>>) dst(%dma_wait3A_1192 : memref<16x1024xf32, #tpu.memory_space<hbm>>)
    %dma_start3A_1197 = arith.constant 2 : i32
    %dma_start3A_1198 = arith.constant 2 : i32
    %dma_start3A_1199 = arith.constant 0 : i32
    %dma_start3A_1200 = arith.constant 0 : i32
    %dma_start3A_1201 = tpu.memref_slice %arg6[%dma_start3A_1197, %dma_start3A_1199, %dma_start3A_1200] : memref<7x16x1024xf32, #tpu.memory_space<vmem>> -> memref<1x16x1024xf32, #tpu.memory_space<vmem>>
    %dma_start3A_1202 = tpu.memref_squeeze %dma_start3A_1201 : memref<1x16x1024xf32, #tpu.memory_space<vmem>> -> memref<16x1024xf32, #tpu.memory_space<vmem>>
    %dma_start3A_1203 = arith.constant 368 : i32
    %dma_start3A_1204 = tpu.memref_slice %arg5[%dma_start3A_1203] : memref<512xi32, #tpu.memory_space<vmem>> -> memref<16xi32, #tpu.memory_space<vmem>>
    %dma_start3A_1205 = arith.constant 0 : i32
    %dma_start3A_1206 = arith.constant 0 : i32
    %dma_start3A_1207 = tpu.memref_slice %arg3[%dma_start3A_1205, %dma_start3A_1206] : memref<5000x1024xf32, #tpu.memory_space<hbm>> -> memref<5000x1024xf32, #tpu.memory_space<hbm>>
    %dma_start3A_1208 = tpu.memref_slice %arg7[%dma_start3A_1198] : memref<7x!tpu.dma_semaphore, #tpu.memory_space<semaphore_mem>> -> memref<1x!tpu.dma_semaphore, #tpu.memory_space<semaphore_mem>>
    %dma_start3A_1209 = tpu.memref_squeeze %dma_start3A_1208 : memref<1x!tpu.dma_semaphore, #tpu.memory_space<semaphore_mem>> -> memref<!tpu.dma_semaphore, #tpu.memory_space<semaphore_mem>>
    tpu.enqueue_indirect_dma source(%dma_start3A_1207 : memref<5000x1024xf32, #tpu.memory_space<hbm>>) target(%dma_start3A_1202 : memref<16x1024xf32, #tpu.memory_space<vmem>>) offsets(%dma_start3A_1204 : memref<16xi32, #tpu.memory_space<vmem>>) semaphore(%dma_start3A_1209 : memref<!tpu.dma_semaphore, #tpu.memory_space<semaphore_mem>>)
    %dma_wait3A_1210 = arith.constant 3 : i32
    %dma_wait3A_1211 = arith.constant 3 : i32
    %dma_wait3A_1212 = arith.constant 0 : i32
    %dma_wait3A_1213 = arith.constant 0 : i32
    %dma_wait3A_1214 = tpu.memref_slice %arg6[%dma_wait3A_1210, %dma_wait3A_1212, %dma_wait3A_1213] : memref<7x16x1024xf32, #tpu.memory_space<vmem>> -> memref<1x16x1024xf32, #tpu.memory_space<vmem>>
    %dma_wait3A_1215 = tpu.memref_squeeze %dma_wait3A_1214 : memref<1x16x1024xf32, #tpu.memory_space<vmem>> -> memref<16x1024xf32, #tpu.memory_space<vmem>>
    %dma_wait3A_1216 = arith.constant 272 : i32
    %dma_wait3A_1217 = tpu.memref_slice %arg5[%dma_wait3A_1216] : memref<512xi32, #tpu.memory_space<vmem>> -> memref<16xi32, #tpu.memory_space<vmem>>
    %dma_wait3A_1218 = arith.constant 0 : i32
    %dma_wait3A_1219 = arith.constant 0 : i32
    %dma_wait3A_1220 = tpu.memref_slice %arg3[%dma_wait3A_1218, %dma_wait3A_1219] : memref<5000x1024xf32, #tpu.memory_space<hbm>> -> memref<5000x1024xf32, #tpu.memory_space<hbm>>
    %dma_wait3A_1221 = tpu.memref_slice %arg7[%dma_wait3A_1211] : memref<7x!tpu.dma_semaphore, #tpu.memory_space<semaphore_mem>> -> memref<1x!tpu.dma_semaphore, #tpu.memory_space<semaphore_mem>>
    %dma_wait3A_1222 = tpu.memref_squeeze %dma_wait3A_1221 : memref<1x!tpu.dma_semaphore, #tpu.memory_space<semaphore_mem>> -> memref<!tpu.dma_semaphore, #tpu.memory_space<semaphore_mem>>
    tpu.wait_indirect_dma semaphore(%dma_wait3A_1222 : memref<!tpu.dma_semaphore, #tpu.memory_space<semaphore_mem>>) src(%dma_wait3A_1220 : memref<5000x1024xf32, #tpu.memory_space<hbm>>) dst(%dma_wait3A_1215 : memref<16x1024xf32, #tpu.memory_space<vmem>>)
    %add3A_1223 = arith.constant 272 : i32
    %add3A_1224 = arith.addi %mul3A_32, %add3A_1223 : i32
    %dma_start3A_1225 = arith.constant 3 : i32
    %dma_start3A_1226 = arith.constant 3 : i32
    %dma_start3A_1227 = arith.constant 0 : i32
    %dma_start3A_1228 = arith.constant 0 : i32
    %dma_start3A_1229 = tpu.memref_slice %arg6[%dma_start3A_1225, %dma_start3A_1227, %dma_start3A_1228] : memref<7x16x1024xf32, #tpu.memory_space<vmem>> -> memref<1x16x1024xf32, #tpu.memory_space<vmem>>
    %dma_start3A_1230 = tpu.memref_squeeze %dma_start3A_1229 : memref<1x16x1024xf32, #tpu.memory_space<vmem>> -> memref<16x1024xf32, #tpu.memory_space<vmem>>
    %dma_start3A_1231 = arith.constant 0 : i32
    %dma_start3A_1232 = tpu.memref_slice %arg4[%select_n3A, %add3A_1224, %dma_start3A_1231] : memref<4x4096x1024xf32, #tpu.memory_space<hbm>> -> memref<1x16x1024xf32, #tpu.memory_space<hbm>>
    %dma_start3A_1233 = tpu.memref_squeeze %dma_start3A_1232 : memref<1x16x1024xf32, #tpu.memory_space<hbm>> -> memref<16x1024xf32, #tpu.memory_space<hbm>>
    %dma_start3A_1234 = tpu.memref_slice %arg7[%dma_start3A_1226] : memref<7x!tpu.dma_semaphore, #tpu.memory_space<semaphore_mem>> -> memref<1x!tpu.dma_semaphore, #tpu.memory_space<semaphore_mem>>
    %dma_start3A_1235 = tpu.memref_squeeze %dma_start3A_1234 : memref<1x!tpu.dma_semaphore, #tpu.memory_space<semaphore_mem>> -> memref<!tpu.dma_semaphore, #tpu.memory_space<semaphore_mem>>
    %dma_start3A_1236 = arith.constant 0 : i32
    %dma_start3A_1237 = tpu.memref_slice %arg4[%select_n3A, %add3A_1224, %dma_start3A_1236] : memref<4x4096x1024xf32, #tpu.memory_space<hbm>> -> memref<1x16x1024xf32, #tpu.memory_space<hbm>>
    %dma_start3A_1238 = tpu.memref_squeeze %dma_start3A_1237 : memref<1x16x1024xf32, #tpu.memory_space<hbm>> -> memref<16x1024xf32, #tpu.memory_space<hbm>>
    %dma_start3A_1239 = arith.constant 0 : i32
    %dma_start3A_1240 = arith.constant 0 : i32
    %dma_start3A_1241 = tpu.memref_slice %arg6[%dma_start3A_1225, %dma_start3A_1239, %dma_start3A_1240] : memref<7x16x1024xf32, #tpu.memory_space<vmem>> -> memref<1x16x1024xf32, #tpu.memory_space<vmem>>
    %dma_start3A_1242 = tpu.memref_squeeze %dma_start3A_1241 : memref<1x16x1024xf32, #tpu.memory_space<vmem>> -> memref<16x1024xf32, #tpu.memory_space<vmem>>
    tpu.enqueue_dma source(%dma_start3A_1242 : memref<16x1024xf32, #tpu.memory_space<vmem>>) target(%dma_start3A_1238 : memref<16x1024xf32, #tpu.memory_space<hbm>>) target_semaphore(%dma_start3A_1235 : memref<!tpu.dma_semaphore, #tpu.memory_space<semaphore_mem>>)
    %dma_wait3A_1243 = arith.constant 3 : i32
    %dma_wait3A_1244 = arith.constant 3 : i32
    %dma_wait3A_1245 = arith.constant 0 : i32
    %dma_wait3A_1246 = arith.constant 0 : i32
    %dma_wait3A_1247 = tpu.memref_slice %arg6[%dma_wait3A_1243, %dma_wait3A_1245, %dma_wait3A_1246] : memref<7x16x1024xf32, #tpu.memory_space<vmem>> -> memref<1x16x1024xf32, #tpu.memory_space<vmem>>
    %dma_wait3A_1248 = tpu.memref_squeeze %dma_wait3A_1247 : memref<1x16x1024xf32, #tpu.memory_space<vmem>> -> memref<16x1024xf32, #tpu.memory_space<vmem>>
    %dma_wait3A_1249 = arith.constant 0 : i32
    %dma_wait3A_1250 = tpu.memref_slice %arg4[%select_n3A, %add3A_1224, %dma_wait3A_1249] : memref<4x4096x1024xf32, #tpu.memory_space<hbm>> -> memref<1x16x1024xf32, #tpu.memory_space<hbm>>
    %dma_wait3A_1251 = tpu.memref_squeeze %dma_wait3A_1250 : memref<1x16x1024xf32, #tpu.memory_space<hbm>> -> memref<16x1024xf32, #tpu.memory_space<hbm>>
    %dma_wait3A_1252 = tpu.memref_slice %arg7[%dma_wait3A_1244] : memref<7x!tpu.dma_semaphore, #tpu.memory_space<semaphore_mem>> -> memref<1x!tpu.dma_semaphore, #tpu.memory_space<semaphore_mem>>
    %dma_wait3A_1253 = tpu.memref_squeeze %dma_wait3A_1252 : memref<1x!tpu.dma_semaphore, #tpu.memory_space<semaphore_mem>> -> memref<!tpu.dma_semaphore, #tpu.memory_space<semaphore_mem>>
    %dma_wait3A_1254 = arith.constant 0 : i32
    %dma_wait3A_1255 = tpu.memref_slice %arg4[%select_n3A, %add3A_1224, %dma_wait3A_1254] : memref<4x4096x1024xf32, #tpu.memory_space<hbm>> -> memref<1x16x1024xf32, #tpu.memory_space<hbm>>
    %dma_wait3A_1256 = tpu.memref_squeeze %dma_wait3A_1255 : memref<1x16x1024xf32, #tpu.memory_space<hbm>> -> memref<16x1024xf32, #tpu.memory_space<hbm>>
    %dma_wait3A_1257 = arith.constant 0 : i32
    %dma_wait3A_1258 = arith.constant 0 : i32
    %dma_wait3A_1259 = tpu.memref_slice %arg6[%dma_wait3A_1243, %dma_wait3A_1257, %dma_wait3A_1258] : memref<7x16x1024xf32, #tpu.memory_space<vmem>> -> memref<1x16x1024xf32, #tpu.memory_space<vmem>>
    %dma_wait3A_1260 = tpu.memref_squeeze %dma_wait3A_1259 : memref<1x16x1024xf32, #tpu.memory_space<vmem>> -> memref<16x1024xf32, #tpu.memory_space<vmem>>
    tpu.wait_dma2 semaphore(%dma_wait3A_1253 : memref<!tpu.dma_semaphore, #tpu.memory_space<semaphore_mem>>) src(%dma_wait3A_1260 : memref<16x1024xf32, #tpu.memory_space<vmem>>) dst(%dma_wait3A_1256 : memref<16x1024xf32, #tpu.memory_space<hbm>>)
    %dma_start3A_1261 = arith.constant 3 : i32
    %dma_start3A_1262 = arith.constant 3 : i32
    %dma_start3A_1263 = arith.constant 0 : i32
    %dma_start3A_1264 = arith.constant 0 : i32
    %dma_start3A_1265 = tpu.memref_slice %arg6[%dma_start3A_1261, %dma_start3A_1263, %dma_start3A_1264] : memref<7x16x1024xf32, #tpu.memory_space<vmem>> -> memref<1x16x1024xf32, #tpu.memory_space<vmem>>
    %dma_start3A_1266 = tpu.memref_squeeze %dma_start3A_1265 : memref<1x16x1024xf32, #tpu.memory_space<vmem>> -> memref<16x1024xf32, #tpu.memory_space<vmem>>
    %dma_start3A_1267 = arith.constant 384 : i32
    %dma_start3A_1268 = tpu.memref_slice %arg5[%dma_start3A_1267] : memref<512xi32, #tpu.memory_space<vmem>> -> memref<16xi32, #tpu.memory_space<vmem>>
    %dma_start3A_1269 = arith.constant 0 : i32
    %dma_start3A_1270 = arith.constant 0 : i32
    %dma_start3A_1271 = tpu.memref_slice %arg3[%dma_start3A_1269, %dma_start3A_1270] : memref<5000x1024xf32, #tpu.memory_space<hbm>> -> memref<5000x1024xf32, #tpu.memory_space<hbm>>
    %dma_start3A_1272 = tpu.memref_slice %arg7[%dma_start3A_1262] : memref<7x!tpu.dma_semaphore, #tpu.memory_space<semaphore_mem>> -> memref<1x!tpu.dma_semaphore, #tpu.memory_space<semaphore_mem>>
    %dma_start3A_1273 = tpu.memref_squeeze %dma_start3A_1272 : memref<1x!tpu.dma_semaphore, #tpu.memory_space<semaphore_mem>> -> memref<!tpu.dma_semaphore, #tpu.memory_space<semaphore_mem>>
    tpu.enqueue_indirect_dma source(%dma_start3A_1271 : memref<5000x1024xf32, #tpu.memory_space<hbm>>) target(%dma_start3A_1266 : memref<16x1024xf32, #tpu.memory_space<vmem>>) offsets(%dma_start3A_1268 : memref<16xi32, #tpu.memory_space<vmem>>) semaphore(%dma_start3A_1273 : memref<!tpu.dma_semaphore, #tpu.memory_space<semaphore_mem>>)
    %dma_wait3A_1274 = arith.constant 4 : i32
    %dma_wait3A_1275 = arith.constant 4 : i32
    %dma_wait3A_1276 = arith.constant 0 : i32
    %dma_wait3A_1277 = arith.constant 0 : i32
    %dma_wait3A_1278 = tpu.memref_slice %arg6[%dma_wait3A_1274, %dma_wait3A_1276, %dma_wait3A_1277] : memref<7x16x1024xf32, #tpu.memory_space<vmem>> -> memref<1x16x1024xf32, #tpu.memory_space<vmem>>
    %dma_wait3A_1279 = tpu.memref_squeeze %dma_wait3A_1278 : memref<1x16x1024xf32, #tpu.memory_space<vmem>> -> memref<16x1024xf32, #tpu.memory_space<vmem>>
    %dma_wait3A_1280 = arith.constant 288 : i32
    %dma_wait3A_1281 = tpu.memref_slice %arg5[%dma_wait3A_1280] : memref<512xi32, #tpu.memory_space<vmem>> -> memref<16xi32, #tpu.memory_space<vmem>>
    %dma_wait3A_1282 = arith.constant 0 : i32
    %dma_wait3A_1283 = arith.constant 0 : i32
    %dma_wait3A_1284 = tpu.memref_slice %arg3[%dma_wait3A_1282, %dma_wait3A_1283] : memref<5000x1024xf32, #tpu.memory_space<hbm>> -> memref<5000x1024xf32, #tpu.memory_space<hbm>>
    %dma_wait3A_1285 = tpu.memref_slice %arg7[%dma_wait3A_1275] : memref<7x!tpu.dma_semaphore, #tpu.memory_space<semaphore_mem>> -> memref<1x!tpu.dma_semaphore, #tpu.memory_space<semaphore_mem>>
    %dma_wait3A_1286 = tpu.memref_squeeze %dma_wait3A_1285 : memref<1x!tpu.dma_semaphore, #tpu.memory_space<semaphore_mem>> -> memref<!tpu.dma_semaphore, #tpu.memory_space<semaphore_mem>>
    tpu.wait_indirect_dma semaphore(%dma_wait3A_1286 : memref<!tpu.dma_semaphore, #tpu.memory_space<semaphore_mem>>) src(%dma_wait3A_1284 : memref<5000x1024xf32, #tpu.memory_space<hbm>>) dst(%dma_wait3A_1279 : memref<16x1024xf32, #tpu.memory_space<vmem>>)
    %add3A_1287 = arith.constant 288 : i32
    %add3A_1288 = arith.addi %mul3A_32, %add3A_1287 : i32
    %dma_start3A_1289 = arith.constant 4 : i32
    %dma_start3A_1290 = arith.constant 4 : i32
    %dma_start3A_1291 = arith.constant 0 : i32
    %dma_start3A_1292 = arith.constant 0 : i32
    %dma_start3A_1293 = tpu.memref_slice %arg6[%dma_start3A_1289, %dma_start3A_1291, %dma_start3A_1292] : memref<7x16x1024xf32, #tpu.memory_space<vmem>> -> memref<1x16x1024xf32, #tpu.memory_space<vmem>>
    %dma_start3A_1294 = tpu.memref_squeeze %dma_start3A_1293 : memref<1x16x1024xf32, #tpu.memory_space<vmem>> -> memref<16x1024xf32, #tpu.memory_space<vmem>>
    %dma_start3A_1295 = arith.constant 0 : i32
    %dma_start3A_1296 = tpu.memref_slice %arg4[%select_n3A, %add3A_1288, %dma_start3A_1295] : memref<4x4096x1024xf32, #tpu.memory_space<hbm>> -> memref<1x16x1024xf32, #tpu.memory_space<hbm>>
    %dma_start3A_1297 = tpu.memref_squeeze %dma_start3A_1296 : memref<1x16x1024xf32, #tpu.memory_space<hbm>> -> memref<16x1024xf32, #tpu.memory_space<hbm>>
    %dma_start3A_1298 = tpu.memref_slice %arg7[%dma_start3A_1290] : memref<7x!tpu.dma_semaphore, #tpu.memory_space<semaphore_mem>> -> memref<1x!tpu.dma_semaphore, #tpu.memory_space<semaphore_mem>>
    %dma_start3A_1299 = tpu.memref_squeeze %dma_start3A_1298 : memref<1x!tpu.dma_semaphore, #tpu.memory_space<semaphore_mem>> -> memref<!tpu.dma_semaphore, #tpu.memory_space<semaphore_mem>>
    %dma_start3A_1300 = arith.constant 0 : i32
    %dma_start3A_1301 = tpu.memref_slice %arg4[%select_n3A, %add3A_1288, %dma_start3A_1300] : memref<4x4096x1024xf32, #tpu.memory_space<hbm>> -> memref<1x16x1024xf32, #tpu.memory_space<hbm>>
    %dma_start3A_1302 = tpu.memref_squeeze %dma_start3A_1301 : memref<1x16x1024xf32, #tpu.memory_space<hbm>> -> memref<16x1024xf32, #tpu.memory_space<hbm>>
    %dma_start3A_1303 = arith.constant 0 : i32
    %dma_start3A_1304 = arith.constant 0 : i32
    %dma_start3A_1305 = tpu.memref_slice %arg6[%dma_start3A_1289, %dma_start3A_1303, %dma_start3A_1304] : memref<7x16x1024xf32, #tpu.memory_space<vmem>> -> memref<1x16x1024xf32, #tpu.memory_space<vmem>>
    %dma_start3A_1306 = tpu.memref_squeeze %dma_start3A_1305 : memref<1x16x1024xf32, #tpu.memory_space<vmem>> -> memref<16x1024xf32, #tpu.memory_space<vmem>>
    tpu.enqueue_dma source(%dma_start3A_1306 : memref<16x1024xf32, #tpu.memory_space<vmem>>) target(%dma_start3A_1302 : memref<16x1024xf32, #tpu.memory_space<hbm>>) target_semaphore(%dma_start3A_1299 : memref<!tpu.dma_semaphore, #tpu.memory_space<semaphore_mem>>)
    %dma_wait3A_1307 = arith.constant 4 : i32
    %dma_wait3A_1308 = arith.constant 4 : i32
    %dma_wait3A_1309 = arith.constant 0 : i32
    %dma_wait3A_1310 = arith.constant 0 : i32
    %dma_wait3A_1311 = tpu.memref_slice %arg6[%dma_wait3A_1307, %dma_wait3A_1309, %dma_wait3A_1310] : memref<7x16x1024xf32, #tpu.memory_space<vmem>> -> memref<1x16x1024xf32, #tpu.memory_space<vmem>>
    %dma_wait3A_1312 = tpu.memref_squeeze %dma_wait3A_1311 : memref<1x16x1024xf32, #tpu.memory_space<vmem>> -> memref<16x1024xf32, #tpu.memory_space<vmem>>
    %dma_wait3A_1313 = arith.constant 0 : i32
    %dma_wait3A_1314 = tpu.memref_slice %arg4[%select_n3A, %add3A_1288, %dma_wait3A_1313] : memref<4x4096x1024xf32, #tpu.memory_space<hbm>> -> memref<1x16x1024xf32, #tpu.memory_space<hbm>>
    %dma_wait3A_1315 = tpu.memref_squeeze %dma_wait3A_1314 : memref<1x16x1024xf32, #tpu.memory_space<hbm>> -> memref<16x1024xf32, #tpu.memory_space<hbm>>
    %dma_wait3A_1316 = tpu.memref_slice %arg7[%dma_wait3A_1308] : memref<7x!tpu.dma_semaphore, #tpu.memory_space<semaphore_mem>> -> memref<1x!tpu.dma_semaphore, #tpu.memory_space<semaphore_mem>>
    %dma_wait3A_1317 = tpu.memref_squeeze %dma_wait3A_1316 : memref<1x!tpu.dma_semaphore, #tpu.memory_space<semaphore_mem>> -> memref<!tpu.dma_semaphore, #tpu.memory_space<semaphore_mem>>
    %dma_wait3A_1318 = arith.constant 0 : i32
    %dma_wait3A_1319 = tpu.memref_slice %arg4[%select_n3A, %add3A_1288, %dma_wait3A_1318] : memref<4x4096x1024xf32, #tpu.memory_space<hbm>> -> memref<1x16x1024xf32, #tpu.memory_space<hbm>>
    %dma_wait3A_1320 = tpu.memref_squeeze %dma_wait3A_1319 : memref<1x16x1024xf32, #tpu.memory_space<hbm>> -> memref<16x1024xf32, #tpu.memory_space<hbm>>
    %dma_wait3A_1321 = arith.constant 0 : i32
    %dma_wait3A_1322 = arith.constant 0 : i32
    %dma_wait3A_1323 = tpu.memref_slice %arg6[%dma_wait3A_1307, %dma_wait3A_1321, %dma_wait3A_1322] : memref<7x16x1024xf32, #tpu.memory_space<vmem>> -> memref<1x16x1024xf32, #tpu.memory_space<vmem>>
    %dma_wait3A_1324 = tpu.memref_squeeze %dma_wait3A_1323 : memref<1x16x1024xf32, #tpu.memory_space<vmem>> -> memref<16x1024xf32, #tpu.memory_space<vmem>>
    tpu.wait_dma2 semaphore(%dma_wait3A_1317 : memref<!tpu.dma_semaphore, #tpu.memory_space<semaphore_mem>>) src(%dma_wait3A_1324 : memref<16x1024xf32, #tpu.memory_space<vmem>>) dst(%dma_wait3A_1320 : memref<16x1024xf32, #tpu.memory_space<hbm>>)
    %dma_start3A_1325 = arith.constant 4 : i32
    %dma_start3A_1326 = arith.constant 4 : i32
    %dma_start3A_1327 = arith.constant 0 : i32
    %dma_start3A_1328 = arith.constant 0 : i32
    %dma_start3A_1329 = tpu.memref_slice %arg6[%dma_start3A_1325, %dma_start3A_1327, %dma_start3A_1328] : memref<7x16x1024xf32, #tpu.memory_space<vmem>> -> memref<1x16x1024xf32, #tpu.memory_space<vmem>>
    %dma_start3A_1330 = tpu.memref_squeeze %dma_start3A_1329 : memref<1x16x1024xf32, #tpu.memory_space<vmem>> -> memref<16x1024xf32, #tpu.memory_space<vmem>>
    %dma_start3A_1331 = arith.constant 400 : i32
    %dma_start3A_1332 = tpu.memref_slice %arg5[%dma_start3A_1331] : memref<512xi32, #tpu.memory_space<vmem>> -> memref<16xi32, #tpu.memory_space<vmem>>
    %dma_start3A_1333 = arith.constant 0 : i32
    %dma_start3A_1334 = arith.constant 0 : i32
    %dma_start3A_1335 = tpu.memref_slice %arg3[%dma_start3A_1333, %dma_start3A_1334] : memref<5000x1024xf32, #tpu.memory_space<hbm>> -> memref<5000x1024xf32, #tpu.memory_space<hbm>>
    %dma_start3A_1336 = tpu.memref_slice %arg7[%dma_start3A_1326] : memref<7x!tpu.dma_semaphore, #tpu.memory_space<semaphore_mem>> -> memref<1x!tpu.dma_semaphore, #tpu.memory_space<semaphore_mem>>
    %dma_start3A_1337 = tpu.memref_squeeze %dma_start3A_1336 : memref<1x!tpu.dma_semaphore, #tpu.memory_space<semaphore_mem>> -> memref<!tpu.dma_semaphore, #tpu.memory_space<semaphore_mem>>
    tpu.enqueue_indirect_dma source(%dma_start3A_1335 : memref<5000x1024xf32, #tpu.memory_space<hbm>>) target(%dma_start3A_1330 : memref<16x1024xf32, #tpu.memory_space<vmem>>) offsets(%dma_start3A_1332 : memref<16xi32, #tpu.memory_space<vmem>>) semaphore(%dma_start3A_1337 : memref<!tpu.dma_semaphore, #tpu.memory_space<semaphore_mem>>)
    %dma_wait3A_1338 = arith.constant 5 : i32
    %dma_wait3A_1339 = arith.constant 5 : i32
    %dma_wait3A_1340 = arith.constant 0 : i32
    %dma_wait3A_1341 = arith.constant 0 : i32
    %dma_wait3A_1342 = tpu.memref_slice %arg6[%dma_wait3A_1338, %dma_wait3A_1340, %dma_wait3A_1341] : memref<7x16x1024xf32, #tpu.memory_space<vmem>> -> memref<1x16x1024xf32, #tpu.memory_space<vmem>>
    %dma_wait3A_1343 = tpu.memref_squeeze %dma_wait3A_1342 : memref<1x16x1024xf32, #tpu.memory_space<vmem>> -> memref<16x1024xf32, #tpu.memory_space<vmem>>
    %dma_wait3A_1344 = arith.constant 304 : i32
    %dma_wait3A_1345 = tpu.memref_slice %arg5[%dma_wait3A_1344] : memref<512xi32, #tpu.memory_space<vmem>> -> memref<16xi32, #tpu.memory_space<vmem>>
    %dma_wait3A_1346 = arith.constant 0 : i32
    %dma_wait3A_1347 = arith.constant 0 : i32
    %dma_wait3A_1348 = tpu.memref_slice %arg3[%dma_wait3A_1346, %dma_wait3A_1347] : memref<5000x1024xf32, #tpu.memory_space<hbm>> -> memref<5000x1024xf32, #tpu.memory_space<hbm>>
    %dma_wait3A_1349 = tpu.memref_slice %arg7[%dma_wait3A_1339] : memref<7x!tpu.dma_semaphore, #tpu.memory_space<semaphore_mem>> -> memref<1x!tpu.dma_semaphore, #tpu.memory_space<semaphore_mem>>
    %dma_wait3A_1350 = tpu.memref_squeeze %dma_wait3A_1349 : memref<1x!tpu.dma_semaphore, #tpu.memory_space<semaphore_mem>> -> memref<!tpu.dma_semaphore, #tpu.memory_space<semaphore_mem>>
    tpu.wait_indirect_dma semaphore(%dma_wait3A_1350 : memref<!tpu.dma_semaphore, #tpu.memory_space<semaphore_mem>>) src(%dma_wait3A_1348 : memref<5000x1024xf32, #tpu.memory_space<hbm>>) dst(%dma_wait3A_1343 : memref<16x1024xf32, #tpu.memory_space<vmem>>)
    %add3A_1351 = arith.constant 304 : i32
    %add3A_1352 = arith.addi %mul3A_32, %add3A_1351 : i32
    %dma_start3A_1353 = arith.constant 5 : i32
    %dma_start3A_1354 = arith.constant 5 : i32
    %dma_start3A_1355 = arith.constant 0 : i32
    %dma_start3A_1356 = arith.constant 0 : i32
    %dma_start3A_1357 = tpu.memref_slice %arg6[%dma_start3A_1353, %dma_start3A_1355, %dma_start3A_1356] : memref<7x16x1024xf32, #tpu.memory_space<vmem>> -> memref<1x16x1024xf32, #tpu.memory_space<vmem>>
    %dma_start3A_1358 = tpu.memref_squeeze %dma_start3A_1357 : memref<1x16x1024xf32, #tpu.memory_space<vmem>> -> memref<16x1024xf32, #tpu.memory_space<vmem>>
    %dma_start3A_1359 = arith.constant 0 : i32
    %dma_start3A_1360 = tpu.memref_slice %arg4[%select_n3A, %add3A_1352, %dma_start3A_1359] : memref<4x4096x1024xf32, #tpu.memory_space<hbm>> -> memref<1x16x1024xf32, #tpu.memory_space<hbm>>
    %dma_start3A_1361 = tpu.memref_squeeze %dma_start3A_1360 : memref<1x16x1024xf32, #tpu.memory_space<hbm>> -> memref<16x1024xf32, #tpu.memory_space<hbm>>
    %dma_start3A_1362 = tpu.memref_slice %arg7[%dma_start3A_1354] : memref<7x!tpu.dma_semaphore, #tpu.memory_space<semaphore_mem>> -> memref<1x!tpu.dma_semaphore, #tpu.memory_space<semaphore_mem>>
    %dma_start3A_1363 = tpu.memref_squeeze %dma_start3A_1362 : memref<1x!tpu.dma_semaphore, #tpu.memory_space<semaphore_mem>> -> memref<!tpu.dma_semaphore, #tpu.memory_space<semaphore_mem>>
    %dma_start3A_1364 = arith.constant 0 : i32
    %dma_start3A_1365 = tpu.memref_slice %arg4[%select_n3A, %add3A_1352, %dma_start3A_1364] : memref<4x4096x1024xf32, #tpu.memory_space<hbm>> -> memref<1x16x1024xf32, #tpu.memory_space<hbm>>
    %dma_start3A_1366 = tpu.memref_squeeze %dma_start3A_1365 : memref<1x16x1024xf32, #tpu.memory_space<hbm>> -> memref<16x1024xf32, #tpu.memory_space<hbm>>
    %dma_start3A_1367 = arith.constant 0 : i32
    %dma_start3A_1368 = arith.constant 0 : i32
    %dma_start3A_1369 = tpu.memref_slice %arg6[%dma_start3A_1353, %dma_start3A_1367, %dma_start3A_1368] : memref<7x16x1024xf32, #tpu.memory_space<vmem>> -> memref<1x16x1024xf32, #tpu.memory_space<vmem>>
    %dma_start3A_1370 = tpu.memref_squeeze %dma_start3A_1369 : memref<1x16x1024xf32, #tpu.memory_space<vmem>> -> memref<16x1024xf32, #tpu.memory_space<vmem>>
    tpu.enqueue_dma source(%dma_start3A_1370 : memref<16x1024xf32, #tpu.memory_space<vmem>>) target(%dma_start3A_1366 : memref<16x1024xf32, #tpu.memory_space<hbm>>) target_semaphore(%dma_start3A_1363 : memref<!tpu.dma_semaphore, #tpu.memory_space<semaphore_mem>>)
    %dma_wait3A_1371 = arith.constant 5 : i32
    %dma_wait3A_1372 = arith.constant 5 : i32
    %dma_wait3A_1373 = arith.constant 0 : i32
    %dma_wait3A_1374 = arith.constant 0 : i32
    %dma_wait3A_1375 = tpu.memref_slice %arg6[%dma_wait3A_1371, %dma_wait3A_1373, %dma_wait3A_1374] : memref<7x16x1024xf32, #tpu.memory_space<vmem>> -> memref<1x16x1024xf32, #tpu.memory_space<vmem>>
    %dma_wait3A_1376 = tpu.memref_squeeze %dma_wait3A_1375 : memref<1x16x1024xf32, #tpu.memory_space<vmem>> -> memref<16x1024xf32, #tpu.memory_space<vmem>>
    %dma_wait3A_1377 = arith.constant 0 : i32
    %dma_wait3A_1378 = tpu.memref_slice %arg4[%select_n3A, %add3A_1352, %dma_wait3A_1377] : memref<4x4096x1024xf32, #tpu.memory_space<hbm>> -> memref<1x16x1024xf32, #tpu.memory_space<hbm>>
    %dma_wait3A_1379 = tpu.memref_squeeze %dma_wait3A_1378 : memref<1x16x1024xf32, #tpu.memory_space<hbm>> -> memref<16x1024xf32, #tpu.memory_space<hbm>>
    %dma_wait3A_1380 = tpu.memref_slice %arg7[%dma_wait3A_1372] : memref<7x!tpu.dma_semaphore, #tpu.memory_space<semaphore_mem>> -> memref<1x!tpu.dma_semaphore, #tpu.memory_space<semaphore_mem>>
    %dma_wait3A_1381 = tpu.memref_squeeze %dma_wait3A_1380 : memref<1x!tpu.dma_semaphore, #tpu.memory_space<semaphore_mem>> -> memref<!tpu.dma_semaphore, #tpu.memory_space<semaphore_mem>>
    %dma_wait3A_1382 = arith.constant 0 : i32
    %dma_wait3A_1383 = tpu.memref_slice %arg4[%select_n3A, %add3A_1352, %dma_wait3A_1382] : memref<4x4096x1024xf32, #tpu.memory_space<hbm>> -> memref<1x16x1024xf32, #tpu.memory_space<hbm>>
    %dma_wait3A_1384 = tpu.memref_squeeze %dma_wait3A_1383 : memref<1x16x1024xf32, #tpu.memory_space<hbm>> -> memref<16x1024xf32, #tpu.memory_space<hbm>>
    %dma_wait3A_1385 = arith.constant 0 : i32
    %dma_wait3A_1386 = arith.constant 0 : i32
    %dma_wait3A_1387 = tpu.memref_slice %arg6[%dma_wait3A_1371, %dma_wait3A_1385, %dma_wait3A_1386] : memref<7x16x1024xf32, #tpu.memory_space<vmem>> -> memref<1x16x1024xf32, #tpu.memory_space<vmem>>
    %dma_wait3A_1388 = tpu.memref_squeeze %dma_wait3A_1387 : memref<1x16x1024xf32, #tpu.memory_space<vmem>> -> memref<16x1024xf32, #tpu.memory_space<vmem>>
    tpu.wait_dma2 semaphore(%dma_wait3A_1381 : memref<!tpu.dma_semaphore, #tpu.memory_space<semaphore_mem>>) src(%dma_wait3A_1388 : memref<16x1024xf32, #tpu.memory_space<vmem>>) dst(%dma_wait3A_1384 : memref<16x1024xf32, #tpu.memory_space<hbm>>)
    %dma_start3A_1389 = arith.constant 5 : i32
    %dma_start3A_1390 = arith.constant 5 : i32
    %dma_start3A_1391 = arith.constant 0 : i32
    %dma_start3A_1392 = arith.constant 0 : i32
    %dma_start3A_1393 = tpu.memref_slice %arg6[%dma_start3A_1389, %dma_start3A_1391, %dma_start3A_1392] : memref<7x16x1024xf32, #tpu.memory_space<vmem>> -> memref<1x16x1024xf32, #tpu.memory_space<vmem>>
    %dma_start3A_1394 = tpu.memref_squeeze %dma_start3A_1393 : memref<1x16x1024xf32, #tpu.memory_space<vmem>> -> memref<16x1024xf32, #tpu.memory_space<vmem>>
    %dma_start3A_1395 = arith.constant 416 : i32
    %dma_start3A_1396 = tpu.memref_slice %arg5[%dma_start3A_1395] : memref<512xi32, #tpu.memory_space<vmem>> -> memref<16xi32, #tpu.memory_space<vmem>>
    %dma_start3A_1397 = arith.constant 0 : i32
    %dma_start3A_1398 = arith.constant 0 : i32
    %dma_start3A_1399 = tpu.memref_slice %arg3[%dma_start3A_1397, %dma_start3A_1398] : memref<5000x1024xf32, #tpu.memory_space<hbm>> -> memref<5000x1024xf32, #tpu.memory_space<hbm>>
    %dma_start3A_1400 = tpu.memref_slice %arg7[%dma_start3A_1390] : memref<7x!tpu.dma_semaphore, #tpu.memory_space<semaphore_mem>> -> memref<1x!tpu.dma_semaphore, #tpu.memory_space<semaphore_mem>>
    %dma_start3A_1401 = tpu.memref_squeeze %dma_start3A_1400 : memref<1x!tpu.dma_semaphore, #tpu.memory_space<semaphore_mem>> -> memref<!tpu.dma_semaphore, #tpu.memory_space<semaphore_mem>>
    tpu.enqueue_indirect_dma source(%dma_start3A_1399 : memref<5000x1024xf32, #tpu.memory_space<hbm>>) target(%dma_start3A_1394 : memref<16x1024xf32, #tpu.memory_space<vmem>>) offsets(%dma_start3A_1396 : memref<16xi32, #tpu.memory_space<vmem>>) semaphore(%dma_start3A_1401 : memref<!tpu.dma_semaphore, #tpu.memory_space<semaphore_mem>>)
    %dma_wait3A_1402 = arith.constant 6 : i32
    %dma_wait3A_1403 = arith.constant 6 : i32
    %dma_wait3A_1404 = arith.constant 0 : i32
    %dma_wait3A_1405 = arith.constant 0 : i32
    %dma_wait3A_1406 = tpu.memref_slice %arg6[%dma_wait3A_1402, %dma_wait3A_1404, %dma_wait3A_1405] : memref<7x16x1024xf32, #tpu.memory_space<vmem>> -> memref<1x16x1024xf32, #tpu.memory_space<vmem>>
    %dma_wait3A_1407 = tpu.memref_squeeze %dma_wait3A_1406 : memref<1x16x1024xf32, #tpu.memory_space<vmem>> -> memref<16x1024xf32, #tpu.memory_space<vmem>>
    %dma_wait3A_1408 = arith.constant 320 : i32
    %dma_wait3A_1409 = tpu.memref_slice %arg5[%dma_wait3A_1408] : memref<512xi32, #tpu.memory_space<vmem>> -> memref<16xi32, #tpu.memory_space<vmem>>
    %dma_wait3A_1410 = arith.constant 0 : i32
    %dma_wait3A_1411 = arith.constant 0 : i32
    %dma_wait3A_1412 = tpu.memref_slice %arg3[%dma_wait3A_1410, %dma_wait3A_1411] : memref<5000x1024xf32, #tpu.memory_space<hbm>> -> memref<5000x1024xf32, #tpu.memory_space<hbm>>
    %dma_wait3A_1413 = tpu.memref_slice %arg7[%dma_wait3A_1403] : memref<7x!tpu.dma_semaphore, #tpu.memory_space<semaphore_mem>> -> memref<1x!tpu.dma_semaphore, #tpu.memory_space<semaphore_mem>>
    %dma_wait3A_1414 = tpu.memref_squeeze %dma_wait3A_1413 : memref<1x!tpu.dma_semaphore, #tpu.memory_space<semaphore_mem>> -> memref<!tpu.dma_semaphore, #tpu.memory_space<semaphore_mem>>
    tpu.wait_indirect_dma semaphore(%dma_wait3A_1414 : memref<!tpu.dma_semaphore, #tpu.memory_space<semaphore_mem>>) src(%dma_wait3A_1412 : memref<5000x1024xf32, #tpu.memory_space<hbm>>) dst(%dma_wait3A_1407 : memref<16x1024xf32, #tpu.memory_space<vmem>>)
    %add3A_1415 = arith.constant 320 : i32
    %add3A_1416 = arith.addi %mul3A_32, %add3A_1415 : i32
    %dma_start3A_1417 = arith.constant 6 : i32
    %dma_start3A_1418 = arith.constant 6 : i32
    %dma_start3A_1419 = arith.constant 0 : i32
    %dma_start3A_1420 = arith.constant 0 : i32
    %dma_start3A_1421 = tpu.memref_slice %arg6[%dma_start3A_1417, %dma_start3A_1419, %dma_start3A_1420] : memref<7x16x1024xf32, #tpu.memory_space<vmem>> -> memref<1x16x1024xf32, #tpu.memory_space<vmem>>
    %dma_start3A_1422 = tpu.memref_squeeze %dma_start3A_1421 : memref<1x16x1024xf32, #tpu.memory_space<vmem>> -> memref<16x1024xf32, #tpu.memory_space<vmem>>
    %dma_start3A_1423 = arith.constant 0 : i32
    %dma_start3A_1424 = tpu.memref_slice %arg4[%select_n3A, %add3A_1416, %dma_start3A_1423] : memref<4x4096x1024xf32, #tpu.memory_space<hbm>> -> memref<1x16x1024xf32, #tpu.memory_space<hbm>>
    %dma_start3A_1425 = tpu.memref_squeeze %dma_start3A_1424 : memref<1x16x1024xf32, #tpu.memory_space<hbm>> -> memref<16x1024xf32, #tpu.memory_space<hbm>>
    %dma_start3A_1426 = tpu.memref_slice %arg7[%dma_start3A_1418] : memref<7x!tpu.dma_semaphore, #tpu.memory_space<semaphore_mem>> -> memref<1x!tpu.dma_semaphore, #tpu.memory_space<semaphore_mem>>
    %dma_start3A_1427 = tpu.memref_squeeze %dma_start3A_1426 : memref<1x!tpu.dma_semaphore, #tpu.memory_space<semaphore_mem>> -> memref<!tpu.dma_semaphore, #tpu.memory_space<semaphore_mem>>
    %dma_start3A_1428 = arith.constant 0 : i32
    %dma_start3A_1429 = tpu.memref_slice %arg4[%select_n3A, %add3A_1416, %dma_start3A_1428] : memref<4x4096x1024xf32, #tpu.memory_space<hbm>> -> memref<1x16x1024xf32, #tpu.memory_space<hbm>>
    %dma_start3A_1430 = tpu.memref_squeeze %dma_start3A_1429 : memref<1x16x1024xf32, #tpu.memory_space<hbm>> -> memref<16x1024xf32, #tpu.memory_space<hbm>>
    %dma_start3A_1431 = arith.constant 0 : i32
    %dma_start3A_1432 = arith.constant 0 : i32
    %dma_start3A_1433 = tpu.memref_slice %arg6[%dma_start3A_1417, %dma_start3A_1431, %dma_start3A_1432] : memref<7x16x1024xf32, #tpu.memory_space<vmem>> -> memref<1x16x1024xf32, #tpu.memory_space<vmem>>
    %dma_start3A_1434 = tpu.memref_squeeze %dma_start3A_1433 : memref<1x16x1024xf32, #tpu.memory_space<vmem>> -> memref<16x1024xf32, #tpu.memory_space<vmem>>
    tpu.enqueue_dma source(%dma_start3A_1434 : memref<16x1024xf32, #tpu.memory_space<vmem>>) target(%dma_start3A_1430 : memref<16x1024xf32, #tpu.memory_space<hbm>>) target_semaphore(%dma_start3A_1427 : memref<!tpu.dma_semaphore, #tpu.memory_space<semaphore_mem>>)
    %dma_wait3A_1435 = arith.constant 6 : i32
    %dma_wait3A_1436 = arith.constant 6 : i32
    %dma_wait3A_1437 = arith.constant 0 : i32
    %dma_wait3A_1438 = arith.constant 0 : i32
    %dma_wait3A_1439 = tpu.memref_slice %arg6[%dma_wait3A_1435, %dma_wait3A_1437, %dma_wait3A_1438] : memref<7x16x1024xf32, #tpu.memory_space<vmem>> -> memref<1x16x1024xf32, #tpu.memory_space<vmem>>
    %dma_wait3A_1440 = tpu.memref_squeeze %dma_wait3A_1439 : memref<1x16x1024xf32, #tpu.memory_space<vmem>> -> memref<16x1024xf32, #tpu.memory_space<vmem>>
    %dma_wait3A_1441 = arith.constant 0 : i32
    %dma_wait3A_1442 = tpu.memref_slice %arg4[%select_n3A, %add3A_1416, %dma_wait3A_1441] : memref<4x4096x1024xf32, #tpu.memory_space<hbm>> -> memref<1x16x1024xf32, #tpu.memory_space<hbm>>
    %dma_wait3A_1443 = tpu.memref_squeeze %dma_wait3A_1442 : memref<1x16x1024xf32, #tpu.memory_space<hbm>> -> memref<16x1024xf32, #tpu.memory_space<hbm>>
    %dma_wait3A_1444 = tpu.memref_slice %arg7[%dma_wait3A_1436] : memref<7x!tpu.dma_semaphore, #tpu.memory_space<semaphore_mem>> -> memref<1x!tpu.dma_semaphore, #tpu.memory_space<semaphore_mem>>
    %dma_wait3A_1445 = tpu.memref_squeeze %dma_wait3A_1444 : memref<1x!tpu.dma_semaphore, #tpu.memory_space<semaphore_mem>> -> memref<!tpu.dma_semaphore, #tpu.memory_space<semaphore_mem>>
    %dma_wait3A_1446 = arith.constant 0 : i32
    %dma_wait3A_1447 = tpu.memref_slice %arg4[%select_n3A, %add3A_1416, %dma_wait3A_1446] : memref<4x4096x1024xf32, #tpu.memory_space<hbm>> -> memref<1x16x1024xf32, #tpu.memory_space<hbm>>
    %dma_wait3A_1448 = tpu.memref_squeeze %dma_wait3A_1447 : memref<1x16x1024xf32, #tpu.memory_space<hbm>> -> memref<16x1024xf32, #tpu.memory_space<hbm>>
    %dma_wait3A_1449 = arith.constant 0 : i32
    %dma_wait3A_1450 = arith.constant 0 : i32
    %dma_wait3A_1451 = tpu.memref_slice %arg6[%dma_wait3A_1435, %dma_wait3A_1449, %dma_wait3A_1450] : memref<7x16x1024xf32, #tpu.memory_space<vmem>> -> memref<1x16x1024xf32, #tpu.memory_space<vmem>>
    %dma_wait3A_1452 = tpu.memref_squeeze %dma_wait3A_1451 : memref<1x16x1024xf32, #tpu.memory_space<vmem>> -> memref<16x1024xf32, #tpu.memory_space<vmem>>
    tpu.wait_dma2 semaphore(%dma_wait3A_1445 : memref<!tpu.dma_semaphore, #tpu.memory_space<semaphore_mem>>) src(%dma_wait3A_1452 : memref<16x1024xf32, #tpu.memory_space<vmem>>) dst(%dma_wait3A_1448 : memref<16x1024xf32, #tpu.memory_space<hbm>>)
    %dma_start3A_1453 = arith.constant 6 : i32
    %dma_start3A_1454 = arith.constant 6 : i32
    %dma_start3A_1455 = arith.constant 0 : i32
    %dma_start3A_1456 = arith.constant 0 : i32
    %dma_start3A_1457 = tpu.memref_slice %arg6[%dma_start3A_1453, %dma_start3A_1455, %dma_start3A_1456] : memref<7x16x1024xf32, #tpu.memory_space<vmem>> -> memref<1x16x1024xf32, #tpu.memory_space<vmem>>
    %dma_start3A_1458 = tpu.memref_squeeze %dma_start3A_1457 : memref<1x16x1024xf32, #tpu.memory_space<vmem>> -> memref<16x1024xf32, #tpu.memory_space<vmem>>
    %dma_start3A_1459 = arith.constant 432 : i32
    %dma_start3A_1460 = tpu.memref_slice %arg5[%dma_start3A_1459] : memref<512xi32, #tpu.memory_space<vmem>> -> memref<16xi32, #tpu.memory_space<vmem>>
    %dma_start3A_1461 = arith.constant 0 : i32
    %dma_start3A_1462 = arith.constant 0 : i32
    %dma_start3A_1463 = tpu.memref_slice %arg3[%dma_start3A_1461, %dma_start3A_1462] : memref<5000x1024xf32, #tpu.memory_space<hbm>> -> memref<5000x1024xf32, #tpu.memory_space<hbm>>
    %dma_start3A_1464 = tpu.memref_slice %arg7[%dma_start3A_1454] : memref<7x!tpu.dma_semaphore, #tpu.memory_space<semaphore_mem>> -> memref<1x!tpu.dma_semaphore, #tpu.memory_space<semaphore_mem>>
    %dma_start3A_1465 = tpu.memref_squeeze %dma_start3A_1464 : memref<1x!tpu.dma_semaphore, #tpu.memory_space<semaphore_mem>> -> memref<!tpu.dma_semaphore, #tpu.memory_space<semaphore_mem>>
    tpu.enqueue_indirect_dma source(%dma_start3A_1463 : memref<5000x1024xf32, #tpu.memory_space<hbm>>) target(%dma_start3A_1458 : memref<16x1024xf32, #tpu.memory_space<vmem>>) offsets(%dma_start3A_1460 : memref<16xi32, #tpu.memory_space<vmem>>) semaphore(%dma_start3A_1465 : memref<!tpu.dma_semaphore, #tpu.memory_space<semaphore_mem>>)
    %dma_wait3A_1466 = arith.constant 0 : i32
    %dma_wait3A_1467 = arith.constant 0 : i32
    %dma_wait3A_1468 = arith.constant 0 : i32
    %dma_wait3A_1469 = arith.constant 0 : i32
    %dma_wait3A_1470 = tpu.memref_slice %arg6[%dma_wait3A_1466, %dma_wait3A_1468, %dma_wait3A_1469] : memref<7x16x1024xf32, #tpu.memory_space<vmem>> -> memref<1x16x1024xf32, #tpu.memory_space<vmem>>
    %dma_wait3A_1471 = tpu.memref_squeeze %dma_wait3A_1470 : memref<1x16x1024xf32, #tpu.memory_space<vmem>> -> memref<16x1024xf32, #tpu.memory_space<vmem>>
    %dma_wait3A_1472 = arith.constant 336 : i32
    %dma_wait3A_1473 = tpu.memref_slice %arg5[%dma_wait3A_1472] : memref<512xi32, #tpu.memory_space<vmem>> -> memref<16xi32, #tpu.memory_space<vmem>>
    %dma_wait3A_1474 = arith.constant 0 : i32
    %dma_wait3A_1475 = arith.constant 0 : i32
    %dma_wait3A_1476 = tpu.memref_slice %arg3[%dma_wait3A_1474, %dma_wait3A_1475] : memref<5000x1024xf32, #tpu.memory_space<hbm>> -> memref<5000x1024xf32, #tpu.memory_space<hbm>>
    %dma_wait3A_1477 = tpu.memref_slice %arg7[%dma_wait3A_1467] : memref<7x!tpu.dma_semaphore, #tpu.memory_space<semaphore_mem>> -> memref<1x!tpu.dma_semaphore, #tpu.memory_space<semaphore_mem>>
    %dma_wait3A_1478 = tpu.memref_squeeze %dma_wait3A_1477 : memref<1x!tpu.dma_semaphore, #tpu.memory_space<semaphore_mem>> -> memref<!tpu.dma_semaphore, #tpu.memory_space<semaphore_mem>>
    tpu.wait_indirect_dma semaphore(%dma_wait3A_1478 : memref<!tpu.dma_semaphore, #tpu.memory_space<semaphore_mem>>) src(%dma_wait3A_1476 : memref<5000x1024xf32, #tpu.memory_space<hbm>>) dst(%dma_wait3A_1471 : memref<16x1024xf32, #tpu.memory_space<vmem>>)
    %add3A_1479 = arith.constant 336 : i32
    %add3A_1480 = arith.addi %mul3A_32, %add3A_1479 : i32
    %dma_start3A_1481 = arith.constant 0 : i32
    %dma_start3A_1482 = arith.constant 0 : i32
    %dma_start3A_1483 = arith.constant 0 : i32
    %dma_start3A_1484 = arith.constant 0 : i32
    %dma_start3A_1485 = tpu.memref_slice %arg6[%dma_start3A_1481, %dma_start3A_1483, %dma_start3A_1484] : memref<7x16x1024xf32, #tpu.memory_space<vmem>> -> memref<1x16x1024xf32, #tpu.memory_space<vmem>>
    %dma_start3A_1486 = tpu.memref_squeeze %dma_start3A_1485 : memref<1x16x1024xf32, #tpu.memory_space<vmem>> -> memref<16x1024xf32, #tpu.memory_space<vmem>>
    %dma_start3A_1487 = arith.constant 0 : i32
    %dma_start3A_1488 = tpu.memref_slice %arg4[%select_n3A, %add3A_1480, %dma_start3A_1487] : memref<4x4096x1024xf32, #tpu.memory_space<hbm>> -> memref<1x16x1024xf32, #tpu.memory_space<hbm>>
    %dma_start3A_1489 = tpu.memref_squeeze %dma_start3A_1488 : memref<1x16x1024xf32, #tpu.memory_space<hbm>> -> memref<16x1024xf32, #tpu.memory_space<hbm>>
    %dma_start3A_1490 = tpu.memref_slice %arg7[%dma_start3A_1482] : memref<7x!tpu.dma_semaphore, #tpu.memory_space<semaphore_mem>> -> memref<1x!tpu.dma_semaphore, #tpu.memory_space<semaphore_mem>>
    %dma_start3A_1491 = tpu.memref_squeeze %dma_start3A_1490 : memref<1x!tpu.dma_semaphore, #tpu.memory_space<semaphore_mem>> -> memref<!tpu.dma_semaphore, #tpu.memory_space<semaphore_mem>>
    %dma_start3A_1492 = arith.constant 0 : i32
    %dma_start3A_1493 = tpu.memref_slice %arg4[%select_n3A, %add3A_1480, %dma_start3A_1492] : memref<4x4096x1024xf32, #tpu.memory_space<hbm>> -> memref<1x16x1024xf32, #tpu.memory_space<hbm>>
    %dma_start3A_1494 = tpu.memref_squeeze %dma_start3A_1493 : memref<1x16x1024xf32, #tpu.memory_space<hbm>> -> memref<16x1024xf32, #tpu.memory_space<hbm>>
    %dma_start3A_1495 = arith.constant 0 : i32
    %dma_start3A_1496 = arith.constant 0 : i32
    %dma_start3A_1497 = tpu.memref_slice %arg6[%dma_start3A_1481, %dma_start3A_1495, %dma_start3A_1496] : memref<7x16x1024xf32, #tpu.memory_space<vmem>> -> memref<1x16x1024xf32, #tpu.memory_space<vmem>>
    %dma_start3A_1498 = tpu.memref_squeeze %dma_start3A_1497 : memref<1x16x1024xf32, #tpu.memory_space<vmem>> -> memref<16x1024xf32, #tpu.memory_space<vmem>>
    tpu.enqueue_dma source(%dma_start3A_1498 : memref<16x1024xf32, #tpu.memory_space<vmem>>) target(%dma_start3A_1494 : memref<16x1024xf32, #tpu.memory_space<hbm>>) target_semaphore(%dma_start3A_1491 : memref<!tpu.dma_semaphore, #tpu.memory_space<semaphore_mem>>)
    %dma_wait3A_1499 = arith.constant 0 : i32
    %dma_wait3A_1500 = arith.constant 0 : i32
    %dma_wait3A_1501 = arith.constant 0 : i32
    %dma_wait3A_1502 = arith.constant 0 : i32
    %dma_wait3A_1503 = tpu.memref_slice %arg6[%dma_wait3A_1499, %dma_wait3A_1501, %dma_wait3A_1502] : memref<7x16x1024xf32, #tpu.memory_space<vmem>> -> memref<1x16x1024xf32, #tpu.memory_space<vmem>>
    %dma_wait3A_1504 = tpu.memref_squeeze %dma_wait3A_1503 : memref<1x16x1024xf32, #tpu.memory_space<vmem>> -> memref<16x1024xf32, #tpu.memory_space<vmem>>
    %dma_wait3A_1505 = arith.constant 0 : i32
    %dma_wait3A_1506 = tpu.memref_slice %arg4[%select_n3A, %add3A_1480, %dma_wait3A_1505] : memref<4x4096x1024xf32, #tpu.memory_space<hbm>> -> memref<1x16x1024xf32, #tpu.memory_space<hbm>>
    %dma_wait3A_1507 = tpu.memref_squeeze %dma_wait3A_1506 : memref<1x16x1024xf32, #tpu.memory_space<hbm>> -> memref<16x1024xf32, #tpu.memory_space<hbm>>
    %dma_wait3A_1508 = tpu.memref_slice %arg7[%dma_wait3A_1500] : memref<7x!tpu.dma_semaphore, #tpu.memory_space<semaphore_mem>> -> memref<1x!tpu.dma_semaphore, #tpu.memory_space<semaphore_mem>>
    %dma_wait3A_1509 = tpu.memref_squeeze %dma_wait3A_1508 : memref<1x!tpu.dma_semaphore, #tpu.memory_space<semaphore_mem>> -> memref<!tpu.dma_semaphore, #tpu.memory_space<semaphore_mem>>
    %dma_wait3A_1510 = arith.constant 0 : i32
    %dma_wait3A_1511 = tpu.memref_slice %arg4[%select_n3A, %add3A_1480, %dma_wait3A_1510] : memref<4x4096x1024xf32, #tpu.memory_space<hbm>> -> memref<1x16x1024xf32, #tpu.memory_space<hbm>>
    %dma_wait3A_1512 = tpu.memref_squeeze %dma_wait3A_1511 : memref<1x16x1024xf32, #tpu.memory_space<hbm>> -> memref<16x1024xf32, #tpu.memory_space<hbm>>
    %dma_wait3A_1513 = arith.constant 0 : i32
    %dma_wait3A_1514 = arith.constant 0 : i32
    %dma_wait3A_1515 = tpu.memref_slice %arg6[%dma_wait3A_1499, %dma_wait3A_1513, %dma_wait3A_1514] : memref<7x16x1024xf32, #tpu.memory_space<vmem>> -> memref<1x16x1024xf32, #tpu.memory_space<vmem>>
    %dma_wait3A_1516 = tpu.memref_squeeze %dma_wait3A_1515 : memref<1x16x1024xf32, #tpu.memory_space<vmem>> -> memref<16x1024xf32, #tpu.memory_space<vmem>>
    tpu.wait_dma2 semaphore(%dma_wait3A_1509 : memref<!tpu.dma_semaphore, #tpu.memory_space<semaphore_mem>>) src(%dma_wait3A_1516 : memref<16x1024xf32, #tpu.memory_space<vmem>>) dst(%dma_wait3A_1512 : memref<16x1024xf32, #tpu.memory_space<hbm>>)
    %dma_start3A_1517 = arith.constant 0 : i32
    %dma_start3A_1518 = arith.constant 0 : i32
    %dma_start3A_1519 = arith.constant 0 : i32
    %dma_start3A_1520 = arith.constant 0 : i32
    %dma_start3A_1521 = tpu.memref_slice %arg6[%dma_start3A_1517, %dma_start3A_1519, %dma_start3A_1520] : memref<7x16x1024xf32, #tpu.memory_space<vmem>> -> memref<1x16x1024xf32, #tpu.memory_space<vmem>>
    %dma_start3A_1522 = tpu.memref_squeeze %dma_start3A_1521 : memref<1x16x1024xf32, #tpu.memory_space<vmem>> -> memref<16x1024xf32, #tpu.memory_space<vmem>>
    %dma_start3A_1523 = arith.constant 448 : i32
    %dma_start3A_1524 = tpu.memref_slice %arg5[%dma_start3A_1523] : memref<512xi32, #tpu.memory_space<vmem>> -> memref<16xi32, #tpu.memory_space<vmem>>
    %dma_start3A_1525 = arith.constant 0 : i32
    %dma_start3A_1526 = arith.constant 0 : i32
    %dma_start3A_1527 = tpu.memref_slice %arg3[%dma_start3A_1525, %dma_start3A_1526] : memref<5000x1024xf32, #tpu.memory_space<hbm>> -> memref<5000x1024xf32, #tpu.memory_space<hbm>>
    %dma_start3A_1528 = tpu.memref_slice %arg7[%dma_start3A_1518] : memref<7x!tpu.dma_semaphore, #tpu.memory_space<semaphore_mem>> -> memref<1x!tpu.dma_semaphore, #tpu.memory_space<semaphore_mem>>
    %dma_start3A_1529 = tpu.memref_squeeze %dma_start3A_1528 : memref<1x!tpu.dma_semaphore, #tpu.memory_space<semaphore_mem>> -> memref<!tpu.dma_semaphore, #tpu.memory_space<semaphore_mem>>
    tpu.enqueue_indirect_dma source(%dma_start3A_1527 : memref<5000x1024xf32, #tpu.memory_space<hbm>>) target(%dma_start3A_1522 : memref<16x1024xf32, #tpu.memory_space<vmem>>) offsets(%dma_start3A_1524 : memref<16xi32, #tpu.memory_space<vmem>>) semaphore(%dma_start3A_1529 : memref<!tpu.dma_semaphore, #tpu.memory_space<semaphore_mem>>)
    %dma_wait3A_1530 = arith.constant 1 : i32
    %dma_wait3A_1531 = arith.constant 1 : i32
    %dma_wait3A_1532 = arith.constant 0 : i32
    %dma_wait3A_1533 = arith.constant 0 : i32
    %dma_wait3A_1534 = tpu.memref_slice %arg6[%dma_wait3A_1530, %dma_wait3A_1532, %dma_wait3A_1533] : memref<7x16x1024xf32, #tpu.memory_space<vmem>> -> memref<1x16x1024xf32, #tpu.memory_space<vmem>>
    %dma_wait3A_1535 = tpu.memref_squeeze %dma_wait3A_1534 : memref<1x16x1024xf32, #tpu.memory_space<vmem>> -> memref<16x1024xf32, #tpu.memory_space<vmem>>
    %dma_wait3A_1536 = arith.constant 352 : i32
    %dma_wait3A_1537 = tpu.memref_slice %arg5[%dma_wait3A_1536] : memref<512xi32, #tpu.memory_space<vmem>> -> memref<16xi32, #tpu.memory_space<vmem>>
    %dma_wait3A_1538 = arith.constant 0 : i32
    %dma_wait3A_1539 = arith.constant 0 : i32
    %dma_wait3A_1540 = tpu.memref_slice %arg3[%dma_wait3A_1538, %dma_wait3A_1539] : memref<5000x1024xf32, #tpu.memory_space<hbm>> -> memref<5000x1024xf32, #tpu.memory_space<hbm>>
    %dma_wait3A_1541 = tpu.memref_slice %arg7[%dma_wait3A_1531] : memref<7x!tpu.dma_semaphore, #tpu.memory_space<semaphore_mem>> -> memref<1x!tpu.dma_semaphore, #tpu.memory_space<semaphore_mem>>
    %dma_wait3A_1542 = tpu.memref_squeeze %dma_wait3A_1541 : memref<1x!tpu.dma_semaphore, #tpu.memory_space<semaphore_mem>> -> memref<!tpu.dma_semaphore, #tpu.memory_space<semaphore_mem>>
    tpu.wait_indirect_dma semaphore(%dma_wait3A_1542 : memref<!tpu.dma_semaphore, #tpu.memory_space<semaphore_mem>>) src(%dma_wait3A_1540 : memref<5000x1024xf32, #tpu.memory_space<hbm>>) dst(%dma_wait3A_1535 : memref<16x1024xf32, #tpu.memory_space<vmem>>)
    %add3A_1543 = arith.constant 352 : i32
    %add3A_1544 = arith.addi %mul3A_32, %add3A_1543 : i32
    %dma_start3A_1545 = arith.constant 1 : i32
    %dma_start3A_1546 = arith.constant 1 : i32
    %dma_start3A_1547 = arith.constant 0 : i32
    %dma_start3A_1548 = arith.constant 0 : i32
    %dma_start3A_1549 = tpu.memref_slice %arg6[%dma_start3A_1545, %dma_start3A_1547, %dma_start3A_1548] : memref<7x16x1024xf32, #tpu.memory_space<vmem>> -> memref<1x16x1024xf32, #tpu.memory_space<vmem>>
    %dma_start3A_1550 = tpu.memref_squeeze %dma_start3A_1549 : memref<1x16x1024xf32, #tpu.memory_space<vmem>> -> memref<16x1024xf32, #tpu.memory_space<vmem>>
    %dma_start3A_1551 = arith.constant 0 : i32
    %dma_start3A_1552 = tpu.memref_slice %arg4[%select_n3A, %add3A_1544, %dma_start3A_1551] : memref<4x4096x1024xf32, #tpu.memory_space<hbm>> -> memref<1x16x1024xf32, #tpu.memory_space<hbm>>
    %dma_start3A_1553 = tpu.memref_squeeze %dma_start3A_1552 : memref<1x16x1024xf32, #tpu.memory_space<hbm>> -> memref<16x1024xf32, #tpu.memory_space<hbm>>
    %dma_start3A_1554 = tpu.memref_slice %arg7[%dma_start3A_1546] : memref<7x!tpu.dma_semaphore, #tpu.memory_space<semaphore_mem>> -> memref<1x!tpu.dma_semaphore, #tpu.memory_space<semaphore_mem>>
    %dma_start3A_1555 = tpu.memref_squeeze %dma_start3A_1554 : memref<1x!tpu.dma_semaphore, #tpu.memory_space<semaphore_mem>> -> memref<!tpu.dma_semaphore, #tpu.memory_space<semaphore_mem>>
    %dma_start3A_1556 = arith.constant 0 : i32
    %dma_start3A_1557 = tpu.memref_slice %arg4[%select_n3A, %add3A_1544, %dma_start3A_1556] : memref<4x4096x1024xf32, #tpu.memory_space<hbm>> -> memref<1x16x1024xf32, #tpu.memory_space<hbm>>
    %dma_start3A_1558 = tpu.memref_squeeze %dma_start3A_1557 : memref<1x16x1024xf32, #tpu.memory_space<hbm>> -> memref<16x1024xf32, #tpu.memory_space<hbm>>
    %dma_start3A_1559 = arith.constant 0 : i32
    %dma_start3A_1560 = arith.constant 0 : i32
    %dma_start3A_1561 = tpu.memref_slice %arg6[%dma_start3A_1545, %dma_start3A_1559, %dma_start3A_1560] : memref<7x16x1024xf32, #tpu.memory_space<vmem>> -> memref<1x16x1024xf32, #tpu.memory_space<vmem>>
    %dma_start3A_1562 = tpu.memref_squeeze %dma_start3A_1561 : memref<1x16x1024xf32, #tpu.memory_space<vmem>> -> memref<16x1024xf32, #tpu.memory_space<vmem>>
    tpu.enqueue_dma source(%dma_start3A_1562 : memref<16x1024xf32, #tpu.memory_space<vmem>>) target(%dma_start3A_1558 : memref<16x1024xf32, #tpu.memory_space<hbm>>) target_semaphore(%dma_start3A_1555 : memref<!tpu.dma_semaphore, #tpu.memory_space<semaphore_mem>>)
    %dma_wait3A_1563 = arith.constant 1 : i32
    %dma_wait3A_1564 = arith.constant 1 : i32
    %dma_wait3A_1565 = arith.constant 0 : i32
    %dma_wait3A_1566 = arith.constant 0 : i32
    %dma_wait3A_1567 = tpu.memref_slice %arg6[%dma_wait3A_1563, %dma_wait3A_1565, %dma_wait3A_1566] : memref<7x16x1024xf32, #tpu.memory_space<vmem>> -> memref<1x16x1024xf32, #tpu.memory_space<vmem>>
    %dma_wait3A_1568 = tpu.memref_squeeze %dma_wait3A_1567 : memref<1x16x1024xf32, #tpu.memory_space<vmem>> -> memref<16x1024xf32, #tpu.memory_space<vmem>>
    %dma_wait3A_1569 = arith.constant 0 : i32
    %dma_wait3A_1570 = tpu.memref_slice %arg4[%select_n3A, %add3A_1544, %dma_wait3A_1569] : memref<4x4096x1024xf32, #tpu.memory_space<hbm>> -> memref<1x16x1024xf32, #tpu.memory_space<hbm>>
    %dma_wait3A_1571 = tpu.memref_squeeze %dma_wait3A_1570 : memref<1x16x1024xf32, #tpu.memory_space<hbm>> -> memref<16x1024xf32, #tpu.memory_space<hbm>>
    %dma_wait3A_1572 = tpu.memref_slice %arg7[%dma_wait3A_1564] : memref<7x!tpu.dma_semaphore, #tpu.memory_space<semaphore_mem>> -> memref<1x!tpu.dma_semaphore, #tpu.memory_space<semaphore_mem>>
    %dma_wait3A_1573 = tpu.memref_squeeze %dma_wait3A_1572 : memref<1x!tpu.dma_semaphore, #tpu.memory_space<semaphore_mem>> -> memref<!tpu.dma_semaphore, #tpu.memory_space<semaphore_mem>>
    %dma_wait3A_1574 = arith.constant 0 : i32
    %dma_wait3A_1575 = tpu.memref_slice %arg4[%select_n3A, %add3A_1544, %dma_wait3A_1574] : memref<4x4096x1024xf32, #tpu.memory_space<hbm>> -> memref<1x16x1024xf32, #tpu.memory_space<hbm>>
    %dma_wait3A_1576 = tpu.memref_squeeze %dma_wait3A_1575 : memref<1x16x1024xf32, #tpu.memory_space<hbm>> -> memref<16x1024xf32, #tpu.memory_space<hbm>>
    %dma_wait3A_1577 = arith.constant 0 : i32
    %dma_wait3A_1578 = arith.constant 0 : i32
    %dma_wait3A_1579 = tpu.memref_slice %arg6[%dma_wait3A_1563, %dma_wait3A_1577, %dma_wait3A_1578] : memref<7x16x1024xf32, #tpu.memory_space<vmem>> -> memref<1x16x1024xf32, #tpu.memory_space<vmem>>
    %dma_wait3A_1580 = tpu.memref_squeeze %dma_wait3A_1579 : memref<1x16x1024xf32, #tpu.memory_space<vmem>> -> memref<16x1024xf32, #tpu.memory_space<vmem>>
    tpu.wait_dma2 semaphore(%dma_wait3A_1573 : memref<!tpu.dma_semaphore, #tpu.memory_space<semaphore_mem>>) src(%dma_wait3A_1580 : memref<16x1024xf32, #tpu.memory_space<vmem>>) dst(%dma_wait3A_1576 : memref<16x1024xf32, #tpu.memory_space<hbm>>)
    %dma_start3A_1581 = arith.constant 1 : i32
    %dma_start3A_1582 = arith.constant 1 : i32
    %dma_start3A_1583 = arith.constant 0 : i32
    %dma_start3A_1584 = arith.constant 0 : i32
    %dma_start3A_1585 = tpu.memref_slice %arg6[%dma_start3A_1581, %dma_start3A_1583, %dma_start3A_1584] : memref<7x16x1024xf32, #tpu.memory_space<vmem>> -> memref<1x16x1024xf32, #tpu.memory_space<vmem>>
    %dma_start3A_1586 = tpu.memref_squeeze %dma_start3A_1585 : memref<1x16x1024xf32, #tpu.memory_space<vmem>> -> memref<16x1024xf32, #tpu.memory_space<vmem>>
    %dma_start3A_1587 = arith.constant 464 : i32
    %dma_start3A_1588 = tpu.memref_slice %arg5[%dma_start3A_1587] : memref<512xi32, #tpu.memory_space<vmem>> -> memref<16xi32, #tpu.memory_space<vmem>>
    %dma_start3A_1589 = arith.constant 0 : i32
    %dma_start3A_1590 = arith.constant 0 : i32
    %dma_start3A_1591 = tpu.memref_slice %arg3[%dma_start3A_1589, %dma_start3A_1590] : memref<5000x1024xf32, #tpu.memory_space<hbm>> -> memref<5000x1024xf32, #tpu.memory_space<hbm>>
    %dma_start3A_1592 = tpu.memref_slice %arg7[%dma_start3A_1582] : memref<7x!tpu.dma_semaphore, #tpu.memory_space<semaphore_mem>> -> memref<1x!tpu.dma_semaphore, #tpu.memory_space<semaphore_mem>>
    %dma_start3A_1593 = tpu.memref_squeeze %dma_start3A_1592 : memref<1x!tpu.dma_semaphore, #tpu.memory_space<semaphore_mem>> -> memref<!tpu.dma_semaphore, #tpu.memory_space<semaphore_mem>>
    tpu.enqueue_indirect_dma source(%dma_start3A_1591 : memref<5000x1024xf32, #tpu.memory_space<hbm>>) target(%dma_start3A_1586 : memref<16x1024xf32, #tpu.memory_space<vmem>>) offsets(%dma_start3A_1588 : memref<16xi32, #tpu.memory_space<vmem>>) semaphore(%dma_start3A_1593 : memref<!tpu.dma_semaphore, #tpu.memory_space<semaphore_mem>>)
    %dma_wait3A_1594 = arith.constant 2 : i32
    %dma_wait3A_1595 = arith.constant 2 : i32
    %dma_wait3A_1596 = arith.constant 0 : i32
    %dma_wait3A_1597 = arith.constant 0 : i32
    %dma_wait3A_1598 = tpu.memref_slice %arg6[%dma_wait3A_1594, %dma_wait3A_1596, %dma_wait3A_1597] : memref<7x16x1024xf32, #tpu.memory_space<vmem>> -> memref<1x16x1024xf32, #tpu.memory_space<vmem>>
    %dma_wait3A_1599 = tpu.memref_squeeze %dma_wait3A_1598 : memref<1x16x1024xf32, #tpu.memory_space<vmem>> -> memref<16x1024xf32, #tpu.memory_space<vmem>>
    %dma_wait3A_1600 = arith.constant 368 : i32
    %dma_wait3A_1601 = tpu.memref_slice %arg5[%dma_wait3A_1600] : memref<512xi32, #tpu.memory_space<vmem>> -> memref<16xi32, #tpu.memory_space<vmem>>
    %dma_wait3A_1602 = arith.constant 0 : i32
    %dma_wait3A_1603 = arith.constant 0 : i32
    %dma_wait3A_1604 = tpu.memref_slice %arg3[%dma_wait3A_1602, %dma_wait3A_1603] : memref<5000x1024xf32, #tpu.memory_space<hbm>> -> memref<5000x1024xf32, #tpu.memory_space<hbm>>
    %dma_wait3A_1605 = tpu.memref_slice %arg7[%dma_wait3A_1595] : memref<7x!tpu.dma_semaphore, #tpu.memory_space<semaphore_mem>> -> memref<1x!tpu.dma_semaphore, #tpu.memory_space<semaphore_mem>>
    %dma_wait3A_1606 = tpu.memref_squeeze %dma_wait3A_1605 : memref<1x!tpu.dma_semaphore, #tpu.memory_space<semaphore_mem>> -> memref<!tpu.dma_semaphore, #tpu.memory_space<semaphore_mem>>
    tpu.wait_indirect_dma semaphore(%dma_wait3A_1606 : memref<!tpu.dma_semaphore, #tpu.memory_space<semaphore_mem>>) src(%dma_wait3A_1604 : memref<5000x1024xf32, #tpu.memory_space<hbm>>) dst(%dma_wait3A_1599 : memref<16x1024xf32, #tpu.memory_space<vmem>>)
    %add3A_1607 = arith.constant 368 : i32
    %add3A_1608 = arith.addi %mul3A_32, %add3A_1607 : i32
    %dma_start3A_1609 = arith.constant 2 : i32
    %dma_start3A_1610 = arith.constant 2 : i32
    %dma_start3A_1611 = arith.constant 0 : i32
    %dma_start3A_1612 = arith.constant 0 : i32
    %dma_start3A_1613 = tpu.memref_slice %arg6[%dma_start3A_1609, %dma_start3A_1611, %dma_start3A_1612] : memref<7x16x1024xf32, #tpu.memory_space<vmem>> -> memref<1x16x1024xf32, #tpu.memory_space<vmem>>
    %dma_start3A_1614 = tpu.memref_squeeze %dma_start3A_1613 : memref<1x16x1024xf32, #tpu.memory_space<vmem>> -> memref<16x1024xf32, #tpu.memory_space<vmem>>
    %dma_start3A_1615 = arith.constant 0 : i32
    %dma_start3A_1616 = tpu.memref_slice %arg4[%select_n3A, %add3A_1608, %dma_start3A_1615] : memref<4x4096x1024xf32, #tpu.memory_space<hbm>> -> memref<1x16x1024xf32, #tpu.memory_space<hbm>>
    %dma_start3A_1617 = tpu.memref_squeeze %dma_start3A_1616 : memref<1x16x1024xf32, #tpu.memory_space<hbm>> -> memref<16x1024xf32, #tpu.memory_space<hbm>>
    %dma_start3A_1618 = tpu.memref_slice %arg7[%dma_start3A_1610] : memref<7x!tpu.dma_semaphore, #tpu.memory_space<semaphore_mem>> -> memref<1x!tpu.dma_semaphore, #tpu.memory_space<semaphore_mem>>
    %dma_start3A_1619 = tpu.memref_squeeze %dma_start3A_1618 : memref<1x!tpu.dma_semaphore, #tpu.memory_space<semaphore_mem>> -> memref<!tpu.dma_semaphore, #tpu.memory_space<semaphore_mem>>
    %dma_start3A_1620 = arith.constant 0 : i32
    %dma_start3A_1621 = tpu.memref_slice %arg4[%select_n3A, %add3A_1608, %dma_start3A_1620] : memref<4x4096x1024xf32, #tpu.memory_space<hbm>> -> memref<1x16x1024xf32, #tpu.memory_space<hbm>>
    %dma_start3A_1622 = tpu.memref_squeeze %dma_start3A_1621 : memref<1x16x1024xf32, #tpu.memory_space<hbm>> -> memref<16x1024xf32, #tpu.memory_space<hbm>>
    %dma_start3A_1623 = arith.constant 0 : i32
    %dma_start3A_1624 = arith.constant 0 : i32
    %dma_start3A_1625 = tpu.memref_slice %arg6[%dma_start3A_1609, %dma_start3A_1623, %dma_start3A_1624] : memref<7x16x1024xf32, #tpu.memory_space<vmem>> -> memref<1x16x1024xf32, #tpu.memory_space<vmem>>
    %dma_start3A_1626 = tpu.memref_squeeze %dma_start3A_1625 : memref<1x16x1024xf32, #tpu.memory_space<vmem>> -> memref<16x1024xf32, #tpu.memory_space<vmem>>
    tpu.enqueue_dma source(%dma_start3A_1626 : memref<16x1024xf32, #tpu.memory_space<vmem>>) target(%dma_start3A_1622 : memref<16x1024xf32, #tpu.memory_space<hbm>>) target_semaphore(%dma_start3A_1619 : memref<!tpu.dma_semaphore, #tpu.memory_space<semaphore_mem>>)
    %dma_wait3A_1627 = arith.constant 2 : i32
    %dma_wait3A_1628 = arith.constant 2 : i32
    %dma_wait3A_1629 = arith.constant 0 : i32
    %dma_wait3A_1630 = arith.constant 0 : i32
    %dma_wait3A_1631 = tpu.memref_slice %arg6[%dma_wait3A_1627, %dma_wait3A_1629, %dma_wait3A_1630] : memref<7x16x1024xf32, #tpu.memory_space<vmem>> -> memref<1x16x1024xf32, #tpu.memory_space<vmem>>
    %dma_wait3A_1632 = tpu.memref_squeeze %dma_wait3A_1631 : memref<1x16x1024xf32, #tpu.memory_space<vmem>> -> memref<16x1024xf32, #tpu.memory_space<vmem>>
    %dma_wait3A_1633 = arith.constant 0 : i32
    %dma_wait3A_1634 = tpu.memref_slice %arg4[%select_n3A, %add3A_1608, %dma_wait3A_1633] : memref<4x4096x1024xf32, #tpu.memory_space<hbm>> -> memref<1x16x1024xf32, #tpu.memory_space<hbm>>
    %dma_wait3A_1635 = tpu.memref_squeeze %dma_wait3A_1634 : memref<1x16x1024xf32, #tpu.memory_space<hbm>> -> memref<16x1024xf32, #tpu.memory_space<hbm>>
    %dma_wait3A_1636 = tpu.memref_slice %arg7[%dma_wait3A_1628] : memref<7x!tpu.dma_semaphore, #tpu.memory_space<semaphore_mem>> -> memref<1x!tpu.dma_semaphore, #tpu.memory_space<semaphore_mem>>
    %dma_wait3A_1637 = tpu.memref_squeeze %dma_wait3A_1636 : memref<1x!tpu.dma_semaphore, #tpu.memory_space<semaphore_mem>> -> memref<!tpu.dma_semaphore, #tpu.memory_space<semaphore_mem>>
    %dma_wait3A_1638 = arith.constant 0 : i32
    %dma_wait3A_1639 = tpu.memref_slice %arg4[%select_n3A, %add3A_1608, %dma_wait3A_1638] : memref<4x4096x1024xf32, #tpu.memory_space<hbm>> -> memref<1x16x1024xf32, #tpu.memory_space<hbm>>
    %dma_wait3A_1640 = tpu.memref_squeeze %dma_wait3A_1639 : memref<1x16x1024xf32, #tpu.memory_space<hbm>> -> memref<16x1024xf32, #tpu.memory_space<hbm>>
    %dma_wait3A_1641 = arith.constant 0 : i32
    %dma_wait3A_1642 = arith.constant 0 : i32
    %dma_wait3A_1643 = tpu.memref_slice %arg6[%dma_wait3A_1627, %dma_wait3A_1641, %dma_wait3A_1642] : memref<7x16x1024xf32, #tpu.memory_space<vmem>> -> memref<1x16x1024xf32, #tpu.memory_space<vmem>>
    %dma_wait3A_1644 = tpu.memref_squeeze %dma_wait3A_1643 : memref<1x16x1024xf32, #tpu.memory_space<vmem>> -> memref<16x1024xf32, #tpu.memory_space<vmem>>
    tpu.wait_dma2 semaphore(%dma_wait3A_1637 : memref<!tpu.dma_semaphore, #tpu.memory_space<semaphore_mem>>) src(%dma_wait3A_1644 : memref<16x1024xf32, #tpu.memory_space<vmem>>) dst(%dma_wait3A_1640 : memref<16x1024xf32, #tpu.memory_space<hbm>>)
    %dma_start3A_1645 = arith.constant 2 : i32
    %dma_start3A_1646 = arith.constant 2 : i32
    %dma_start3A_1647 = arith.constant 0 : i32
    %dma_start3A_1648 = arith.constant 0 : i32
    %dma_start3A_1649 = tpu.memref_slice %arg6[%dma_start3A_1645, %dma_start3A_1647, %dma_start3A_1648] : memref<7x16x1024xf32, #tpu.memory_space<vmem>> -> memref<1x16x1024xf32, #tpu.memory_space<vmem>>
    %dma_start3A_1650 = tpu.memref_squeeze %dma_start3A_1649 : memref<1x16x1024xf32, #tpu.memory_space<vmem>> -> memref<16x1024xf32, #tpu.memory_space<vmem>>
    %dma_start3A_1651 = arith.constant 480 : i32
    %dma_start3A_1652 = tpu.memref_slice %arg5[%dma_start3A_1651] : memref<512xi32, #tpu.memory_space<vmem>> -> memref<16xi32, #tpu.memory_space<vmem>>
    %dma_start3A_1653 = arith.constant 0 : i32
    %dma_start3A_1654 = arith.constant 0 : i32
    %dma_start3A_1655 = tpu.memref_slice %arg3[%dma_start3A_1653, %dma_start3A_1654] : memref<5000x1024xf32, #tpu.memory_space<hbm>> -> memref<5000x1024xf32, #tpu.memory_space<hbm>>
    %dma_start3A_1656 = tpu.memref_slice %arg7[%dma_start3A_1646] : memref<7x!tpu.dma_semaphore, #tpu.memory_space<semaphore_mem>> -> memref<1x!tpu.dma_semaphore, #tpu.memory_space<semaphore_mem>>
    %dma_start3A_1657 = tpu.memref_squeeze %dma_start3A_1656 : memref<1x!tpu.dma_semaphore, #tpu.memory_space<semaphore_mem>> -> memref<!tpu.dma_semaphore, #tpu.memory_space<semaphore_mem>>
    tpu.enqueue_indirect_dma source(%dma_start3A_1655 : memref<5000x1024xf32, #tpu.memory_space<hbm>>) target(%dma_start3A_1650 : memref<16x1024xf32, #tpu.memory_space<vmem>>) offsets(%dma_start3A_1652 : memref<16xi32, #tpu.memory_space<vmem>>) semaphore(%dma_start3A_1657 : memref<!tpu.dma_semaphore, #tpu.memory_space<semaphore_mem>>)
    %dma_wait3A_1658 = arith.constant 3 : i32
    %dma_wait3A_1659 = arith.constant 3 : i32
    %dma_wait3A_1660 = arith.constant 0 : i32
    %dma_wait3A_1661 = arith.constant 0 : i32
    %dma_wait3A_1662 = tpu.memref_slice %arg6[%dma_wait3A_1658, %dma_wait3A_1660, %dma_wait3A_1661] : memref<7x16x1024xf32, #tpu.memory_space<vmem>> -> memref<1x16x1024xf32, #tpu.memory_space<vmem>>
    %dma_wait3A_1663 = tpu.memref_squeeze %dma_wait3A_1662 : memref<1x16x1024xf32, #tpu.memory_space<vmem>> -> memref<16x1024xf32, #tpu.memory_space<vmem>>
    %dma_wait3A_1664 = arith.constant 384 : i32
    %dma_wait3A_1665 = tpu.memref_slice %arg5[%dma_wait3A_1664] : memref<512xi32, #tpu.memory_space<vmem>> -> memref<16xi32, #tpu.memory_space<vmem>>
    %dma_wait3A_1666 = arith.constant 0 : i32
    %dma_wait3A_1667 = arith.constant 0 : i32
    %dma_wait3A_1668 = tpu.memref_slice %arg3[%dma_wait3A_1666, %dma_wait3A_1667] : memref<5000x1024xf32, #tpu.memory_space<hbm>> -> memref<5000x1024xf32, #tpu.memory_space<hbm>>
    %dma_wait3A_1669 = tpu.memref_slice %arg7[%dma_wait3A_1659] : memref<7x!tpu.dma_semaphore, #tpu.memory_space<semaphore_mem>> -> memref<1x!tpu.dma_semaphore, #tpu.memory_space<semaphore_mem>>
    %dma_wait3A_1670 = tpu.memref_squeeze %dma_wait3A_1669 : memref<1x!tpu.dma_semaphore, #tpu.memory_space<semaphore_mem>> -> memref<!tpu.dma_semaphore, #tpu.memory_space<semaphore_mem>>
    tpu.wait_indirect_dma semaphore(%dma_wait3A_1670 : memref<!tpu.dma_semaphore, #tpu.memory_space<semaphore_mem>>) src(%dma_wait3A_1668 : memref<5000x1024xf32, #tpu.memory_space<hbm>>) dst(%dma_wait3A_1663 : memref<16x1024xf32, #tpu.memory_space<vmem>>)
    %add3A_1671 = arith.constant 384 : i32
    %add3A_1672 = arith.addi %mul3A_32, %add3A_1671 : i32
    %dma_start3A_1673 = arith.constant 3 : i32
    %dma_start3A_1674 = arith.constant 3 : i32
    %dma_start3A_1675 = arith.constant 0 : i32
    %dma_start3A_1676 = arith.constant 0 : i32
    %dma_start3A_1677 = tpu.memref_slice %arg6[%dma_start3A_1673, %dma_start3A_1675, %dma_start3A_1676] : memref<7x16x1024xf32, #tpu.memory_space<vmem>> -> memref<1x16x1024xf32, #tpu.memory_space<vmem>>
    %dma_start3A_1678 = tpu.memref_squeeze %dma_start3A_1677 : memref<1x16x1024xf32, #tpu.memory_space<vmem>> -> memref<16x1024xf32, #tpu.memory_space<vmem>>
    %dma_start3A_1679 = arith.constant 0 : i32
    %dma_start3A_1680 = tpu.memref_slice %arg4[%select_n3A, %add3A_1672, %dma_start3A_1679] : memref<4x4096x1024xf32, #tpu.memory_space<hbm>> -> memref<1x16x1024xf32, #tpu.memory_space<hbm>>
    %dma_start3A_1681 = tpu.memref_squeeze %dma_start3A_1680 : memref<1x16x1024xf32, #tpu.memory_space<hbm>> -> memref<16x1024xf32, #tpu.memory_space<hbm>>
    %dma_start3A_1682 = tpu.memref_slice %arg7[%dma_start3A_1674] : memref<7x!tpu.dma_semaphore, #tpu.memory_space<semaphore_mem>> -> memref<1x!tpu.dma_semaphore, #tpu.memory_space<semaphore_mem>>
    %dma_start3A_1683 = tpu.memref_squeeze %dma_start3A_1682 : memref<1x!tpu.dma_semaphore, #tpu.memory_space<semaphore_mem>> -> memref<!tpu.dma_semaphore, #tpu.memory_space<semaphore_mem>>
    %dma_start3A_1684 = arith.constant 0 : i32
    %dma_start3A_1685 = tpu.memref_slice %arg4[%select_n3A, %add3A_1672, %dma_start3A_1684] : memref<4x4096x1024xf32, #tpu.memory_space<hbm>> -> memref<1x16x1024xf32, #tpu.memory_space<hbm>>
    %dma_start3A_1686 = tpu.memref_squeeze %dma_start3A_1685 : memref<1x16x1024xf32, #tpu.memory_space<hbm>> -> memref<16x1024xf32, #tpu.memory_space<hbm>>
    %dma_start3A_1687 = arith.constant 0 : i32
    %dma_start3A_1688 = arith.constant 0 : i32
    %dma_start3A_1689 = tpu.memref_slice %arg6[%dma_start3A_1673, %dma_start3A_1687, %dma_start3A_1688] : memref<7x16x1024xf32, #tpu.memory_space<vmem>> -> memref<1x16x1024xf32, #tpu.memory_space<vmem>>
    %dma_start3A_1690 = tpu.memref_squeeze %dma_start3A_1689 : memref<1x16x1024xf32, #tpu.memory_space<vmem>> -> memref<16x1024xf32, #tpu.memory_space<vmem>>
    tpu.enqueue_dma source(%dma_start3A_1690 : memref<16x1024xf32, #tpu.memory_space<vmem>>) target(%dma_start3A_1686 : memref<16x1024xf32, #tpu.memory_space<hbm>>) target_semaphore(%dma_start3A_1683 : memref<!tpu.dma_semaphore, #tpu.memory_space<semaphore_mem>>)
    %dma_wait3A_1691 = arith.constant 3 : i32
    %dma_wait3A_1692 = arith.constant 3 : i32
    %dma_wait3A_1693 = arith.constant 0 : i32
    %dma_wait3A_1694 = arith.constant 0 : i32
    %dma_wait3A_1695 = tpu.memref_slice %arg6[%dma_wait3A_1691, %dma_wait3A_1693, %dma_wait3A_1694] : memref<7x16x1024xf32, #tpu.memory_space<vmem>> -> memref<1x16x1024xf32, #tpu.memory_space<vmem>>
    %dma_wait3A_1696 = tpu.memref_squeeze %dma_wait3A_1695 : memref<1x16x1024xf32, #tpu.memory_space<vmem>> -> memref<16x1024xf32, #tpu.memory_space<vmem>>
    %dma_wait3A_1697 = arith.constant 0 : i32
    %dma_wait3A_1698 = tpu.memref_slice %arg4[%select_n3A, %add3A_1672, %dma_wait3A_1697] : memref<4x4096x1024xf32, #tpu.memory_space<hbm>> -> memref<1x16x1024xf32, #tpu.memory_space<hbm>>
    %dma_wait3A_1699 = tpu.memref_squeeze %dma_wait3A_1698 : memref<1x16x1024xf32, #tpu.memory_space<hbm>> -> memref<16x1024xf32, #tpu.memory_space<hbm>>
    %dma_wait3A_1700 = tpu.memref_slice %arg7[%dma_wait3A_1692] : memref<7x!tpu.dma_semaphore, #tpu.memory_space<semaphore_mem>> -> memref<1x!tpu.dma_semaphore, #tpu.memory_space<semaphore_mem>>
    %dma_wait3A_1701 = tpu.memref_squeeze %dma_wait3A_1700 : memref<1x!tpu.dma_semaphore, #tpu.memory_space<semaphore_mem>> -> memref<!tpu.dma_semaphore, #tpu.memory_space<semaphore_mem>>
    %dma_wait3A_1702 = arith.constant 0 : i32
    %dma_wait3A_1703 = tpu.memref_slice %arg4[%select_n3A, %add3A_1672, %dma_wait3A_1702] : memref<4x4096x1024xf32, #tpu.memory_space<hbm>> -> memref<1x16x1024xf32, #tpu.memory_space<hbm>>
    %dma_wait3A_1704 = tpu.memref_squeeze %dma_wait3A_1703 : memref<1x16x1024xf32, #tpu.memory_space<hbm>> -> memref<16x1024xf32, #tpu.memory_space<hbm>>
    %dma_wait3A_1705 = arith.constant 0 : i32
    %dma_wait3A_1706 = arith.constant 0 : i32
    %dma_wait3A_1707 = tpu.memref_slice %arg6[%dma_wait3A_1691, %dma_wait3A_1705, %dma_wait3A_1706] : memref<7x16x1024xf32, #tpu.memory_space<vmem>> -> memref<1x16x1024xf32, #tpu.memory_space<vmem>>
    %dma_wait3A_1708 = tpu.memref_squeeze %dma_wait3A_1707 : memref<1x16x1024xf32, #tpu.memory_space<vmem>> -> memref<16x1024xf32, #tpu.memory_space<vmem>>
    tpu.wait_dma2 semaphore(%dma_wait3A_1701 : memref<!tpu.dma_semaphore, #tpu.memory_space<semaphore_mem>>) src(%dma_wait3A_1708 : memref<16x1024xf32, #tpu.memory_space<vmem>>) dst(%dma_wait3A_1704 : memref<16x1024xf32, #tpu.memory_space<hbm>>)
    %dma_start3A_1709 = arith.constant 3 : i32
    %dma_start3A_1710 = arith.constant 3 : i32
    %dma_start3A_1711 = arith.constant 0 : i32
    %dma_start3A_1712 = arith.constant 0 : i32
    %dma_start3A_1713 = tpu.memref_slice %arg6[%dma_start3A_1709, %dma_start3A_1711, %dma_start3A_1712] : memref<7x16x1024xf32, #tpu.memory_space<vmem>> -> memref<1x16x1024xf32, #tpu.memory_space<vmem>>
    %dma_start3A_1714 = tpu.memref_squeeze %dma_start3A_1713 : memref<1x16x1024xf32, #tpu.memory_space<vmem>> -> memref<16x1024xf32, #tpu.memory_space<vmem>>
    %dma_start3A_1715 = arith.constant 496 : i32
    %dma_start3A_1716 = tpu.memref_slice %arg5[%dma_start3A_1715] : memref<512xi32, #tpu.memory_space<vmem>> -> memref<16xi32, #tpu.memory_space<vmem>>
    %dma_start3A_1717 = arith.constant 0 : i32
    %dma_start3A_1718 = arith.constant 0 : i32
    %dma_start3A_1719 = tpu.memref_slice %arg3[%dma_start3A_1717, %dma_start3A_1718] : memref<5000x1024xf32, #tpu.memory_space<hbm>> -> memref<5000x1024xf32, #tpu.memory_space<hbm>>
    %dma_start3A_1720 = tpu.memref_slice %arg7[%dma_start3A_1710] : memref<7x!tpu.dma_semaphore, #tpu.memory_space<semaphore_mem>> -> memref<1x!tpu.dma_semaphore, #tpu.memory_space<semaphore_mem>>
    %dma_start3A_1721 = tpu.memref_squeeze %dma_start3A_1720 : memref<1x!tpu.dma_semaphore, #tpu.memory_space<semaphore_mem>> -> memref<!tpu.dma_semaphore, #tpu.memory_space<semaphore_mem>>
    tpu.enqueue_indirect_dma source(%dma_start3A_1719 : memref<5000x1024xf32, #tpu.memory_space<hbm>>) target(%dma_start3A_1714 : memref<16x1024xf32, #tpu.memory_space<vmem>>) offsets(%dma_start3A_1716 : memref<16xi32, #tpu.memory_space<vmem>>) semaphore(%dma_start3A_1721 : memref<!tpu.dma_semaphore, #tpu.memory_space<semaphore_mem>>)
    %dma_wait3A_1722 = arith.constant 4 : i32
    %dma_wait3A_1723 = arith.constant 4 : i32
    %dma_wait3A_1724 = arith.constant 0 : i32
    %dma_wait3A_1725 = arith.constant 0 : i32
    %dma_wait3A_1726 = tpu.memref_slice %arg6[%dma_wait3A_1722, %dma_wait3A_1724, %dma_wait3A_1725] : memref<7x16x1024xf32, #tpu.memory_space<vmem>> -> memref<1x16x1024xf32, #tpu.memory_space<vmem>>
    %dma_wait3A_1727 = tpu.memref_squeeze %dma_wait3A_1726 : memref<1x16x1024xf32, #tpu.memory_space<vmem>> -> memref<16x1024xf32, #tpu.memory_space<vmem>>
    %dma_wait3A_1728 = arith.constant 400 : i32
    %dma_wait3A_1729 = tpu.memref_slice %arg5[%dma_wait3A_1728] : memref<512xi32, #tpu.memory_space<vmem>> -> memref<16xi32, #tpu.memory_space<vmem>>
    %dma_wait3A_1730 = arith.constant 0 : i32
    %dma_wait3A_1731 = arith.constant 0 : i32
    %dma_wait3A_1732 = tpu.memref_slice %arg3[%dma_wait3A_1730, %dma_wait3A_1731] : memref<5000x1024xf32, #tpu.memory_space<hbm>> -> memref<5000x1024xf32, #tpu.memory_space<hbm>>
    %dma_wait3A_1733 = tpu.memref_slice %arg7[%dma_wait3A_1723] : memref<7x!tpu.dma_semaphore, #tpu.memory_space<semaphore_mem>> -> memref<1x!tpu.dma_semaphore, #tpu.memory_space<semaphore_mem>>
    %dma_wait3A_1734 = tpu.memref_squeeze %dma_wait3A_1733 : memref<1x!tpu.dma_semaphore, #tpu.memory_space<semaphore_mem>> -> memref<!tpu.dma_semaphore, #tpu.memory_space<semaphore_mem>>
    tpu.wait_indirect_dma semaphore(%dma_wait3A_1734 : memref<!tpu.dma_semaphore, #tpu.memory_space<semaphore_mem>>) src(%dma_wait3A_1732 : memref<5000x1024xf32, #tpu.memory_space<hbm>>) dst(%dma_wait3A_1727 : memref<16x1024xf32, #tpu.memory_space<vmem>>)
    %add3A_1735 = arith.constant 400 : i32
    %add3A_1736 = arith.addi %mul3A_32, %add3A_1735 : i32
    %dma_start3A_1737 = arith.constant 4 : i32
    %dma_start3A_1738 = arith.constant 4 : i32
    %dma_start3A_1739 = arith.constant 0 : i32
    %dma_start3A_1740 = arith.constant 0 : i32
    %dma_start3A_1741 = tpu.memref_slice %arg6[%dma_start3A_1737, %dma_start3A_1739, %dma_start3A_1740] : memref<7x16x1024xf32, #tpu.memory_space<vmem>> -> memref<1x16x1024xf32, #tpu.memory_space<vmem>>
    %dma_start3A_1742 = tpu.memref_squeeze %dma_start3A_1741 : memref<1x16x1024xf32, #tpu.memory_space<vmem>> -> memref<16x1024xf32, #tpu.memory_space<vmem>>
    %dma_start3A_1743 = arith.constant 0 : i32
    %dma_start3A_1744 = tpu.memref_slice %arg4[%select_n3A, %add3A_1736, %dma_start3A_1743] : memref<4x4096x1024xf32, #tpu.memory_space<hbm>> -> memref<1x16x1024xf32, #tpu.memory_space<hbm>>
    %dma_start3A_1745 = tpu.memref_squeeze %dma_start3A_1744 : memref<1x16x1024xf32, #tpu.memory_space<hbm>> -> memref<16x1024xf32, #tpu.memory_space<hbm>>
    %dma_start3A_1746 = tpu.memref_slice %arg7[%dma_start3A_1738] : memref<7x!tpu.dma_semaphore, #tpu.memory_space<semaphore_mem>> -> memref<1x!tpu.dma_semaphore, #tpu.memory_space<semaphore_mem>>
    %dma_start3A_1747 = tpu.memref_squeeze %dma_start3A_1746 : memref<1x!tpu.dma_semaphore, #tpu.memory_space<semaphore_mem>> -> memref<!tpu.dma_semaphore, #tpu.memory_space<semaphore_mem>>
    %dma_start3A_1748 = arith.constant 0 : i32
    %dma_start3A_1749 = tpu.memref_slice %arg4[%select_n3A, %add3A_1736, %dma_start3A_1748] : memref<4x4096x1024xf32, #tpu.memory_space<hbm>> -> memref<1x16x1024xf32, #tpu.memory_space<hbm>>
    %dma_start3A_1750 = tpu.memref_squeeze %dma_start3A_1749 : memref<1x16x1024xf32, #tpu.memory_space<hbm>> -> memref<16x1024xf32, #tpu.memory_space<hbm>>
    %dma_start3A_1751 = arith.constant 0 : i32
    %dma_start3A_1752 = arith.constant 0 : i32
    %dma_start3A_1753 = tpu.memref_slice %arg6[%dma_start3A_1737, %dma_start3A_1751, %dma_start3A_1752] : memref<7x16x1024xf32, #tpu.memory_space<vmem>> -> memref<1x16x1024xf32, #tpu.memory_space<vmem>>
    %dma_start3A_1754 = tpu.memref_squeeze %dma_start3A_1753 : memref<1x16x1024xf32, #tpu.memory_space<vmem>> -> memref<16x1024xf32, #tpu.memory_space<vmem>>
    tpu.enqueue_dma source(%dma_start3A_1754 : memref<16x1024xf32, #tpu.memory_space<vmem>>) target(%dma_start3A_1750 : memref<16x1024xf32, #tpu.memory_space<hbm>>) target_semaphore(%dma_start3A_1747 : memref<!tpu.dma_semaphore, #tpu.memory_space<semaphore_mem>>)
    %dma_wait3A_1755 = arith.constant 5 : i32
    %dma_wait3A_1756 = arith.constant 5 : i32
    %dma_wait3A_1757 = arith.constant 0 : i32
    %dma_wait3A_1758 = arith.constant 0 : i32
    %dma_wait3A_1759 = tpu.memref_slice %arg6[%dma_wait3A_1755, %dma_wait3A_1757, %dma_wait3A_1758] : memref<7x16x1024xf32, #tpu.memory_space<vmem>> -> memref<1x16x1024xf32, #tpu.memory_space<vmem>>
    %dma_wait3A_1760 = tpu.memref_squeeze %dma_wait3A_1759 : memref<1x16x1024xf32, #tpu.memory_space<vmem>> -> memref<16x1024xf32, #tpu.memory_space<vmem>>
    %dma_wait3A_1761 = arith.constant 416 : i32
    %dma_wait3A_1762 = tpu.memref_slice %arg5[%dma_wait3A_1761] : memref<512xi32, #tpu.memory_space<vmem>> -> memref<16xi32, #tpu.memory_space<vmem>>
    %dma_wait3A_1763 = arith.constant 0 : i32
    %dma_wait3A_1764 = arith.constant 0 : i32
    %dma_wait3A_1765 = tpu.memref_slice %arg3[%dma_wait3A_1763, %dma_wait3A_1764] : memref<5000x1024xf32, #tpu.memory_space<hbm>> -> memref<5000x1024xf32, #tpu.memory_space<hbm>>
    %dma_wait3A_1766 = tpu.memref_slice %arg7[%dma_wait3A_1756] : memref<7x!tpu.dma_semaphore, #tpu.memory_space<semaphore_mem>> -> memref<1x!tpu.dma_semaphore, #tpu.memory_space<semaphore_mem>>
    %dma_wait3A_1767 = tpu.memref_squeeze %dma_wait3A_1766 : memref<1x!tpu.dma_semaphore, #tpu.memory_space<semaphore_mem>> -> memref<!tpu.dma_semaphore, #tpu.memory_space<semaphore_mem>>
    tpu.wait_indirect_dma semaphore(%dma_wait3A_1767 : memref<!tpu.dma_semaphore, #tpu.memory_space<semaphore_mem>>) src(%dma_wait3A_1765 : memref<5000x1024xf32, #tpu.memory_space<hbm>>) dst(%dma_wait3A_1760 : memref<16x1024xf32, #tpu.memory_space<vmem>>)
    %add3A_1768 = arith.constant 416 : i32
    %add3A_1769 = arith.addi %mul3A_32, %add3A_1768 : i32
    %dma_start3A_1770 = arith.constant 5 : i32
    %dma_start3A_1771 = arith.constant 5 : i32
    %dma_start3A_1772 = arith.constant 0 : i32
    %dma_start3A_1773 = arith.constant 0 : i32
    %dma_start3A_1774 = tpu.memref_slice %arg6[%dma_start3A_1770, %dma_start3A_1772, %dma_start3A_1773] : memref<7x16x1024xf32, #tpu.memory_space<vmem>> -> memref<1x16x1024xf32, #tpu.memory_space<vmem>>
    %dma_start3A_1775 = tpu.memref_squeeze %dma_start3A_1774 : memref<1x16x1024xf32, #tpu.memory_space<vmem>> -> memref<16x1024xf32, #tpu.memory_space<vmem>>
    %dma_start3A_1776 = arith.constant 0 : i32
    %dma_start3A_1777 = tpu.memref_slice %arg4[%select_n3A, %add3A_1769, %dma_start3A_1776] : memref<4x4096x1024xf32, #tpu.memory_space<hbm>> -> memref<1x16x1024xf32, #tpu.memory_space<hbm>>
    %dma_start3A_1778 = tpu.memref_squeeze %dma_start3A_1777 : memref<1x16x1024xf32, #tpu.memory_space<hbm>> -> memref<16x1024xf32, #tpu.memory_space<hbm>>
    %dma_start3A_1779 = tpu.memref_slice %arg7[%dma_start3A_1771] : memref<7x!tpu.dma_semaphore, #tpu.memory_space<semaphore_mem>> -> memref<1x!tpu.dma_semaphore, #tpu.memory_space<semaphore_mem>>
    %dma_start3A_1780 = tpu.memref_squeeze %dma_start3A_1779 : memref<1x!tpu.dma_semaphore, #tpu.memory_space<semaphore_mem>> -> memref<!tpu.dma_semaphore, #tpu.memory_space<semaphore_mem>>
    %dma_start3A_1781 = arith.constant 0 : i32
    %dma_start3A_1782 = tpu.memref_slice %arg4[%select_n3A, %add3A_1769, %dma_start3A_1781] : memref<4x4096x1024xf32, #tpu.memory_space<hbm>> -> memref<1x16x1024xf32, #tpu.memory_space<hbm>>
    %dma_start3A_1783 = tpu.memref_squeeze %dma_start3A_1782 : memref<1x16x1024xf32, #tpu.memory_space<hbm>> -> memref<16x1024xf32, #tpu.memory_space<hbm>>
    %dma_start3A_1784 = arith.constant 0 : i32
    %dma_start3A_1785 = arith.constant 0 : i32
    %dma_start3A_1786 = tpu.memref_slice %arg6[%dma_start3A_1770, %dma_start3A_1784, %dma_start3A_1785] : memref<7x16x1024xf32, #tpu.memory_space<vmem>> -> memref<1x16x1024xf32, #tpu.memory_space<vmem>>
    %dma_start3A_1787 = tpu.memref_squeeze %dma_start3A_1786 : memref<1x16x1024xf32, #tpu.memory_space<vmem>> -> memref<16x1024xf32, #tpu.memory_space<vmem>>
    tpu.enqueue_dma source(%dma_start3A_1787 : memref<16x1024xf32, #tpu.memory_space<vmem>>) target(%dma_start3A_1783 : memref<16x1024xf32, #tpu.memory_space<hbm>>) target_semaphore(%dma_start3A_1780 : memref<!tpu.dma_semaphore, #tpu.memory_space<semaphore_mem>>)
    %dma_wait3A_1788 = arith.constant 6 : i32
    %dma_wait3A_1789 = arith.constant 6 : i32
    %dma_wait3A_1790 = arith.constant 0 : i32
    %dma_wait3A_1791 = arith.constant 0 : i32
    %dma_wait3A_1792 = tpu.memref_slice %arg6[%dma_wait3A_1788, %dma_wait3A_1790, %dma_wait3A_1791] : memref<7x16x1024xf32, #tpu.memory_space<vmem>> -> memref<1x16x1024xf32, #tpu.memory_space<vmem>>
    %dma_wait3A_1793 = tpu.memref_squeeze %dma_wait3A_1792 : memref<1x16x1024xf32, #tpu.memory_space<vmem>> -> memref<16x1024xf32, #tpu.memory_space<vmem>>
    %dma_wait3A_1794 = arith.constant 432 : i32
    %dma_wait3A_1795 = tpu.memref_slice %arg5[%dma_wait3A_1794] : memref<512xi32, #tpu.memory_space<vmem>> -> memref<16xi32, #tpu.memory_space<vmem>>
    %dma_wait3A_1796 = arith.constant 0 : i32
    %dma_wait3A_1797 = arith.constant 0 : i32
    %dma_wait3A_1798 = tpu.memref_slice %arg3[%dma_wait3A_1796, %dma_wait3A_1797] : memref<5000x1024xf32, #tpu.memory_space<hbm>> -> memref<5000x1024xf32, #tpu.memory_space<hbm>>
    %dma_wait3A_1799 = tpu.memref_slice %arg7[%dma_wait3A_1789] : memref<7x!tpu.dma_semaphore, #tpu.memory_space<semaphore_mem>> -> memref<1x!tpu.dma_semaphore, #tpu.memory_space<semaphore_mem>>
    %dma_wait3A_1800 = tpu.memref_squeeze %dma_wait3A_1799 : memref<1x!tpu.dma_semaphore, #tpu.memory_space<semaphore_mem>> -> memref<!tpu.dma_semaphore, #tpu.memory_space<semaphore_mem>>
    tpu.wait_indirect_dma semaphore(%dma_wait3A_1800 : memref<!tpu.dma_semaphore, #tpu.memory_space<semaphore_mem>>) src(%dma_wait3A_1798 : memref<5000x1024xf32, #tpu.memory_space<hbm>>) dst(%dma_wait3A_1793 : memref<16x1024xf32, #tpu.memory_space<vmem>>)
    %add3A_1801 = arith.constant 432 : i32
    %add3A_1802 = arith.addi %mul3A_32, %add3A_1801 : i32
    %dma_start3A_1803 = arith.constant 6 : i32
    %dma_start3A_1804 = arith.constant 6 : i32
    %dma_start3A_1805 = arith.constant 0 : i32
    %dma_start3A_1806 = arith.constant 0 : i32
    %dma_start3A_1807 = tpu.memref_slice %arg6[%dma_start3A_1803, %dma_start3A_1805, %dma_start3A_1806] : memref<7x16x1024xf32, #tpu.memory_space<vmem>> -> memref<1x16x1024xf32, #tpu.memory_space<vmem>>
    %dma_start3A_1808 = tpu.memref_squeeze %dma_start3A_1807 : memref<1x16x1024xf32, #tpu.memory_space<vmem>> -> memref<16x1024xf32, #tpu.memory_space<vmem>>
    %dma_start3A_1809 = arith.constant 0 : i32
    %dma_start3A_1810 = tpu.memref_slice %arg4[%select_n3A, %add3A_1802, %dma_start3A_1809] : memref<4x4096x1024xf32, #tpu.memory_space<hbm>> -> memref<1x16x1024xf32, #tpu.memory_space<hbm>>
    %dma_start3A_1811 = tpu.memref_squeeze %dma_start3A_1810 : memref<1x16x1024xf32, #tpu.memory_space<hbm>> -> memref<16x1024xf32, #tpu.memory_space<hbm>>
    %dma_start3A_1812 = tpu.memref_slice %arg7[%dma_start3A_1804] : memref<7x!tpu.dma_semaphore, #tpu.memory_space<semaphore_mem>> -> memref<1x!tpu.dma_semaphore, #tpu.memory_space<semaphore_mem>>
    %dma_start3A_1813 = tpu.memref_squeeze %dma_start3A_1812 : memref<1x!tpu.dma_semaphore, #tpu.memory_space<semaphore_mem>> -> memref<!tpu.dma_semaphore, #tpu.memory_space<semaphore_mem>>
    %dma_start3A_1814 = arith.constant 0 : i32
    %dma_start3A_1815 = tpu.memref_slice %arg4[%select_n3A, %add3A_1802, %dma_start3A_1814] : memref<4x4096x1024xf32, #tpu.memory_space<hbm>> -> memref<1x16x1024xf32, #tpu.memory_space<hbm>>
    %dma_start3A_1816 = tpu.memref_squeeze %dma_start3A_1815 : memref<1x16x1024xf32, #tpu.memory_space<hbm>> -> memref<16x1024xf32, #tpu.memory_space<hbm>>
    %dma_start3A_1817 = arith.constant 0 : i32
    %dma_start3A_1818 = arith.constant 0 : i32
    %dma_start3A_1819 = tpu.memref_slice %arg6[%dma_start3A_1803, %dma_start3A_1817, %dma_start3A_1818] : memref<7x16x1024xf32, #tpu.memory_space<vmem>> -> memref<1x16x1024xf32, #tpu.memory_space<vmem>>
    %dma_start3A_1820 = tpu.memref_squeeze %dma_start3A_1819 : memref<1x16x1024xf32, #tpu.memory_space<vmem>> -> memref<16x1024xf32, #tpu.memory_space<vmem>>
    tpu.enqueue_dma source(%dma_start3A_1820 : memref<16x1024xf32, #tpu.memory_space<vmem>>) target(%dma_start3A_1816 : memref<16x1024xf32, #tpu.memory_space<hbm>>) target_semaphore(%dma_start3A_1813 : memref<!tpu.dma_semaphore, #tpu.memory_space<semaphore_mem>>)
    %dma_wait3A_1821 = arith.constant 0 : i32
    %dma_wait3A_1822 = arith.constant 0 : i32
    %dma_wait3A_1823 = arith.constant 0 : i32
    %dma_wait3A_1824 = arith.constant 0 : i32
    %dma_wait3A_1825 = tpu.memref_slice %arg6[%dma_wait3A_1821, %dma_wait3A_1823, %dma_wait3A_1824] : memref<7x16x1024xf32, #tpu.memory_space<vmem>> -> memref<1x16x1024xf32, #tpu.memory_space<vmem>>
    %dma_wait3A_1826 = tpu.memref_squeeze %dma_wait3A_1825 : memref<1x16x1024xf32, #tpu.memory_space<vmem>> -> memref<16x1024xf32, #tpu.memory_space<vmem>>
    %dma_wait3A_1827 = arith.constant 448 : i32
    %dma_wait3A_1828 = tpu.memref_slice %arg5[%dma_wait3A_1827] : memref<512xi32, #tpu.memory_space<vmem>> -> memref<16xi32, #tpu.memory_space<vmem>>
    %dma_wait3A_1829 = arith.constant 0 : i32
    %dma_wait3A_1830 = arith.constant 0 : i32
    %dma_wait3A_1831 = tpu.memref_slice %arg3[%dma_wait3A_1829, %dma_wait3A_1830] : memref<5000x1024xf32, #tpu.memory_space<hbm>> -> memref<5000x1024xf32, #tpu.memory_space<hbm>>
    %dma_wait3A_1832 = tpu.memref_slice %arg7[%dma_wait3A_1822] : memref<7x!tpu.dma_semaphore, #tpu.memory_space<semaphore_mem>> -> memref<1x!tpu.dma_semaphore, #tpu.memory_space<semaphore_mem>>
    %dma_wait3A_1833 = tpu.memref_squeeze %dma_wait3A_1832 : memref<1x!tpu.dma_semaphore, #tpu.memory_space<semaphore_mem>> -> memref<!tpu.dma_semaphore, #tpu.memory_space<semaphore_mem>>
    tpu.wait_indirect_dma semaphore(%dma_wait3A_1833 : memref<!tpu.dma_semaphore, #tpu.memory_space<semaphore_mem>>) src(%dma_wait3A_1831 : memref<5000x1024xf32, #tpu.memory_space<hbm>>) dst(%dma_wait3A_1826 : memref<16x1024xf32, #tpu.memory_space<vmem>>)
    %add3A_1834 = arith.constant 448 : i32
    %add3A_1835 = arith.addi %mul3A_32, %add3A_1834 : i32
    %dma_start3A_1836 = arith.constant 0 : i32
    %dma_start3A_1837 = arith.constant 0 : i32
    %dma_start3A_1838 = arith.constant 0 : i32
    %dma_start3A_1839 = arith.constant 0 : i32
    %dma_start3A_1840 = tpu.memref_slice %arg6[%dma_start3A_1836, %dma_start3A_1838, %dma_start3A_1839] : memref<7x16x1024xf32, #tpu.memory_space<vmem>> -> memref<1x16x1024xf32, #tpu.memory_space<vmem>>
    %dma_start3A_1841 = tpu.memref_squeeze %dma_start3A_1840 : memref<1x16x1024xf32, #tpu.memory_space<vmem>> -> memref<16x1024xf32, #tpu.memory_space<vmem>>
    %dma_start3A_1842 = arith.constant 0 : i32
    %dma_start3A_1843 = tpu.memref_slice %arg4[%select_n3A, %add3A_1835, %dma_start3A_1842] : memref<4x4096x1024xf32, #tpu.memory_space<hbm>> -> memref<1x16x1024xf32, #tpu.memory_space<hbm>>
    %dma_start3A_1844 = tpu.memref_squeeze %dma_start3A_1843 : memref<1x16x1024xf32, #tpu.memory_space<hbm>> -> memref<16x1024xf32, #tpu.memory_space<hbm>>
    %dma_start3A_1845 = tpu.memref_slice %arg7[%dma_start3A_1837] : memref<7x!tpu.dma_semaphore, #tpu.memory_space<semaphore_mem>> -> memref<1x!tpu.dma_semaphore, #tpu.memory_space<semaphore_mem>>
    %dma_start3A_1846 = tpu.memref_squeeze %dma_start3A_1845 : memref<1x!tpu.dma_semaphore, #tpu.memory_space<semaphore_mem>> -> memref<!tpu.dma_semaphore, #tpu.memory_space<semaphore_mem>>
    %dma_start3A_1847 = arith.constant 0 : i32
    %dma_start3A_1848 = tpu.memref_slice %arg4[%select_n3A, %add3A_1835, %dma_start3A_1847] : memref<4x4096x1024xf32, #tpu.memory_space<hbm>> -> memref<1x16x1024xf32, #tpu.memory_space<hbm>>
    %dma_start3A_1849 = tpu.memref_squeeze %dma_start3A_1848 : memref<1x16x1024xf32, #tpu.memory_space<hbm>> -> memref<16x1024xf32, #tpu.memory_space<hbm>>
    %dma_start3A_1850 = arith.constant 0 : i32
    %dma_start3A_1851 = arith.constant 0 : i32
    %dma_start3A_1852 = tpu.memref_slice %arg6[%dma_start3A_1836, %dma_start3A_1850, %dma_start3A_1851] : memref<7x16x1024xf32, #tpu.memory_space<vmem>> -> memref<1x16x1024xf32, #tpu.memory_space<vmem>>
    %dma_start3A_1853 = tpu.memref_squeeze %dma_start3A_1852 : memref<1x16x1024xf32, #tpu.memory_space<vmem>> -> memref<16x1024xf32, #tpu.memory_space<vmem>>
    tpu.enqueue_dma source(%dma_start3A_1853 : memref<16x1024xf32, #tpu.memory_space<vmem>>) target(%dma_start3A_1849 : memref<16x1024xf32, #tpu.memory_space<hbm>>) target_semaphore(%dma_start3A_1846 : memref<!tpu.dma_semaphore, #tpu.memory_space<semaphore_mem>>)
    %dma_wait3A_1854 = arith.constant 1 : i32
    %dma_wait3A_1855 = arith.constant 1 : i32
    %dma_wait3A_1856 = arith.constant 0 : i32
    %dma_wait3A_1857 = arith.constant 0 : i32
    %dma_wait3A_1858 = tpu.memref_slice %arg6[%dma_wait3A_1854, %dma_wait3A_1856, %dma_wait3A_1857] : memref<7x16x1024xf32, #tpu.memory_space<vmem>> -> memref<1x16x1024xf32, #tpu.memory_space<vmem>>
    %dma_wait3A_1859 = tpu.memref_squeeze %dma_wait3A_1858 : memref<1x16x1024xf32, #tpu.memory_space<vmem>> -> memref<16x1024xf32, #tpu.memory_space<vmem>>
    %dma_wait3A_1860 = arith.constant 464 : i32
    %dma_wait3A_1861 = tpu.memref_slice %arg5[%dma_wait3A_1860] : memref<512xi32, #tpu.memory_space<vmem>> -> memref<16xi32, #tpu.memory_space<vmem>>
    %dma_wait3A_1862 = arith.constant 0 : i32
    %dma_wait3A_1863 = arith.constant 0 : i32
    %dma_wait3A_1864 = tpu.memref_slice %arg3[%dma_wait3A_1862, %dma_wait3A_1863] : memref<5000x1024xf32, #tpu.memory_space<hbm>> -> memref<5000x1024xf32, #tpu.memory_space<hbm>>
    %dma_wait3A_1865 = tpu.memref_slice %arg7[%dma_wait3A_1855] : memref<7x!tpu.dma_semaphore, #tpu.memory_space<semaphore_mem>> -> memref<1x!tpu.dma_semaphore, #tpu.memory_space<semaphore_mem>>
    %dma_wait3A_1866 = tpu.memref_squeeze %dma_wait3A_1865 : memref<1x!tpu.dma_semaphore, #tpu.memory_space<semaphore_mem>> -> memref<!tpu.dma_semaphore, #tpu.memory_space<semaphore_mem>>
    tpu.wait_indirect_dma semaphore(%dma_wait3A_1866 : memref<!tpu.dma_semaphore, #tpu.memory_space<semaphore_mem>>) src(%dma_wait3A_1864 : memref<5000x1024xf32, #tpu.memory_space<hbm>>) dst(%dma_wait3A_1859 : memref<16x1024xf32, #tpu.memory_space<vmem>>)
    %add3A_1867 = arith.constant 464 : i32
    %add3A_1868 = arith.addi %mul3A_32, %add3A_1867 : i32
    %dma_start3A_1869 = arith.constant 1 : i32
    %dma_start3A_1870 = arith.constant 1 : i32
    %dma_start3A_1871 = arith.constant 0 : i32
    %dma_start3A_1872 = arith.constant 0 : i32
    %dma_start3A_1873 = tpu.memref_slice %arg6[%dma_start3A_1869, %dma_start3A_1871, %dma_start3A_1872] : memref<7x16x1024xf32, #tpu.memory_space<vmem>> -> memref<1x16x1024xf32, #tpu.memory_space<vmem>>
    %dma_start3A_1874 = tpu.memref_squeeze %dma_start3A_1873 : memref<1x16x1024xf32, #tpu.memory_space<vmem>> -> memref<16x1024xf32, #tpu.memory_space<vmem>>
    %dma_start3A_1875 = arith.constant 0 : i32
    %dma_start3A_1876 = tpu.memref_slice %arg4[%select_n3A, %add3A_1868, %dma_start3A_1875] : memref<4x4096x1024xf32, #tpu.memory_space<hbm>> -> memref<1x16x1024xf32, #tpu.memory_space<hbm>>
    %dma_start3A_1877 = tpu.memref_squeeze %dma_start3A_1876 : memref<1x16x1024xf32, #tpu.memory_space<hbm>> -> memref<16x1024xf32, #tpu.memory_space<hbm>>
    %dma_start3A_1878 = tpu.memref_slice %arg7[%dma_start3A_1870] : memref<7x!tpu.dma_semaphore, #tpu.memory_space<semaphore_mem>> -> memref<1x!tpu.dma_semaphore, #tpu.memory_space<semaphore_mem>>
    %dma_start3A_1879 = tpu.memref_squeeze %dma_start3A_1878 : memref<1x!tpu.dma_semaphore, #tpu.memory_space<semaphore_mem>> -> memref<!tpu.dma_semaphore, #tpu.memory_space<semaphore_mem>>
    %dma_start3A_1880 = arith.constant 0 : i32
    %dma_start3A_1881 = tpu.memref_slice %arg4[%select_n3A, %add3A_1868, %dma_start3A_1880] : memref<4x4096x1024xf32, #tpu.memory_space<hbm>> -> memref<1x16x1024xf32, #tpu.memory_space<hbm>>
    %dma_start3A_1882 = tpu.memref_squeeze %dma_start3A_1881 : memref<1x16x1024xf32, #tpu.memory_space<hbm>> -> memref<16x1024xf32, #tpu.memory_space<hbm>>
    %dma_start3A_1883 = arith.constant 0 : i32
    %dma_start3A_1884 = arith.constant 0 : i32
    %dma_start3A_1885 = tpu.memref_slice %arg6[%dma_start3A_1869, %dma_start3A_1883, %dma_start3A_1884] : memref<7x16x1024xf32, #tpu.memory_space<vmem>> -> memref<1x16x1024xf32, #tpu.memory_space<vmem>>
    %dma_start3A_1886 = tpu.memref_squeeze %dma_start3A_1885 : memref<1x16x1024xf32, #tpu.memory_space<vmem>> -> memref<16x1024xf32, #tpu.memory_space<vmem>>
    tpu.enqueue_dma source(%dma_start3A_1886 : memref<16x1024xf32, #tpu.memory_space<vmem>>) target(%dma_start3A_1882 : memref<16x1024xf32, #tpu.memory_space<hbm>>) target_semaphore(%dma_start3A_1879 : memref<!tpu.dma_semaphore, #tpu.memory_space<semaphore_mem>>)
    %dma_wait3A_1887 = arith.constant 2 : i32
    %dma_wait3A_1888 = arith.constant 2 : i32
    %dma_wait3A_1889 = arith.constant 0 : i32
    %dma_wait3A_1890 = arith.constant 0 : i32
    %dma_wait3A_1891 = tpu.memref_slice %arg6[%dma_wait3A_1887, %dma_wait3A_1889, %dma_wait3A_1890] : memref<7x16x1024xf32, #tpu.memory_space<vmem>> -> memref<1x16x1024xf32, #tpu.memory_space<vmem>>
    %dma_wait3A_1892 = tpu.memref_squeeze %dma_wait3A_1891 : memref<1x16x1024xf32, #tpu.memory_space<vmem>> -> memref<16x1024xf32, #tpu.memory_space<vmem>>
    %dma_wait3A_1893 = arith.constant 480 : i32
    %dma_wait3A_1894 = tpu.memref_slice %arg5[%dma_wait3A_1893] : memref<512xi32, #tpu.memory_space<vmem>> -> memref<16xi32, #tpu.memory_space<vmem>>
    %dma_wait3A_1895 = arith.constant 0 : i32
    %dma_wait3A_1896 = arith.constant 0 : i32
    %dma_wait3A_1897 = tpu.memref_slice %arg3[%dma_wait3A_1895, %dma_wait3A_1896] : memref<5000x1024xf32, #tpu.memory_space<hbm>> -> memref<5000x1024xf32, #tpu.memory_space<hbm>>
    %dma_wait3A_1898 = tpu.memref_slice %arg7[%dma_wait3A_1888] : memref<7x!tpu.dma_semaphore, #tpu.memory_space<semaphore_mem>> -> memref<1x!tpu.dma_semaphore, #tpu.memory_space<semaphore_mem>>
    %dma_wait3A_1899 = tpu.memref_squeeze %dma_wait3A_1898 : memref<1x!tpu.dma_semaphore, #tpu.memory_space<semaphore_mem>> -> memref<!tpu.dma_semaphore, #tpu.memory_space<semaphore_mem>>
    tpu.wait_indirect_dma semaphore(%dma_wait3A_1899 : memref<!tpu.dma_semaphore, #tpu.memory_space<semaphore_mem>>) src(%dma_wait3A_1897 : memref<5000x1024xf32, #tpu.memory_space<hbm>>) dst(%dma_wait3A_1892 : memref<16x1024xf32, #tpu.memory_space<vmem>>)
    %add3A_1900 = arith.constant 480 : i32
    %add3A_1901 = arith.addi %mul3A_32, %add3A_1900 : i32
    %dma_start3A_1902 = arith.constant 2 : i32
    %dma_start3A_1903 = arith.constant 2 : i32
    %dma_start3A_1904 = arith.constant 0 : i32
    %dma_start3A_1905 = arith.constant 0 : i32
    %dma_start3A_1906 = tpu.memref_slice %arg6[%dma_start3A_1902, %dma_start3A_1904, %dma_start3A_1905] : memref<7x16x1024xf32, #tpu.memory_space<vmem>> -> memref<1x16x1024xf32, #tpu.memory_space<vmem>>
    %dma_start3A_1907 = tpu.memref_squeeze %dma_start3A_1906 : memref<1x16x1024xf32, #tpu.memory_space<vmem>> -> memref<16x1024xf32, #tpu.memory_space<vmem>>
    %dma_start3A_1908 = arith.constant 0 : i32
    %dma_start3A_1909 = tpu.memref_slice %arg4[%select_n3A, %add3A_1901, %dma_start3A_1908] : memref<4x4096x1024xf32, #tpu.memory_space<hbm>> -> memref<1x16x1024xf32, #tpu.memory_space<hbm>>
    %dma_start3A_1910 = tpu.memref_squeeze %dma_start3A_1909 : memref<1x16x1024xf32, #tpu.memory_space<hbm>> -> memref<16x1024xf32, #tpu.memory_space<hbm>>
    %dma_start3A_1911 = tpu.memref_slice %arg7[%dma_start3A_1903] : memref<7x!tpu.dma_semaphore, #tpu.memory_space<semaphore_mem>> -> memref<1x!tpu.dma_semaphore, #tpu.memory_space<semaphore_mem>>
    %dma_start3A_1912 = tpu.memref_squeeze %dma_start3A_1911 : memref<1x!tpu.dma_semaphore, #tpu.memory_space<semaphore_mem>> -> memref<!tpu.dma_semaphore, #tpu.memory_space<semaphore_mem>>
    %dma_start3A_1913 = arith.constant 0 : i32
    %dma_start3A_1914 = tpu.memref_slice %arg4[%select_n3A, %add3A_1901, %dma_start3A_1913] : memref<4x4096x1024xf32, #tpu.memory_space<hbm>> -> memref<1x16x1024xf32, #tpu.memory_space<hbm>>
    %dma_start3A_1915 = tpu.memref_squeeze %dma_start3A_1914 : memref<1x16x1024xf32, #tpu.memory_space<hbm>> -> memref<16x1024xf32, #tpu.memory_space<hbm>>
    %dma_start3A_1916 = arith.constant 0 : i32
    %dma_start3A_1917 = arith.constant 0 : i32
    %dma_start3A_1918 = tpu.memref_slice %arg6[%dma_start3A_1902, %dma_start3A_1916, %dma_start3A_1917] : memref<7x16x1024xf32, #tpu.memory_space<vmem>> -> memref<1x16x1024xf32, #tpu.memory_space<vmem>>
    %dma_start3A_1919 = tpu.memref_squeeze %dma_start3A_1918 : memref<1x16x1024xf32, #tpu.memory_space<vmem>> -> memref<16x1024xf32, #tpu.memory_space<vmem>>
    tpu.enqueue_dma source(%dma_start3A_1919 : memref<16x1024xf32, #tpu.memory_space<vmem>>) target(%dma_start3A_1915 : memref<16x1024xf32, #tpu.memory_space<hbm>>) target_semaphore(%dma_start3A_1912 : memref<!tpu.dma_semaphore, #tpu.memory_space<semaphore_mem>>)
    %dma_wait3A_1920 = arith.constant 3 : i32
    %dma_wait3A_1921 = arith.constant 3 : i32
    %dma_wait3A_1922 = arith.constant 0 : i32
    %dma_wait3A_1923 = arith.constant 0 : i32
    %dma_wait3A_1924 = tpu.memref_slice %arg6[%dma_wait3A_1920, %dma_wait3A_1922, %dma_wait3A_1923] : memref<7x16x1024xf32, #tpu.memory_space<vmem>> -> memref<1x16x1024xf32, #tpu.memory_space<vmem>>
    %dma_wait3A_1925 = tpu.memref_squeeze %dma_wait3A_1924 : memref<1x16x1024xf32, #tpu.memory_space<vmem>> -> memref<16x1024xf32, #tpu.memory_space<vmem>>
    %dma_wait3A_1926 = arith.constant 496 : i32
    %dma_wait3A_1927 = tpu.memref_slice %arg5[%dma_wait3A_1926] : memref<512xi32, #tpu.memory_space<vmem>> -> memref<16xi32, #tpu.memory_space<vmem>>
    %dma_wait3A_1928 = arith.constant 0 : i32
    %dma_wait3A_1929 = arith.constant 0 : i32
    %dma_wait3A_1930 = tpu.memref_slice %arg3[%dma_wait3A_1928, %dma_wait3A_1929] : memref<5000x1024xf32, #tpu.memory_space<hbm>> -> memref<5000x1024xf32, #tpu.memory_space<hbm>>
    %dma_wait3A_1931 = tpu.memref_slice %arg7[%dma_wait3A_1921] : memref<7x!tpu.dma_semaphore, #tpu.memory_space<semaphore_mem>> -> memref<1x!tpu.dma_semaphore, #tpu.memory_space<semaphore_mem>>
    %dma_wait3A_1932 = tpu.memref_squeeze %dma_wait3A_1931 : memref<1x!tpu.dma_semaphore, #tpu.memory_space<semaphore_mem>> -> memref<!tpu.dma_semaphore, #tpu.memory_space<semaphore_mem>>
    tpu.wait_indirect_dma semaphore(%dma_wait3A_1932 : memref<!tpu.dma_semaphore, #tpu.memory_space<semaphore_mem>>) src(%dma_wait3A_1930 : memref<5000x1024xf32, #tpu.memory_space<hbm>>) dst(%dma_wait3A_1925 : memref<16x1024xf32, #tpu.memory_space<vmem>>)
    %add3A_1933 = arith.constant 496 : i32
    %add3A_1934 = arith.addi %mul3A_32, %add3A_1933 : i32
    %dma_start3A_1935 = arith.constant 3 : i32
    %dma_start3A_1936 = arith.constant 3 : i32
    %dma_start3A_1937 = arith.constant 0 : i32
    %dma_start3A_1938 = arith.constant 0 : i32
    %dma_start3A_1939 = tpu.memref_slice %arg6[%dma_start3A_1935, %dma_start3A_1937, %dma_start3A_1938] : memref<7x16x1024xf32, #tpu.memory_space<vmem>> -> memref<1x16x1024xf32, #tpu.memory_space<vmem>>
    %dma_start3A_1940 = tpu.memref_squeeze %dma_start3A_1939 : memref<1x16x1024xf32, #tpu.memory_space<vmem>> -> memref<16x1024xf32, #tpu.memory_space<vmem>>
    %dma_start3A_1941 = arith.constant 0 : i32
    %dma_start3A_1942 = tpu.memref_slice %arg4[%select_n3A, %add3A_1934, %dma_start3A_1941] : memref<4x4096x1024xf32, #tpu.memory_space<hbm>> -> memref<1x16x1024xf32, #tpu.memory_space<hbm>>
    %dma_start3A_1943 = tpu.memref_squeeze %dma_start3A_1942 : memref<1x16x1024xf32, #tpu.memory_space<hbm>> -> memref<16x1024xf32, #tpu.memory_space<hbm>>
    %dma_start3A_1944 = tpu.memref_slice %arg7[%dma_start3A_1936] : memref<7x!tpu.dma_semaphore, #tpu.memory_space<semaphore_mem>> -> memref<1x!tpu.dma_semaphore, #tpu.memory_space<semaphore_mem>>
    %dma_start3A_1945 = tpu.memref_squeeze %dma_start3A_1944 : memref<1x!tpu.dma_semaphore, #tpu.memory_space<semaphore_mem>> -> memref<!tpu.dma_semaphore, #tpu.memory_space<semaphore_mem>>
    %dma_start3A_1946 = arith.constant 0 : i32
    %dma_start3A_1947 = tpu.memref_slice %arg4[%select_n3A, %add3A_1934, %dma_start3A_1946] : memref<4x4096x1024xf32, #tpu.memory_space<hbm>> -> memref<1x16x1024xf32, #tpu.memory_space<hbm>>
    %dma_start3A_1948 = tpu.memref_squeeze %dma_start3A_1947 : memref<1x16x1024xf32, #tpu.memory_space<hbm>> -> memref<16x1024xf32, #tpu.memory_space<hbm>>
    %dma_start3A_1949 = arith.constant 0 : i32
    %dma_start3A_1950 = arith.constant 0 : i32
    %dma_start3A_1951 = tpu.memref_slice %arg6[%dma_start3A_1935, %dma_start3A_1949, %dma_start3A_1950] : memref<7x16x1024xf32, #tpu.memory_space<vmem>> -> memref<1x16x1024xf32, #tpu.memory_space<vmem>>
    %dma_start3A_1952 = tpu.memref_squeeze %dma_start3A_1951 : memref<1x16x1024xf32, #tpu.memory_space<vmem>> -> memref<16x1024xf32, #tpu.memory_space<vmem>>
    tpu.enqueue_dma source(%dma_start3A_1952 : memref<16x1024xf32, #tpu.memory_space<vmem>>) target(%dma_start3A_1948 : memref<16x1024xf32, #tpu.memory_space<hbm>>) target_semaphore(%dma_start3A_1945 : memref<!tpu.dma_semaphore, #tpu.memory_space<semaphore_mem>>)
    %dma_wait3A_1953 = arith.constant 5 : i32
    %dma_wait3A_1954 = arith.constant 5 : i32
    %dma_wait3A_1955 = arith.constant 0 : i32
    %dma_wait3A_1956 = arith.constant 0 : i32
    %dma_wait3A_1957 = tpu.memref_slice %arg6[%dma_wait3A_1953, %dma_wait3A_1955, %dma_wait3A_1956] : memref<7x16x1024xf32, #tpu.memory_space<vmem>> -> memref<1x16x1024xf32, #tpu.memory_space<vmem>>
    %dma_wait3A_1958 = tpu.memref_squeeze %dma_wait3A_1957 : memref<1x16x1024xf32, #tpu.memory_space<vmem>> -> memref<16x1024xf32, #tpu.memory_space<vmem>>
    %dma_wait3A_1959 = arith.constant 0 : i32
    %dma_wait3A_1960 = tpu.memref_slice %arg4[%select_n3A, %add3A_1769, %dma_wait3A_1959] : memref<4x4096x1024xf32, #tpu.memory_space<hbm>> -> memref<1x16x1024xf32, #tpu.memory_space<hbm>>
    %dma_wait3A_1961 = tpu.memref_squeeze %dma_wait3A_1960 : memref<1x16x1024xf32, #tpu.memory_space<hbm>> -> memref<16x1024xf32, #tpu.memory_space<hbm>>
    %dma_wait3A_1962 = tpu.memref_slice %arg7[%dma_wait3A_1954] : memref<7x!tpu.dma_semaphore, #tpu.memory_space<semaphore_mem>> -> memref<1x!tpu.dma_semaphore, #tpu.memory_space<semaphore_mem>>
    %dma_wait3A_1963 = tpu.memref_squeeze %dma_wait3A_1962 : memref<1x!tpu.dma_semaphore, #tpu.memory_space<semaphore_mem>> -> memref<!tpu.dma_semaphore, #tpu.memory_space<semaphore_mem>>
    %dma_wait3A_1964 = arith.constant 0 : i32
    %dma_wait3A_1965 = tpu.memref_slice %arg4[%select_n3A, %add3A_1769, %dma_wait3A_1964] : memref<4x4096x1024xf32, #tpu.memory_space<hbm>> -> memref<1x16x1024xf32, #tpu.memory_space<hbm>>
    %dma_wait3A_1966 = tpu.memref_squeeze %dma_wait3A_1965 : memref<1x16x1024xf32, #tpu.memory_space<hbm>> -> memref<16x1024xf32, #tpu.memory_space<hbm>>
    %dma_wait3A_1967 = arith.constant 0 : i32
    %dma_wait3A_1968 = arith.constant 0 : i32
    %dma_wait3A_1969 = tpu.memref_slice %arg6[%dma_wait3A_1953, %dma_wait3A_1967, %dma_wait3A_1968] : memref<7x16x1024xf32, #tpu.memory_space<vmem>> -> memref<1x16x1024xf32, #tpu.memory_space<vmem>>
    %dma_wait3A_1970 = tpu.memref_squeeze %dma_wait3A_1969 : memref<1x16x1024xf32, #tpu.memory_space<vmem>> -> memref<16x1024xf32, #tpu.memory_space<vmem>>
    tpu.wait_dma2 semaphore(%dma_wait3A_1963 : memref<!tpu.dma_semaphore, #tpu.memory_space<semaphore_mem>>) src(%dma_wait3A_1970 : memref<16x1024xf32, #tpu.memory_space<vmem>>) dst(%dma_wait3A_1966 : memref<16x1024xf32, #tpu.memory_space<hbm>>)
    %dma_wait3A_1971 = arith.constant 6 : i32
    %dma_wait3A_1972 = arith.constant 6 : i32
    %dma_wait3A_1973 = arith.constant 0 : i32
    %dma_wait3A_1974 = arith.constant 0 : i32
    %dma_wait3A_1975 = tpu.memref_slice %arg6[%dma_wait3A_1971, %dma_wait3A_1973, %dma_wait3A_1974] : memref<7x16x1024xf32, #tpu.memory_space<vmem>> -> memref<1x16x1024xf32, #tpu.memory_space<vmem>>
    %dma_wait3A_1976 = tpu.memref_squeeze %dma_wait3A_1975 : memref<1x16x1024xf32, #tpu.memory_space<vmem>> -> memref<16x1024xf32, #tpu.memory_space<vmem>>
    %dma_wait3A_1977 = arith.constant 0 : i32
    %dma_wait3A_1978 = tpu.memref_slice %arg4[%select_n3A, %add3A_1802, %dma_wait3A_1977] : memref<4x4096x1024xf32, #tpu.memory_space<hbm>> -> memref<1x16x1024xf32, #tpu.memory_space<hbm>>
    %dma_wait3A_1979 = tpu.memref_squeeze %dma_wait3A_1978 : memref<1x16x1024xf32, #tpu.memory_space<hbm>> -> memref<16x1024xf32, #tpu.memory_space<hbm>>
    %dma_wait3A_1980 = tpu.memref_slice %arg7[%dma_wait3A_1972] : memref<7x!tpu.dma_semaphore, #tpu.memory_space<semaphore_mem>> -> memref<1x!tpu.dma_semaphore, #tpu.memory_space<semaphore_mem>>
    %dma_wait3A_1981 = tpu.memref_squeeze %dma_wait3A_1980 : memref<1x!tpu.dma_semaphore, #tpu.memory_space<semaphore_mem>> -> memref<!tpu.dma_semaphore, #tpu.memory_space<semaphore_mem>>
    %dma_wait3A_1982 = arith.constant 0 : i32
    %dma_wait3A_1983 = tpu.memref_slice %arg4[%select_n3A, %add3A_1802, %dma_wait3A_1982] : memref<4x4096x1024xf32, #tpu.memory_space<hbm>> -> memref<1x16x1024xf32, #tpu.memory_space<hbm>>
    %dma_wait3A_1984 = tpu.memref_squeeze %dma_wait3A_1983 : memref<1x16x1024xf32, #tpu.memory_space<hbm>> -> memref<16x1024xf32, #tpu.memory_space<hbm>>
    %dma_wait3A_1985 = arith.constant 0 : i32
    %dma_wait3A_1986 = arith.constant 0 : i32
    %dma_wait3A_1987 = tpu.memref_slice %arg6[%dma_wait3A_1971, %dma_wait3A_1985, %dma_wait3A_1986] : memref<7x16x1024xf32, #tpu.memory_space<vmem>> -> memref<1x16x1024xf32, #tpu.memory_space<vmem>>
    %dma_wait3A_1988 = tpu.memref_squeeze %dma_wait3A_1987 : memref<1x16x1024xf32, #tpu.memory_space<vmem>> -> memref<16x1024xf32, #tpu.memory_space<vmem>>
    tpu.wait_dma2 semaphore(%dma_wait3A_1981 : memref<!tpu.dma_semaphore, #tpu.memory_space<semaphore_mem>>) src(%dma_wait3A_1988 : memref<16x1024xf32, #tpu.memory_space<vmem>>) dst(%dma_wait3A_1984 : memref<16x1024xf32, #tpu.memory_space<hbm>>)
    %dma_wait3A_1989 = arith.constant 0 : i32
    %dma_wait3A_1990 = arith.constant 0 : i32
    %dma_wait3A_1991 = arith.constant 0 : i32
    %dma_wait3A_1992 = arith.constant 0 : i32
    %dma_wait3A_1993 = tpu.memref_slice %arg6[%dma_wait3A_1989, %dma_wait3A_1991, %dma_wait3A_1992] : memref<7x16x1024xf32, #tpu.memory_space<vmem>> -> memref<1x16x1024xf32, #tpu.memory_space<vmem>>
    %dma_wait3A_1994 = tpu.memref_squeeze %dma_wait3A_1993 : memref<1x16x1024xf32, #tpu.memory_space<vmem>> -> memref<16x1024xf32, #tpu.memory_space<vmem>>
    %dma_wait3A_1995 = arith.constant 0 : i32
    %dma_wait3A_1996 = tpu.memref_slice %arg4[%select_n3A, %add3A_1835, %dma_wait3A_1995] : memref<4x4096x1024xf32, #tpu.memory_space<hbm>> -> memref<1x16x1024xf32, #tpu.memory_space<hbm>>
    %dma_wait3A_1997 = tpu.memref_squeeze %dma_wait3A_1996 : memref<1x16x1024xf32, #tpu.memory_space<hbm>> -> memref<16x1024xf32, #tpu.memory_space<hbm>>
    %dma_wait3A_1998 = tpu.memref_slice %arg7[%dma_wait3A_1990] : memref<7x!tpu.dma_semaphore, #tpu.memory_space<semaphore_mem>> -> memref<1x!tpu.dma_semaphore, #tpu.memory_space<semaphore_mem>>
    %dma_wait3A_1999 = tpu.memref_squeeze %dma_wait3A_1998 : memref<1x!tpu.dma_semaphore, #tpu.memory_space<semaphore_mem>> -> memref<!tpu.dma_semaphore, #tpu.memory_space<semaphore_mem>>
    %dma_wait3A_2000 = arith.constant 0 : i32
    %dma_wait3A_2001 = tpu.memref_slice %arg4[%select_n3A, %add3A_1835, %dma_wait3A_2000] : memref<4x4096x1024xf32, #tpu.memory_space<hbm>> -> memref<1x16x1024xf32, #tpu.memory_space<hbm>>
    %dma_wait3A_2002 = tpu.memref_squeeze %dma_wait3A_2001 : memref<1x16x1024xf32, #tpu.memory_space<hbm>> -> memref<16x1024xf32, #tpu.memory_space<hbm>>
    %dma_wait3A_2003 = arith.constant 0 : i32
    %dma_wait3A_2004 = arith.constant 0 : i32
    %dma_wait3A_2005 = tpu.memref_slice %arg6[%dma_wait3A_1989, %dma_wait3A_2003, %dma_wait3A_2004] : memref<7x16x1024xf32, #tpu.memory_space<vmem>> -> memref<1x16x1024xf32, #tpu.memory_space<vmem>>
    %dma_wait3A_2006 = tpu.memref_squeeze %dma_wait3A_2005 : memref<1x16x1024xf32, #tpu.memory_space<vmem>> -> memref<16x1024xf32, #tpu.memory_space<vmem>>
    tpu.wait_dma2 semaphore(%dma_wait3A_1999 : memref<!tpu.dma_semaphore, #tpu.memory_space<semaphore_mem>>) src(%dma_wait3A_2006 : memref<16x1024xf32, #tpu.memory_space<vmem>>) dst(%dma_wait3A_2002 : memref<16x1024xf32, #tpu.memory_space<hbm>>)
    %dma_wait3A_2007 = arith.constant 1 : i32
    %dma_wait3A_2008 = arith.constant 1 : i32
    %dma_wait3A_2009 = arith.constant 0 : i32
    %dma_wait3A_2010 = arith.constant 0 : i32
    %dma_wait3A_2011 = tpu.memref_slice %arg6[%dma_wait3A_2007, %dma_wait3A_2009, %dma_wait3A_2010] : memref<7x16x1024xf32, #tpu.memory_space<vmem>> -> memref<1x16x1024xf32, #tpu.memory_space<vmem>>
    %dma_wait3A_2012 = tpu.memref_squeeze %dma_wait3A_2011 : memref<1x16x1024xf32, #tpu.memory_space<vmem>> -> memref<16x1024xf32, #tpu.memory_space<vmem>>
    %dma_wait3A_2013 = arith.constant 0 : i32
    %dma_wait3A_2014 = tpu.memref_slice %arg4[%select_n3A, %add3A_1868, %dma_wait3A_2013] : memref<4x4096x1024xf32, #tpu.memory_space<hbm>> -> memref<1x16x1024xf32, #tpu.memory_space<hbm>>
    %dma_wait3A_2015 = tpu.memref_squeeze %dma_wait3A_2014 : memref<1x16x1024xf32, #tpu.memory_space<hbm>> -> memref<16x1024xf32, #tpu.memory_space<hbm>>
    %dma_wait3A_2016 = tpu.memref_slice %arg7[%dma_wait3A_2008] : memref<7x!tpu.dma_semaphore, #tpu.memory_space<semaphore_mem>> -> memref<1x!tpu.dma_semaphore, #tpu.memory_space<semaphore_mem>>
    %dma_wait3A_2017 = tpu.memref_squeeze %dma_wait3A_2016 : memref<1x!tpu.dma_semaphore, #tpu.memory_space<semaphore_mem>> -> memref<!tpu.dma_semaphore, #tpu.memory_space<semaphore_mem>>
    %dma_wait3A_2018 = arith.constant 0 : i32
    %dma_wait3A_2019 = tpu.memref_slice %arg4[%select_n3A, %add3A_1868, %dma_wait3A_2018] : memref<4x4096x1024xf32, #tpu.memory_space<hbm>> -> memref<1x16x1024xf32, #tpu.memory_space<hbm>>
    %dma_wait3A_2020 = tpu.memref_squeeze %dma_wait3A_2019 : memref<1x16x1024xf32, #tpu.memory_space<hbm>> -> memref<16x1024xf32, #tpu.memory_space<hbm>>
    %dma_wait3A_2021 = arith.constant 0 : i32
    %dma_wait3A_2022 = arith.constant 0 : i32
    %dma_wait3A_2023 = tpu.memref_slice %arg6[%dma_wait3A_2007, %dma_wait3A_2021, %dma_wait3A_2022] : memref<7x16x1024xf32, #tpu.memory_space<vmem>> -> memref<1x16x1024xf32, #tpu.memory_space<vmem>>
    %dma_wait3A_2024 = tpu.memref_squeeze %dma_wait3A_2023 : memref<1x16x1024xf32, #tpu.memory_space<vmem>> -> memref<16x1024xf32, #tpu.memory_space<vmem>>
    tpu.wait_dma2 semaphore(%dma_wait3A_2017 : memref<!tpu.dma_semaphore, #tpu.memory_space<semaphore_mem>>) src(%dma_wait3A_2024 : memref<16x1024xf32, #tpu.memory_space<vmem>>) dst(%dma_wait3A_2020 : memref<16x1024xf32, #tpu.memory_space<hbm>>)
    %dma_wait3A_2025 = arith.constant 2 : i32
    %dma_wait3A_2026 = arith.constant 2 : i32
    %dma_wait3A_2027 = arith.constant 0 : i32
    %dma_wait3A_2028 = arith.constant 0 : i32
    %dma_wait3A_2029 = tpu.memref_slice %arg6[%dma_wait3A_2025, %dma_wait3A_2027, %dma_wait3A_2028] : memref<7x16x1024xf32, #tpu.memory_space<vmem>> -> memref<1x16x1024xf32, #tpu.memory_space<vmem>>
    %dma_wait3A_2030 = tpu.memref_squeeze %dma_wait3A_2029 : memref<1x16x1024xf32, #tpu.memory_space<vmem>> -> memref<16x1024xf32, #tpu.memory_space<vmem>>
    %dma_wait3A_2031 = arith.constant 0 : i32
    %dma_wait3A_2032 = tpu.memref_slice %arg4[%select_n3A, %add3A_1901, %dma_wait3A_2031] : memref<4x4096x1024xf32, #tpu.memory_space<hbm>> -> memref<1x16x1024xf32, #tpu.memory_space<hbm>>
    %dma_wait3A_2033 = tpu.memref_squeeze %dma_wait3A_2032 : memref<1x16x1024xf32, #tpu.memory_space<hbm>> -> memref<16x1024xf32, #tpu.memory_space<hbm>>
    %dma_wait3A_2034 = tpu.memref_slice %arg7[%dma_wait3A_2026] : memref<7x!tpu.dma_semaphore, #tpu.memory_space<semaphore_mem>> -> memref<1x!tpu.dma_semaphore, #tpu.memory_space<semaphore_mem>>
    %dma_wait3A_2035 = tpu.memref_squeeze %dma_wait3A_2034 : memref<1x!tpu.dma_semaphore, #tpu.memory_space<semaphore_mem>> -> memref<!tpu.dma_semaphore, #tpu.memory_space<semaphore_mem>>
    %dma_wait3A_2036 = arith.constant 0 : i32
    %dma_wait3A_2037 = tpu.memref_slice %arg4[%select_n3A, %add3A_1901, %dma_wait3A_2036] : memref<4x4096x1024xf32, #tpu.memory_space<hbm>> -> memref<1x16x1024xf32, #tpu.memory_space<hbm>>
    %dma_wait3A_2038 = tpu.memref_squeeze %dma_wait3A_2037 : memref<1x16x1024xf32, #tpu.memory_space<hbm>> -> memref<16x1024xf32, #tpu.memory_space<hbm>>
    %dma_wait3A_2039 = arith.constant 0 : i32
    %dma_wait3A_2040 = arith.constant 0 : i32
    %dma_wait3A_2041 = tpu.memref_slice %arg6[%dma_wait3A_2025, %dma_wait3A_2039, %dma_wait3A_2040] : memref<7x16x1024xf32, #tpu.memory_space<vmem>> -> memref<1x16x1024xf32, #tpu.memory_space<vmem>>
    %dma_wait3A_2042 = tpu.memref_squeeze %dma_wait3A_2041 : memref<1x16x1024xf32, #tpu.memory_space<vmem>> -> memref<16x1024xf32, #tpu.memory_space<vmem>>
    tpu.wait_dma2 semaphore(%dma_wait3A_2035 : memref<!tpu.dma_semaphore, #tpu.memory_space<semaphore_mem>>) src(%dma_wait3A_2042 : memref<16x1024xf32, #tpu.memory_space<vmem>>) dst(%dma_wait3A_2038 : memref<16x1024xf32, #tpu.memory_space<hbm>>)
    %dma_wait3A_2043 = arith.constant 3 : i32
    %dma_wait3A_2044 = arith.constant 3 : i32
    %dma_wait3A_2045 = arith.constant 0 : i32
    %dma_wait3A_2046 = arith.constant 0 : i32
    %dma_wait3A_2047 = tpu.memref_slice %arg6[%dma_wait3A_2043, %dma_wait3A_2045, %dma_wait3A_2046] : memref<7x16x1024xf32, #tpu.memory_space<vmem>> -> memref<1x16x1024xf32, #tpu.memory_space<vmem>>
    %dma_wait3A_2048 = tpu.memref_squeeze %dma_wait3A_2047 : memref<1x16x1024xf32, #tpu.memory_space<vmem>> -> memref<16x1024xf32, #tpu.memory_space<vmem>>
    %dma_wait3A_2049 = arith.constant 0 : i32
    %dma_wait3A_2050 = tpu.memref_slice %arg4[%select_n3A, %add3A_1934, %dma_wait3A_2049] : memref<4x4096x1024xf32, #tpu.memory_space<hbm>> -> memref<1x16x1024xf32, #tpu.memory_space<hbm>>
    %dma_wait3A_2051 = tpu.memref_squeeze %dma_wait3A_2050 : memref<1x16x1024xf32, #tpu.memory_space<hbm>> -> memref<16x1024xf32, #tpu.memory_space<hbm>>
    %dma_wait3A_2052 = tpu.memref_slice %arg7[%dma_wait3A_2044] : memref<7x!tpu.dma_semaphore, #tpu.memory_space<semaphore_mem>> -> memref<1x!tpu.dma_semaphore, #tpu.memory_space<semaphore_mem>>
    %dma_wait3A_2053 = tpu.memref_squeeze %dma_wait3A_2052 : memref<1x!tpu.dma_semaphore, #tpu.memory_space<semaphore_mem>> -> memref<!tpu.dma_semaphore, #tpu.memory_space<semaphore_mem>>
    %dma_wait3A_2054 = arith.constant 0 : i32
    %dma_wait3A_2055 = tpu.memref_slice %arg4[%select_n3A, %add3A_1934, %dma_wait3A_2054] : memref<4x4096x1024xf32, #tpu.memory_space<hbm>> -> memref<1x16x1024xf32, #tpu.memory_space<hbm>>
    %dma_wait3A_2056 = tpu.memref_squeeze %dma_wait3A_2055 : memref<1x16x1024xf32, #tpu.memory_space<hbm>> -> memref<16x1024xf32, #tpu.memory_space<hbm>>
    %dma_wait3A_2057 = arith.constant 0 : i32
    %dma_wait3A_2058 = arith.constant 0 : i32
    %dma_wait3A_2059 = tpu.memref_slice %arg6[%dma_wait3A_2043, %dma_wait3A_2057, %dma_wait3A_2058] : memref<7x16x1024xf32, #tpu.memory_space<vmem>> -> memref<1x16x1024xf32, #tpu.memory_space<vmem>>
    %dma_wait3A_2060 = tpu.memref_squeeze %dma_wait3A_2059 : memref<1x16x1024xf32, #tpu.memory_space<vmem>> -> memref<16x1024xf32, #tpu.memory_space<vmem>>
    tpu.wait_dma2 semaphore(%dma_wait3A_2053 : memref<!tpu.dma_semaphore, #tpu.memory_space<semaphore_mem>>) src(%dma_wait3A_2060 : memref<16x1024xf32, #tpu.memory_space<vmem>>) dst(%dma_wait3A_2056 : memref<16x1024xf32, #tpu.memory_space<hbm>>)
    return
  }
}

</mosaic_0001>

<sc_bundles>
// kernel: _gather_rows_sc.3.cloned.1.call-start
scs
__scs_entry_jumppad:
0x0: {  	(pc) =	sbr.rel $0x88, $3  }
0x1: {  	(tag) =	ssettag $0x0;
	lr =	simm.s32 $0x1  }
0x2: {  	[smem:$0x3F9F] =	sst lr;
	_ =	strace $0xD0000000  }
0x3: {  	_ = 	snop  }
0x4: {  	_ = 	snop  }
0x5: {  	_ = 	snop  }
0x6: {  	_ = 	snop  }
0x7: {  	_ = 	snop  }
__scs_overlays_trampoline_lowered:
0x8: {  	[smem:$0x3FAE] =	sst s0  }
0x9: {  	[smem:$0x3FAF] =	sst s1  }
0xa: {  	[smem:$0x3FB0] =	sst s2  }
0xb: {  	[smem:$0x3FB1] =	sst s3  }
0xc: {  	[smem:$0x3FB2] =	sst s4  }
0xd: {  	[smem:$0x3FB3] =	sst s5  }
0xe: {  	[smem:$0x3FB4] =	sst s6  }
0xf: {  	[smem:$0x3FB5] =	sst s7  }
0x10: {  	[smem:$0x3FB6] =	sst s8  }
0x11: {  	[smem:$0x3FB7] =	sst s9;
	s0 =	simm.s32 @!p0 $0x0  }
0x12: {  	s1 =	sld [smem:$0x3F9D];
	s0 =	simm.s32 @p0 $0x1  }
0x13: {  	[smem:$0x3FB8] =	sst s0;
	s0 =	simm.s32 @!p1 $0x0  }
0x14: {  	s2 =	sld [smem:$0x3F9C];
	s0 =	simm.s32 @p1 $0x1  }
0x15: {  	[smem:$0x3FB9] =	sst s0;
	s0 =	simm.s32 @!p2 $0x0  }
0x16: {  	s3 =	sld [smem:$0x3FDB];
	s0 =	simm.s32 @p2 $0x1  }
0x17: {  	s4 =	simm.s32 $0x1BF5;
	[smem:$0x3FBB] =	sst s0  }
0x18: {  	s0 =	sld [smem:$0x3F9E];
	_ =	swait.ge [sflag:s4], $0x0  }
0x19: {  	s7 =	sld [smem:$0x3F9F]  }
0x1a: {  	s8 =	sadd.s32 $0xFFFFE003, lr  }
0x1b: {  	s9 =	sadd.s32 $0xFFFFFEF7, lr;
	s5 =	simm.s32 $0xFFFFFFFF;
	p2 =	slt.u32 s8, $0xFFFFF086  }
0x1c: {  	p1 =	slt.u32 s9, $0xF7A;
	s5 =	simm.s32 @!p2 $0x0  }
0x1d: {  	s5 =	simm.s32 @p1 $0x1;
	p0 =	seq.s32 s7, s2  }
0x1e: {  	s7 =	smul.u32 @!p0 $0xF7A, s2;
	p2 =	seq.s32 @!p0 s5, $0x0  }
0x1f: {  	s9 =	smul.u32 $0xF7A, s1;
	s8 =	simm.s32 @!p0 $0x1BF5;
	p2 =	por !p2, p0  }
0x20: {  	[sflag:s8] =	ssyncset.s32 @!p0 $0xFFFFF086;
	s6 =	sadd.s32 @!p0 s3, s7;
	s7 =	simm.s32 @!p0 $0x108  }
0x21: {  	s3 =	sadd.s32 s3, s9;
	s6 =	sadd.s32 @!p0 $0x88, s6;
	s7 =	simm.s32 @p2 $0x1082  }
0x22: {  	[simem:s7], [sflag:s8] =	dma.local @!p0 [hbm:s6], $0xF7A  }
0x23: {  	s9 =	sor.u32 $0xD0000000, s2;
	s6 =	simm.s32 $0x108;
	_ =	swait.ge @!p0 [sflag:s8], $0x0  }
0x24: {  	s3 =	sadd.s32 $0x88, s3;
	s6 =	simm.s32 @!p1 $0x1082;
	[sflag:s4] =	ssyncset.s32 $0xFFFFF086  }
0x25: {  	[simem:s6], [sflag:s4] =	dma.local [hbm:s3], $0xF7A  }
0x26: {  	[smem:$0x3F9F] =	sst s1;
	(tag) =	ssettag s2;
	_ =	strace s9  }
0x27: {  	s1 =	sld [smem:$0x3FAF]  }
0x28: {  	s2 =	sld [smem:$0x3FB0]  }
0x29: {  	s4 =	sld [smem:$0x3FB2]  }
0x2a: {  	p0 =	seq.s32 s5, $0x0;
	s5 =	sld [smem:$0x3FB3]  }
0x2b: {  	s6 =	sld [smem:$0x3FB4]  }
0x2c: {  	s7 =	sld [smem:$0x3FB5]  }
0x2d: {  	s3 =	simm.s32 $0x108;
	s8 =	sld [smem:$0x3FB6]  }
0x2e: {  	s3 =	simm.s32 @!p0 $0x1082;
	s9 =	sld [smem:$0x3FB7]  }
0x2f: {  	lr =	sadd.s32 s0, s3;
	s0 =	sld [smem:$0x3FAE]  }
0x30: {  	s3 =	sld [smem:$0x3FB1]  }
0x31: {  	[smem:$0x3FBA] =	sst s10  }
0x32: {  	s10 =	sld [smem:$0x3FB8];
	_ =	sdelay $0x3  }
0x33: {  	p0 =	seq.s32 s10, $0x1;
	s10 =	sld [smem:$0x3FBA];
	_ =	sdelay $0x3  }
0x34: {  	[smem:$0x3FBA] =	sst s10  }
0x35: {  	s10 =	sld [smem:$0x3FB9];
	_ =	sdelay $0x3  }
0x36: {  	p1 =	seq.s32 s10, $0x1;
	s10 =	sld [smem:$0x3FBA];
	_ =	sdelay $0x3  }
0x37: {  	[smem:$0x3FBA] =	sst s10  }
0x38: {  	s10 =	sld [smem:$0x3FBB]  }
0x39: {  	_ = 	snop;
	(pc) =	sbr.ind lr, $3  }
0x3a: {  	_ = 	snop  }
0x3b: {  	_ = 	snop  }
0x3c: {  	p2 =	seq.s32 s10, $0x1;
	s10 =	sld [smem:$0x3FBA]  }
0x3d: {  	_ =	shalt  }
0x3e: {  	_ =	shalt  }
0x3f: {  	_ =	shalt  }
0x40: {  	_ =	shalt  }
0x41: {  	_ =	shalt  }
0x42: {  	_ =	shalt  }
0x43: {  	_ =	shalt  }
0x44: {  	_ =	shalt  }
0x45: {  	_ =	shalt  }
0x46: {  	_ =	shalt  }
0x47: {  	_ =	shalt  }
0x48: {  	_ =	shalt  }
0x49: {  	_ =	shalt  }
0x4a: {  	_ =	shalt  }
0x4b: {  	_ =	shalt  }
0x4c: {  	_ =	shalt  }
0x4d: {  	_ =	shalt  }
0x4e: {  	_ =	shalt  }
0x4f: {  	_ =	shalt  }
0x50: {  	_ =	shalt  }
0x51: {  	_ =	shalt  }
0x52: {  	_ =	shalt  }
0x53: {  	_ =	shalt  }
0x54: {  	_ =	shalt  }
0x55: {  	_ =	shalt  }
0x56: {  	_ =	shalt  }
0x57: {  	_ =	shalt  }
0x58: {  	_ =	shalt  }
0x59: {  	_ =	shalt  }
0x5a: {  	_ =	shalt  }
0x5b: {  	_ =	shalt  }
0x5c: {  	_ =	shalt  }
0x5d: {  	_ =	shalt  }
0x5e: {  	_ =	shalt  }
0x5f: {  	_ =	shalt  }
0x60: {  	_ =	shalt  }
0x61: {  	_ =	shalt  }
0x62: {  	_ =	shalt  }
0x63: {  	_ =	shalt  }
0x64: {  	_ =	shalt  }
0x65: {  	_ =	shalt  }
0x66: {  	_ =	shalt  }
0x67: {  	_ =	shalt  }
0x68: {  	_ =	shalt  }
0x69: {  	_ =	shalt  }
0x6a: {  	_ =	shalt  }
0x6b: {  	_ =	shalt  }
0x6c: {  	_ =	shalt  }
0x6d: {  	_ =	shalt  }
0x6e: {  	_ =	shalt  }
0x6f: {  	_ =	shalt  }
0x70: {  	_ =	shalt  }
0x71: {  	_ =	shalt  }
0x72: {  	_ =	shalt  }
0x73: {  	_ =	shalt  }
0x74: {  	_ =	shalt  }
0x75: {  	_ =	shalt  }
0x76: {  	_ =	shalt  }
0x77: {  	_ =	shalt  }
0x78: {  	_ =	shalt  }
0x79: {  	_ =	shalt  }
0x7a: {  	_ =	shalt  }
0x7b: {  	_ =	shalt  }
0x7c: {  	_ =	shalt  }
0x7d: {  	_ =	shalt  }
0x7e: {  	_ =	shalt  }
0x7f: {  	_ =	shalt  }
0x80: {  	_ =	shalt  }
0x81: {  	_ =	shalt  }
0x82: {  	_ =	shalt  }
0x83: {  	_ =	shalt  }
0x84: {  	_ =	shalt  }
0x85: {  	_ =	shalt  }
0x86: {  	_ =	shalt  }
0x87: {  	_ =	shalt  }
.Lfunc_end0:
.L_simem_size_0:
called_computation_lowered:
.L_overlay_start_0:
0x88: {  	s2 =	sld [smem:$0x3FD9]  }
0x89: {  	s3 =	sld [smem:$0x3FFE];
	_ =	sdelay $0x1  }
0x8a: {  	s1 =	srdreg.scid  }
0x8b: {  	s0 =	sand.u32 $0x1, s1  }
0x8c: {  	s18 =	sshll.u32 s0, $0xA;
	s2 =	sadd.s32 s3, s2  }
0x8d: {  	s2 =	sadd.s32 s2, s18  }
0x8e: {  	[smem:$0x3FC6] =	sst s2  }
0x8f: {  	_ = 	snop  }
0x90: {  	s2 =	sld [smem:$0x3FC9]  }
0x91: {  	s19 =	sld [smem:$0x3FC8]  }
0x92: {  	s4 =	sld [smem:$0x3FD0];
	(tm) =	ssettm $0x1  }
0x93: {  	s5 =	sld [smem:$0x3FFB];
	_ =	sdelay $0x3  }
0x94: {  	_ =	strace s5  }
0x95: {  	s5 =	sld [smem:$0x3FFC];
	_ =	sdelay $0x3  }
0x96: {  	_ =	strace s5  }
0x97: {  	s5 =	sld [smem:$0x3FFD];
	_ =	sdelay $0x3  }
0x98: {  	_ =	strace s5  }
0x99: {  	_ =	strace $0x8FFFFFFF  }
0x9a: {  	s20 =	sld [smem:$0x3FDB];
	_ =	sdelay $0x1  }
0x9b: {  	s6 =	simm.s32 $_scs_section_size  }
0x9c: {  	s7 =	simm.s32 $_size__tile_overlayer_lowered;
	s8 =	simm.s32 $_tile_overlayer_lowered  }
0x9d: {  	s23 =	simm.s32 $0x1BFF;
	s22 =	sshll.u32 s8, $0x1;
	s5 =	sadd.s32 s6, s20  }
0x9e: {  	s9 =	simm.s32 $0x0;
	s21 =	sshll.u32 s7, $0x1;
	s7 =	sadd.s32 s22, s5  }
0x9f: {  	[timem:s9], [sflag:s23] =	dma.local [hbm:s7], s21  }
0xa0: {  	_ =	swait.ge [sflag:s23], s21  }
0xa1: {  	s6 =	ssub.s32 $0x0, s21;
	[sflag:s23] =	ssyncset.done $0x0  }
0xa2: {  	[sflag:s23] =	ssyncadd.s32 s6;
	_ =	sdelay $0x1  }
0xa3: {  	s24 =	simm.s32 $0x1B8B  }
0xa4: {  	_ =	swait.ge [sflag:s24], $0x1  }
0xa5: {  	[sflag:s24] =	ssyncset.done $0x0  }
0xa6: {  	s25 =	simm.s32 $0x1B8E;
	[sflag:s24] =	ssyncadd.s32 $0xFFFFFFFF  }
0xa7: {  	s26 =	simm.s32 $execute0_lowered;
	[smem:$0x3FD2] =	sst s25  }
0xa8: {  	s6 =	sshll.u32 s26, $0x1;
	_ =	strace $0x80000046;
	[dreg:$0x1] =	wrdreg $0xFFFFFFFF  }
0xa9: {  	s28 =	simm.s32 $_size_execute0_lowered;
	s5 =	sadd.s32 s5, s6;
	[dreg:$0x0] =	wrdreg $0x0  }
0xaa: {  	s6 =	sshll.u32 s28, $0x1;
	[dreg:$0x2] =	wrdreg s5  }
0xab: {  	[dreg:$0x3] =	wrdreg s6  }
0xac: {  	[dreg:$0x4] =	wrdreg $0xC0  }
0xad: {  	_ =	task [dreg:s9], $0x5FFFF  }
0xae: {  	[dreg:$0x1] =	wrdreg $0xFFFFFFFF  }
0xaf: {  	[dreg:$0x0] =	wrdreg $0x60  }
0xb0: {  	[dreg:$0x2] =	wrdreg s2  }
0xb1: {  	[dreg:$0x3] =	wrdreg s19  }
0xb2: {  	[dreg:$0x4] =	wrdreg s4  }
0xb3: {  	[dreg:$0x5] =	wrdreg $0x9  }
0xb4: {  	_ =	task.clear_ibuf [dreg:s9], $0x6FFFF;
	_ =	strace $0x90000046  }
0xb5: {  	s29 =	simm.s32 $0x9;
	_ =	strace $0x80000048  }
0xb6: {  	_ =	swait.ge [sflag:s29], $0x1  }
0xb7: {  	[sflag:s29] =	ssyncadd.s32 $0xFFFFFFFF  }
0xb8: {  	_ =	strace $0x90000048  }
0xb9: {  	_ =	sfence  }
0xba: {  	s30 =	sld [smem:$0x0];
	_ =	sdelay $0x2  }
0xbb: {  	s31 =	sshll.u32 s1, $0xD;
	s1 =	sshrl.u32 s1, $0x2  }
0xbc: {  	s3 =	sand.u32 $0x4000, s31;
	s1 =	sadd.s32 s1, s30  }
0xbd: {  	s0 =	sor.u32 s3, s0;
	s1 =	sshll.u32 s1, $0x11  }
0xbe: {  	s0 =	sor.u32 s1, s0  }
0xbf: {  	s0 =	sadd.s32 $0x8F2B, s0  }
0xc0: {  	[sflag:s0] =	ssyncadd.remote.s32 $0x1  }
0xc1: {  	_ =	sfence.sel $0xFFFF  }
0xc2: {  	[dreg:$0x0] =	wrdreg $0xFFFFFFFF;
	(pc) =	sbr.abs _section_cstart, $3  }
0xc3: {  	[dreg:$0x1] =	wrdreg $0xFFFFFFFF  }
0xc4: {  	_ =	task.clear_ibuf [dreg:s9], $0x2FFFF;
	_ =	strace $0x9FFFFFFF  }
0xc5: {  	(tm) =	ssettm $0x7FFFFFFF  }
tec
execute0_lowered:
.L_overlay_start_1:
0x0: {  	(tag) =	ssettag $0x1  }
0x1: {  	s1 =	rddreg [dreg:$0x0]  }
0x2: {  	s2 =	rddreg [dreg:$0x1]  }
0x3: {  	s4 =	rddreg [dreg:$0x2];
	s6 =	stileid.u32  }
0x4: {  	s0 =	srdreg.scid;
	s3 =	simm.s32 $0x0;
	s5 =	sshll.u32 s6, $0x1  }
0x5: {  	s0 =	sand.u32 $0x1, s0;
	s6 =	sshrl.u32 s6, $0x2;
	s5 =	sand.u32 $0x6, s5  }
0x6: {  	s8 =	sshll.u32 s6, $0x4;
	s6 =	sshll.u32 s6, $0x13;
	s5 =	sor.u32 s0, s5  }
0x7: {  	s1 =	sadd.s32 s1, s8;
	s7 =	sshll.u32 s5, $0x10;
	s5 =	sshll.u32 s5, $0x8  }
0x8: {  	[smem:$0x7FF] =	sst s3;
	s6 =	sor.u32 s6, s7;
	s1 =	sadd.s32 s5, s1  }
0x9: {  	_ =	strace $0x80000047;
	s7 =	sadd.s32 s4, s6;
	[dreg:$0x4] =	wrdreg s1  }
0xa: {  	s18 =	sadd.s32 $0x800, s7;
	[smem:$0x7FB] =	sst s7  }
0xb: {  	s19 =	sadd.s32 $0x1000, s7;
	[dreg:$0x5] =	wrdreg s18  }
0xc: {  	s20 =	sadd.s32 $0x1800, s7;
	[dreg:$0x6] =	wrdreg s19  }
0xd: {  	s21 =	sadd.s32 $0x2000, s7;
	[dreg:$0x7] =	wrdreg s20  }
0xe: {  	s22 =	sadd.s32 $0x2800, s7;
	[dreg:$0x8] =	wrdreg s21  }
0xf: {  	s23 =	sadd.s32 $0x3000, s7;
	[dreg:$0x9] =	wrdreg s22  }
0x10: {  	s24 =	sadd.s32 $0x3800, s7;
	[dreg:$0xa] =	wrdreg s23  }
0x11: {  	s25 =	sadd.s32 $0x4000, s7;
	[dreg:$0xb] =	wrdreg s24  }
0x12: {  	s26 =	sadd.s32 $0x4800, s7;
	[dreg:$0xc] =	wrdreg s25  }
0x13: {  	s31 =	sadd.s32 $0x5000, s7;
	[dreg:$0xd] =	wrdreg s26  }
0x14: {  	s4 =	sadd.s32 $0x5800, s7;
	[dreg:$0xe] =	wrdreg s31  }
0x15: {  	s5 =	sadd.s32 $0x6000, s7;
	[dreg:$0xf] =	wrdreg s4  }
0x16: {  	s6 =	sadd.s32 $0x6800, s7;
	[dreg:$0x10] =	wrdreg s5  }
0x17: {  	s8 =	sadd.s32 $0x7000, s7;
	[dreg:$0x11] =	wrdreg s6  }
0x18: {  	s9 =	sadd.s32 $0x7800, s7;
	[dreg:$0x12] =	wrdreg s8  }
0x19: {  	s10 =	sadd.s32 $0x8000, s7;
	[dreg:$0x13] =	wrdreg s9  }
0x1a: {  	s11 =	sadd.s32 $0x8800, s7;
	[dreg:$0x14] =	wrdreg s10  }
0x1b: {  	s12 =	sadd.s32 $0x9000, s7;
	[dreg:$0x15] =	wrdreg s11  }
0x1c: {  	s13 =	sadd.s32 $0x9800, s7;
	[dreg:$0x16] =	wrdreg s12  }
0x1d: {  	s28 =	simm.s32 $0x5;
	s14 =	sadd.s32 $0xA000, s7;
	[dreg:$0x17] =	wrdreg s13  }
0x1e: {  	s29 =	simm.s32 $0x6;
	s15 =	sadd.s32 $0xA800, s7;
	[dreg:$0x18] =	wrdreg s14  }
0x1f: {  	s30 =	simm.s32 $0x7;
	s16 =	sadd.s32 $0xB000, s7;
	[dreg:$0x19] =	wrdreg s15  }
0x20: {  	s0 =	ssub.s32 $0x2, s0;
	s17 =	sadd.s32 $0xB800, s7;
	[dreg:$0x1a] =	wrdreg s16  }
0x21: {  	s1 =	simm.s32 $0x200;
	[dreg:$0x1b] =	wrdreg s17;
	s18 =	sadd.s32 $0xC000, s7  }
0x22: {  	s19 =	sadd.s32 $0xC800, s7;
	s20 =	sadd.s32 $0xD000, s7;
	[dreg:$0x1c] =	wrdreg s18  }
0x23: {  	s21 =	sadd.s32 $0xD800, s7;
	s22 =	sshrl.u32 s0, $0x1;
	[dreg:$0x1d] =	wrdreg s19  }
0x24: {  	s23 =	sadd.s32 $0xE000, s7;
	s24 =	sadd.s32 $0xE800, s7;
	[dreg:$0x1e] =	wrdreg s20  }
0x25: {  	s5 =	sadd.s32 $0x100, s2;
	s25 =	sadd.s32 $0xF000, s7;
	[dreg:$0x1f] =	wrdreg s21  }
0x26: {  	s6 =	sadd.s32 $0x200, s2;
	s26 =	sadd.s32 $0xF800, s7;
	[smem:$0x7F8] =	sst s23  }
0x27: {  	s7 =	sadd.s32 $0x300, s2;
	s31 =	simm.s32 $0x80;
	[smem:$0x7F9] =	sst s24  }
0x28: {  	s4 =	simm.s32 $0x8200;
	s9 =	simm.s32 $0xC200;
	[smem:$0x7FA] =	sst s25  }
0x29: {  	s14 =	simm.s32 $0x14200;
	s0 =	ssub.s32 s0, s22;
	[smem:$0x7FC] =	sst s26  }
0x2a: {  	v2 =	vlaneseq.u32;
	[smem:$0x7FD] =	sst s31;
	s22 =	simm.s32 $0x1;
	s23 =	simm.s32 $0x2  }
0x2b: {  	vm0 =	vmmov $0xffff;
	v1 =	vshrl.u32 v2, $0x3;
	s24 =	simm.s32 $0x3;
	s25 =	simm.s32 $0x4;
	s26 =	simm.s32 $0x4200  }
0x2c: {  	v0 =	vand.u32 $0x7, v2;
	v2 =	vor.u32 $0x8, v2;
	v1 =	vmul.u32 $0x8, v1;
	s20 =	simm.s32 $0x10200;
	s18 =	simm.s32 $0x18200;
	s8 =	smax.u32 s0, $0x1  }
.LBB2_1:
0x2d: {  	s0 =	sld [smem:$0x7FD];
	_ =	sdelay $0x1  }
0x2e: {  	s31 =	rddreg [dreg:$0x4];
	s17 =	simm.s32 $0x8  }
0x2f: {  	[tilespmem:s3], [sflag:$0x8] =	stream.strided.gather [hbm4b:s31+s0], $0x200, s1, s0, $0x38;
	[tilespmem:$0x1C200] =	vst v63  }
0x30: {  	_ =	swait.ge [sflag:s17], $0x200  }
0x31: {  	[sflag:s17] =	ssyncset.done $0x0  }
0x32: {  	[sflag:s17] =	ssyncadd.s32 $0xFFFFFE00  }
0x33: {  	v3 =	vld [tilespmem:$0x0];
	_ =	sdelay $0x4  }
0x34: {  	v4 =	vshll.u32 v3, $0x3  }
0x35: {  	v3 =	vand.u32 $0x7, v3;
	v4 =	vand.u32 $0xFFFFFFC0, v4  }
0x36: {  	v3 =	vor.u32 v3, v4  }
0x37: {  	v4 =	vperm.xlane v3, v0;
	_ =	sdelay $0x1  }
0x38: {  	v4 =	vadd.s32 v1, v4;
	_ =	sdelay $0x4  }
0x39: {  	[tilespmem:s1], [sflag:$0x1] =	stream.indirect_vreg.gather [hbm4b:s2+s3], $0x80, v4, vm0, $0xb8;
	[tilespmem:$0x1C200] =	vst v63  }
0x3a: {  	s19 =	simm.s32 $0xA00;
	v3 =	vperm.xlane v3, v2  }
0x3b: {  	[tilespmem:s19], [sflag:$0x1] =	stream.indirect_vreg.gather [hbm4b:s5+s3], $0x80, v4, vm0, $0xb8;
	[tilespmem:$0x1C200] =	vst v63  }
0x3c: {  	s21 =	simm.s32 $0x1200;
	v3 =	vadd.s32 v1, v3  }
0x3d: {  	[tilespmem:s21], [sflag:$0x1] =	stream.indirect_vreg.gather [hbm4b:s6+s3], $0x80, v4, vm0, $0xb8;
	[tilespmem:$0x1C200] =	vst v63  }
0x3e: {  	s31 =	simm.s32 $0x1A00  }
0x3f: {  	[tilespmem:s31], [sflag:$0x1] =	stream.indirect_vreg.gather [hbm4b:s7+s3], $0x80, v4, vm0, $0xb8;
	[tilespmem:$0x1C200] =	vst v63  }
0x40: {  	s11 =	simm.s32 $0x2200  }
0x41: {  	[tilespmem:s11], [sflag:$0x1] =	stream.indirect_vreg.gather [hbm4b:s2+s3], $0x80, v3, vm0, $0xb8;
	[tilespmem:$0x1C200] =	vst v63  }
0x42: {  	s12 =	simm.s32 $0x2A00  }
0x43: {  	[tilespmem:s12], [sflag:$0x1] =	stream.indirect_vreg.gather [hbm4b:s5+s3], $0x80, v3, vm0, $0xb8;
	[tilespmem:$0x1C200] =	vst v63  }
0x44: {  	s13 =	simm.s32 $0x3200  }
0x45: {  	[tilespmem:s13], [sflag:$0x1] =	stream.indirect_vreg.gather [hbm4b:s6+s3], $0x80, v3, vm0, $0xb8;
	[tilespmem:$0x1C200] =	vst v63  }
0x46: {  	s17 =	simm.s32 $0x3A00  }
0x47: {  	[tilespmem:s17], [sflag:$0x1] =	stream.indirect_vreg.gather [hbm4b:s7+s3], $0x80, v3, vm0, $0xb8;
	[tilespmem:$0x1C200] =	vst v63  }
0x48: {  	v3 =	vld [tilespmem:$0x10];
	_ =	sdelay $0x4  }
0x49: {  	v33 =	vshll.u32 v3, $0x3  }
0x4a: {  	v3 =	vand.u32 $0x7, v3;
	v4 =	vand.u32 $0xFFFFFFC0, v33  }
0x4b: {  	v3 =	vor.u32 v3, v4  }
0x4c: {  	v4 =	vperm.xlane v3, v0;
	_ =	sdelay $0x1  }
0x4d: {  	v4 =	vadd.s32 v1, v4;
	_ =	sdelay $0x4  }
0x4e: {  	[tilespmem:s26], [sflag:$0x2] =	stream.indirect_vreg.gather [hbm4b:s2+s3], $0x80, v4, vm0, $0xb8;
	[tilespmem:$0x1C200] =	vst v63  }
0x4f: {  	s19 =	simm.s32 $0x4A00;
	v3 =	vperm.xlane v3, v2  }
0x50: {  	[tilespmem:s19], [sflag:$0x2] =	stream.indirect_vreg.gather [hbm4b:s5+s3], $0x80, v4, vm0, $0xb8;
	[tilespmem:$0x1C200] =	vst v63  }
0x51: {  	s31 =	simm.s32 $0x5200;
	v3 =	vadd.s32 v1, v3  }
0x52: {  	[tilespmem:s31], [sflag:$0x2] =	stream.indirect_vreg.gather [hbm4b:s6+s3], $0x80, v4, vm0, $0xb8;
	[tilespmem:$0x1C200] =	vst v63  }
0x53: {  	s17 =	simm.s32 $0x5A00  }
0x54: {  	[tilespmem:s17], [sflag:$0x2] =	stream.indirect_vreg.gather [hbm4b:s7+s3], $0x80, v4, vm0, $0xb8;
	[tilespmem:$0x1C200] =	vst v63  }
0x55: {  	s17 =	simm.s32 $0x6200  }
0x56: {  	[tilespmem:s17], [sflag:$0x2] =	stream.indirect_vreg.gather [hbm4b:s2+s3], $0x80, v3, vm0, $0xb8;
	[tilespmem:$0x1C200] =	vst v63  }
0x57: {  	s17 =	simm.s32 $0x6A00  }
0x58: {  	[tilespmem:s17], [sflag:$0x2] =	stream.indirect_vreg.gather [hbm4b:s5+s3], $0x80, v3, vm0, $0xb8;
	[tilespmem:$0x1C200] =	vst v63  }
0x59: {  	s17 =	simm.s32 $0x7200  }
0x5a: {  	[tilespmem:s17], [sflag:$0x2] =	stream.indirect_vreg.gather [hbm4b:s6+s3], $0x80, v3, vm0, $0xb8;
	[tilespmem:$0x1C200] =	vst v63  }
0x5b: {  	s17 =	simm.s32 $0x7A00  }
0x5c: {  	[tilespmem:s17], [sflag:$0x2] =	stream.indirect_vreg.gather [hbm4b:s7+s3], $0x80, v3, vm0, $0xb8;
	[tilespmem:$0x1C200] =	vst v63  }
0x5d: {  	v3 =	vld [tilespmem:$0x20];
	_ =	sdelay $0x4  }
0x5e: {  	v34 =	vshll.u32 v3, $0x3  }
0x5f: {  	v3 =	vand.u32 $0x7, v3;
	v4 =	vand.u32 $0xFFFFFFC0, v34  }
0x60: {  	v3 =	vor.u32 v3, v4  }
0x61: {  	v4 =	vperm.xlane v3, v0;
	_ =	sdelay $0x1  }
0x62: {  	v4 =	vadd.s32 v1, v4;
	_ =	sdelay $0x4  }
0x63: {  	[tilespmem:s4], [sflag:$0x3] =	stream.indirect_vreg.gather [hbm4b:s2+s3], $0x80, v4, vm0, $0xb8;
	[tilespmem:$0x1C200] =	vst v63  }
0x64: {  	s0 =	simm.s32 $0x8A00;
	v3 =	vperm.xlane v3, v2  }
0x65: {  	[tilespmem:s0], [sflag:$0x3] =	stream.indirect_vreg.gather [hbm4b:s5+s3], $0x80, v4, vm0, $0xb8;
	[tilespmem:$0x1C200] =	vst v63  }
0x66: {  	v3 =	vadd.s32 v1, v3;
	s0 =	simm.s32 $0x9200  }
0x67: {  	[tilespmem:s0], [sflag:$0x3] =	stream.indirect_vreg.gather [hbm4b:s6+s3], $0x80, v4, vm0, $0xb8;
	[tilespmem:$0x1C200] =	vst v63  }
0x68: {  	s0 =	simm.s32 $0x9A00  }
0x69: {  	[tilespmem:s0], [sflag:$0x3] =	stream.indirect_vreg.gather [hbm4b:s7+s3], $0x80, v4, vm0, $0xb8;
	[tilespmem:$0x1C200] =	vst v63  }
0x6a: {  	s0 =	simm.s32 $0xA200  }
0x6b: {  	[tilespmem:s0], [sflag:$0x3] =	stream.indirect_vreg.gather [hbm4b:s2+s3], $0x80, v3, vm0, $0xb8;
	[tilespmem:$0x1C200] =	vst v63  }
0x6c: {  	s0 =	simm.s32 $0xAA00  }
0x6d: {  	[tilespmem:s0], [sflag:$0x3] =	stream.indirect_vreg.gather [hbm4b:s5+s3], $0x80, v3, vm0, $0xb8;
	[tilespmem:$0x1C200] =	vst v63  }
0x6e: {  	s0 =	simm.s32 $0xB200  }
0x6f: {  	[tilespmem:s0], [sflag:$0x3] =	stream.indirect_vreg.gather [hbm4b:s6+s3], $0x80, v3, vm0, $0xb8;
	[tilespmem:$0x1C200] =	vst v63  }
0x70: {  	s0 =	simm.s32 $0xBA00  }
0x71: {  	[tilespmem:s0], [sflag:$0x3] =	stream.indirect_vreg.gather [hbm4b:s7+s3], $0x80, v3, vm0, $0xb8;
	[tilespmem:$0x1C200] =	vst v63  }
0x72: {  	v3 =	vld [tilespmem:$0x30];
	_ =	sdelay $0x4  }
0x73: {  	v35 =	vshll.u32 v3, $0x3  }
0x74: {  	v3 =	vand.u32 $0x7, v3;
	v4 =	vand.u32 $0xFFFFFFC0, v35  }
0x75: {  	v3 =	vor.u32 v3, v4  }
0x76: {  	v4 =	vperm.xlane v3, v0;
	_ =	sdelay $0x1  }
0x77: {  	v4 =	vadd.s32 v1, v4;
	_ =	sdelay $0x4  }
0x78: {  	[tilespmem:s9], [sflag:$0x4] =	stream.indirect_vreg.gather [hbm4b:s2+s3], $0x80, v4, vm0, $0xb8;
	[tilespmem:$0x1C200] =	vst v63  }
0x79: {  	s0 =	simm.s32 $0xCA00;
	v3 =	vperm.xlane v3, v2  }
0x7a: {  	[tilespmem:s0], [sflag:$0x4] =	stream.indirect_vreg.gather [hbm4b:s5+s3], $0x80, v4, vm0, $0xb8;
	[tilespmem:$0x1C200] =	vst v63  }
0x7b: {  	v3 =	vadd.s32 v1, v3;
	s0 =	simm.s32 $0xD200  }
0x7c: {  	[tilespmem:s0], [sflag:$0x4] =	stream.indirect_vreg.gather [hbm4b:s6+s3], $0x80, v4, vm0, $0xb8;
	[tilespmem:$0x1C200] =	vst v63  }
0x7d: {  	s0 =	simm.s32 $0xDA00  }
0x7e: {  	[tilespmem:s0], [sflag:$0x4] =	stream.indirect_vreg.gather [hbm4b:s7+s3], $0x80, v4, vm0, $0xb8;
	[tilespmem:$0x1C200] =	vst v63  }
0x7f: {  	s0 =	simm.s32 $0xE200  }
0x80: {  	[tilespmem:s0], [sflag:$0x4] =	stream.indirect_vreg.gather [hbm4b:s2+s3], $0x80, v3, vm0, $0xb8;
	[tilespmem:$0x1C200] =	vst v63  }
0x81: {  	s0 =	simm.s32 $0xEA00  }
0x82: {  	[tilespmem:s0], [sflag:$0x4] =	stream.indirect_vreg.gather [hbm4b:s5+s3], $0x80, v3, vm0, $0xb8;
	[tilespmem:$0x1C200] =	vst v63  }
0x83: {  	s0 =	simm.s32 $0xF200  }
0x84: {  	[tilespmem:s0], [sflag:$0x4] =	stream.indirect_vreg.gather [hbm4b:s6+s3], $0x80, v3, vm0, $0xb8;
	[tilespmem:$0x1C200] =	vst v63  }
0x85: {  	s0 =	simm.s32 $0xFA00  }
0x86: {  	[tilespmem:s0], [sflag:$0x4] =	stream.indirect_vreg.gather [hbm4b:s7+s3], $0x80, v3, vm0, $0xb8;
	[tilespmem:$0x1C200] =	vst v63  }
0x87: {  	v3 =	vld [tilespmem:$0x40];
	_ =	sdelay $0x4  }
0x88: {  	v36 =	vshll.u32 v3, $0x3  }
0x89: {  	v3 =	vand.u32 $0x7, v3;
	v4 =	vand.u32 $0xFFFFFFC0, v36  }
0x8a: {  	v3 =	vor.u32 v3, v4  }
0x8b: {  	v4 =	vperm.xlane v3, v0;
	_ =	sdelay $0x1  }
0x8c: {  	v4 =	vadd.s32 v1, v4;
	_ =	sdelay $0x4  }
0x8d: {  	[tilespmem:s20], [sflag:$0x5] =	stream.indirect_vreg.gather [hbm4b:s2+s3], $0x80, v4, vm0, $0xb8;
	[tilespmem:$0x1C200] =	vst v63  }
0x8e: {  	s0 =	simm.s32 $0x10A00;
	v3 =	vperm.xlane v3, v2  }
0x8f: {  	[tilespmem:s0], [sflag:$0x5] =	stream.indirect_vreg.gather [hbm4b:s5+s3], $0x80, v4, vm0, $0xb8;
	[tilespmem:$0x1C200] =	vst v63  }
0x90: {  	v3 =	vadd.s32 v1, v3;
	s0 =	simm.s32 $0x11200  }
0x91: {  	[tilespmem:s0], [sflag:$0x5] =	stream.indirect_vreg.gather [hbm4b:s6+s3], $0x80, v4, vm0, $0xb8;
	[tilespmem:$0x1C200] =	vst v63  }
0x92: {  	s0 =	simm.s32 $0x11A00  }
0x93: {  	[tilespmem:s0], [sflag:$0x5] =	stream.indirect_vreg.gather [hbm4b:s7+s3], $0x80, v4, vm0, $0xb8;
	[tilespmem:$0x1C200] =	vst v63  }
0x94: {  	s0 =	simm.s32 $0x12200  }
0x95: {  	[tilespmem:s0], [sflag:$0x5] =	stream.indirect_vreg.gather [hbm4b:s2+s3], $0x80, v3, vm0, $0xb8;
	[tilespmem:$0x1C200] =	vst v63  }
0x96: {  	s0 =	simm.s32 $0x12A00  }
0x97: {  	[tilespmem:s0], [sflag:$0x5] =	stream.indirect_vreg.gather [hbm4b:s5+s3], $0x80, v3, vm0, $0xb8;
	[tilespmem:$0x1C200] =	vst v63  }
0x98: {  	s0 =	simm.s32 $0x13200  }
0x99: {  	[tilespmem:s0], [sflag:$0x5] =	stream.indirect_vreg.gather [hbm4b:s6+s3], $0x80, v3, vm0, $0xb8;
	[tilespmem:$0x1C200] =	vst v63  }
0x9a: {  	s0 =	simm.s32 $0x13A00  }
0x9b: {  	[tilespmem:s0], [sflag:$0x5] =	stream.indirect_vreg.gather [hbm4b:s7+s3], $0x80, v3, vm0, $0xb8;
	[tilespmem:$0x1C200] =	vst v63  }
0x9c: {  	v3 =	vld [tilespmem:$0x50];
	_ =	sdelay $0x4  }
0x9d: {  	v37 =	vshll.u32 v3, $0x3  }
0x9e: {  	v3 =	vand.u32 $0x7, v3;
	v4 =	vand.u32 $0xFFFFFFC0, v37  }
0x9f: {  	v3 =	vor.u32 v3, v4  }
0xa0: {  	v4 =	vperm.xlane v3, v0;
	_ =	sdelay $0x1  }
0xa1: {  	v4 =	vadd.s32 v1, v4;
	_ =	sdelay $0x4  }
0xa2: {  	[tilespmem:s14], [sflag:$0x6] =	stream.indirect_vreg.gather [hbm4b:s2+s3], $0x80, v4, vm0, $0xb8;
	[tilespmem:$0x1C200] =	vst v63  }
0xa3: {  	s0 =	simm.s32 $0x14A00;
	v3 =	vperm.xlane v3, v2  }
0xa4: {  	[tilespmem:s0], [sflag:$0x6] =	stream.indirect_vreg.gather [hbm4b:s5+s3], $0x80, v4, vm0, $0xb8;
	[tilespmem:$0x1C200] =	vst v63  }
0xa5: {  	v3 =	vadd.s32 v1, v3;
	s0 =	simm.s32 $0x15200  }
0xa6: {  	[tilespmem:s0], [sflag:$0x6] =	stream.indirect_vreg.gather [hbm4b:s6+s3], $0x80, v4, vm0, $0xb8;
	[tilespmem:$0x1C200] =	vst v63  }
0xa7: {  	s0 =	simm.s32 $0x15A00  }
0xa8: {  	[tilespmem:s0], [sflag:$0x6] =	stream.indirect_vreg.gather [hbm4b:s7+s3], $0x80, v4, vm0, $0xb8;
	[tilespmem:$0x1C200] =	vst v63  }
0xa9: {  	s0 =	simm.s32 $0x16200  }
0xaa: {  	[tilespmem:s0], [sflag:$0x6] =	stream.indirect_vreg.gather [hbm4b:s2+s3], $0x80, v3, vm0, $0xb8;
	[tilespmem:$0x1C200] =	vst v63  }
0xab: {  	s0 =	simm.s32 $0x16A00  }
0xac: {  	[tilespmem:s0], [sflag:$0x6] =	stream.indirect_vreg.gather [hbm4b:s5+s3], $0x80, v3, vm0, $0xb8;
	[tilespmem:$0x1C200] =	vst v63  }
0xad: {  	s0 =	simm.s32 $0x17200  }
0xae: {  	[tilespmem:s0], [sflag:$0x6] =	stream.indirect_vreg.gather [hbm4b:s6+s3], $0x80, v3, vm0, $0xb8;
	[tilespmem:$0x1C200] =	vst v63  }
0xaf: {  	s0 =	simm.s32 $0x17A00  }
0xb0: {  	[tilespmem:s0], [sflag:$0x6] =	stream.indirect_vreg.gather [hbm4b:s7+s3], $0x80, v3, vm0, $0xb8;
	[tilespmem:$0x1C200] =	vst v63  }
0xb1: {  	v3 =	vld [tilespmem:$0x60];
	_ =	sdelay $0x4  }
0xb2: {  	v38 =	vshll.u32 v3, $0x3  }
0xb3: {  	v3 =	vand.u32 $0x7, v3;
	v4 =	vand.u32 $0xFFFFFFC0, v38  }
0xb4: {  	v3 =	vor.u32 v3, v4  }
0xb5: {  	v4 =	vperm.xlane v3, v0;
	_ =	sdelay $0x1  }
0xb6: {  	v4 =	vadd.s32 v1, v4;
	_ =	sdelay $0x4  }
0xb7: {  	[tilespmem:s18], [sflag:$0x7] =	stream.indirect_vreg.gather [hbm4b:s2+s3], $0x80, v4, vm0, $0xb8;
	[tilespmem:$0x1C200] =	vst v63  }
0xb8: {  	s0 =	simm.s32 $0x18A00;
	v3 =	vperm.xlane v3, v2  }
0xb9: {  	[tilespmem:s0], [sflag:$0x7] =	stream.indirect_vreg.gather [hbm4b:s5+s3], $0x80, v4, vm0, $0xb8;
	[tilespmem:$0x1C200] =	vst v63  }
0xba: {  	v3 =	vadd.s32 v1, v3;
	s0 =	simm.s32 $0x19200  }
0xbb: {  	[tilespmem:s0], [sflag:$0x7] =	stream.indirect_vreg.gather [hbm4b:s6+s3], $0x80, v4, vm0, $0xb8;
	[tilespmem:$0x1C200] =	vst v63  }
0xbc: {  	s0 =	simm.s32 $0x19A00  }
0xbd: {  	[tilespmem:s0], [sflag:$0x7] =	stream.indirect_vreg.gather [hbm4b:s7+s3], $0x80, v4, vm0, $0xb8;
	[tilespmem:$0x1C200] =	vst v63  }
0xbe: {  	s0 =	simm.s32 $0x1A200  }
0xbf: {  	[tilespmem:s0], [sflag:$0x7] =	stream.indirect_vreg.gather [hbm4b:s2+s3], $0x80, v3, vm0, $0xb8;
	[tilespmem:$0x1C200] =	vst v63  }
0xc0: {  	s0 =	simm.s32 $0x1AA00  }
0xc1: {  	[tilespmem:s0], [sflag:$0x7] =	stream.indirect_vreg.gather [hbm4b:s5+s3], $0x80, v3, vm0, $0xb8;
	[tilespmem:$0x1C200] =	vst v63  }
0xc2: {  	s0 =	simm.s32 $0x1B200  }
0xc3: {  	[tilespmem:s0], [sflag:$0x7] =	stream.indirect_vreg.gather [hbm4b:s6+s3], $0x80, v3, vm0, $0xb8;
	[tilespmem:$0x1C200] =	vst v63  }
0xc4: {  	s0 =	simm.s32 $0x1BA00  }
0xc5: {  	[tilespmem:s0], [sflag:$0x7] =	stream.indirect_vreg.gather [hbm4b:s7+s3], $0x80, v3, vm0, $0xb8;
	[tilespmem:$0x1C200] =	vst v63  }
0xc6: {  	_ =	swait.ge [sflag:s22], $0x4000  }
0xc7: {  	s0 =	sld [smem:$0x7FB]  }
0xc8: {  	[sflag:s22] =	ssyncset.done $0x0  }
0xc9: {  	[sflag:s22] =	ssyncadd.s32 $0xFFFFC000  }
0xca: {  	[hbm4b:s0+s3] =	stream.linear.scatter [tilespmem:s1], [sflag:$0x1], $0x4000, $0x38;
	[tilespmem:$0x1C200] =	vst v63  }
0xcb: {  	_ =	swait.ge [sflag:s22], $0x4000  }
0xcc: {  	[sflag:s22] =	ssyncset.done $0x0  }
0xcd: {  	[sflag:s22] =	ssyncadd.s32 $0xFFFFC000  }
0xce: {  	v3 =	vld [tilespmem:$0x70];
	_ =	sdelay $0x4  }
0xcf: {  	v39 =	vshll.u32 v3, $0x3  }
0xd0: {  	v3 =	vand.u32 $0x7, v3;
	v4 =	vand.u32 $0xFFFFFFC0, v39  }
0xd1: {  	v3 =	vor.u32 v3, v4  }
0xd2: {  	v4 =	vperm.xlane v3, v0;
	_ =	sdelay $0x1  }
0xd3: {  	v4 =	vadd.s32 v1, v4;
	_ =	sdelay $0x4  }
0xd4: {  	[tilespmem:s1], [sflag:$0x1] =	stream.indirect_vreg.gather [hbm4b:s2+s3], $0x80, v4, vm0, $0xb8;
	[tilespmem:$0x1C200] =	vst v63  }
0xd5: {  	s10 =	simm.s32 $0xA00;
	v3 =	vperm.xlane v3, v2  }
0xd6: {  	[tilespmem:s10], [sflag:$0x1] =	stream.indirect_vreg.gather [hbm4b:s5+s3], $0x80, v4, vm0, $0xb8;
	[tilespmem:$0x1C200] =	vst v63  }
0xd7: {  	s21 =	simm.s32 $0x1200;
	v3 =	vadd.s32 v1, v3  }
0xd8: {  	[tilespmem:s21], [sflag:$0x1] =	stream.indirect_vreg.gather [hbm4b:s6+s3], $0x80, v4, vm0, $0xb8;
	[tilespmem:$0x1C200] =	vst v63  }
0xd9: {  	s15 =	simm.s32 $0x1A00  }
0xda: {  	[tilespmem:s15], [sflag:$0x1] =	stream.indirect_vreg.gather [hbm4b:s7+s3], $0x80, v4, vm0, $0xb8;
	[tilespmem:$0x1C200] =	vst v63  }
0xdb: {  	s16 =	simm.s32 $0x2200  }
0xdc: {  	[tilespmem:s16], [sflag:$0x1] =	stream.indirect_vreg.gather [hbm4b:s2+s3], $0x80, v3, vm0, $0xb8;
	[tilespmem:$0x1C200] =	vst v63  }
0xdd: {  	s12 =	simm.s32 $0x2A00  }
0xde: {  	[tilespmem:s12], [sflag:$0x1] =	stream.indirect_vreg.gather [hbm4b:s5+s3], $0x80, v3, vm0, $0xb8;
	[tilespmem:$0x1C200] =	vst v63  }
0xdf: {  	s13 =	simm.s32 $0x3200  }
0xe0: {  	[tilespmem:s13], [sflag:$0x1] =	stream.indirect_vreg.gather [hbm4b:s6+s3], $0x80, v3, vm0, $0xb8;
	[tilespmem:$0x1C200] =	vst v63  }
0xe1: {  	s11 =	simm.s32 $0x3A00  }
0xe2: {  	[tilespmem:s11], [sflag:$0x1] =	stream.indirect_vreg.gather [hbm4b:s7+s3], $0x80, v3, vm0, $0xb8;
	[tilespmem:$0x1C200] =	vst v63  }
0xe3: {  	_ =	swait.ge [sflag:s23], $0x4000  }
0xe4: {  	[sflag:s23] =	ssyncset.done $0x0  }
0xe5: {  	s21 =	rddreg [dreg:$0x5];
	[sflag:s23] =	ssyncadd.s32 $0xFFFFC000  }
0xe6: {  	[hbm4b:s21+s3] =	stream.linear.scatter [tilespmem:s26], [sflag:$0x2], $0x4000, $0x38;
	[tilespmem:$0x1C200] =	vst v63  }
0xe7: {  	_ =	swait.ge [sflag:s23], $0x4000  }
0xe8: {  	[sflag:s23] =	ssyncset.done $0x0  }
0xe9: {  	[sflag:s23] =	ssyncadd.s32 $0xFFFFC000  }
0xea: {  	v3 =	vld [tilespmem:$0x80];
	_ =	sdelay $0x4  }
0xeb: {  	v40 =	vshll.u32 v3, $0x3  }
0xec: {  	v3 =	vand.u32 $0x7, v3;
	v4 =	vand.u32 $0xFFFFFFC0, v40  }
0xed: {  	v3 =	vor.u32 v3, v4  }
0xee: {  	v4 =	vperm.xlane v3, v0;
	_ =	sdelay $0x1  }
0xef: {  	v4 =	vadd.s32 v1, v4;
	_ =	sdelay $0x4  }
0xf0: {  	[tilespmem:s26], [sflag:$0x2] =	stream.indirect_vreg.gather [hbm4b:s2+s3], $0x80, v4, vm0, $0xb8;
	[tilespmem:$0x1C200] =	vst v63  }
0xf1: {  	s19 =	simm.s32 $0x4A00;
	v3 =	vperm.xlane v3, v2  }
0xf2: {  	[tilespmem:s19], [sflag:$0x2] =	stream.indirect_vreg.gather [hbm4b:s5+s3], $0x80, v4, vm0, $0xb8;
	[tilespmem:$0x1C200] =	vst v63  }
0xf3: {  	s31 =	simm.s32 $0x5200;
	v3 =	vadd.s32 v1, v3  }
0xf4: {  	[tilespmem:s31], [sflag:$0x2] =	stream.indirect_vreg.gather [hbm4b:s6+s3], $0x80, v4, vm0, $0xb8;
	[tilespmem:$0x1C200] =	vst v63  }
0xf5: {  	s10 =	simm.s32 $0x5A00  }
0xf6: {  	[tilespmem:s10], [sflag:$0x2] =	stream.indirect_vreg.gather [hbm4b:s7+s3], $0x80, v4, vm0, $0xb8;
	[tilespmem:$0x1C200] =	vst v63  }
0xf7: {  	s11 =	simm.s32 $0x6200  }
0xf8: {  	[tilespmem:s11], [sflag:$0x2] =	stream.indirect_vreg.gather [hbm4b:s2+s3], $0x80, v3, vm0, $0xb8;
	[tilespmem:$0x1C200] =	vst v63  }
0xf9: {  	s12 =	simm.s32 $0x6A00  }
0xfa: {  	[tilespmem:s12], [sflag:$0x2] =	stream.indirect_vreg.gather [hbm4b:s5+s3], $0x80, v3, vm0, $0xb8;
	[tilespmem:$0x1C200] =	vst v63  }
0xfb: {  	s13 =	simm.s32 $0x7200  }
0xfc: {  	[tilespmem:s13], [sflag:$0x2] =	stream.indirect_vreg.gather [hbm4b:s6+s3], $0x80, v3, vm0, $0xb8;
	[tilespmem:$0x1C200] =	vst v63  }
0xfd: {  	s17 =	simm.s32 $0x7A00  }
0xfe: {  	[tilespmem:s17], [sflag:$0x2] =	stream.indirect_vreg.gather [hbm4b:s7+s3], $0x80, v3, vm0, $0xb8;
	[tilespmem:$0x1C200] =	vst v63  }
0xff: {  	_ =	swait.ge [sflag:s24], $0x4000  }
0x100: {  	[sflag:s24] =	ssyncset.done $0x0  }
0x101: {  	s15 =	rddreg [dreg:$0x6];
	[sflag:s24] =	ssyncadd.s32 $0xFFFFC000  }
0x102: {  	[hbm4b:s15+s3] =	stream.linear.scatter [tilespmem:s4], [sflag:$0x3], $0x4000, $0x38;
	[tilespmem:$0x1C200] =	vst v63  }
0x103: {  	_ =	swait.ge [sflag:s24], $0x4000  }
0x104: {  	[sflag:s24] =	ssyncset.done $0x0  }
0x105: {  	[sflag:s24] =	ssyncadd.s32 $0xFFFFC000  }
0x106: {  	v3 =	vld [tilespmem:$0x90];
	_ =	sdelay $0x4  }
0x107: {  	v41 =	vshll.u32 v3, $0x3  }
0x108: {  	v3 =	vand.u32 $0x7, v3;
	v4 =	vand.u32 $0xFFFFFFC0, v41  }
0x109: {  	v3 =	vor.u32 v3, v4  }
0x10a: {  	v4 =	vperm.xlane v3, v0;
	_ =	sdelay $0x1  }
0x10b: {  	v4 =	vadd.s32 v1, v4;
	_ =	sdelay $0x4  }
0x10c: {  	[tilespmem:s4], [sflag:$0x3] =	stream.indirect_vreg.gather [hbm4b:s2+s3], $0x80, v4, vm0, $0xb8;
	[tilespmem:$0x1C200] =	vst v63  }
0x10d: {  	s16 =	simm.s32 $0x8A00;
	v3 =	vperm.xlane v3, v2  }
0x10e: {  	[tilespmem:s16], [sflag:$0x3] =	stream.indirect_vreg.gather [hbm4b:s5+s3], $0x80, v4, vm0, $0xb8;
	[tilespmem:$0x1C200] =	vst v63  }
0x10f: {  	s17 =	simm.s32 $0x9200;
	v3 =	vadd.s32 v1, v3  }
0x110: {  	[tilespmem:s17], [sflag:$0x3] =	stream.indirect_vreg.gather [hbm4b:s6+s3], $0x80, v4, vm0, $0xb8;
	[tilespmem:$0x1C200] =	vst v63  }
0x111: {  	s19 =	simm.s32 $0x9A00  }
0x112: {  	[tilespmem:s19], [sflag:$0x3] =	stream.indirect_vreg.gather [hbm4b:s7+s3], $0x80, v4, vm0, $0xb8;
	[tilespmem:$0x1C200] =	vst v63  }
0x113: {  	s21 =	simm.s32 $0xA200  }
0x114: {  	[tilespmem:s21], [sflag:$0x3] =	stream.indirect_vreg.gather [hbm4b:s2+s3], $0x80, v3, vm0, $0xb8;
	[tilespmem:$0x1C200] =	vst v63  }
0x115: {  	s31 =	simm.s32 $0xAA00  }
0x116: {  	[tilespmem:s31], [sflag:$0x3] =	stream.indirect_vreg.gather [hbm4b:s5+s3], $0x80, v3, vm0, $0xb8;
	[tilespmem:$0x1C200] =	vst v63  }
0x117: {  	s10 =	simm.s32 $0xB200  }
0x118: {  	[tilespmem:s10], [sflag:$0x3] =	stream.indirect_vreg.gather [hbm4b:s6+s3], $0x80, v3, vm0, $0xb8;
	[tilespmem:$0x1C200] =	vst v63  }
0x119: {  	s11 =	simm.s32 $0xBA00  }
0x11a: {  	[tilespmem:s11], [sflag:$0x3] =	stream.indirect_vreg.gather [hbm4b:s7+s3], $0x80, v3, vm0, $0xb8;
	[tilespmem:$0x1C200] =	vst v63  }
0x11b: {  	_ =	swait.ge [sflag:s25], $0x4000  }
0x11c: {  	[sflag:s25] =	ssyncset.done $0x0  }
0x11d: {  	s12 =	rddreg [dreg:$0x7];
	[sflag:s25] =	ssyncadd.s32 $0xFFFFC000  }
0x11e: {  	[hbm4b:s12+s3] =	stream.linear.scatter [tilespmem:s9], [sflag:$0x4], $0x4000, $0x38;
	[tilespmem:$0x1C200] =	vst v63  }
0x11f: {  	_ =	swait.ge [sflag:s25], $0x4000  }
0x120: {  	[sflag:s25] =	ssyncset.done $0x0  }
0x121: {  	[sflag:s25] =	ssyncadd.s32 $0xFFFFC000  }
0x122: {  	v3 =	vld [tilespmem:$0xA0];
	_ =	sdelay $0x4  }
0x123: {  	v42 =	vshll.u32 v3, $0x3  }
0x124: {  	v3 =	vand.u32 $0x7, v3;
	v4 =	vand.u32 $0xFFFFFFC0, v42  }
0x125: {  	v3 =	vor.u32 v3, v4  }
0x126: {  	v4 =	vperm.xlane v3, v0;
	_ =	sdelay $0x1  }
0x127: {  	v4 =	vadd.s32 v1, v4;
	_ =	sdelay $0x4  }
0x128: {  	[tilespmem:s9], [sflag:$0x4] =	stream.indirect_vreg.gather [hbm4b:s2+s3], $0x80, v4, vm0, $0xb8;
	[tilespmem:$0x1C200] =	vst v63  }
0x129: {  	s15 =	simm.s32 $0xCA00;
	v3 =	vperm.xlane v3, v2  }
0x12a: {  	[tilespmem:s15], [sflag:$0x4] =	stream.indirect_vreg.gather [hbm4b:s5+s3], $0x80, v4, vm0, $0xb8;
	[tilespmem:$0x1C200] =	vst v63  }
0x12b: {  	s16 =	simm.s32 $0xD200;
	v3 =	vadd.s32 v1, v3  }
0x12c: {  	[tilespmem:s16], [sflag:$0x4] =	stream.indirect_vreg.gather [hbm4b:s6+s3], $0x80, v4, vm0, $0xb8;
	[tilespmem:$0x1C200] =	vst v63  }
0x12d: {  	s17 =	simm.s32 $0xDA00  }
0x12e: {  	[tilespmem:s17], [sflag:$0x4] =	stream.indirect_vreg.gather [hbm4b:s7+s3], $0x80, v4, vm0, $0xb8;
	[tilespmem:$0x1C200] =	vst v63  }
0x12f: {  	s11 =	simm.s32 $0xE200  }
0x130: {  	[tilespmem:s11], [sflag:$0x4] =	stream.indirect_vreg.gather [hbm4b:s2+s3], $0x80, v3, vm0, $0xb8;
	[tilespmem:$0x1C200] =	vst v63  }
0x131: {  	s12 =	simm.s32 $0xEA00  }
0x132: {  	[tilespmem:s12], [sflag:$0x4] =	stream.indirect_vreg.gather [hbm4b:s5+s3], $0x80, v3, vm0, $0xb8;
	[tilespmem:$0x1C200] =	vst v63  }
0x133: {  	s15 =	simm.s32 $0xF200  }
0x134: {  	[tilespmem:s15], [sflag:$0x4] =	stream.indirect_vreg.gather [hbm4b:s6+s3], $0x80, v3, vm0, $0xb8;
	[tilespmem:$0x1C200] =	vst v63  }
0x135: {  	s11 =	simm.s32 $0xFA00  }
0x136: {  	[tilespmem:s11], [sflag:$0x4] =	stream.indirect_vreg.gather [hbm4b:s7+s3], $0x80, v3, vm0, $0xb8;
	[tilespmem:$0x1C200] =	vst v63  }
0x137: {  	_ =	swait.ge [sflag:s28], $0x4000  }
0x138: {  	[sflag:s28] =	ssyncset.done $0x0  }
0x139: {  	s0 =	rddreg [dreg:$0x8];
	[sflag:s28] =	ssyncadd.s32 $0xFFFFC000  }
0x13a: {  	[hbm4b:s0+s3] =	stream.linear.scatter [tilespmem:s20], [sflag:$0x5], $0x4000, $0x38;
	[tilespmem:$0x1C200] =	vst v63  }
0x13b: {  	_ =	swait.ge [sflag:s28], $0x4000  }
0x13c: {  	[sflag:s28] =	ssyncset.done $0x0  }
0x13d: {  	[sflag:s28] =	ssyncadd.s32 $0xFFFFC000  }
0x13e: {  	v3 =	vld [tilespmem:$0xB0];
	_ =	sdelay $0x4  }
0x13f: {  	v43 =	vshll.u32 v3, $0x3  }
0x140: {  	v3 =	vand.u32 $0x7, v3;
	v4 =	vand.u32 $0xFFFFFFC0, v43  }
0x141: {  	v3 =	vor.u32 v3, v4  }
0x142: {  	v4 =	vperm.xlane v3, v0;
	_ =	sdelay $0x1  }
0x143: {  	v4 =	vadd.s32 v1, v4;
	_ =	sdelay $0x4  }
0x144: {  	[tilespmem:s20], [sflag:$0x5] =	stream.indirect_vreg.gather [hbm4b:s2+s3], $0x80, v4, vm0, $0xb8;
	[tilespmem:$0x1C200] =	vst v63  }
0x145: {  	s0 =	simm.s32 $0x10A00;
	v3 =	vperm.xlane v3, v2  }
0x146: {  	[tilespmem:s0], [sflag:$0x5] =	stream.indirect_vreg.gather [hbm4b:s5+s3], $0x80, v4, vm0, $0xb8;
	[tilespmem:$0x1C200] =	vst v63  }
0x147: {  	v3 =	vadd.s32 v1, v3;
	s0 =	simm.s32 $0x11200  }
0x148: {  	[tilespmem:s0], [sflag:$0x5] =	stream.indirect_vreg.gather [hbm4b:s6+s3], $0x80, v4, vm0, $0xb8;
	[tilespmem:$0x1C200] =	vst v63  }
0x149: {  	s0 =	simm.s32 $0x11A00  }
0x14a: {  	[tilespmem:s0], [sflag:$0x5] =	stream.indirect_vreg.gather [hbm4b:s7+s3], $0x80, v4, vm0, $0xb8;
	[tilespmem:$0x1C200] =	vst v63  }
0x14b: {  	s0 =	simm.s32 $0x12200  }
0x14c: {  	[tilespmem:s0], [sflag:$0x5] =	stream.indirect_vreg.gather [hbm4b:s2+s3], $0x80, v3, vm0, $0xb8;
	[tilespmem:$0x1C200] =	vst v63  }
0x14d: {  	s0 =	simm.s32 $0x12A00  }
0x14e: {  	[tilespmem:s0], [sflag:$0x5] =	stream.indirect_vreg.gather [hbm4b:s5+s3], $0x80, v3, vm0, $0xb8;
	[tilespmem:$0x1C200] =	vst v63  }
0x14f: {  	s0 =	simm.s32 $0x13200  }
0x150: {  	[tilespmem:s0], [sflag:$0x5] =	stream.indirect_vreg.gather [hbm4b:s6+s3], $0x80, v3, vm0, $0xb8;
	[tilespmem:$0x1C200] =	vst v63  }
0x151: {  	s0 =	simm.s32 $0x13A00  }
0x152: {  	[tilespmem:s0], [sflag:$0x5] =	stream.indirect_vreg.gather [hbm4b:s7+s3], $0x80, v3, vm0, $0xb8;
	[tilespmem:$0x1C200] =	vst v63  }
0x153: {  	_ =	swait.ge [sflag:s29], $0x4000  }
0x154: {  	[sflag:s29] =	ssyncset.done $0x0  }
0x155: {  	s0 =	rddreg [dreg:$0x9];
	[sflag:s29] =	ssyncadd.s32 $0xFFFFC000  }
0x156: {  	[hbm4b:s0+s3] =	stream.linear.scatter [tilespmem:s14], [sflag:$0x6], $0x4000, $0x38;
	[tilespmem:$0x1C200] =	vst v63  }
0x157: {  	_ =	swait.ge [sflag:s29], $0x4000  }
0x158: {  	[sflag:s29] =	ssyncset.done $0x0  }
0x159: {  	[sflag:s29] =	ssyncadd.s32 $0xFFFFC000  }
0x15a: {  	v3 =	vld [tilespmem:$0xC0];
	_ =	sdelay $0x4  }
0x15b: {  	v44 =	vshll.u32 v3, $0x3  }
0x15c: {  	v3 =	vand.u32 $0x7, v3;
	v4 =	vand.u32 $0xFFFFFFC0, v44  }
0x15d: {  	v3 =	vor.u32 v3, v4  }
0x15e: {  	v4 =	vperm.xlane v3, v0;
	_ =	sdelay $0x1  }
0x15f: {  	v4 =	vadd.s32 v1, v4;
	_ =	sdelay $0x4  }
0x160: {  	[tilespmem:s14], [sflag:$0x6] =	stream.indirect_vreg.gather [hbm4b:s2+s3], $0x80, v4, vm0, $0xb8;
	[tilespmem:$0x1C200] =	vst v63  }
0x161: {  	s0 =	simm.s32 $0x14A00;
	v3 =	vperm.xlane v3, v2  }
0x162: {  	[tilespmem:s0], [sflag:$0x6] =	stream.indirect_vreg.gather [hbm4b:s5+s3], $0x80, v4, vm0, $0xb8;
	[tilespmem:$0x1C200] =	vst v63  }
0x163: {  	v3 =	vadd.s32 v1, v3;
	s0 =	simm.s32 $0x15200  }
0x164: {  	[tilespmem:s0], [sflag:$0x6] =	stream.indirect_vreg.gather [hbm4b:s6+s3], $0x80, v4, vm0, $0xb8;
	[tilespmem:$0x1C200] =	vst v63  }
0x165: {  	s0 =	simm.s32 $0x15A00  }
0x166: {  	[tilespmem:s0], [sflag:$0x6] =	stream.indirect_vreg.gather [hbm4b:s7+s3], $0x80, v4, vm0, $0xb8;
	[tilespmem:$0x1C200] =	vst v63  }
0x167: {  	s0 =	simm.s32 $0x16200  }
0x168: {  	[tilespmem:s0], [sflag:$0x6] =	stream.indirect_vreg.gather [hbm4b:s2+s3], $0x80, v3, vm0, $0xb8;
	[tilespmem:$0x1C200] =	vst v63  }
0x169: {  	s0 =	simm.s32 $0x16A00  }
0x16a: {  	[tilespmem:s0], [sflag:$0x6] =	stream.indirect_vreg.gather [hbm4b:s5+s3], $0x80, v3, vm0, $0xb8;
	[tilespmem:$0x1C200] =	vst v63  }
0x16b: {  	s0 =	simm.s32 $0x17200  }
0x16c: {  	[tilespmem:s0], [sflag:$0x6] =	stream.indirect_vreg.gather [hbm4b:s6+s3], $0x80, v3, vm0, $0xb8;
	[tilespmem:$0x1C200] =	vst v63  }
0x16d: {  	s0 =	simm.s32 $0x17A00  }
0x16e: {  	[tilespmem:s0], [sflag:$0x6] =	stream.indirect_vreg.gather [hbm4b:s7+s3], $0x80, v3, vm0, $0xb8;
	[tilespmem:$0x1C200] =	vst v63  }
0x16f: {  	_ =	swait.ge [sflag:s30], $0x4000  }
0x170: {  	[sflag:s30] =	ssyncset.done $0x0  }
0x171: {  	s0 =	rddreg [dreg:$0xa];
	[sflag:s30] =	ssyncadd.s32 $0xFFFFC000  }
0x172: {  	[hbm4b:s0+s3] =	stream.linear.scatter [tilespmem:s18], [sflag:$0x7], $0x4000, $0x38;
	[tilespmem:$0x1C200] =	vst v63  }
0x173: {  	_ =	swait.ge [sflag:s30], $0x4000  }
0x174: {  	[sflag:s30] =	ssyncset.done $0x0  }
0x175: {  	[sflag:s30] =	ssyncadd.s32 $0xFFFFC000  }
0x176: {  	v3 =	vld [tilespmem:$0xD0];
	_ =	sdelay $0x4  }
0x177: {  	v45 =	vshll.u32 v3, $0x3  }
0x178: {  	v3 =	vand.u32 $0x7, v3;
	v4 =	vand.u32 $0xFFFFFFC0, v45  }
0x179: {  	v3 =	vor.u32 v3, v4  }
0x17a: {  	v4 =	vperm.xlane v3, v0;
	_ =	sdelay $0x1  }
0x17b: {  	v4 =	vadd.s32 v1, v4;
	_ =	sdelay $0x4  }
0x17c: {  	[tilespmem:s18], [sflag:$0x7] =	stream.indirect_vreg.gather [hbm4b:s2+s3], $0x80, v4, vm0, $0xb8;
	[tilespmem:$0x1C200] =	vst v63  }
0x17d: {  	s0 =	simm.s32 $0x18A00;
	v3 =	vperm.xlane v3, v2  }
0x17e: {  	[tilespmem:s0], [sflag:$0x7] =	stream.indirect_vreg.gather [hbm4b:s5+s3], $0x80, v4, vm0, $0xb8;
	[tilespmem:$0x1C200] =	vst v63  }
0x17f: {  	v3 =	vadd.s32 v1, v3;
	s0 =	simm.s32 $0x19200  }
0x180: {  	[tilespmem:s0], [sflag:$0x7] =	stream.indirect_vreg.gather [hbm4b:s6+s3], $0x80, v4, vm0, $0xb8;
	[tilespmem:$0x1C200] =	vst v63  }
0x181: {  	s0 =	simm.s32 $0x19A00  }
0x182: {  	[tilespmem:s0], [sflag:$0x7] =	stream.indirect_vreg.gather [hbm4b:s7+s3], $0x80, v4, vm0, $0xb8;
	[tilespmem:$0x1C200] =	vst v63  }
0x183: {  	s0 =	simm.s32 $0x1A200  }
0x184: {  	[tilespmem:s0], [sflag:$0x7] =	stream.indirect_vreg.gather [hbm4b:s2+s3], $0x80, v3, vm0, $0xb8;
	[tilespmem:$0x1C200] =	vst v63  }
0x185: {  	s0 =	simm.s32 $0x1AA00  }
0x186: {  	[tilespmem:s0], [sflag:$0x7] =	stream.indirect_vreg.gather [hbm4b:s5+s3], $0x80, v3, vm0, $0xb8;
	[tilespmem:$0x1C200] =	vst v63  }
0x187: {  	s0 =	simm.s32 $0x1B200  }
0x188: {  	[tilespmem:s0], [sflag:$0x7] =	stream.indirect_vreg.gather [hbm4b:s6+s3], $0x80, v3, vm0, $0xb8;
	[tilespmem:$0x1C200] =	vst v63  }
0x189: {  	s0 =	simm.s32 $0x1BA00  }
0x18a: {  	[tilespmem:s0], [sflag:$0x7] =	stream.indirect_vreg.gather [hbm4b:s7+s3], $0x80, v3, vm0, $0xb8;
	[tilespmem:$0x1C200] =	vst v63  }
0x18b: {  	_ =	swait.ge [sflag:s22], $0x4000  }
0x18c: {  	[sflag:s22] =	ssyncset.done $0x0  }
0x18d: {  	s0 =	rddreg [dreg:$0xb];
	[sflag:s22] =	ssyncadd.s32 $0xFFFFC000  }
0x18e: {  	[hbm4b:s0+s3] =	stream.linear.scatter [tilespmem:s1], [sflag:$0x1], $0x4000, $0x38;
	[tilespmem:$0x1C200] =	vst v63  }
0x18f: {  	_ =	swait.ge [sflag:s22], $0x4000  }
0x190: {  	[sflag:s22] =	ssyncset.done $0x0  }
0x191: {  	[sflag:s22] =	ssyncadd.s32 $0xFFFFC000  }
0x192: {  	v3 =	vld [tilespmem:$0xE0];
	_ =	sdelay $0x4  }
0x193: {  	v46 =	vshll.u32 v3, $0x3  }
0x194: {  	v3 =	vand.u32 $0x7, v3;
	v4 =	vand.u32 $0xFFFFFFC0, v46  }
0x195: {  	v3 =	vor.u32 v3, v4  }
0x196: {  	v4 =	vperm.xlane v3, v0;
	_ =	sdelay $0x1  }
0x197: {  	v4 =	vadd.s32 v1, v4;
	_ =	sdelay $0x4  }
0x198: {  	[tilespmem:s1], [sflag:$0x1] =	stream.indirect_vreg.gather [hbm4b:s2+s3], $0x80, v4, vm0, $0xb8;
	[tilespmem:$0x1C200] =	vst v63  }
0x199: {  	s0 =	simm.s32 $0xA00;
	v3 =	vperm.xlane v3, v2  }
0x19a: {  	[tilespmem:s0], [sflag:$0x1] =	stream.indirect_vreg.gather [hbm4b:s5+s3], $0x80, v4, vm0, $0xb8;
	[tilespmem:$0x1C200] =	vst v63  }
0x19b: {  	v3 =	vadd.s32 v1, v3;
	s0 =	simm.s32 $0x1200  }
0x19c: {  	[tilespmem:s0], [sflag:$0x1] =	stream.indirect_vreg.gather [hbm4b:s6+s3], $0x80, v4, vm0, $0xb8;
	[tilespmem:$0x1C200] =	vst v63  }
0x19d: {  	s0 =	simm.s32 $0x1A00  }
0x19e: {  	[tilespmem:s0], [sflag:$0x1] =	stream.indirect_vreg.gather [hbm4b:s7+s3], $0x80, v4, vm0, $0xb8;
	[tilespmem:$0x1C200] =	vst v63  }
0x19f: {  	s0 =	simm.s32 $0x2200  }
0x1a0: {  	[tilespmem:s0], [sflag:$0x1] =	stream.indirect_vreg.gather [hbm4b:s2+s3], $0x80, v3, vm0, $0xb8;
	[tilespmem:$0x1C200] =	vst v63  }
0x1a1: {  	s0 =	simm.s32 $0x2A00  }
0x1a2: {  	[tilespmem:s0], [sflag:$0x1] =	stream.indirect_vreg.gather [hbm4b:s5+s3], $0x80, v3, vm0, $0xb8;
	[tilespmem:$0x1C200] =	vst v63  }
0x1a3: {  	s0 =	simm.s32 $0x3200  }
0x1a4: {  	[tilespmem:s0], [sflag:$0x1] =	stream.indirect_vreg.gather [hbm4b:s6+s3], $0x80, v3, vm0, $0xb8;
	[tilespmem:$0x1C200] =	vst v63  }
0x1a5: {  	s0 =	simm.s32 $0x3A00  }
0x1a6: {  	[tilespmem:s0], [sflag:$0x1] =	stream.indirect_vreg.gather [hbm4b:s7+s3], $0x80, v3, vm0, $0xb8;
	[tilespmem:$0x1C200] =	vst v63  }
0x1a7: {  	_ =	swait.ge [sflag:s23], $0x4000  }
0x1a8: {  	[sflag:s23] =	ssyncset.done $0x0  }
0x1a9: {  	s0 =	rddreg [dreg:$0xc];
	[sflag:s23] =	ssyncadd.s32 $0xFFFFC000  }
0x1aa: {  	[hbm4b:s0+s3] =	stream.linear.scatter [tilespmem:s26], [sflag:$0x2], $0x4000, $0x38;
	[tilespmem:$0x1C200] =	vst v63  }
0x1ab: {  	_ =	swait.ge [sflag:s23], $0x4000  }
0x1ac: {  	[sflag:s23] =	ssyncset.done $0x0  }
0x1ad: {  	[sflag:s23] =	ssyncadd.s32 $0xFFFFC000  }
0x1ae: {  	v3 =	vld [tilespmem:$0xF0];
	_ =	sdelay $0x4  }
0x1af: {  	v47 =	vshll.u32 v3, $0x3  }
0x1b0: {  	v3 =	vand.u32 $0x7, v3;
	v4 =	vand.u32 $0xFFFFFFC0, v47  }
0x1b1: {  	v3 =	vor.u32 v3, v4  }
0x1b2: {  	v4 =	vperm.xlane v3, v0;
	_ =	sdelay $0x1  }
0x1b3: {  	v4 =	vadd.s32 v1, v4;
	_ =	sdelay $0x4  }
0x1b4: {  	[tilespmem:s26], [sflag:$0x2] =	stream.indirect_vreg.gather [hbm4b:s2+s3], $0x80, v4, vm0, $0xb8;
	[tilespmem:$0x1C200] =	vst v63  }
0x1b5: {  	s0 =	simm.s32 $0x4A00;
	v3 =	vperm.xlane v3, v2  }
0x1b6: {  	[tilespmem:s0], [sflag:$0x2] =	stream.indirect_vreg.gather [hbm4b:s5+s3], $0x80, v4, vm0, $0xb8;
	[tilespmem:$0x1C200] =	vst v63  }
0x1b7: {  	v3 =	vadd.s32 v1, v3;
	s0 =	simm.s32 $0x5200  }
0x1b8: {  	[tilespmem:s0], [sflag:$0x2] =	stream.indirect_vreg.gather [hbm4b:s6+s3], $0x80, v4, vm0, $0xb8;
	[tilespmem:$0x1C200] =	vst v63  }
0x1b9: {  	s0 =	simm.s32 $0x5A00  }
0x1ba: {  	[tilespmem:s0], [sflag:$0x2] =	stream.indirect_vreg.gather [hbm4b:s7+s3], $0x80, v4, vm0, $0xb8;
	[tilespmem:$0x1C200] =	vst v63  }
0x1bb: {  	s0 =	simm.s32 $0x6200  }
0x1bc: {  	[tilespmem:s0], [sflag:$0x2] =	stream.indirect_vreg.gather [hbm4b:s2+s3], $0x80, v3, vm0, $0xb8;
	[tilespmem:$0x1C200] =	vst v63  }
0x1bd: {  	s0 =	simm.s32 $0x6A00  }
0x1be: {  	[tilespmem:s0], [sflag:$0x2] =	stream.indirect_vreg.gather [hbm4b:s5+s3], $0x80, v3, vm0, $0xb8;
	[tilespmem:$0x1C200] =	vst v63  }
0x1bf: {  	s0 =	simm.s32 $0x7200  }
0x1c0: {  	[tilespmem:s0], [sflag:$0x2] =	stream.indirect_vreg.gather [hbm4b:s6+s3], $0x80, v3, vm0, $0xb8;
	[tilespmem:$0x1C200] =	vst v63  }
0x1c1: {  	s0 =	simm.s32 $0x7A00  }
0x1c2: {  	[tilespmem:s0], [sflag:$0x2] =	stream.indirect_vreg.gather [hbm4b:s7+s3], $0x80, v3, vm0, $0xb8;
	[tilespmem:$0x1C200] =	vst v63  }
0x1c3: {  	_ =	swait.ge [sflag:s24], $0x4000  }
0x1c4: {  	[sflag:s24] =	ssyncset.done $0x0  }
0x1c5: {  	s0 =	rddreg [dreg:$0xd];
	[sflag:s24] =	ssyncadd.s32 $0xFFFFC000  }
0x1c6: {  	[hbm4b:s0+s3] =	stream.linear.scatter [tilespmem:s4], [sflag:$0x3], $0x4000, $0x38;
	[tilespmem:$0x1C200] =	vst v63  }
0x1c7: {  	_ =	swait.ge [sflag:s24], $0x4000  }
0x1c8: {  	[sflag:s24] =	ssyncset.done $0x0  }
0x1c9: {  	[sflag:s24] =	ssyncadd.s32 $0xFFFFC000  }
0x1ca: {  	v3 =	vld [tilespmem:$0x100];
	_ =	sdelay $0x4  }
0x1cb: {  	v48 =	vshll.u32 v3, $0x3  }
0x1cc: {  	v3 =	vand.u32 $0x7, v3;
	v4 =	vand.u32 $0xFFFFFFC0, v48  }
0x1cd: {  	v3 =	vor.u32 v3, v4  }
0x1ce: {  	v4 =	vperm.xlane v3, v0;
	_ =	sdelay $0x1  }
0x1cf: {  	v4 =	vadd.s32 v1, v4;
	_ =	sdelay $0x4  }
0x1d0: {  	[tilespmem:s4], [sflag:$0x3] =	stream.indirect_vreg.gather [hbm4b:s2+s3], $0x80, v4, vm0, $0xb8;
	[tilespmem:$0x1C200] =	vst v63  }
0x1d1: {  	s0 =	simm.s32 $0x8A00;
	v3 =	vperm.xlane v3, v2  }
0x1d2: {  	[tilespmem:s0], [sflag:$0x3] =	stream.indirect_vreg.gather [hbm4b:s5+s3], $0x80, v4, vm0, $0xb8;
	[tilespmem:$0x1C200] =	vst v63  }
0x1d3: {  	s13 =	simm.s32 $0x9200;
	v3 =	vadd.s32 v1, v3  }
0x1d4: {  	[tilespmem:s13], [sflag:$0x3] =	stream.indirect_vreg.gather [hbm4b:s6+s3], $0x80, v4, vm0, $0xb8;
	[tilespmem:$0x1C200] =	vst v63  }
0x1d5: {  	s19 =	simm.s32 $0x9A00  }
0x1d6: {  	[tilespmem:s19], [sflag:$0x3] =	stream.indirect_vreg.gather [hbm4b:s7+s3], $0x80, v4, vm0, $0xb8;
	[tilespmem:$0x1C200] =	vst v63  }
0x1d7: {  	s21 =	simm.s32 $0xA200  }
0x1d8: {  	[tilespmem:s21], [sflag:$0x3] =	stream.indirect_vreg.gather [hbm4b:s2+s3], $0x80, v3, vm0, $0xb8;
	[tilespmem:$0x1C200] =	vst v63  }
0x1d9: {  	s31 =	simm.s32 $0xAA00  }
0x1da: {  	[tilespmem:s31], [sflag:$0x3] =	stream.indirect_vreg.gather [hbm4b:s5+s3], $0x80, v3, vm0, $0xb8;
	[tilespmem:$0x1C200] =	vst v63  }
0x1db: {  	s19 =	simm.s32 $0xB200  }
0x1dc: {  	[tilespmem:s19], [sflag:$0x3] =	stream.indirect_vreg.gather [hbm4b:s6+s3], $0x80, v3, vm0, $0xb8;
	[tilespmem:$0x1C200] =	vst v63  }
0x1dd: {  	s21 =	simm.s32 $0xBA00  }
0x1de: {  	[tilespmem:s21], [sflag:$0x3] =	stream.indirect_vreg.gather [hbm4b:s7+s3], $0x80, v3, vm0, $0xb8;
	[tilespmem:$0x1C200] =	vst v63  }
0x1df: {  	_ =	swait.ge [sflag:s25], $0x4000  }
0x1e0: {  	[sflag:s25] =	ssyncset.done $0x0  }
0x1e1: {  	s31 =	rddreg [dreg:$0xe];
	[sflag:s25] =	ssyncadd.s32 $0xFFFFC000  }
0x1e2: {  	[hbm4b:s31+s3] =	stream.linear.scatter [tilespmem:s9], [sflag:$0x4], $0x4000, $0x38;
	[tilespmem:$0x1C200] =	vst v63  }
0x1e3: {  	_ =	swait.ge [sflag:s25], $0x4000  }
0x1e4: {  	[sflag:s25] =	ssyncset.done $0x0  }
0x1e5: {  	[sflag:s25] =	ssyncadd.s32 $0xFFFFC000  }
0x1e6: {  	v3 =	vld [tilespmem:$0x110];
	_ =	sdelay $0x4  }
0x1e7: {  	v49 =	vshll.u32 v3, $0x3  }
0x1e8: {  	v3 =	vand.u32 $0x7, v3;
	v4 =	vand.u32 $0xFFFFFFC0, v49  }
0x1e9: {  	v3 =	vor.u32 v3, v4  }
0x1ea: {  	v4 =	vperm.xlane v3, v0;
	_ =	sdelay $0x1  }
0x1eb: {  	v4 =	vadd.s32 v1, v4;
	_ =	sdelay $0x4  }
0x1ec: {  	[tilespmem:s9], [sflag:$0x4] =	stream.indirect_vreg.gather [hbm4b:s2+s3], $0x80, v4, vm0, $0xb8;
	[tilespmem:$0x1C200] =	vst v63  }
0x1ed: {  	s10 =	simm.s32 $0xCA00;
	v3 =	vperm.xlane v3, v2  }
0x1ee: {  	[tilespmem:s10], [sflag:$0x4] =	stream.indirect_vreg.gather [hbm4b:s5+s3], $0x80, v4, vm0, $0xb8;
	[tilespmem:$0x1C200] =	vst v63  }
0x1ef: {  	v3 =	vadd.s32 v1, v3;
	s10 =	simm.s32 $0xD200  }
0x1f0: {  	[tilespmem:s10], [sflag:$0x4] =	stream.indirect_vreg.gather [hbm4b:s6+s3], $0x80, v4, vm0, $0xb8;
	[tilespmem:$0x1C200] =	vst v63  }
0x1f1: {  	s17 =	simm.s32 $0xDA00  }
0x1f2: {  	[tilespmem:s17], [sflag:$0x4] =	stream.indirect_vreg.gather [hbm4b:s7+s3], $0x80, v4, vm0, $0xb8;
	[tilespmem:$0x1C200] =	vst v63  }
0x1f3: {  	s16 =	simm.s32 $0xE200  }
0x1f4: {  	[tilespmem:s16], [sflag:$0x4] =	stream.indirect_vreg.gather [hbm4b:s2+s3], $0x80, v3, vm0, $0xb8;
	[tilespmem:$0x1C200] =	vst v63  }
0x1f5: {  	s12 =	simm.s32 $0xEA00  }
0x1f6: {  	[tilespmem:s12], [sflag:$0x4] =	stream.indirect_vreg.gather [hbm4b:s5+s3], $0x80, v3, vm0, $0xb8;
	[tilespmem:$0x1C200] =	vst v63  }
0x1f7: {  	s15 =	simm.s32 $0xF200  }
0x1f8: {  	[tilespmem:s15], [sflag:$0x4] =	stream.indirect_vreg.gather [hbm4b:s6+s3], $0x80, v3, vm0, $0xb8;
	[tilespmem:$0x1C200] =	vst v63  }
0x1f9: {  	s11 =	simm.s32 $0xFA00  }
0x1fa: {  	[tilespmem:s11], [sflag:$0x4] =	stream.indirect_vreg.gather [hbm4b:s7+s3], $0x80, v3, vm0, $0xb8;
	[tilespmem:$0x1C200] =	vst v63  }
0x1fb: {  	_ =	swait.ge [sflag:s28], $0x4000  }
0x1fc: {  	[sflag:s28] =	ssyncset.done $0x0  }
0x1fd: {  	s17 =	rddreg [dreg:$0xf];
	[sflag:s28] =	ssyncadd.s32 $0xFFFFC000  }
0x1fe: {  	[hbm4b:s17+s3] =	stream.linear.scatter [tilespmem:s20], [sflag:$0x5], $0x4000, $0x38;
	[tilespmem:$0x1C200] =	vst v63  }
0x1ff: {  	_ =	swait.ge [sflag:s28], $0x4000  }
0x200: {  	[sflag:s28] =	ssyncset.done $0x0  }
0x201: {  	[sflag:s28] =	ssyncadd.s32 $0xFFFFC000  }
0x202: {  	v3 =	vld [tilespmem:$0x120];
	_ =	sdelay $0x4  }
0x203: {  	v50 =	vshll.u32 v3, $0x3  }
0x204: {  	v3 =	vand.u32 $0x7, v3;
	v4 =	vand.u32 $0xFFFFFFC0, v50  }
0x205: {  	v3 =	vor.u32 v3, v4  }
0x206: {  	v4 =	vperm.xlane v3, v0;
	_ =	sdelay $0x1  }
0x207: {  	v4 =	vadd.s32 v1, v4;
	_ =	sdelay $0x4  }
0x208: {  	[tilespmem:s20], [sflag:$0x5] =	stream.indirect_vreg.gather [hbm4b:s2+s3], $0x80, v4, vm0, $0xb8;
	[tilespmem:$0x1C200] =	vst v63  }
0x209: {  	s11 =	simm.s32 $0x10A00;
	v3 =	vperm.xlane v3, v2  }
0x20a: {  	[tilespmem:s11], [sflag:$0x5] =	stream.indirect_vreg.gather [hbm4b:s5+s3], $0x80, v4, vm0, $0xb8;
	[tilespmem:$0x1C200] =	vst v63  }
0x20b: {  	s15 =	simm.s32 $0x11200;
	v3 =	vadd.s32 v1, v3  }
0x20c: {  	[tilespmem:s15], [sflag:$0x5] =	stream.indirect_vreg.gather [hbm4b:s6+s3], $0x80, v4, vm0, $0xb8;
	[tilespmem:$0x1C200] =	vst v63  }
0x20d: {  	s17 =	simm.s32 $0x11A00  }
0x20e: {  	[tilespmem:s17], [sflag:$0x5] =	stream.indirect_vreg.gather [hbm4b:s7+s3], $0x80, v4, vm0, $0xb8;
	[tilespmem:$0x1C200] =	vst v63  }
0x20f: {  	s11 =	simm.s32 $0x12200  }
0x210: {  	[tilespmem:s11], [sflag:$0x5] =	stream.indirect_vreg.gather [hbm4b:s2+s3], $0x80, v3, vm0, $0xb8;
	[tilespmem:$0x1C200] =	vst v63  }
0x211: {  	s15 =	simm.s32 $0x12A00  }
0x212: {  	[tilespmem:s15], [sflag:$0x5] =	stream.indirect_vreg.gather [hbm4b:s5+s3], $0x80, v3, vm0, $0xb8;
	[tilespmem:$0x1C200] =	vst v63  }
0x213: {  	s17 =	simm.s32 $0x13200  }
0x214: {  	[tilespmem:s17], [sflag:$0x5] =	stream.indirect_vreg.gather [hbm4b:s6+s3], $0x80, v3, vm0, $0xb8;
	[tilespmem:$0x1C200] =	vst v63  }
0x215: {  	s11 =	simm.s32 $0x13A00  }
0x216: {  	[tilespmem:s11], [sflag:$0x5] =	stream.indirect_vreg.gather [hbm4b:s7+s3], $0x80, v3, vm0, $0xb8;
	[tilespmem:$0x1C200] =	vst v63  }
0x217: {  	_ =	swait.ge [sflag:s29], $0x4000  }
0x218: {  	[sflag:s29] =	ssyncset.done $0x0  }
0x219: {  	s15 =	rddreg [dreg:$0x10];
	[sflag:s29] =	ssyncadd.s32 $0xFFFFC000  }
0x21a: {  	[hbm4b:s15+s3] =	stream.linear.scatter [tilespmem:s14], [sflag:$0x6], $0x4000, $0x38;
	[tilespmem:$0x1C200] =	vst v63  }
0x21b: {  	_ =	swait.ge [sflag:s29], $0x4000  }
0x21c: {  	[sflag:s29] =	ssyncset.done $0x0  }
0x21d: {  	[sflag:s29] =	ssyncadd.s32 $0xFFFFC000  }
0x21e: {  	v3 =	vld [tilespmem:$0x130];
	_ =	sdelay $0x4  }
0x21f: {  	v51 =	vshll.u32 v3, $0x3  }
0x220: {  	v3 =	vand.u32 $0x7, v3;
	v4 =	vand.u32 $0xFFFFFFC0, v51  }
0x221: {  	v3 =	vor.u32 v3, v4  }
0x222: {  	v4 =	vperm.xlane v3, v0;
	_ =	sdelay $0x1  }
0x223: {  	v4 =	vadd.s32 v1, v4;
	_ =	sdelay $0x4  }
0x224: {  	[tilespmem:s14], [sflag:$0x6] =	stream.indirect_vreg.gather [hbm4b:s2+s3], $0x80, v4, vm0, $0xb8;
	[tilespmem:$0x1C200] =	vst v63  }
0x225: {  	s17 =	simm.s32 $0x14A00;
	v3 =	vperm.xlane v3, v2  }
0x226: {  	[tilespmem:s17], [sflag:$0x6] =	stream.indirect_vreg.gather [hbm4b:s5+s3], $0x80, v4, vm0, $0xb8;
	[tilespmem:$0x1C200] =	vst v63  }
0x227: {  	s11 =	simm.s32 $0x15200;
	v3 =	vadd.s32 v1, v3  }
0x228: {  	[tilespmem:s11], [sflag:$0x6] =	stream.indirect_vreg.gather [hbm4b:s6+s3], $0x80, v4, vm0, $0xb8;
	[tilespmem:$0x1C200] =	vst v63  }
0x229: {  	s15 =	simm.s32 $0x15A00  }
0x22a: {  	[tilespmem:s15], [sflag:$0x6] =	stream.indirect_vreg.gather [hbm4b:s7+s3], $0x80, v4, vm0, $0xb8;
	[tilespmem:$0x1C200] =	vst v63  }
0x22b: {  	s17 =	simm.s32 $0x16200  }
0x22c: {  	[tilespmem:s17], [sflag:$0x6] =	stream.indirect_vreg.gather [hbm4b:s2+s3], $0x80, v3, vm0, $0xb8;
	[tilespmem:$0x1C200] =	vst v63  }
0x22d: {  	s11 =	simm.s32 $0x16A00  }
0x22e: {  	[tilespmem:s11], [sflag:$0x6] =	stream.indirect_vreg.gather [hbm4b:s5+s3], $0x80, v3, vm0, $0xb8;
	[tilespmem:$0x1C200] =	vst v63  }
0x22f: {  	s15 =	simm.s32 $0x17200  }
0x230: {  	[tilespmem:s15], [sflag:$0x6] =	stream.indirect_vreg.gather [hbm4b:s6+s3], $0x80, v3, vm0, $0xb8;
	[tilespmem:$0x1C200] =	vst v63  }
0x231: {  	s17 =	simm.s32 $0x17A00  }
0x232: {  	[tilespmem:s17], [sflag:$0x6] =	stream.indirect_vreg.gather [hbm4b:s7+s3], $0x80, v3, vm0, $0xb8;
	[tilespmem:$0x1C200] =	vst v63  }
0x233: {  	_ =	swait.ge [sflag:s30], $0x4000  }
0x234: {  	[sflag:s30] =	ssyncset.done $0x0  }
0x235: {  	s11 =	rddreg [dreg:$0x11];
	[sflag:s30] =	ssyncadd.s32 $0xFFFFC000  }
0x236: {  	[hbm4b:s11+s3] =	stream.linear.scatter [tilespmem:s18], [sflag:$0x7], $0x4000, $0x38;
	[tilespmem:$0x1C200] =	vst v63  }
0x237: {  	_ =	swait.ge [sflag:s30], $0x4000  }
0x238: {  	[sflag:s30] =	ssyncset.done $0x0  }
0x239: {  	[sflag:s30] =	ssyncadd.s32 $0xFFFFC000  }
0x23a: {  	v3 =	vld [tilespmem:$0x140];
	_ =	sdelay $0x4  }
0x23b: {  	v52 =	vshll.u32 v3, $0x3  }
0x23c: {  	v3 =	vand.u32 $0x7, v3;
	v4 =	vand.u32 $0xFFFFFFC0, v52  }
0x23d: {  	v3 =	vor.u32 v3, v4  }
0x23e: {  	v4 =	vperm.xlane v3, v0;
	_ =	sdelay $0x1  }
0x23f: {  	v4 =	vadd.s32 v1, v4;
	_ =	sdelay $0x4  }
0x240: {  	[tilespmem:s18], [sflag:$0x7] =	stream.indirect_vreg.gather [hbm4b:s2+s3], $0x80, v4, vm0, $0xb8;
	[tilespmem:$0x1C200] =	vst v63  }
0x241: {  	s15 =	simm.s32 $0x18A00;
	v3 =	vperm.xlane v3, v2  }
0x242: {  	[tilespmem:s15], [sflag:$0x7] =	stream.indirect_vreg.gather [hbm4b:s5+s3], $0x80, v4, vm0, $0xb8;
	[tilespmem:$0x1C200] =	vst v63  }
0x243: {  	s17 =	simm.s32 $0x19200;
	v3 =	vadd.s32 v1, v3  }
0x244: {  	[tilespmem:s17], [sflag:$0x7] =	stream.indirect_vreg.gather [hbm4b:s6+s3], $0x80, v4, vm0, $0xb8;
	[tilespmem:$0x1C200] =	vst v63  }
0x245: {  	s11 =	simm.s32 $0x19A00  }
0x246: {  	[tilespmem:s11], [sflag:$0x7] =	stream.indirect_vreg.gather [hbm4b:s7+s3], $0x80, v4, vm0, $0xb8;
	[tilespmem:$0x1C200] =	vst v63  }
0x247: {  	s15 =	simm.s32 $0x1A200  }
0x248: {  	[tilespmem:s15], [sflag:$0x7] =	stream.indirect_vreg.gather [hbm4b:s2+s3], $0x80, v3, vm0, $0xb8;
	[tilespmem:$0x1C200] =	vst v63  }
0x249: {  	s17 =	simm.s32 $0x1AA00  }
0x24a: {  	[tilespmem:s17], [sflag:$0x7] =	stream.indirect_vreg.gather [hbm4b:s5+s3], $0x80, v3, vm0, $0xb8;
	[tilespmem:$0x1C200] =	vst v63  }
0x24b: {  	s11 =	simm.s32 $0x1B200  }
0x24c: {  	[tilespmem:s11], [sflag:$0x7] =	stream.indirect_vreg.gather [hbm4b:s6+s3], $0x80, v3, vm0, $0xb8;
	[tilespmem:$0x1C200] =	vst v63  }
0x24d: {  	s15 =	simm.s32 $0x1BA00  }
0x24e: {  	[tilespmem:s15], [sflag:$0x7] =	stream.indirect_vreg.gather [hbm4b:s7+s3], $0x80, v3, vm0, $0xb8;
	[tilespmem:$0x1C200] =	vst v63  }
0x24f: {  	_ =	swait.ge [sflag:s22], $0x4000  }
0x250: {  	[sflag:s22] =	ssyncset.done $0x0  }
0x251: {  	s17 =	rddreg [dreg:$0x12];
	[sflag:s22] =	ssyncadd.s32 $0xFFFFC000  }
0x252: {  	[hbm4b:s17+s3] =	stream.linear.scatter [tilespmem:s1], [sflag:$0x1], $0x4000, $0x38;
	[tilespmem:$0x1C200] =	vst v63  }
0x253: {  	_ =	swait.ge [sflag:s22], $0x4000  }
0x254: {  	[sflag:s22] =	ssyncset.done $0x0  }
0x255: {  	[sflag:s22] =	ssyncadd.s32 $0xFFFFC000  }
0x256: {  	v3 =	vld [tilespmem:$0x150];
	_ =	sdelay $0x4  }
0x257: {  	v53 =	vshll.u32 v3, $0x3  }
0x258: {  	v3 =	vand.u32 $0x7, v3;
	v4 =	vand.u32 $0xFFFFFFC0, v53  }
0x259: {  	v3 =	vor.u32 v3, v4  }
0x25a: {  	v4 =	vperm.xlane v3, v0;
	_ =	sdelay $0x1  }
0x25b: {  	v4 =	vadd.s32 v1, v4;
	_ =	sdelay $0x4  }
0x25c: {  	[tilespmem:s1], [sflag:$0x1] =	stream.indirect_vreg.gather [hbm4b:s2+s3], $0x80, v4, vm0, $0xb8;
	[tilespmem:$0x1C200] =	vst v63  }
0x25d: {  	s11 =	simm.s32 $0xA00;
	v3 =	vperm.xlane v3, v2  }
0x25e: {  	[tilespmem:s11], [sflag:$0x1] =	stream.indirect_vreg.gather [hbm4b:s5+s3], $0x80, v4, vm0, $0xb8;
	[tilespmem:$0x1C200] =	vst v63  }
0x25f: {  	s15 =	simm.s32 $0x1200;
	v3 =	vadd.s32 v1, v3  }
0x260: {  	[tilespmem:s15], [sflag:$0x1] =	stream.indirect_vreg.gather [hbm4b:s6+s3], $0x80, v4, vm0, $0xb8;
	[tilespmem:$0x1C200] =	vst v63  }
0x261: {  	s17 =	simm.s32 $0x1A00  }
0x262: {  	[tilespmem:s17], [sflag:$0x1] =	stream.indirect_vreg.gather [hbm4b:s7+s3], $0x80, v4, vm0, $0xb8;
	[tilespmem:$0x1C200] =	vst v63  }
0x263: {  	s11 =	simm.s32 $0x2200  }
0x264: {  	[tilespmem:s11], [sflag:$0x1] =	stream.indirect_vreg.gather [hbm4b:s2+s3], $0x80, v3, vm0, $0xb8;
	[tilespmem:$0x1C200] =	vst v63  }
0x265: {  	s15 =	simm.s32 $0x2A00  }
0x266: {  	[tilespmem:s15], [sflag:$0x1] =	stream.indirect_vreg.gather [hbm4b:s5+s3], $0x80, v3, vm0, $0xb8;
	[tilespmem:$0x1C200] =	vst v63  }
0x267: {  	s17 =	simm.s32 $0x3200  }
0x268: {  	[tilespmem:s17], [sflag:$0x1] =	stream.indirect_vreg.gather [hbm4b:s6+s3], $0x80, v3, vm0, $0xb8;
	[tilespmem:$0x1C200] =	vst v63  }
0x269: {  	s11 =	simm.s32 $0x3A00  }
0x26a: {  	[tilespmem:s11], [sflag:$0x1] =	stream.indirect_vreg.gather [hbm4b:s7+s3], $0x80, v3, vm0, $0xb8;
	[tilespmem:$0x1C200] =	vst v63  }
0x26b: {  	_ =	swait.ge [sflag:s23], $0x4000  }
0x26c: {  	[sflag:s23] =	ssyncset.done $0x0  }
0x26d: {  	s15 =	rddreg [dreg:$0x13];
	[sflag:s23] =	ssyncadd.s32 $0xFFFFC000  }
0x26e: {  	[hbm4b:s15+s3] =	stream.linear.scatter [tilespmem:s26], [sflag:$0x2], $0x4000, $0x38;
	[tilespmem:$0x1C200] =	vst v63  }
0x26f: {  	_ =	swait.ge [sflag:s23], $0x4000  }
0x270: {  	[sflag:s23] =	ssyncset.done $0x0  }
0x271: {  	[sflag:s23] =	ssyncadd.s32 $0xFFFFC000  }
0x272: {  	v3 =	vld [tilespmem:$0x160];
	_ =	sdelay $0x4  }
0x273: {  	v54 =	vshll.u32 v3, $0x3  }
0x274: {  	v3 =	vand.u32 $0x7, v3;
	v4 =	vand.u32 $0xFFFFFFC0, v54  }
0x275: {  	v3 =	vor.u32 v3, v4  }
0x276: {  	v4 =	vperm.xlane v3, v0;
	_ =	sdelay $0x1  }
0x277: {  	v4 =	vadd.s32 v1, v4;
	_ =	sdelay $0x4  }
0x278: {  	[tilespmem:s26], [sflag:$0x2] =	stream.indirect_vreg.gather [hbm4b:s2+s3], $0x80, v4, vm0, $0xb8;
	[tilespmem:$0x1C200] =	vst v63  }
0x279: {  	s17 =	simm.s32 $0x4A00;
	v3 =	vperm.xlane v3, v2  }
0x27a: {  	[tilespmem:s17], [sflag:$0x2] =	stream.indirect_vreg.gather [hbm4b:s5+s3], $0x80, v4, vm0, $0xb8;
	[tilespmem:$0x1C200] =	vst v63  }
0x27b: {  	s11 =	simm.s32 $0x5200;
	v3 =	vadd.s32 v1, v3  }
0x27c: {  	[tilespmem:s11], [sflag:$0x2] =	stream.indirect_vreg.gather [hbm4b:s6+s3], $0x80, v4, vm0, $0xb8;
	[tilespmem:$0x1C200] =	vst v63  }
0x27d: {  	s15 =	simm.s32 $0x5A00  }
0x27e: {  	[tilespmem:s15], [sflag:$0x2] =	stream.indirect_vreg.gather [hbm4b:s7+s3], $0x80, v4, vm0, $0xb8;
	[tilespmem:$0x1C200] =	vst v63  }
0x27f: {  	s17 =	simm.s32 $0x6200  }
0x280: {  	[tilespmem:s17], [sflag:$0x2] =	stream.indirect_vreg.gather [hbm4b:s2+s3], $0x80, v3, vm0, $0xb8;
	[tilespmem:$0x1C200] =	vst v63  }
0x281: {  	s11 =	simm.s32 $0x6A00  }
0x282: {  	[tilespmem:s11], [sflag:$0x2] =	stream.indirect_vreg.gather [hbm4b:s5+s3], $0x80, v3, vm0, $0xb8;
	[tilespmem:$0x1C200] =	vst v63  }
0x283: {  	s15 =	simm.s32 $0x7200  }
0x284: {  	[tilespmem:s15], [sflag:$0x2] =	stream.indirect_vreg.gather [hbm4b:s6+s3], $0x80, v3, vm0, $0xb8;
	[tilespmem:$0x1C200] =	vst v63  }
0x285: {  	s17 =	simm.s32 $0x7A00  }
0x286: {  	[tilespmem:s17], [sflag:$0x2] =	stream.indirect_vreg.gather [hbm4b:s7+s3], $0x80, v3, vm0, $0xb8;
	[tilespmem:$0x1C200] =	vst v63  }
0x287: {  	_ =	swait.ge [sflag:s24], $0x4000  }
0x288: {  	[sflag:s24] =	ssyncset.done $0x0  }
0x289: {  	s11 =	rddreg [dreg:$0x14];
	[sflag:s24] =	ssyncadd.s32 $0xFFFFC000  }
0x28a: {  	[hbm4b:s11+s3] =	stream.linear.scatter [tilespmem:s4], [sflag:$0x3], $0x4000, $0x38;
	[tilespmem:$0x1C200] =	vst v63  }
0x28b: {  	_ =	swait.ge [sflag:s24], $0x4000  }
0x28c: {  	[sflag:s24] =	ssyncset.done $0x0  }
0x28d: {  	[sflag:s24] =	ssyncadd.s32 $0xFFFFC000  }
0x28e: {  	v3 =	vld [tilespmem:$0x170];
	_ =	sdelay $0x4  }
0x28f: {  	v55 =	vshll.u32 v3, $0x3  }
0x290: {  	v3 =	vand.u32 $0x7, v3;
	v4 =	vand.u32 $0xFFFFFFC0, v55  }
0x291: {  	v3 =	vor.u32 v3, v4  }
0x292: {  	v4 =	vperm.xlane v3, v0;
	_ =	sdelay $0x1  }
0x293: {  	v4 =	vadd.s32 v1, v4;
	_ =	sdelay $0x4  }
0x294: {  	[tilespmem:s4], [sflag:$0x3] =	stream.indirect_vreg.gather [hbm4b:s2+s3], $0x80, v4, vm0, $0xb8;
	[tilespmem:$0x1C200] =	vst v63  }
0x295: {  	s15 =	simm.s32 $0x8A00;
	v3 =	vperm.xlane v3, v2  }
0x296: {  	[tilespmem:s15], [sflag:$0x3] =	stream.indirect_vreg.gather [hbm4b:s5+s3], $0x80, v4, vm0, $0xb8;
	[tilespmem:$0x1C200] =	vst v63  }
0x297: {  	s17 =	simm.s32 $0x9200;
	v3 =	vadd.s32 v1, v3  }
0x298: {  	[tilespmem:s17], [sflag:$0x3] =	stream.indirect_vreg.gather [hbm4b:s6+s3], $0x80, v4, vm0, $0xb8;
	[tilespmem:$0x1C200] =	vst v63  }
0x299: {  	s11 =	simm.s32 $0x9A00  }
0x29a: {  	[tilespmem:s11], [sflag:$0x3] =	stream.indirect_vreg.gather [hbm4b:s7+s3], $0x80, v4, vm0, $0xb8;
	[tilespmem:$0x1C200] =	vst v63  }
0x29b: {  	s15 =	simm.s32 $0xA200  }
0x29c: {  	[tilespmem:s15], [sflag:$0x3] =	stream.indirect_vreg.gather [hbm4b:s2+s3], $0x80, v3, vm0, $0xb8;
	[tilespmem:$0x1C200] =	vst v63  }
0x29d: {  	s11 =	simm.s32 $0xAA00  }
0x29e: {  	[tilespmem:s11], [sflag:$0x3] =	stream.indirect_vreg.gather [hbm4b:s5+s3], $0x80, v3, vm0, $0xb8;
	[tilespmem:$0x1C200] =	vst v63  }
0x29f: {  	s15 =	simm.s32 $0xB200  }
0x2a0: {  	[tilespmem:s15], [sflag:$0x3] =	stream.indirect_vreg.gather [hbm4b:s6+s3], $0x80, v3, vm0, $0xb8;
	[tilespmem:$0x1C200] =	vst v63  }
0x2a1: {  	s11 =	simm.s32 $0xBA00  }
0x2a2: {  	[tilespmem:s11], [sflag:$0x3] =	stream.indirect_vreg.gather [hbm4b:s7+s3], $0x80, v3, vm0, $0xb8;
	[tilespmem:$0x1C200] =	vst v63  }
0x2a3: {  	_ =	swait.ge [sflag:s25], $0x4000  }
0x2a4: {  	[sflag:s25] =	ssyncset.done $0x0  }
0x2a5: {  	s15 =	rddreg [dreg:$0x15];
	[sflag:s25] =	ssyncadd.s32 $0xFFFFC000  }
0x2a6: {  	[hbm4b:s15+s3] =	stream.linear.scatter [tilespmem:s9], [sflag:$0x4], $0x4000, $0x38;
	[tilespmem:$0x1C200] =	vst v63  }
0x2a7: {  	_ =	swait.ge [sflag:s25], $0x4000  }
0x2a8: {  	[sflag:s25] =	ssyncset.done $0x0  }
0x2a9: {  	[sflag:s25] =	ssyncadd.s32 $0xFFFFC000  }
0x2aa: {  	v3 =	vld [tilespmem:$0x180];
	_ =	sdelay $0x4  }
0x2ab: {  	v56 =	vshll.u32 v3, $0x3  }
0x2ac: {  	v3 =	vand.u32 $0x7, v3;
	v4 =	vand.u32 $0xFFFFFFC0, v56  }
0x2ad: {  	v3 =	vor.u32 v3, v4  }
0x2ae: {  	v4 =	vperm.xlane v3, v0;
	_ =	sdelay $0x1  }
0x2af: {  	v4 =	vadd.s32 v1, v4;
	_ =	sdelay $0x4  }
0x2b0: {  	[tilespmem:s9], [sflag:$0x4] =	stream.indirect_vreg.gather [hbm4b:s2+s3], $0x80, v4, vm0, $0xb8;
	[tilespmem:$0x1C200] =	vst v63  }
0x2b1: {  	s13 =	simm.s32 $0xCA00;
	v3 =	vperm.xlane v3, v2  }
0x2b2: {  	[tilespmem:s13], [sflag:$0x4] =	stream.indirect_vreg.gather [hbm4b:s5+s3], $0x80, v4, vm0, $0xb8;
	[tilespmem:$0x1C200] =	vst v63  }
0x2b3: {  	s10 =	simm.s32 $0xD200;
	v3 =	vadd.s32 v1, v3  }
0x2b4: {  	[tilespmem:s10], [sflag:$0x4] =	stream.indirect_vreg.gather [hbm4b:s6+s3], $0x80, v4, vm0, $0xb8;
	[tilespmem:$0x1C200] =	vst v63  }
0x2b5: {  	s31 =	simm.s32 $0xDA00  }
0x2b6: {  	[tilespmem:s31], [sflag:$0x4] =	stream.indirect_vreg.gather [hbm4b:s7+s3], $0x80, v4, vm0, $0xb8;
	[tilespmem:$0x1C200] =	vst v63  }
0x2b7: {  	s21 =	simm.s32 $0xE200  }
0x2b8: {  	[tilespmem:s21], [sflag:$0x4] =	stream.indirect_vreg.gather [hbm4b:s2+s3], $0x80, v3, vm0, $0xb8;
	[tilespmem:$0x1C200] =	vst v63  }
0x2b9: {  	s16 =	simm.s32 $0xEA00  }
0x2ba: {  	[tilespmem:s16], [sflag:$0x4] =	stream.indirect_vreg.gather [hbm4b:s5+s3], $0x80, v3, vm0, $0xb8;
	[tilespmem:$0x1C200] =	vst v63  }
0x2bb: {  	s19 =	simm.s32 $0xF200  }
0x2bc: {  	[tilespmem:s19], [sflag:$0x4] =	stream.indirect_vreg.gather [hbm4b:s6+s3], $0x80, v3, vm0, $0xb8;
	[tilespmem:$0x1C200] =	vst v63  }
0x2bd: {  	s12 =	simm.s32 $0xFA00  }
0x2be: {  	[tilespmem:s12], [sflag:$0x4] =	stream.indirect_vreg.gather [hbm4b:s7+s3], $0x80, v3, vm0, $0xb8;
	[tilespmem:$0x1C200] =	vst v63  }
0x2bf: {  	_ =	swait.ge [sflag:s28], $0x4000  }
0x2c0: {  	[sflag:s28] =	ssyncset.done $0x0  }
0x2c1: {  	s19 =	rddreg [dreg:$0x16];
	[sflag:s28] =	ssyncadd.s32 $0xFFFFC000  }
0x2c2: {  	[hbm4b:s19+s3] =	stream.linear.scatter [tilespmem:s20], [sflag:$0x5], $0x4000, $0x38;
	[tilespmem:$0x1C200] =	vst v63  }
0x2c3: {  	_ =	swait.ge [sflag:s28], $0x4000  }
0x2c4: {  	[sflag:s28] =	ssyncset.done $0x0  }
0x2c5: {  	[sflag:s28] =	ssyncadd.s32 $0xFFFFC000  }
0x2c6: {  	v3 =	vld [tilespmem:$0x190];
	_ =	sdelay $0x4  }
0x2c7: {  	v57 =	vshll.u32 v3, $0x3  }
0x2c8: {  	v3 =	vand.u32 $0x7, v3;
	v4 =	vand.u32 $0xFFFFFFC0, v57  }
0x2c9: {  	v3 =	vor.u32 v3, v4  }
0x2ca: {  	v4 =	vperm.xlane v3, v0;
	_ =	sdelay $0x1  }
0x2cb: {  	v4 =	vadd.s32 v1, v4;
	_ =	sdelay $0x4  }
0x2cc: {  	[tilespmem:s20], [sflag:$0x5] =	stream.indirect_vreg.gather [hbm4b:s2+s3], $0x80, v4, vm0, $0xb8;
	[tilespmem:$0x1C200] =	vst v63  }
0x2cd: {  	s12 =	simm.s32 $0x10A00;
	v3 =	vperm.xlane v3, v2  }
0x2ce: {  	[tilespmem:s12], [sflag:$0x5] =	stream.indirect_vreg.gather [hbm4b:s5+s3], $0x80, v4, vm0, $0xb8;
	[tilespmem:$0x1C200] =	vst v63  }
0x2cf: {  	s19 =	simm.s32 $0x11200;
	v3 =	vadd.s32 v1, v3  }
0x2d0: {  	[tilespmem:s19], [sflag:$0x5] =	stream.indirect_vreg.gather [hbm4b:s6+s3], $0x80, v4, vm0, $0xb8;
	[tilespmem:$0x1C200] =	vst v63  }
0x2d1: {  	s12 =	simm.s32 $0x11A00  }
0x2d2: {  	[tilespmem:s12], [sflag:$0x5] =	stream.indirect_vreg.gather [hbm4b:s7+s3], $0x80, v4, vm0, $0xb8;
	[tilespmem:$0x1C200] =	vst v63  }
0x2d3: {  	s19 =	simm.s32 $0x12200  }
0x2d4: {  	[tilespmem:s19], [sflag:$0x5] =	stream.indirect_vreg.gather [hbm4b:s2+s3], $0x80, v3, vm0, $0xb8;
	[tilespmem:$0x1C200] =	vst v63  }
0x2d5: {  	s12 =	simm.s32 $0x12A00  }
0x2d6: {  	[tilespmem:s12], [sflag:$0x5] =	stream.indirect_vreg.gather [hbm4b:s5+s3], $0x80, v3, vm0, $0xb8;
	[tilespmem:$0x1C200] =	vst v63  }
0x2d7: {  	s19 =	simm.s32 $0x13200  }
0x2d8: {  	[tilespmem:s19], [sflag:$0x5] =	stream.indirect_vreg.gather [hbm4b:s6+s3], $0x80, v3, vm0, $0xb8;
	[tilespmem:$0x1C200] =	vst v63  }
0x2d9: {  	s12 =	simm.s32 $0x13A00  }
0x2da: {  	[tilespmem:s12], [sflag:$0x5] =	stream.indirect_vreg.gather [hbm4b:s7+s3], $0x80, v3, vm0, $0xb8;
	[tilespmem:$0x1C200] =	vst v63  }
0x2db: {  	_ =	swait.ge [sflag:s29], $0x4000  }
0x2dc: {  	[sflag:s29] =	ssyncset.done $0x0  }
0x2dd: {  	s19 =	rddreg [dreg:$0x17];
	[sflag:s29] =	ssyncadd.s32 $0xFFFFC000  }
0x2de: {  	[hbm4b:s19+s3] =	stream.linear.scatter [tilespmem:s14], [sflag:$0x6], $0x4000, $0x38;
	[tilespmem:$0x1C200] =	vst v63  }
0x2df: {  	_ =	swait.ge [sflag:s29], $0x4000  }
0x2e0: {  	[sflag:s29] =	ssyncset.done $0x0  }
0x2e1: {  	[sflag:s29] =	ssyncadd.s32 $0xFFFFC000  }
0x2e2: {  	v3 =	vld [tilespmem:$0x1A0];
	_ =	sdelay $0x4  }
0x2e3: {  	v58 =	vshll.u32 v3, $0x3  }
0x2e4: {  	v3 =	vand.u32 $0x7, v3;
	v4 =	vand.u32 $0xFFFFFFC0, v58  }
0x2e5: {  	v3 =	vor.u32 v3, v4  }
0x2e6: {  	v4 =	vperm.xlane v3, v0;
	_ =	sdelay $0x1  }
0x2e7: {  	v4 =	vadd.s32 v1, v4;
	_ =	sdelay $0x4  }
0x2e8: {  	[tilespmem:s14], [sflag:$0x6] =	stream.indirect_vreg.gather [hbm4b:s2+s3], $0x80, v4, vm0, $0xb8;
	[tilespmem:$0x1C200] =	vst v63  }
0x2e9: {  	s12 =	simm.s32 $0x14A00;
	v3 =	vperm.xlane v3, v2  }
0x2ea: {  	[tilespmem:s12], [sflag:$0x6] =	stream.indirect_vreg.gather [hbm4b:s5+s3], $0x80, v4, vm0, $0xb8;
	[tilespmem:$0x1C200] =	vst v63  }
0x2eb: {  	s19 =	simm.s32 $0x15200;
	v3 =	vadd.s32 v1, v3  }
0x2ec: {  	[tilespmem:s19], [sflag:$0x6] =	stream.indirect_vreg.gather [hbm4b:s6+s3], $0x80, v4, vm0, $0xb8;
	[tilespmem:$0x1C200] =	vst v63  }
0x2ed: {  	s12 =	simm.s32 $0x15A00  }
0x2ee: {  	[tilespmem:s12], [sflag:$0x6] =	stream.indirect_vreg.gather [hbm4b:s7+s3], $0x80, v4, vm0, $0xb8;
	[tilespmem:$0x1C200] =	vst v63  }
0x2ef: {  	s19 =	simm.s32 $0x16200  }
0x2f0: {  	[tilespmem:s19], [sflag:$0x6] =	stream.indirect_vreg.gather [hbm4b:s2+s3], $0x80, v3, vm0, $0xb8;
	[tilespmem:$0x1C200] =	vst v63  }
0x2f1: {  	s12 =	simm.s32 $0x16A00  }
0x2f2: {  	[tilespmem:s12], [sflag:$0x6] =	stream.indirect_vreg.gather [hbm4b:s5+s3], $0x80, v3, vm0, $0xb8;
	[tilespmem:$0x1C200] =	vst v63  }
0x2f3: {  	s19 =	simm.s32 $0x17200  }
0x2f4: {  	[tilespmem:s19], [sflag:$0x6] =	stream.indirect_vreg.gather [hbm4b:s6+s3], $0x80, v3, vm0, $0xb8;
	[tilespmem:$0x1C200] =	vst v63  }
0x2f5: {  	s12 =	simm.s32 $0x17A00  }
0x2f6: {  	[tilespmem:s12], [sflag:$0x6] =	stream.indirect_vreg.gather [hbm4b:s7+s3], $0x80, v3, vm0, $0xb8;
	[tilespmem:$0x1C200] =	vst v63  }
0x2f7: {  	_ =	swait.ge [sflag:s30], $0x4000  }
0x2f8: {  	[sflag:s30] =	ssyncset.done $0x0  }
0x2f9: {  	s19 =	rddreg [dreg:$0x18];
	[sflag:s30] =	ssyncadd.s32 $0xFFFFC000  }
0x2fa: {  	[hbm4b:s19+s3] =	stream.linear.scatter [tilespmem:s18], [sflag:$0x7], $0x4000, $0x38;
	[tilespmem:$0x1C200] =	vst v63  }
0x2fb: {  	_ =	swait.ge [sflag:s30], $0x4000  }
0x2fc: {  	[sflag:s30] =	ssyncset.done $0x0  }
0x2fd: {  	[sflag:s30] =	ssyncadd.s32 $0xFFFFC000  }
0x2fe: {  	v3 =	vld [tilespmem:$0x1B0];
	_ =	sdelay $0x4  }
0x2ff: {  	v59 =	vshll.u32 v3, $0x3  }
0x300: {  	v3 =	vand.u32 $0x7, v3;
	v4 =	vand.u32 $0xFFFFFFC0, v59  }
0x301: {  	v3 =	vor.u32 v3, v4  }
0x302: {  	v4 =	vperm.xlane v3, v0;
	_ =	sdelay $0x1  }
0x303: {  	v4 =	vadd.s32 v1, v4;
	_ =	sdelay $0x4  }
0x304: {  	[tilespmem:s18], [sflag:$0x7] =	stream.indirect_vreg.gather [hbm4b:s2+s3], $0x80, v4, vm0, $0xb8;
	[tilespmem:$0x1C200] =	vst v63  }
0x305: {  	s12 =	simm.s32 $0x18A00;
	v3 =	vperm.xlane v3, v2  }
0x306: {  	[tilespmem:s12], [sflag:$0x7] =	stream.indirect_vreg.gather [hbm4b:s5+s3], $0x80, v4, vm0, $0xb8;
	[tilespmem:$0x1C200] =	vst v63  }
0x307: {  	s19 =	simm.s32 $0x19200;
	v3 =	vadd.s32 v1, v3  }
0x308: {  	[tilespmem:s19], [sflag:$0x7] =	stream.indirect_vreg.gather [hbm4b:s6+s3], $0x80, v4, vm0, $0xb8;
	[tilespmem:$0x1C200] =	vst v63  }
0x309: {  	s12 =	simm.s32 $0x19A00  }
0x30a: {  	[tilespmem:s12], [sflag:$0x7] =	stream.indirect_vreg.gather [hbm4b:s7+s3], $0x80, v4, vm0, $0xb8;
	[tilespmem:$0x1C200] =	vst v63  }
0x30b: {  	s19 =	simm.s32 $0x1A200  }
0x30c: {  	[tilespmem:s19], [sflag:$0x7] =	stream.indirect_vreg.gather [hbm4b:s2+s3], $0x80, v3, vm0, $0xb8;
	[tilespmem:$0x1C200] =	vst v63  }
0x30d: {  	s12 =	simm.s32 $0x1AA00  }
0x30e: {  	[tilespmem:s12], [sflag:$0x7] =	stream.indirect_vreg.gather [hbm4b:s5+s3], $0x80, v3, vm0, $0xb8;
	[tilespmem:$0x1C200] =	vst v63  }
0x30f: {  	s19 =	simm.s32 $0x1B200  }
0x310: {  	[tilespmem:s19], [sflag:$0x7] =	stream.indirect_vreg.gather [hbm4b:s6+s3], $0x80, v3, vm0, $0xb8;
	[tilespmem:$0x1C200] =	vst v63  }
0x311: {  	s12 =	simm.s32 $0x1BA00  }
0x312: {  	[tilespmem:s12], [sflag:$0x7] =	stream.indirect_vreg.gather [hbm4b:s7+s3], $0x80, v3, vm0, $0xb8;
	[tilespmem:$0x1C200] =	vst v63  }
0x313: {  	_ =	swait.ge [sflag:s22], $0x4000  }
0x314: {  	[sflag:s22] =	ssyncset.done $0x0  }
0x315: {  	s19 =	rddreg [dreg:$0x19];
	[sflag:s22] =	ssyncadd.s32 $0xFFFFC000  }
0x316: {  	[hbm4b:s19+s3] =	stream.linear.scatter [tilespmem:s1], [sflag:$0x1], $0x4000, $0x38;
	[tilespmem:$0x1C200] =	vst v63  }
0x317: {  	_ =	swait.ge [sflag:s22], $0x4000  }
0x318: {  	[sflag:s22] =	ssyncset.done $0x0  }
0x319: {  	[sflag:s22] =	ssyncadd.s32 $0xFFFFC000  }
0x31a: {  	v3 =	vld [tilespmem:$0x1C0];
	_ =	sdelay $0x4  }
0x31b: {  	v60 =	vshll.u32 v3, $0x3  }
0x31c: {  	v3 =	vand.u32 $0x7, v3;
	v4 =	vand.u32 $0xFFFFFFC0, v60  }
0x31d: {  	v3 =	vor.u32 v3, v4  }
0x31e: {  	v4 =	vperm.xlane v3, v0;
	_ =	sdelay $0x1  }
0x31f: {  	v4 =	vadd.s32 v1, v4;
	_ =	sdelay $0x4  }
0x320: {  	[tilespmem:s1], [sflag:$0x1] =	stream.indirect_vreg.gather [hbm4b:s2+s3], $0x80, v4, vm0, $0xb8;
	[tilespmem:$0x1C200] =	vst v63  }
0x321: {  	s12 =	simm.s32 $0xA00;
	v3 =	vperm.xlane v3, v2  }
0x322: {  	[tilespmem:s12], [sflag:$0x1] =	stream.indirect_vreg.gather [hbm4b:s5+s3], $0x80, v4, vm0, $0xb8;
	[tilespmem:$0x1C200] =	vst v63  }
0x323: {  	s19 =	simm.s32 $0x1200;
	v3 =	vadd.s32 v1, v3  }
0x324: {  	[tilespmem:s19], [sflag:$0x1] =	stream.indirect_vreg.gather [hbm4b:s6+s3], $0x80, v4, vm0, $0xb8;
	[tilespmem:$0x1C200] =	vst v63  }
0x325: {  	s12 =	simm.s32 $0x1A00  }
0x326: {  	[tilespmem:s12], [sflag:$0x1] =	stream.indirect_vreg.gather [hbm4b:s7+s3], $0x80, v4, vm0, $0xb8;
	[tilespmem:$0x1C200] =	vst v63  }
0x327: {  	s19 =	simm.s32 $0x2200  }
0x328: {  	[tilespmem:s19], [sflag:$0x1] =	stream.indirect_vreg.gather [hbm4b:s2+s3], $0x80, v3, vm0, $0xb8;
	[tilespmem:$0x1C200] =	vst v63  }
0x329: {  	s12 =	simm.s32 $0x2A00  }
0x32a: {  	[tilespmem:s12], [sflag:$0x1] =	stream.indirect_vreg.gather [hbm4b:s5+s3], $0x80, v3, vm0, $0xb8;
	[tilespmem:$0x1C200] =	vst v63  }
0x32b: {  	s19 =	simm.s32 $0x3200  }
0x32c: {  	[tilespmem:s19], [sflag:$0x1] =	stream.indirect_vreg.gather [hbm4b:s6+s3], $0x80, v3, vm0, $0xb8;
	[tilespmem:$0x1C200] =	vst v63  }
0x32d: {  	s12 =	simm.s32 $0x3A00  }
0x32e: {  	[tilespmem:s12], [sflag:$0x1] =	stream.indirect_vreg.gather [hbm4b:s7+s3], $0x80, v3, vm0, $0xb8;
	[tilespmem:$0x1C200] =	vst v63  }
0x32f: {  	_ =	swait.ge [sflag:s23], $0x4000  }
0x330: {  	[sflag:s23] =	ssyncset.done $0x0  }
0x331: {  	s19 =	rddreg [dreg:$0x1a];
	[sflag:s23] =	ssyncadd.s32 $0xFFFFC000  }
0x332: {  	[hbm4b:s19+s3] =	stream.linear.scatter [tilespmem:s26], [sflag:$0x2], $0x4000, $0x38;
	[tilespmem:$0x1C200] =	vst v63  }
0x333: {  	_ =	swait.ge [sflag:s23], $0x4000  }
0x334: {  	[sflag:s23] =	ssyncset.done $0x0  }
0x335: {  	[sflag:s23] =	ssyncadd.s32 $0xFFFFC000  }
0x336: {  	v3 =	vld [tilespmem:$0x1D0];
	_ =	sdelay $0x4  }
0x337: {  	v61 =	vshll.u32 v3, $0x3  }
0x338: {  	v3 =	vand.u32 $0x7, v3;
	v4 =	vand.u32 $0xFFFFFFC0, v61  }
0x339: {  	v3 =	vor.u32 v3, v4  }
0x33a: {  	v4 =	vperm.xlane v3, v0;
	_ =	sdelay $0x1  }
0x33b: {  	v4 =	vadd.s32 v1, v4;
	_ =	sdelay $0x4  }
0x33c: {  	[tilespmem:s26], [sflag:$0x2] =	stream.indirect_vreg.gather [hbm4b:s2+s3], $0x80, v4, vm0, $0xb8;
	[tilespmem:$0x1C200] =	vst v63  }
0x33d: {  	s12 =	simm.s32 $0x4A00;
	v3 =	vperm.xlane v3, v2  }
0x33e: {  	[tilespmem:s12], [sflag:$0x2] =	stream.indirect_vreg.gather [hbm4b:s5+s3], $0x80, v4, vm0, $0xb8;
	[tilespmem:$0x1C200] =	vst v63  }
0x33f: {  	s19 =	simm.s32 $0x5200;
	v3 =	vadd.s32 v1, v3  }
0x340: {  	[tilespmem:s19], [sflag:$0x2] =	stream.indirect_vreg.gather [hbm4b:s6+s3], $0x80, v4, vm0, $0xb8;
	[tilespmem:$0x1C200] =	vst v63  }
0x341: {  	s12 =	simm.s32 $0x5A00  }
0x342: {  	[tilespmem:s12], [sflag:$0x2] =	stream.indirect_vreg.gather [hbm4b:s7+s3], $0x80, v4, vm0, $0xb8;
	[tilespmem:$0x1C200] =	vst v63  }
0x343: {  	s19 =	simm.s32 $0x6200  }
0x344: {  	[tilespmem:s19], [sflag:$0x2] =	stream.indirect_vreg.gather [hbm4b:s2+s3], $0x80, v3, vm0, $0xb8;
	[tilespmem:$0x1C200] =	vst v63  }
0x345: {  	s12 =	simm.s32 $0x6A00  }
0x346: {  	[tilespmem:s12], [sflag:$0x2] =	stream.indirect_vreg.gather [hbm4b:s5+s3], $0x80, v3, vm0, $0xb8;
	[tilespmem:$0x1C200] =	vst v63  }
0x347: {  	s19 =	simm.s32 $0x7200  }
0x348: {  	[tilespmem:s19], [sflag:$0x2] =	stream.indirect_vreg.gather [hbm4b:s6+s3], $0x80, v3, vm0, $0xb8;
	[tilespmem:$0x1C200] =	vst v63  }
0x349: {  	s12 =	simm.s32 $0x7A00  }
0x34a: {  	[tilespmem:s12], [sflag:$0x2] =	stream.indirect_vreg.gather [hbm4b:s7+s3], $0x80, v3, vm0, $0xb8;
	[tilespmem:$0x1C200] =	vst v63  }
0x34b: {  	_ =	swait.ge [sflag:s24], $0x4000  }
0x34c: {  	[sflag:s24] =	ssyncset.done $0x0  }
0x34d: {  	s19 =	rddreg [dreg:$0x1b];
	[sflag:s24] =	ssyncadd.s32 $0xFFFFC000  }
0x34e: {  	[hbm4b:s19+s3] =	stream.linear.scatter [tilespmem:s4], [sflag:$0x3], $0x4000, $0x38;
	[tilespmem:$0x1C200] =	vst v63  }
0x34f: {  	_ =	swait.ge [sflag:s24], $0x4000  }
0x350: {  	[sflag:s24] =	ssyncset.done $0x0  }
0x351: {  	[sflag:s24] =	ssyncadd.s32 $0xFFFFC000  }
0x352: {  	v3 =	vld [tilespmem:$0x1E0];
	_ =	sdelay $0x4  }
0x353: {  	v62 =	vshll.u32 v3, $0x3  }
0x354: {  	v3 =	vand.u32 $0x7, v3;
	v4 =	vand.u32 $0xFFFFFFC0, v62  }
0x355: {  	v3 =	vor.u32 v3, v4  }
0x356: {  	v4 =	vperm.xlane v3, v0;
	_ =	sdelay $0x1  }
0x357: {  	v4 =	vadd.s32 v1, v4;
	_ =	sdelay $0x4  }
0x358: {  	[tilespmem:s4], [sflag:$0x3] =	stream.indirect_vreg.gather [hbm4b:s2+s3], $0x80, v4, vm0, $0xb8;
	[tilespmem:$0x1C200] =	vst v63  }
0x359: {  	s12 =	simm.s32 $0x8A00;
	v3 =	vperm.xlane v3, v2  }
0x35a: {  	[tilespmem:s12], [sflag:$0x3] =	stream.indirect_vreg.gather [hbm4b:s5+s3], $0x80, v4, vm0, $0xb8;
	[tilespmem:$0x1C200] =	vst v63  }
0x35b: {  	s17 =	simm.s32 $0x9200;
	v3 =	vadd.s32 v1, v3  }
0x35c: {  	[tilespmem:s17], [sflag:$0x3] =	stream.indirect_vreg.gather [hbm4b:s6+s3], $0x80, v4, vm0, $0xb8;
	[tilespmem:$0x1C200] =	vst v63  }
0x35d: {  	s17 =	simm.s32 $0x9A00  }
0x35e: {  	[tilespmem:s17], [sflag:$0x3] =	stream.indirect_vreg.gather [hbm4b:s7+s3], $0x80, v4, vm0, $0xb8;
	[tilespmem:$0x1C200] =	vst v63  }
0x35f: {  	s19 =	simm.s32 $0xA200  }
0x360: {  	[tilespmem:s19], [sflag:$0x3] =	stream.indirect_vreg.gather [hbm4b:s2+s3], $0x80, v3, vm0, $0xb8;
	[tilespmem:$0x1C200] =	vst v63  }
0x361: {  	s12 =	simm.s32 $0xAA00  }
0x362: {  	[tilespmem:s12], [sflag:$0x3] =	stream.indirect_vreg.gather [hbm4b:s5+s3], $0x80, v3, vm0, $0xb8;
	[tilespmem:$0x1C200] =	vst v63  }
0x363: {  	s17 =	simm.s32 $0xB200  }
0x364: {  	[tilespmem:s17], [sflag:$0x3] =	stream.indirect_vreg.gather [hbm4b:s6+s3], $0x80, v3, vm0, $0xb8;
	[tilespmem:$0x1C200] =	vst v63  }
0x365: {  	s19 =	simm.s32 $0xBA00  }
0x366: {  	[tilespmem:s19], [sflag:$0x3] =	stream.indirect_vreg.gather [hbm4b:s7+s3], $0x80, v3, vm0, $0xb8;
	[tilespmem:$0x1C200] =	vst v63  }
0x367: {  	_ =	swait.ge [sflag:s25], $0x4000  }
0x368: {  	[sflag:s25] =	ssyncset.done $0x0  }
0x369: {  	s12 =	rddreg [dreg:$0x1c];
	[sflag:s25] =	ssyncadd.s32 $0xFFFFC000  }
0x36a: {  	[hbm4b:s12+s3] =	stream.linear.scatter [tilespmem:s9], [sflag:$0x4], $0x4000, $0x38;
	[tilespmem:$0x1C200] =	vst v63  }
0x36b: {  	_ =	swait.ge [sflag:s25], $0x4000  }
0x36c: {  	[sflag:s25] =	ssyncset.done $0x0  }
0x36d: {  	[sflag:s25] =	ssyncadd.s32 $0xFFFFC000  }
0x36e: {  	v3 =	vld [tilespmem:$0x1F0];
	_ =	sdelay $0x4  }
0x36f: {  	v63 =	vshll.u32 v3, $0x3  }
0x370: {  	v3 =	vand.u32 $0x7, v3;
	v4 =	vand.u32 $0xFFFFFFC0, v63  }
0x371: {  	v3 =	vor.u32 v3, v4  }
0x372: {  	v4 =	vperm.xlane v3, v0;
	_ =	sdelay $0x1  }
0x373: {  	v4 =	vadd.s32 v1, v4;
	_ =	sdelay $0x4  }
0x374: {  	[tilespmem:s9], [sflag:$0x4] =	stream.indirect_vreg.gather [hbm4b:s2+s3], $0x80, v4, vm0, $0xb8;
	[tilespmem:$0x1C200] =	vst v63  }
0x375: {  	s11 =	simm.s32 $0xCA00;
	v3 =	vperm.xlane v3, v2  }
0x376: {  	[tilespmem:s11], [sflag:$0x4] =	stream.indirect_vreg.gather [hbm4b:s5+s3], $0x80, v4, vm0, $0xb8;
	[tilespmem:$0x1C200] =	vst v63  }
0x377: {  	s10 =	simm.s32 $0xD200;
	v3 =	vadd.s32 v1, v3  }
0x378: {  	[tilespmem:s10], [sflag:$0x4] =	stream.indirect_vreg.gather [hbm4b:s6+s3], $0x80, v4, vm0, $0xb8;
	[tilespmem:$0x1C200] =	vst v63  }
0x379: {  	s31 =	simm.s32 $0xDA00  }
0x37a: {  	[tilespmem:s31], [sflag:$0x4] =	stream.indirect_vreg.gather [hbm4b:s7+s3], $0x80, v4, vm0, $0xb8;
	[tilespmem:$0x1C200] =	vst v63  }
0x37b: {  	s21 =	simm.s32 $0xE200  }
0x37c: {  	[tilespmem:s21], [sflag:$0x4] =	stream.indirect_vreg.gather [hbm4b:s2+s3], $0x80, v3, vm0, $0xb8;
	[tilespmem:$0x1C200] =	vst v63  }
0x37d: {  	s15 =	simm.s32 $0xEA00  }
0x37e: {  	[tilespmem:s15], [sflag:$0x4] =	stream.indirect_vreg.gather [hbm4b:s5+s3], $0x80, v3, vm0, $0xb8;
	[tilespmem:$0x1C200] =	vst v63  }
0x37f: {  	s16 =	simm.s32 $0xF200  }
0x380: {  	[tilespmem:s16], [sflag:$0x4] =	stream.indirect_vreg.gather [hbm4b:s6+s3], $0x80, v3, vm0, $0xb8;
	[tilespmem:$0x1C200] =	vst v63  }
0x381: {  	s13 =	simm.s32 $0xFA00  }
0x382: {  	[tilespmem:s13], [sflag:$0x4] =	stream.indirect_vreg.gather [hbm4b:s7+s3], $0x80, v3, vm0, $0xb8;
	[tilespmem:$0x1C200] =	vst v63  }
0x383: {  	_ =	swait.ge [sflag:s28], $0x4000  }
0x384: {  	[sflag:s28] =	ssyncset.done $0x0  }
0x385: {  	s13 =	rddreg [dreg:$0x1d];
	[sflag:s28] =	ssyncadd.s32 $0xFFFFC000  }
0x386: {  	[hbm4b:s13+s3] =	stream.linear.scatter [tilespmem:s20], [sflag:$0x5], $0x4000, $0x38;
	[tilespmem:$0x1C200] =	vst v63  }
0x387: {  	_ =	swait.ge [sflag:s29], $0x4000  }
0x388: {  	[sflag:s29] =	ssyncset.done $0x0  }
0x389: {  	s15 =	rddreg [dreg:$0x1e];
	[sflag:s29] =	ssyncadd.s32 $0xFFFFC000  }
0x38a: {  	[hbm4b:s15+s3] =	stream.linear.scatter [tilespmem:s14], [sflag:$0x6], $0x4000, $0x38;
	[tilespmem:$0x1C200] =	vst v63  }
0x38b: {  	_ =	swait.ge [sflag:s30], $0x4000  }
0x38c: {  	[sflag:s30] =	ssyncset.done $0x0  }
0x38d: {  	s16 =	rddreg [dreg:$0x1f];
	[sflag:s30] =	ssyncadd.s32 $0xFFFFC000  }
0x38e: {  	[hbm4b:s16+s3] =	stream.linear.scatter [tilespmem:s18], [sflag:$0x7], $0x4000, $0x38;
	[tilespmem:$0x1C200] =	vst v63  }
0x38f: {  	_ =	swait.ge [sflag:s22], $0x4000  }
0x390: {  	s17 =	sld [smem:$0x7F8]  }
0x391: {  	[sflag:s22] =	ssyncset.done $0x0  }
0x392: {  	[sflag:s22] =	ssyncadd.s32 $0xFFFFC000  }
0x393: {  	[hbm4b:s17+s3] =	stream.linear.scatter [tilespmem:s1], [sflag:$0x1], $0x4000, $0x38;
	[tilespmem:$0x1C200] =	vst v63  }
0x394: {  	_ =	swait.ge [sflag:s23], $0x4000  }
0x395: {  	s19 =	sld [smem:$0x7F9]  }
0x396: {  	[sflag:s23] =	ssyncset.done $0x0  }
0x397: {  	[sflag:s23] =	ssyncadd.s32 $0xFFFFC000  }
0x398: {  	[hbm4b:s19+s3] =	stream.linear.scatter [tilespmem:s26], [sflag:$0x2], $0x4000, $0x38;
	[tilespmem:$0x1C200] =	vst v63  }
0x399: {  	_ =	swait.ge [sflag:s24], $0x4000  }
0x39a: {  	s21 =	sld [smem:$0x7FA]  }
0x39b: {  	[sflag:s24] =	ssyncset.done $0x0  }
0x39c: {  	[sflag:s24] =	ssyncadd.s32 $0xFFFFC000  }
0x39d: {  	[hbm4b:s21+s3] =	stream.linear.scatter [tilespmem:s4], [sflag:$0x3], $0x4000, $0x38;
	[tilespmem:$0x1C200] =	vst v63  }
0x39e: {  	_ =	swait.ge [sflag:s25], $0x4000  }
0x39f: {  	s31 =	sld [smem:$0x7FC]  }
0x3a0: {  	[sflag:s25] =	ssyncset.done $0x0  }
0x3a1: {  	[sflag:s25] =	ssyncadd.s32 $0xFFFFC000  }
0x3a2: {  	[hbm4b:s31+s3] =	stream.linear.scatter [tilespmem:s9], [sflag:$0x4], $0x4000, $0x38;
	[tilespmem:$0x1C200] =	vst v63  }
0x3a3: {  	_ =	swait.ge [sflag:s29], $0x4000  }
0x3a4: {  	[sflag:s29] =	ssyncset.done $0x0  }
0x3a5: {  	[sflag:s29] =	ssyncadd.s32 $0xFFFFC000  }
0x3a6: {  	_ =	swait.ge [sflag:s30], $0x4000  }
0x3a7: {  	[sflag:s30] =	ssyncset.done $0x0  }
0x3a8: {  	[sflag:s30] =	ssyncadd.s32 $0xFFFFC000  }
0x3a9: {  	_ =	swait.ge [sflag:s22], $0x4000  }
0x3aa: {  	[sflag:s22] =	ssyncset.done $0x0  }
0x3ab: {  	[sflag:s22] =	ssyncadd.s32 $0xFFFFC000  }
0x3ac: {  	_ =	swait.ge [sflag:s23], $0x4000  }
0x3ad: {  	[sflag:s23] =	ssyncset.done $0x0  }
0x3ae: {  	[sflag:s23] =	ssyncadd.s32 $0xFFFFC000  }
0x3af: {  	p0 =	sne.s32 s8, $0x1;
	_ =	swait.ge [sflag:s24], $0x4000  }
.Ltmp0:
0x3b0: {  	[sflag:s24] =	ssyncset.done $0x0;
	(pc) =	sbr.rel @p0 .LBB2_1-.Ltmp0, $4  }
0x3b1: {  	[sflag:s24] =	ssyncadd.s32 $0xFFFFC000  }
0x3b2: {  	_ =	swait.ge [sflag:s25], $0x4000  }
0x3b3: {  	[sflag:s25] =	ssyncset.done $0x0  }
0x3b4: {  	s8 =	sadd.s32 $0xFFFFFFFF, s8;
	[sflag:s25] =	ssyncadd.s32 $0xFFFFC000  }
0x3b5: {  	_ =	sfence.sel $0x180000  }
0x3b6: {  	[bflag:$0x0] =	sbarrier.arrive $0xFFFF  }
0x3b7: {  	_ =	strace $0x90000047  }
0x3b8: {  	s0 =	stileid.u32;
	[bflag:$0x2] =	sbarrier.arrive $0xFFFF  }
0x3b9: {  	p0 =	sne.s32 s0, $0x0;
	s0 =	rddreg [dreg:$0x3]  }
0x3ba: {  	s0 =	sadd.s32 @!p0 $0x100000, s0  }
0x3bb: {  	[sflag:s0] =	ssyncadd.tile.s32 @!p0 $0x1;
	_ =	shalt  }
.Lfunc_end2:
_tile_overlayer_lowered:
.L_overlay_start_2:
0x3bc: {  	(tag) =	ssettag $0x2  }
0x3bd: {  	s0 =	rddreg [dreg:$0x0];
	s2 =	stileid.u32  }
0x3be: {  	s1 =	rddreg [dreg:$0x1];
	p0 =	sne.s32 s2, $0x0  }
0x3bf: {  	s3 =	rddreg [dreg:$0x2];
	[bflag:$0x3] =	sbarrier.arrive $0xFFFF;
	s2 =	simm.s32 @!p0 $0x1C08  }
0x3c0: {  	[timem:s3], [sflag:s2] =	dma.local @!p0 [hbm:s0], s1  }
0x3c1: {  	s0 =	simm.s32 @!p0 $0x8  }
0x3c2: {  	_ =	swait.ge @!p0 [sflag:s0], s1  }
0x3c3: {  	s1 =	ssub.s32 @!p0 $0x0, s1;
	[sflag:s0] =	ssyncset.done @!p0 $0x0  }
0x3c4: {  	[sflag:s0] =	ssyncadd.s32 @!p0 s1  }
0x3c5: {  	[bflag:$0x3] =	sbarrier.arrive $0xFFFF  }
0x3c6: {  	_ =	shalt  }

</sc_bundles>
